<compile_context>
chip_gen: v7x
topology: tpu7x:2x2x1
jax: 0.10.2.dev20260603
libtpu: 0.0.44.dev20260713+nightly
codegen_flags: <defaults>
</compile_context>

<pallas_src>
import functools

import jax
import jax.numpy as jnp
from jax import lax
from jax.experimental import pallas as pl
from jax.experimental.pallas import tpu as pltpu
from jax.experimental.pallas import tpu_sc as plsc

N_OBS = 10000
F = 64
E = 320000
NUM_LAYERS = 3

E_BLK = 5000
NB = E // E_BLK

NC = 2
NS = 16
E_PER_SC = E // NC
E_PER_W = E_PER_SC // NS
CH = 80
NCH = E_PER_W // CH
RPAD = 640
NPAD = NS * RPAD

_f32 = jnp.float32


def _hi(w):
    return w.astype(jnp.bfloat16).astype(_f32)


def _lo(w):
    return w - _hi(w)



def _k1_body(evh_ref, dst_ref, psrc_ref, wmf_f_ref,
             wcat_ref, bias_ref, mof_ref, aggf_ref, cnt_ref):
    ones_row = jnp.ones((1, 1), _f32)
    dims = (((0,), (0,)), ((), ()))
    ev_col = lax.dot_general(evh_ref[0], ones_row, dims,
                             preferred_element_type=_f32)
    iota_col = lax.broadcasted_iota(jnp.int32, (F, 1), 0).astype(_f32)
    oht = (iota_col == dst_ref[0]).astype(_f32)
    oh = lax.dot_general(oht, jnp.eye(F, dtype=_f32), dims,
                         preferred_element_type=_f32)
    ep = ev_col * wcat_ref[...]
    m_of = jnp.maximum(jnp.dot(oh, wmf_f_ref[...], preferred_element_type=_f32)
                       + ep[:, :F] + bias_ref[:, :F], 0.0)
    mof_ref[...] = m_of
    m_fo = jnp.maximum(psrc_ref[...] + ep[:, F:2 * F]
                       + bias_ref[:, F:2 * F], 0.0)

    @pl.when(pl.program_id(0) == 0)
    def _():
        aggf_ref[...] = jnp.zeros_like(aggf_ref)
        cnt_ref[...] = jnp.zeros_like(cnt_ref)

    mfo_h = m_fo.astype(jnp.bfloat16).astype(_f32)
    aggf_ref[...] += (lax.dot_general(oh, mfo_h, dims,
                                      preferred_element_type=_f32)
                      + lax.dot_general(oh, m_fo - mfo_h, dims,
                                        preferred_element_type=_f32))
    cnt_ref[...] += jnp.sum(oht, axis=1, keepdims=True)


def _run_k1(evh3, dst3, psrc, wmf_f, wcat, bias):
    return pl.pallas_call(
        _k1_body,
        grid=(NB,),
        in_specs=[
            pl.BlockSpec((1, 1, E_BLK), lambda i: (i, 0, 0)),
            pl.BlockSpec((1, 1, E_BLK), lambda i: (i, 0, 0)),
            pl.BlockSpec((1, F), lambda i: (0, 0)),
            pl.BlockSpec((F, F), lambda i: (0, 0)),
            pl.BlockSpec((1, 2 * F), lambda i: (0, 0)),
            pl.BlockSpec((1, 2 * F), lambda i: (0, 0)),
        ],
        out_specs=[
            pl.BlockSpec((E_BLK, F), lambda i: (i, 0)),
            pl.BlockSpec((F, F), lambda i: (0, 0)),
            pl.BlockSpec((F, 1), lambda i: (0, 0)),
        ],
        out_shape=[
            jax.ShapeDtypeStruct((E, F), _f32),
            jax.ShapeDtypeStruct((F, F), _f32),
            jax.ShapeDtypeStruct((F, 1), _f32),
        ],
        compiler_params=pltpu.CompilerParams(
            dimension_semantics=("arbitrary",)),
    )(evh3, dst3, psrc, wmf_f, _hi(wcat[:, :2 * F]), bias[:, :2 * F])


NB3 = 5
RB3 = N_OBS // NB3


def _k3_body(last, node_ref, aggo_ref, cntp_ref, aggf_ref, cntd_ref,
             feat_ref, wn_n_ref, wn_a_ref, bn_ref, wf_f_ref, wf_a_ref,
             bf_ref, we_n_ref, we_f_ref, wmo_nx_ref, wmf_fx_ref,
             node2_ref, *out_refs):
    if last:
        feat2_ref, = out_refs
    else:
        a_ref, feat2_ref, b_ref, t_ref = out_refs
    hp = dict(preferred_element_type=_f32)
    node = node_ref[...]
    cnt = jnp.maximum(cntp_ref[0][:, 0:1] + cntp_ref[1][:, 0:1], 1.0)
    aggo = (aggo_ref[0] + aggo_ref[1]) / cnt
    new_node = jnp.maximum(jnp.dot(node, wn_n_ref[...], **hp)
                           + jnp.dot(aggo, wn_a_ref[...], **hp)
                           + bn_ref[...], 0.0)
    node2 = jnp.maximum(new_node + node, 0.0)
    node2_ref[...] = node2
    if not last:
        a = jnp.dot(new_node, we_n_ref[...], **hp)
        pn = jnp.dot(node2, wmo_nx_ref[...], **hp)
        a_ref[...] = jnp.concatenate([a, pn], axis=1)

    @pl.when(pl.program_id(0) == 0)
    def _():
        feat = feat_ref[...]
        aggf = aggf_ref[...] / jnp.maximum(cntd_ref[...], 1.0)
        new_feat = jnp.maximum(jnp.dot(feat, wf_f_ref[...], **hp)
                               + jnp.dot(aggf, wf_a_ref[...], **hp)
                               + bf_ref[...], 0.0)
        feat2 = jnp.maximum(new_feat + feat, 0.0)
        feat2_ref[...] = feat2
        if not last:
            b_ref[...] = jnp.dot(new_feat, we_f_ref[...], **hp)
            t_ref[...] = jnp.dot(feat2, wmf_fx_ref[...], **hp)


def _run_k3(last, node, aggo_parts, cnt_parts, aggf, cntd, feat,
            wn_n, wn_a, bn, wf_f, wf_a, bf, we_n, we_f, wmo_nx, wmf_fx):
    small = lambda i: (0, 0)
    out_specs = [pl.BlockSpec((RB3, F), lambda i: (i, 0))]
    out_shape = [jax.ShapeDtypeStruct((N_OBS, F), _f32)]
    if not last:
        out_specs.append(pl.BlockSpec((RB3, 2 * F), lambda i: (i, 0)))
        out_shape.append(jax.ShapeDtypeStruct((N_OBS, 2 * F), _f32))
    out_specs.append(pl.BlockSpec((F, F), small))
    out_shape.append(jax.ShapeDtypeStruct((F, F), _f32))
    if not last:
        out_specs.append(pl.BlockSpec((F, F), small))
        out_shape.append(jax.ShapeDtypeStruct((F, F), _f32))
        out_specs.append(pl.BlockSpec((F, F), small))
        out_shape.append(jax.ShapeDtypeStruct((F, F), _f32))
    res = pl.pallas_call(
        functools.partial(_k3_body, last),
        grid=(NB3,),
        in_specs=[
            pl.BlockSpec((RB3, F), lambda i: (i, 0)),
            pl.BlockSpec((NC, RB3, F), lambda i: (0, i, 0)),
            pl.BlockSpec((NC, RB3, 16), lambda i: (0, i, 0)),
            pl.BlockSpec((F, F), small),
            pl.BlockSpec((F, 1), small),
            pl.BlockSpec((F, F), small),
            pl.BlockSpec((F, F), small),
            pl.BlockSpec((F, F), small),
            pl.BlockSpec((1, F), small),
            pl.BlockSpec((F, F), small),
            pl.BlockSpec((F, F), small),
            pl.BlockSpec((1, F), small),
            pl.BlockSpec((F, F), small),
            pl.BlockSpec((F, F), small),
            pl.BlockSpec((F, F), small),
            pl.BlockSpec((F, F), small),
        ],
        out_specs=out_specs,
        out_shape=out_shape,
        compiler_params=pltpu.CompilerParams(
            dimension_semantics=("arbitrary",)),
    )(node, aggo_parts, cnt_parts, aggf, cntd, feat,
      wn_n, wn_a, bn, wf_f, wf_a, bf, we_n, we_f, wmo_nx, wmf_fx)
    if last:
        node2, feat2 = res
        return node2, feat2, None, None
    node2, apn, feat2, b, t = res
    return node2, apn, feat2, b, t


def _kb_body(mid, *refs):
    (epe_ref, g_ref, dst_ref, prevh_ref, prevl_ref, b0h_ref, b0l_ref,
     be0_ref, th_ref, tl_ref, wcat_ref, bias_ref) = refs[:12]
    if mid:
        edge_ref, mof_ref, epe_out_ref, aggf_ref, cnt_ref = refs[12:]
    else:
        mof_ref, aggf_ref, cnt_ref = refs[12:]
    dims = (((0,), (0,)), ((), ()))
    iota_col = lax.broadcasted_iota(jnp.int32, (F, 1), 0).astype(_f32)
    oht = (iota_col == dst_ref[0]).astype(_f32)
    oh = lax.dot_general(oht, jnp.eye(F, dtype=_f32), dims,
                         preferred_element_type=_f32)
    g = g_ref[...]
    if mid:
        ones_row = jnp.ones((1, 1), _f32)
        evh_col = lax.dot_general(prevh_ref[0], ones_row, dims,
                                  preferred_element_type=_f32)
        prev = evh_col + lax.dot_general(prevl_ref[0], ones_row, dims,
                                         preferred_element_type=_f32)
        epe = evh_col * epe_ref[...]
    else:
        prev = prevh_ref[...]
        epe = epe_ref[...]
    new_edge = jnp.maximum(
        epe + g[:, :F]
        + jnp.dot(oh, b0h_ref[...], preferred_element_type=_f32)
        + jnp.dot(oh, b0l_ref[...], preferred_element_type=_f32)
        + be0_ref[...], 0.0)
    edge = jnp.maximum(new_edge + prev, 0.0)
    if mid:
        edge_ref[...] = edge
    ep = jnp.dot(edge, wcat_ref[...], preferred_element_type=_f32)
    m_of = jnp.maximum(jnp.dot(oh, th_ref[...], preferred_element_type=_f32)
                       + jnp.dot(oh, tl_ref[...], preferred_element_type=_f32)
                       + ep[:, :F] + bias_ref[:, :F], 0.0)
    mof_ref[...] = m_of
    m_fo = jnp.maximum(g[:, F:2 * F] + ep[:, F:2 * F]
                       + bias_ref[:, F:2 * F], 0.0)
    if mid:
        epe_out_ref[...] = ep[:, 2 * F:]

    @pl.when(pl.program_id(0) == 0)
    def _():
        aggf_ref[...] = jnp.zeros_like(aggf_ref)
        cnt_ref[...] = jnp.zeros_like(cnt_ref)

    mfo_h = m_fo.astype(jnp.bfloat16).astype(_f32)
    aggf_ref[...] += (lax.dot_general(oh, mfo_h, dims,
                                      preferred_element_type=_f32)
                      + lax.dot_general(oh, m_fo - mfo_h, dims,
                                        preferred_element_type=_f32))
    cnt_ref[...] += jnp.sum(oht, axis=1, keepdims=True)


def _run_kb(mid, epe, g, dst3, prevh, prevl, b0, be0, t, wcat, bias):
    kw = wcat.shape[1]
    if mid:
        prevh_spec = pl.BlockSpec((1, 1, E_BLK), lambda i: (i, 0, 0))
        prevl_spec = pl.BlockSpec((1, 1, E_BLK), lambda i: (i, 0, 0))
    else:
        prevh_spec = pl.BlockSpec((E_BLK, F), lambda i: (i, 0))
        prevl_spec = pl.BlockSpec((1, 1), lambda i: (0, 0))
    out_specs = [
        pl.BlockSpec((E_BLK, F), lambda i: (i, 0)),
        pl.BlockSpec((E_BLK, F), lambda i: (i, 0)),
        pl.BlockSpec((E_BLK, F), lambda i: (i, 0)),
        pl.BlockSpec((F, F), lambda i: (0, 0)),
        pl.BlockSpec((F, 1), lambda i: (0, 0)),
    ]
    out_shape = [
        jax.ShapeDtypeStruct((E, F), _f32),
        jax.ShapeDtypeStruct((E, F), _f32),
        jax.ShapeDtypeStruct((E, F), _f32),
        jax.ShapeDtypeStruct((F, F), _f32),
        jax.ShapeDtypeStruct((F, 1), _f32),
    ]
    if not mid:
        out_specs = out_specs[1:2] + out_specs[3:]
        out_shape = out_shape[1:2] + out_shape[3:]
    epe_spec = (pl.BlockSpec((1, F), lambda i: (0, 0)) if mid
                else pl.BlockSpec((E_BLK, F), lambda i: (i, 0)))
    res = pl.pallas_call(
        functools.partial(_kb_body, mid),
        grid=(NB,),
        in_specs=[
            epe_spec,
            pl.BlockSpec((E_BLK, 2 * F), lambda i: (i, 0)),
            pl.BlockSpec((1, 1, E_BLK), lambda i: (i, 0, 0)),
            prevh_spec,
            prevl_spec,
            pl.BlockSpec((F, F), lambda i: (0, 0)),
            pl.BlockSpec((F, F), lambda i: (0, 0)),
            pl.BlockSpec((1, F), lambda i: (0, 0)),
            pl.BlockSpec((F, F), lambda i: (0, 0)),
            pl.BlockSpec((F, F), lambda i: (0, 0)),
            pl.BlockSpec((F, kw), lambda i: (0, 0)),
            pl.BlockSpec((1, kw), lambda i: (0, 0)),
        ],
        out_specs=out_specs,
        out_shape=out_shape,
        compiler_params=pltpu.CompilerParams(
            dimension_semantics=("arbitrary",)),
    )(epe, g, dst3, prevh, prevl, _hi(b0), _lo(b0), be0, _hi(t), _lo(t),
      wcat, bias)
    if mid:
        return res
    mof, aggf, cnt = res
    return None, mof, None, aggf, cnt


OB = 200


def _k6_body(node_ref, feat_ref, wo_ref, wfh_ref, bh_ref, wout_ref, bout_ref,
             w1_ref, b1_ref, w2_ref, b2_ref, dhat_ref, yhat_ref):
    obs_h = jnp.dot(node_ref[...], wo_ref[...], preferred_element_type=_f32)
    feat_h = (jnp.dot(feat_ref[...], wfh_ref[...], preferred_element_type=_f32)
              + bh_ref[...])
    h = jnp.maximum(obs_h[:, None, :] + feat_h[None, :, :], 0.0)
    hr = h.astype(jnp.bfloat16).astype(_f32)
    dhat = jnp.sum(hr * wout_ref[...][None, :, :], axis=2) + bout_ref[...]
    dhat_ref[...] = dhat
    hid = jnp.maximum(jnp.dot(dhat, w1_ref[...], preferred_element_type=_f32)
                      + b1_ref[...], 0.0)
    yhat_ref[...] = (jnp.dot(hid, w2_ref[...], preferred_element_type=_f32)
                     + b2_ref[...])


def _run_k6(node, feat, wo, wfh, bh, wout, bout, w1, b1, w2, b2):
    nblk = N_OBS // OB
    return pl.pallas_call(
        _k6_body,
        grid=(nblk,),
        in_specs=[
            pl.BlockSpec((OB, F), lambda i: (i, 0)),
            pl.BlockSpec((F, F), lambda i: (0, 0)),
            pl.BlockSpec((F, F), lambda i: (0, 0)),
            pl.BlockSpec((F, F), lambda i: (0, 0)),
            pl.BlockSpec((1, F), lambda i: (0, 0)),
            pl.BlockSpec((1, F), lambda i: (0, 0)),
            pl.BlockSpec((1, 1), lambda i: (0, 0)),
            pl.BlockSpec((F, F), lambda i: (0, 0)),
            pl.BlockSpec((1, F), lambda i: (0, 0)),
            pl.BlockSpec((F, 1), lambda i: (0, 0)),
            pl.BlockSpec((1, 1), lambda i: (0, 0)),
        ],
        out_specs=[
            pl.BlockSpec((OB, F), lambda i: (i, 0)),
            pl.BlockSpec((OB, 1), lambda i: (i, 0)),
        ],
        out_shape=[
            jax.ShapeDtypeStruct((N_OBS, F), _f32),
            jax.ShapeDtypeStruct((N_OBS, 1), _f32),
        ],
    )(node, feat, wo, wfh, bh, wout, bout, w1, b1, w2, b2)



@functools.lru_cache(maxsize=None)
def _sc_mesh():
    return plsc.VectorSubcoreMesh(core_axis_name="c", subcore_axis_name="s")


def _fill_vmem(ref, nrows, ncols, val):
    v = jnp.full((16,), val, _f32)

    def frow(r, _):
        def fcol(j, _):
            ref[r, pl.ds(j * 16, 16)] = v
            return 0
        return lax.fori_loop(0, ncols // 16, fcol, 0)
    lax.fori_loop(0, nrows, frow, 0)


RCH = 400
NRC = E_PER_W // RCH
SUB = RCH // CH
ZR = 80


def _scatter_body(with_count, mof_hbm, srcr_hbm, out_hbm, cnt_hbm,
                  rows_v, idx_v, zbuf_v, ones_v, cbuf_v, acc_sh, cacc_sh,
                  lsem, ssem, csem, zsem):
    cid = lax.axis_index("c")
    sid = lax.axis_index("s")
    wid = cid * NS + sid
    nrc = E_PER_W // RCH
    _fill_vmem(zbuf_v, ZR, F, 0.0)
    for p in range(RPAD // ZR):
        pltpu.async_copy(zbuf_v, acc_sh.at[pl.ds(sid * RPAD + p * ZR, ZR)],
                         zsem)
    if with_count:
        _fill_vmem(ones_v, CH, 16, 1.0)
        _fill_vmem(cbuf_v, ZR, 16, 0.0)
        for p in range(RPAD // ZR):
            pltpu.async_copy(cbuf_v,
                             cacc_sh.at[pl.ds(sid * RPAD + p * ZR, ZR)], zsem)
    for p in range(RPAD // ZR):
        pltpu.make_async_copy(
            zbuf_v, acc_sh.at[pl.ds(sid * RPAD + p * ZR, ZR)], zsem).wait()
        if with_count:
            pltpu.make_async_copy(
                cbuf_v, cacc_sh.at[pl.ds(sid * RPAD + p * ZR, ZR)],
                zsem).wait()
    pltpu.sync_copy(srcr_hbm.at[wid], idx_v)
    plsc.subcore_barrier()

    base = cid * E_PER_SC + sid * E_PER_W

    def mof_rows(co):
        return mof_hbm.at[pl.ds(base + co * RCH, RCH)]

    pltpu.async_copy(mof_rows(0), rows_v.at[0], lsem)

    def outer(co, _):
        b = co & 1
        pltpu.make_async_copy(mof_rows(co), rows_v.at[b], lsem).wait()

        @pl.when(co + 1 < nrc)
        def _():
            pltpu.async_copy(mof_rows(co + 1), rows_v.at[1 - b], lsem)
        for k in range(SUB):
            j = co * SUB + k
            pltpu.async_copy(rows_v.at[b, pl.ds(k * CH, CH)],
                             acc_sh.at[idx_v.at[j]], ssem, add=True)
            if with_count:
                pltpu.async_copy(ones_v, cacc_sh.at[idx_v.at[j]], csem,
                                 add=True)
        for k in range(SUB):
            pltpu.make_async_copy(rows_v.at[b, pl.ds(k * CH, CH)],
                                  acc_sh.at[idx_v.at[0]], ssem).wait()
            if with_count:
                pltpu.make_async_copy(ones_v, cacc_sh.at[idx_v.at[0]],
                                      csem).wait()
        return 0
    lax.fori_loop(0, nrc, outer, 0)
    plsc.subcore_barrier()
    for p in range(2):
        pltpu.sync_copy(acc_sh.at[pl.ds(sid * RPAD + p * 320, 320)],
                        rows_v.at[0, pl.ds(0, 320)])
        pltpu.sync_copy(rows_v.at[0, pl.ds(0, 320)],
                        out_hbm.at[pl.ds(cid * NPAD + sid * RPAD + p * 320,
                                         320)])
    if with_count:
        for p in range(RPAD // ZR):
            pltpu.sync_copy(cacc_sh.at[pl.ds(sid * RPAD + p * ZR, ZR)],
                            cbuf_v)
            pltpu.sync_copy(cbuf_v,
                            cnt_hbm.at[pl.ds(cid * NPAD + sid * RPAD + p * ZR,
                                             ZR)])


@functools.lru_cache(maxsize=None)
def _make_scatter(with_count):
    return pl.kernel(
        functools.partial(_scatter_body, with_count),
        out_type=[
            jax.ShapeDtypeStruct((NC * NPAD, F), _f32),
            jax.ShapeDtypeStruct((NC * NPAD, 16), _f32),
        ],
        mesh=_sc_mesh(),
        compiler_params=pltpu.CompilerParams(use_tc_tiling_on_sc=False),
        scratch_types=[
            pltpu.VMEM((2, RCH, F), _f32),
            pltpu.VMEM((NCH, CH), jnp.int32),
            pltpu.VMEM((ZR, F), _f32),
            pltpu.VMEM((CH, 16), _f32),
            pltpu.VMEM((ZR, 16), _f32),
            pltpu.VMEM_SHARED((NPAD, F), _f32),
            pltpu.VMEM_SHARED((NPAD, 16), _f32),
            pltpu.SemaphoreType.DMA,
            pltpu.SemaphoreType.DMA,
            pltpu.SemaphoreType.DMA,
            pltpu.SemaphoreType.DMA,
        ],
    )


def _sc_scatter(mof, srcr, with_count):
    out, cnt = _make_scatter(with_count)(mof, srcr)
    return out.reshape(NC, NPAD, F), cnt.reshape(NC, NPAD, 16)


def _gather_body(width, tab_hbm, srcr_hbm, out_hbm, idx_v, gb_v, gsem, wsem):
    cid = lax.axis_index("c")
    sid = lax.axis_index("s")
    wid = cid * NS + sid
    pltpu.sync_copy(srcr_hbm.at[wid], idx_v)
    base = cid * E_PER_SC + sid * E_PER_W

    pltpu.async_copy(tab_hbm.at[idx_v.at[0]], gb_v.at[0], gsem)

    def chunk(c, _):
        b = c & 1
        pltpu.make_async_copy(tab_hbm.at[idx_v.at[0]], gb_v.at[b],
                              gsem).wait()

        @pl.when(c >= 1)
        def _():
            pltpu.make_async_copy(gb_v.at[1 - b],
                                  out_hbm.at[pl.ds(base, CH)], wsem).wait()

        @pl.when(c + 1 < NCH)
        def _():
            pltpu.async_copy(tab_hbm.at[idx_v.at[c + 1]], gb_v.at[1 - b],
                             gsem)
        pltpu.async_copy(gb_v.at[b], out_hbm.at[pl.ds(base + c * CH, CH)],
                         wsem)
        return 0
    lax.fori_loop(0, NCH, chunk, 0)
    pltpu.make_async_copy(gb_v.at[0], out_hbm.at[pl.ds(base, CH)],
                          wsem).wait()


@functools.lru_cache(maxsize=None)
def _make_gather(width):
    return pl.kernel(
        functools.partial(_gather_body, width),
        out_type=jax.ShapeDtypeStruct((E, width), _f32),
        mesh=_sc_mesh(),
        compiler_params=pltpu.CompilerParams(use_tc_tiling_on_sc=False),
        scratch_types=[
            pltpu.VMEM((NCH, CH), jnp.int32),
            pltpu.VMEM((2, CH, width), _f32),
            pltpu.SemaphoreType.DMA,
            pltpu.SemaphoreType.DMA,
        ],
    )


def _sc_gather(tab, srcr):
    return _make_gather(tab.shape[1])(tab, srcr)



def kernel(x, edge_index, edge_value, params):
    src = edge_index[0].astype(jnp.int32)
    dst3 = edge_index[1].astype(_f32).reshape(NB, 1, E_BLK)
    evh = edge_value.astype(jnp.bfloat16).astype(_f32)
    evh3 = evh.reshape(NB, 1, E_BLK)
    evl3 = (edge_value - evh).reshape(NB, 1, E_BLK)
    n = N_OBS

    node_emb = jnp.ones((n, F), _f32)
    feature_emb = jnp.eye(F, dtype=_f32)

    def split(p, ein):
        wmf_f, wmf_e = p['Wmf'][:F], p['Wmf'][F:]
        wmo_n, wmo_e = p['Wmo'][:F], p['Wmo'][F:]
        we_e = p['We'][:ein]
        we_n = p['We'][ein:ein + F]
        we_f = p['We'][ein + F:]
        wcat = jnp.concatenate([wmf_e, wmo_e, we_e], axis=1)
        bias = jnp.concatenate([p['bmf'], p['bmo'], p['be']]).reshape(1, 3 * F)
        return wmf_f, wmo_n, wcat, bias, we_n, we_f

    blocks = [params['block%d' % i] for i in range(NUM_LAYERS)]
    sp = [split(blocks[i], 1 if i == 0 else F) for i in range(NUM_LAYERS)]

    srcr = src.reshape(NC * NS, NCH, CH)
    wmf_f0, wmo_n0, wcat0, bias0, we_n0, we_f0 = sp[0]
    wmf_f1, wmo_n1, wcat1, bias1, we_n1, we_f1 = sp[1]
    wmf_f2, wmo_n2, wcat2, bias2, _, _ = sp[2]

    psrc0 = jnp.sum(_hi(wmo_n0), axis=0, keepdims=True)
    mof0, aggf0, cntd = _run_k1(
        evh3, dst3, psrc0, wmf_f0, wcat0, bias0)
    aggo0, cnt_parts = _sc_scatter(mof0, srcr, with_count=True)
    node1, apn0, feat1, b0, t1 = _run_k3(
        False, node_emb, aggo0, cnt_parts, aggf0, cntd, feature_emb,
        blocks[0]['Wn'][:F], blocks[0]['Wn'][F:], blocks[0]['bn'].reshape(1, F),
        blocks[0]['Wf'][:F], blocks[0]['Wf'][F:], blocks[0]['bf'].reshape(1, F),
        we_n0, we_f0, wmo_n1, wmf_f1)
    g0 = _sc_gather(apn0, srcr)

    edge1, mof1, epe1, aggf1, _ = _run_kb(
        True, _hi(wcat0[:, 2 * F:]), g0, dst3, evh3, evl3, b0,
        bias0[:, 2 * F:], t1, wcat1, bias1)
    aggo1, _ = _sc_scatter(mof1, srcr, with_count=False)
    node2, apn1, feat2, b1, t2 = _run_k3(
        False, node1, aggo1, cnt_parts, aggf1, cntd, feat1,
        blocks[1]['Wn'][:F], blocks[1]['Wn'][F:], blocks[1]['bn'].reshape(1, F),
        blocks[1]['Wf'][:F], blocks[1]['Wf'][F:], blocks[1]['bf'].reshape(1, F),
        we_n1, we_f1, wmo_n2, wmf_f2)
    g1 = _sc_gather(apn1, srcr)

    dummy = jnp.zeros((1, 1), _f32)
    _, mof2, _, aggf2, _ = _run_kb(
        False, epe1, g1, dst3, edge1, dummy, b1, bias1[:, 2 * F:],
        t2, wcat2[:, :2 * F], bias2[:, :2 * F])
    aggo2, _ = _sc_scatter(mof2, srcr, with_count=False)
    node3, feat3, _, _ = _run_k3(
        True, node2, aggo2, cnt_parts, aggf2, cntd, feat2,
        blocks[2]['Wn'][:F], blocks[2]['Wn'][F:], blocks[2]['bn'].reshape(1, F),
        blocks[2]['Wf'][:F], blocks[2]['Wf'][F:], blocks[2]['bf'].reshape(1, F),
        we_n0, we_f0, wmo_n0, wmo_n0)
    node_emb = node3
    feature_emb = feat3

    ep = params['eph']
    npar = params['nph']
    d_hat, y_hat = _run_k6(
        node_emb, feature_emb, ep['Wo'], ep['Wf'], ep['bh'].reshape(1, F),
        _hi(ep['wout'].reshape(1, F)), ep['bout'].reshape(1, 1),
        npar['W1'], npar['b1'].reshape(1, F),
        npar['W2'], npar['b2'].reshape(1, 1))
    return d_hat, y_hat

# --- scband reference (transcript-rebuilt; emitter-appended) ---
"""Pipeline reference for scband-grape-7129645711557 (READ-ONLY COPY).

The authoritative reference and input builder live on the scoring server;
editing this copy changes nothing except your own understanding.
"""

import jax, jax.numpy as jnp
import numpy as np

N_OBS = 10000
NUM_FEATURES = 64
NUM_EDGES = 320000
NODE_EMB = 64
EDGE_EMB = 64
MSG_EMB = 64
NUM_LAYERS = 3
NUM_LABELS = 1
EPH_HID = 64


def _seg_mean(data, seg, num):
    s = jax.ops.segment_sum(data, seg, num_segments=num)
    c = jax.ops.segment_sum(jnp.ones((data.shape[0], 1), data.dtype), seg, num_segments=num)
    return s / jnp.maximum(c, 1.0)


def _make_params(key):
    keys = jax.random.split(key, 64)
    it = iter(range(64))
    def w(shape):
        return jax.random.normal(keys[next(it)], shape, dtype=jnp.float32) * 0.05
    params = {}
    for i in range(NUM_LAYERS):
        edge_in = 1 if i == 0 else EDGE_EMB
        params['block%d' % i] = {
            'Wmf': w((NODE_EMB + edge_in, MSG_EMB)), 'bmf': w((MSG_EMB,)),
            'Wmo': w((NODE_EMB + edge_in, MSG_EMB)), 'bmo': w((MSG_EMB,)),
            'Wn': w((NODE_EMB + MSG_EMB, NODE_EMB)), 'bn': w((NODE_EMB,)),
            'Wf': w((NODE_EMB + MSG_EMB, NODE_EMB)), 'bf': w((NODE_EMB,)),
            'We': w((edge_in + 2 * NODE_EMB, EDGE_EMB)), 'be': w((EDGE_EMB,)),
        }
    params['eph'] = {'Wo': w((NODE_EMB, EPH_HID)), 'Wf': w((NODE_EMB, EPH_HID)), 'bh': w((EPH_HID,)), 'wout': w((EPH_HID,)), 'bout': w(())}
    params['nph'] = {'W1': w((NUM_FEATURES, 64)), 'b1': w((64,)), 'W2': w((64, NUM_LABELS)), 'b2': w((NUM_LABELS,))}
    return params


def setup_inputs(seed: int = 0):
    key = jax.random.key(seed)
    k1, k2, k3, k4, k5 = jax.random.split(key, 5)
    x = jax.random.normal(k1, (N_OBS, NUM_FEATURES), dtype=jnp.float32)
    src = jax.random.randint(k2, (NUM_EDGES,), 0, N_OBS, dtype=jnp.int32)
    dst = jax.random.randint(k3, (NUM_EDGES,), 0, NUM_FEATURES, dtype=jnp.int32)
    edge_index = jnp.stack([src, dst], axis=0)
    edge_value = jax.random.normal(k4, (NUM_EDGES,), dtype=jnp.float32)
    params = _make_params(k5)
    return {'x': x, 'edge_index': edge_index, 'edge_value': edge_value, 'params': params}


def _grape_forward(x, edge_index, edge_value, params):
    n = x.shape[0]
    src = edge_index[0]
    dst = edge_index[1]
    # Init: observation nodes start as all-ones, feature nodes as one-hot (GRAPE init)
    node_emb = jnp.ones((n, NUM_FEATURES), jnp.float32)
    feature_emb = jnp.eye(NUM_FEATURES, dtype=jnp.float32)
    edge_emb = edge_value[:, None]
    for i in range(NUM_LAYERS):
        p = params['block%d' % i]
        nb = jax.lax.stop_gradient(node_emb)
        eb = jax.lax.stop_gradient(edge_emb)
        fb = jax.lax.stop_gradient(feature_emb)
        # messages feature -> observation
        m_of = jax.nn.relu(jnp.concatenate([feature_emb[dst], edge_emb], axis=1) @ p['Wmf'] + p['bmf'])
        agg_o = _seg_mean(m_of, src, n)
        new_node = jax.nn.relu(jnp.concatenate([node_emb, agg_o], axis=1) @ p['Wn'] + p['bn'])
        # messages observation -> feature
        m_fo = jax.nn.relu(jnp.concatenate([node_emb[src], edge_emb], axis=1) @ p['Wmo'] + p['bmo'])
        agg_f = _seg_mean(m_fo, dst, NUM_FEATURES)
        new_feat = jax.nn.relu(jnp.concatenate([feature_emb, agg_f], axis=1) @ p['Wf'] + p['bf'])
        # edge update
        new_edge = jax.nn.relu(jnp.concatenate([edge_emb, new_node[src], new_feat[dst]], axis=1) @ p['We'] + p['be'])
        # residual with detached previous embeddings (matches clone().detach() in torch)
        node_emb = jax.nn.relu(new_node + nb)
        edge_emb = jax.nn.relu(new_edge + eb)
        feature_emb = jax.nn.relu(new_feat + fb)
    # EdgePredictionHead: pairwise MLP over (obs node, feature node)
    ep = params['eph']
    obs_h = node_emb @ ep['Wo']
    feat_h = feature_emb @ ep['Wf']
    h = jax.nn.relu(obs_h[:, None, :] + feat_h[None, :, :] + ep['bh'])
    d_hat = h @ ep['wout'] + ep['bout']
    # NodePredictionHead: MLP on imputed data
    npar = params['nph']
    y_hat = jax.nn.relu(d_hat @ npar['W1'] + npar['b1']) @ npar['W2'] + npar['b2']
    return d_hat, y_hat


def reference(x, edge_index, edge_value, params):
    return _grape_forward(x, edge_index, edge_value, params)

if __name__ == "__main__":
    import jax
    _d = setup_inputs()
    print(jax.jit(kernel)(*tuple(_d.values())))

</pallas_src>

<mosaic_0001>
#map = affine_map<(d0, d1) -> (0, 0)>
#map1 = affine_map<(d0, d1) -> (0, 0, 0)>
module attributes {stable_mosaic.version = 14 : i64} {
  func.func @_scatter_body(%arg0: i32, %arg1: i32, %arg2: memref<320000x64xf32, #tpu.memory_space<hbm>>, %arg3: memref<32x125x80xi32, #tpu.memory_space<hbm>>, %arg4: memref<20480x64xf32, #tpu.memory_space<hbm>>, %arg5: memref<20480x16xf32, #tpu.memory_space<hbm>>, %arg6: memref<2x400x64xf32, #tpu.memory_space<vmem>>, %arg7: memref<125x80xi32, #tpu.memory_space<vmem>>, %arg8: memref<80x64xf32, #tpu.memory_space<vmem>>, %arg9: memref<80x16xf32, #tpu.memory_space<vmem>>, %arg10: memref<80x16xf32, #tpu.memory_space<vmem>>, %arg11: memref<10240x64xf32, #tpu.memory_space<vmem_shared>>, %arg12: memref<10240x16xf32, #tpu.memory_space<vmem_shared>>, %arg13: memref<!tpu.dma_semaphore, #tpu.memory_space<semaphore_mem>>, %arg14: memref<!tpu.dma_semaphore, #tpu.memory_space<semaphore_mem>>, %arg15: memref<!tpu.dma_semaphore, #tpu.memory_space<semaphore_mem>>, %arg16: memref<!tpu.dma_semaphore, #tpu.memory_space<semaphore_mem>>) attributes {dimension_semantics = [#tpu.dimension_semantics<core_parallel>, #tpu.dimension_semantics<subcore_parallel>], iteration_bounds = array<i64: 2, 16>, scalar_prefetch = 0 : i64, scratch_operands = 11 : i64, tpu.core_type = #tpu.core_type<sc_vector_subcore>, window_params = [{transform_indices = #map}, {transform_indices = #map1}, {transform_indices = #map}, {transform_indices = #map}]} {
    %mul3A = arith.constant 16 : i32
    %mul3A_0 = arith.muli %arg0, %mul3A : i32
    %add3A = arith.addi %mul3A_0, %arg1 : i32
    %broadcast_in_dim3A = arith.constant 0.000000e+00 : f32
    %broadcast_in_dim3A_1 = vector.broadcast %broadcast_in_dim3A : f32 to vector<16xf32>
    %scan3A = arith.constant 0 : i32
    %scan3A_2 = arith.constant 0 : i32
    %scan3A_3 = arith.constant 80 : i32
    %scan3A_4 = arith.addi %scan3A_2, %scan3A_3 : i32
    %scan3A_5 = arith.constant 1 : i32
    %scan3A_6 = scf.for %scan3A_421 = %scan3A_2 to %scan3A_4 step %scan3A_5 iter_args(%scan3A_422 = %scan3A) -> (i32)  : i32 {
      %scan3A_423 = arith.constant 0 : i32
      %scan3A_424 = arith.constant 0 : i32
      %scan3A_425 = arith.constant 4 : i32
      %scan3A_426 = arith.addi %scan3A_424, %scan3A_425 : i32
      %scan3A_427 = arith.constant 1 : i32
      %scan3A_428 = scf.for %scan3A_430 = %scan3A_424 to %scan3A_426 step %scan3A_427 iter_args(%scan3A_431 = %scan3A_423) -> (i32)  : i32 {
        %mul3A_432 = arith.constant 16 : i32
        %mul3A_433 = arith.muli %scan3A_430, %mul3A_432 : i32
        %swap3A = arith.index_cast %scan3A_421 : i32 to index
        %swap3A_434 = arith.index_cast %mul3A_433 : i32 to index
        %swap3A_435 = tpu.vector_load %arg8[%swap3A, %swap3A_434] {strides = array<i32>} : memref<80x64xf32, #tpu.memory_space<vmem>>, vector<1x16xf32>,
        %swap3A_436 = vector.shape_cast %swap3A_435 : vector<1x16xf32> to vector<16xf32>
        %swap3A_437 = vector.shape_cast %broadcast_in_dim3A_1 : vector<16xf32> to vector<1x16xf32>
        tpu.vector_store %arg8[%swap3A, %swap3A_434], %swap3A_437 {strides = array<i32>} : memref<80x64xf32, #tpu.memory_space<vmem>>, vector<1x16xf32>,
        %scan3A_438 = arith.constant 0 : i32
        scf.yield %scan3A_438 : i32
      }
      %scan3A_429 = arith.constant 4 : i32
      scf.yield %scan3A_428 : i32
    }
    %scan3A_7 = arith.constant 80 : i32
    %mul3A_8 = arith.constant 640 : i32
    %mul3A_9 = arith.muli %arg1, %mul3A_8 : i32
    %add3A_10 = arith.constant 0 : i32
    %add3A_11 = arith.addi %mul3A_9, %add3A_10 : i32
    %dma_start3A = arith.constant 0 : i32
    %dma_start3A_12 = tpu.memref_slice %arg11[%add3A_11, %dma_start3A] : memref<10240x64xf32, #tpu.memory_space<vmem_shared>> -> memref<80x64xf32, #tpu.memory_space<vmem_shared>>
    %dma_start3A_13 = arith.constant 0 : i32
    %dma_start3A_14 = tpu.memref_slice %arg11[%add3A_11, %dma_start3A_13] : memref<10240x64xf32, #tpu.memory_space<vmem_shared>> -> memref<80x64xf32, #tpu.memory_space<vmem_shared>>
    tpu.enqueue_dma source(%arg8 : memref<80x64xf32, #tpu.memory_space<vmem>>) target(%dma_start3A_14 : memref<80x64xf32, #tpu.memory_space<vmem_shared>>) target_semaphore(%arg16 : memref<!tpu.dma_semaphore, #tpu.memory_space<semaphore_mem>>)
    %mul3A_15 = arith.constant 640 : i32
    %mul3A_16 = arith.muli %arg1, %mul3A_15 : i32
    %add3A_17 = arith.constant 80 : i32
    %add3A_18 = arith.addi %mul3A_16, %add3A_17 : i32
    %dma_start3A_19 = arith.constant 0 : i32
    %dma_start3A_20 = tpu.memref_slice %arg11[%add3A_18, %dma_start3A_19] : memref<10240x64xf32, #tpu.memory_space<vmem_shared>> -> memref<80x64xf32, #tpu.memory_space<vmem_shared>>
    %dma_start3A_21 = arith.constant 0 : i32
    %dma_start3A_22 = tpu.memref_slice %arg11[%add3A_18, %dma_start3A_21] : memref<10240x64xf32, #tpu.memory_space<vmem_shared>> -> memref<80x64xf32, #tpu.memory_space<vmem_shared>>
    tpu.enqueue_dma source(%arg8 : memref<80x64xf32, #tpu.memory_space<vmem>>) target(%dma_start3A_22 : memref<80x64xf32, #tpu.memory_space<vmem_shared>>) target_semaphore(%arg16 : memref<!tpu.dma_semaphore, #tpu.memory_space<semaphore_mem>>)
    %mul3A_23 = arith.constant 640 : i32
    %mul3A_24 = arith.muli %arg1, %mul3A_23 : i32
    %add3A_25 = arith.constant 160 : i32
    %add3A_26 = arith.addi %mul3A_24, %add3A_25 : i32
    %dma_start3A_27 = arith.constant 0 : i32
    %dma_start3A_28 = tpu.memref_slice %arg11[%add3A_26, %dma_start3A_27] : memref<10240x64xf32, #tpu.memory_space<vmem_shared>> -> memref<80x64xf32, #tpu.memory_space<vmem_shared>>
    %dma_start3A_29 = arith.constant 0 : i32
    %dma_start3A_30 = tpu.memref_slice %arg11[%add3A_26, %dma_start3A_29] : memref<10240x64xf32, #tpu.memory_space<vmem_shared>> -> memref<80x64xf32, #tpu.memory_space<vmem_shared>>
    tpu.enqueue_dma source(%arg8 : memref<80x64xf32, #tpu.memory_space<vmem>>) target(%dma_start3A_30 : memref<80x64xf32, #tpu.memory_space<vmem_shared>>) target_semaphore(%arg16 : memref<!tpu.dma_semaphore, #tpu.memory_space<semaphore_mem>>)
    %mul3A_31 = arith.constant 640 : i32
    %mul3A_32 = arith.muli %arg1, %mul3A_31 : i32
    %add3A_33 = arith.constant 240 : i32
    %add3A_34 = arith.addi %mul3A_32, %add3A_33 : i32
    %dma_start3A_35 = arith.constant 0 : i32
    %dma_start3A_36 = tpu.memref_slice %arg11[%add3A_34, %dma_start3A_35] : memref<10240x64xf32, #tpu.memory_space<vmem_shared>> -> memref<80x64xf32, #tpu.memory_space<vmem_shared>>
    %dma_start3A_37 = arith.constant 0 : i32
    %dma_start3A_38 = tpu.memref_slice %arg11[%add3A_34, %dma_start3A_37] : memref<10240x64xf32, #tpu.memory_space<vmem_shared>> -> memref<80x64xf32, #tpu.memory_space<vmem_shared>>
    tpu.enqueue_dma source(%arg8 : memref<80x64xf32, #tpu.memory_space<vmem>>) target(%dma_start3A_38 : memref<80x64xf32, #tpu.memory_space<vmem_shared>>) target_semaphore(%arg16 : memref<!tpu.dma_semaphore, #tpu.memory_space<semaphore_mem>>)
    %mul3A_39 = arith.constant 640 : i32
    %mul3A_40 = arith.muli %arg1, %mul3A_39 : i32
    %add3A_41 = arith.constant 320 : i32
    %add3A_42 = arith.addi %mul3A_40, %add3A_41 : i32
    %dma_start3A_43 = arith.constant 0 : i32
    %dma_start3A_44 = tpu.memref_slice %arg11[%add3A_42, %dma_start3A_43] : memref<10240x64xf32, #tpu.memory_space<vmem_shared>> -> memref<80x64xf32, #tpu.memory_space<vmem_shared>>
    %dma_start3A_45 = arith.constant 0 : i32
    %dma_start3A_46 = tpu.memref_slice %arg11[%add3A_42, %dma_start3A_45] : memref<10240x64xf32, #tpu.memory_space<vmem_shared>> -> memref<80x64xf32, #tpu.memory_space<vmem_shared>>
    tpu.enqueue_dma source(%arg8 : memref<80x64xf32, #tpu.memory_space<vmem>>) target(%dma_start3A_46 : memref<80x64xf32, #tpu.memory_space<vmem_shared>>) target_semaphore(%arg16 : memref<!tpu.dma_semaphore, #tpu.memory_space<semaphore_mem>>)
    %mul3A_47 = arith.constant 640 : i32
    %mul3A_48 = arith.muli %arg1, %mul3A_47 : i32
    %add3A_49 = arith.constant 400 : i32
    %add3A_50 = arith.addi %mul3A_48, %add3A_49 : i32
    %dma_start3A_51 = arith.constant 0 : i32
    %dma_start3A_52 = tpu.memref_slice %arg11[%add3A_50, %dma_start3A_51] : memref<10240x64xf32, #tpu.memory_space<vmem_shared>> -> memref<80x64xf32, #tpu.memory_space<vmem_shared>>
    %dma_start3A_53 = arith.constant 0 : i32
    %dma_start3A_54 = tpu.memref_slice %arg11[%add3A_50, %dma_start3A_53] : memref<10240x64xf32, #tpu.memory_space<vmem_shared>> -> memref<80x64xf32, #tpu.memory_space<vmem_shared>>
    tpu.enqueue_dma source(%arg8 : memref<80x64xf32, #tpu.memory_space<vmem>>) target(%dma_start3A_54 : memref<80x64xf32, #tpu.memory_space<vmem_shared>>) target_semaphore(%arg16 : memref<!tpu.dma_semaphore, #tpu.memory_space<semaphore_mem>>)
    %mul3A_55 = arith.constant 640 : i32
    %mul3A_56 = arith.muli %arg1, %mul3A_55 : i32
    %add3A_57 = arith.constant 480 : i32
    %add3A_58 = arith.addi %mul3A_56, %add3A_57 : i32
    %dma_start3A_59 = arith.constant 0 : i32
    %dma_start3A_60 = tpu.memref_slice %arg11[%add3A_58, %dma_start3A_59] : memref<10240x64xf32, #tpu.memory_space<vmem_shared>> -> memref<80x64xf32, #tpu.memory_space<vmem_shared>>
    %dma_start3A_61 = arith.constant 0 : i32
    %dma_start3A_62 = tpu.memref_slice %arg11[%add3A_58, %dma_start3A_61] : memref<10240x64xf32, #tpu.memory_space<vmem_shared>> -> memref<80x64xf32, #tpu.memory_space<vmem_shared>>
    tpu.enqueue_dma source(%arg8 : memref<80x64xf32, #tpu.memory_space<vmem>>) target(%dma_start3A_62 : memref<80x64xf32, #tpu.memory_space<vmem_shared>>) target_semaphore(%arg16 : memref<!tpu.dma_semaphore, #tpu.memory_space<semaphore_mem>>)
    %mul3A_63 = arith.constant 640 : i32
    %mul3A_64 = arith.muli %arg1, %mul3A_63 : i32
    %add3A_65 = arith.constant 560 : i32
    %add3A_66 = arith.addi %mul3A_64, %add3A_65 : i32
    %dma_start3A_67 = arith.constant 0 : i32
    %dma_start3A_68 = tpu.memref_slice %arg11[%add3A_66, %dma_start3A_67] : memref<10240x64xf32, #tpu.memory_space<vmem_shared>> -> memref<80x64xf32, #tpu.memory_space<vmem_shared>>
    %dma_start3A_69 = arith.constant 0 : i32
    %dma_start3A_70 = tpu.memref_slice %arg11[%add3A_66, %dma_start3A_69] : memref<10240x64xf32, #tpu.memory_space<vmem_shared>> -> memref<80x64xf32, #tpu.memory_space<vmem_shared>>
    tpu.enqueue_dma source(%arg8 : memref<80x64xf32, #tpu.memory_space<vmem>>) target(%dma_start3A_70 : memref<80x64xf32, #tpu.memory_space<vmem_shared>>) target_semaphore(%arg16 : memref<!tpu.dma_semaphore, #tpu.memory_space<semaphore_mem>>)
    %broadcast_in_dim3A_71 = arith.constant 1.000000e+00 : f32
    %broadcast_in_dim3A_72 = vector.broadcast %broadcast_in_dim3A_71 : f32 to vector<16xf32>
    %scan3A_73 = arith.constant 0 : i32
    %scan3A_74 = arith.constant 0 : i32
    %scan3A_75 = arith.constant 80 : i32
    %scan3A_76 = arith.addi %scan3A_74, %scan3A_75 : i32
    %scan3A_77 = arith.constant 1 : i32
    %scan3A_78 = scf.for %scan3A_421 = %scan3A_74 to %scan3A_76 step %scan3A_77 iter_args(%scan3A_422 = %scan3A_73) -> (i32)  : i32 {
      %scan3A_423 = arith.constant 0 : i32
      %scan3A_424 = arith.constant 0 : i32
      %mul3A_425 = arith.constant 16 : i32
      %mul3A_426 = arith.muli %scan3A_424, %mul3A_425 : i32
      %swap3A = arith.index_cast %scan3A_421 : i32 to index
      %swap3A_427 = arith.index_cast %mul3A_426 : i32 to index
      %swap3A_428 = tpu.vector_load %arg9[%swap3A, %swap3A_427] {strides = array<i32>} : memref<80x16xf32, #tpu.memory_space<vmem>>, vector<1x16xf32>,
      %swap3A_429 = vector.shape_cast %swap3A_428 : vector<1x16xf32> to vector<16xf32>
      %swap3A_430 = vector.shape_cast %broadcast_in_dim3A_72 : vector<16xf32> to vector<1x16xf32>
      tpu.vector_store %arg9[%swap3A, %swap3A_427], %swap3A_430 {strides = array<i32>} : memref<80x16xf32, #tpu.memory_space<vmem>>, vector<1x16xf32>,
      %scan3A_431 = arith.constant 0 : i32
      %scan3A_432 = arith.constant 1 : i32
      scf.yield %scan3A_431 : i32
    }
    %scan3A_79 = arith.constant 80 : i32
    %broadcast_in_dim3A_80 = arith.constant 0.000000e+00 : f32
    %broadcast_in_dim3A_81 = vector.broadcast %broadcast_in_dim3A_80 : f32 to vector<16xf32>
    %scan3A_82 = arith.constant 0 : i32
    %scan3A_83 = arith.constant 0 : i32
    %scan3A_84 = arith.constant 80 : i32
    %scan3A_85 = arith.addi %scan3A_83, %scan3A_84 : i32
    %scan3A_86 = arith.constant 1 : i32
    %scan3A_87 = scf.for %scan3A_421 = %scan3A_83 to %scan3A_85 step %scan3A_86 iter_args(%scan3A_422 = %scan3A_82) -> (i32)  : i32 {
      %scan3A_423 = arith.constant 0 : i32
      %scan3A_424 = arith.constant 0 : i32
      %mul3A_425 = arith.constant 16 : i32
      %mul3A_426 = arith.muli %scan3A_424, %mul3A_425 : i32
      %swap3A = arith.index_cast %scan3A_421 : i32 to index
      %swap3A_427 = arith.index_cast %mul3A_426 : i32 to index
      %swap3A_428 = tpu.vector_load %arg10[%swap3A, %swap3A_427] {strides = array<i32>} : memref<80x16xf32, #tpu.memory_space<vmem>>, vector<1x16xf32>,
      %swap3A_429 = vector.shape_cast %swap3A_428 : vector<1x16xf32> to vector<16xf32>
      %swap3A_430 = vector.shape_cast %broadcast_in_dim3A_81 : vector<16xf32> to vector<1x16xf32>
      tpu.vector_store %arg10[%swap3A, %swap3A_427], %swap3A_430 {strides = array<i32>} : memref<80x16xf32, #tpu.memory_space<vmem>>, vector<1x16xf32>,
      %scan3A_431 = arith.constant 0 : i32
      %scan3A_432 = arith.constant 1 : i32
      scf.yield %scan3A_431 : i32
    }
    %scan3A_88 = arith.constant 80 : i32
    %mul3A_89 = arith.constant 640 : i32
    %mul3A_90 = arith.muli %arg1, %mul3A_89 : i32
    %add3A_91 = arith.constant 0 : i32
    %add3A_92 = arith.addi %mul3A_90, %add3A_91 : i32
    %dma_start3A_93 = arith.constant 0 : i32
    %dma_start3A_94 = tpu.memref_slice %arg12[%add3A_92, %dma_start3A_93] : memref<10240x16xf32, #tpu.memory_space<vmem_shared>> -> memref<80x16xf32, #tpu.memory_space<vmem_shared>>
    %dma_start3A_95 = arith.constant 0 : i32
    %dma_start3A_96 = tpu.memref_slice %arg12[%add3A_92, %dma_start3A_95] : memref<10240x16xf32, #tpu.memory_space<vmem_shared>> -> memref<80x16xf32, #tpu.memory_space<vmem_shared>>
    tpu.enqueue_dma source(%arg10 : memref<80x16xf32, #tpu.memory_space<vmem>>) target(%dma_start3A_96 : memref<80x16xf32, #tpu.memory_space<vmem_shared>>) target_semaphore(%arg16 : memref<!tpu.dma_semaphore, #tpu.memory_space<semaphore_mem>>)
    %mul3A_97 = arith.constant 640 : i32
    %mul3A_98 = arith.muli %arg1, %mul3A_97 : i32
    %add3A_99 = arith.constant 80 : i32
    %add3A_100 = arith.addi %mul3A_98, %add3A_99 : i32
    %dma_start3A_101 = arith.constant 0 : i32
    %dma_start3A_102 = tpu.memref_slice %arg12[%add3A_100, %dma_start3A_101] : memref<10240x16xf32, #tpu.memory_space<vmem_shared>> -> memref<80x16xf32, #tpu.memory_space<vmem_shared>>
    %dma_start3A_103 = arith.constant 0 : i32
    %dma_start3A_104 = tpu.memref_slice %arg12[%add3A_100, %dma_start3A_103] : memref<10240x16xf32, #tpu.memory_space<vmem_shared>> -> memref<80x16xf32, #tpu.memory_space<vmem_shared>>
    tpu.enqueue_dma source(%arg10 : memref<80x16xf32, #tpu.memory_space<vmem>>) target(%dma_start3A_104 : memref<80x16xf32, #tpu.memory_space<vmem_shared>>) target_semaphore(%arg16 : memref<!tpu.dma_semaphore, #tpu.memory_space<semaphore_mem>>)
    %mul3A_105 = arith.constant 640 : i32
    %mul3A_106 = arith.muli %arg1, %mul3A_105 : i32
    %add3A_107 = arith.constant 160 : i32
    %add3A_108 = arith.addi %mul3A_106, %add3A_107 : i32
    %dma_start3A_109 = arith.constant 0 : i32
    %dma_start3A_110 = tpu.memref_slice %arg12[%add3A_108, %dma_start3A_109] : memref<10240x16xf32, #tpu.memory_space<vmem_shared>> -> memref<80x16xf32, #tpu.memory_space<vmem_shared>>
    %dma_start3A_111 = arith.constant 0 : i32
    %dma_start3A_112 = tpu.memref_slice %arg12[%add3A_108, %dma_start3A_111] : memref<10240x16xf32, #tpu.memory_space<vmem_shared>> -> memref<80x16xf32, #tpu.memory_space<vmem_shared>>
    tpu.enqueue_dma source(%arg10 : memref<80x16xf32, #tpu.memory_space<vmem>>) target(%dma_start3A_112 : memref<80x16xf32, #tpu.memory_space<vmem_shared>>) target_semaphore(%arg16 : memref<!tpu.dma_semaphore, #tpu.memory_space<semaphore_mem>>)
    %mul3A_113 = arith.constant 640 : i32
    %mul3A_114 = arith.muli %arg1, %mul3A_113 : i32
    %add3A_115 = arith.constant 240 : i32
    %add3A_116 = arith.addi %mul3A_114, %add3A_115 : i32
    %dma_start3A_117 = arith.constant 0 : i32
    %dma_start3A_118 = tpu.memref_slice %arg12[%add3A_116, %dma_start3A_117] : memref<10240x16xf32, #tpu.memory_space<vmem_shared>> -> memref<80x16xf32, #tpu.memory_space<vmem_shared>>
    %dma_start3A_119 = arith.constant 0 : i32
    %dma_start3A_120 = tpu.memref_slice %arg12[%add3A_116, %dma_start3A_119] : memref<10240x16xf32, #tpu.memory_space<vmem_shared>> -> memref<80x16xf32, #tpu.memory_space<vmem_shared>>
    tpu.enqueue_dma source(%arg10 : memref<80x16xf32, #tpu.memory_space<vmem>>) target(%dma_start3A_120 : memref<80x16xf32, #tpu.memory_space<vmem_shared>>) target_semaphore(%arg16 : memref<!tpu.dma_semaphore, #tpu.memory_space<semaphore_mem>>)
    %mul3A_121 = arith.constant 640 : i32
    %mul3A_122 = arith.muli %arg1, %mul3A_121 : i32
    %add3A_123 = arith.constant 320 : i32
    %add3A_124 = arith.addi %mul3A_122, %add3A_123 : i32
    %dma_start3A_125 = arith.constant 0 : i32
    %dma_start3A_126 = tpu.memref_slice %arg12[%add3A_124, %dma_start3A_125] : memref<10240x16xf32, #tpu.memory_space<vmem_shared>> -> memref<80x16xf32, #tpu.memory_space<vmem_shared>>
    %dma_start3A_127 = arith.constant 0 : i32
    %dma_start3A_128 = tpu.memref_slice %arg12[%add3A_124, %dma_start3A_127] : memref<10240x16xf32, #tpu.memory_space<vmem_shared>> -> memref<80x16xf32, #tpu.memory_space<vmem_shared>>
    tpu.enqueue_dma source(%arg10 : memref<80x16xf32, #tpu.memory_space<vmem>>) target(%dma_start3A_128 : memref<80x16xf32, #tpu.memory_space<vmem_shared>>) target_semaphore(%arg16 : memref<!tpu.dma_semaphore, #tpu.memory_space<semaphore_mem>>)
    %mul3A_129 = arith.constant 640 : i32
    %mul3A_130 = arith.muli %arg1, %mul3A_129 : i32
    %add3A_131 = arith.constant 400 : i32
    %add3A_132 = arith.addi %mul3A_130, %add3A_131 : i32
    %dma_start3A_133 = arith.constant 0 : i32
    %dma_start3A_134 = tpu.memref_slice %arg12[%add3A_132, %dma_start3A_133] : memref<10240x16xf32, #tpu.memory_space<vmem_shared>> -> memref<80x16xf32, #tpu.memory_space<vmem_shared>>
    %dma_start3A_135 = arith.constant 0 : i32
    %dma_start3A_136 = tpu.memref_slice %arg12[%add3A_132, %dma_start3A_135] : memref<10240x16xf32, #tpu.memory_space<vmem_shared>> -> memref<80x16xf32, #tpu.memory_space<vmem_shared>>
    tpu.enqueue_dma source(%arg10 : memref<80x16xf32, #tpu.memory_space<vmem>>) target(%dma_start3A_136 : memref<80x16xf32, #tpu.memory_space<vmem_shared>>) target_semaphore(%arg16 : memref<!tpu.dma_semaphore, #tpu.memory_space<semaphore_mem>>)
    %mul3A_137 = arith.constant 640 : i32
    %mul3A_138 = arith.muli %arg1, %mul3A_137 : i32
    %add3A_139 = arith.constant 480 : i32
    %add3A_140 = arith.addi %mul3A_138, %add3A_139 : i32
    %dma_start3A_141 = arith.constant 0 : i32
    %dma_start3A_142 = tpu.memref_slice %arg12[%add3A_140, %dma_start3A_141] : memref<10240x16xf32, #tpu.memory_space<vmem_shared>> -> memref<80x16xf32, #tpu.memory_space<vmem_shared>>
    %dma_start3A_143 = arith.constant 0 : i32
    %dma_start3A_144 = tpu.memref_slice %arg12[%add3A_140, %dma_start3A_143] : memref<10240x16xf32, #tpu.memory_space<vmem_shared>> -> memref<80x16xf32, #tpu.memory_space<vmem_shared>>
    tpu.enqueue_dma source(%arg10 : memref<80x16xf32, #tpu.memory_space<vmem>>) target(%dma_start3A_144 : memref<80x16xf32, #tpu.memory_space<vmem_shared>>) target_semaphore(%arg16 : memref<!tpu.dma_semaphore, #tpu.memory_space<semaphore_mem>>)
    %mul3A_145 = arith.constant 640 : i32
    %mul3A_146 = arith.muli %arg1, %mul3A_145 : i32
    %add3A_147 = arith.constant 560 : i32
    %add3A_148 = arith.addi %mul3A_146, %add3A_147 : i32
    %dma_start3A_149 = arith.constant 0 : i32
    %dma_start3A_150 = tpu.memref_slice %arg12[%add3A_148, %dma_start3A_149] : memref<10240x16xf32, #tpu.memory_space<vmem_shared>> -> memref<80x16xf32, #tpu.memory_space<vmem_shared>>
    %dma_start3A_151 = arith.constant 0 : i32
    %dma_start3A_152 = tpu.memref_slice %arg12[%add3A_148, %dma_start3A_151] : memref<10240x16xf32, #tpu.memory_space<vmem_shared>> -> memref<80x16xf32, #tpu.memory_space<vmem_shared>>
    tpu.enqueue_dma source(%arg10 : memref<80x16xf32, #tpu.memory_space<vmem>>) target(%dma_start3A_152 : memref<80x16xf32, #tpu.memory_space<vmem_shared>>) target_semaphore(%arg16 : memref<!tpu.dma_semaphore, #tpu.memory_space<semaphore_mem>>)
    %mul3A_153 = arith.constant 640 : i32
    %mul3A_154 = arith.muli %arg1, %mul3A_153 : i32
    %add3A_155 = arith.constant 0 : i32
    %add3A_156 = arith.addi %mul3A_154, %add3A_155 : i32
    %dma_wait3A = arith.constant 0 : i32
    %dma_wait3A_157 = tpu.memref_slice %arg11[%add3A_156, %dma_wait3A] : memref<10240x64xf32, #tpu.memory_space<vmem_shared>> -> memref<80x64xf32, #tpu.memory_space<vmem_shared>>
    %dma_wait3A_158 = arith.constant 0 : i32
    %dma_wait3A_159 = tpu.memref_slice %arg11[%add3A_156, %dma_wait3A_158] : memref<10240x64xf32, #tpu.memory_space<vmem_shared>> -> memref<80x64xf32, #tpu.memory_space<vmem_shared>>
    tpu.wait_dma2 semaphore(%arg16 : memref<!tpu.dma_semaphore, #tpu.memory_space<semaphore_mem>>) src(%arg8 : memref<80x64xf32, #tpu.memory_space<vmem>>) dst(%dma_wait3A_159 : memref<80x64xf32, #tpu.memory_space<vmem_shared>>)
    %mul3A_160 = arith.constant 640 : i32
    %mul3A_161 = arith.muli %arg1, %mul3A_160 : i32
    %add3A_162 = arith.constant 0 : i32
    %add3A_163 = arith.addi %mul3A_161, %add3A_162 : i32
    %dma_wait3A_164 = arith.constant 0 : i32
    %dma_wait3A_165 = tpu.memref_slice %arg12[%add3A_163, %dma_wait3A_164] : memref<10240x16xf32, #tpu.memory_space<vmem_shared>> -> memref<80x16xf32, #tpu.memory_space<vmem_shared>>
    %dma_wait3A_166 = arith.constant 0 : i32
    %dma_wait3A_167 = tpu.memref_slice %arg12[%add3A_163, %dma_wait3A_166] : memref<10240x16xf32, #tpu.memory_space<vmem_shared>> -> memref<80x16xf32, #tpu.memory_space<vmem_shared>>
    tpu.wait_dma2 semaphore(%arg16 : memref<!tpu.dma_semaphore, #tpu.memory_space<semaphore_mem>>) src(%arg10 : memref<80x16xf32, #tpu.memory_space<vmem>>) dst(%dma_wait3A_167 : memref<80x16xf32, #tpu.memory_space<vmem_shared>>)
    %mul3A_168 = arith.constant 640 : i32
    %mul3A_169 = arith.muli %arg1, %mul3A_168 : i32
    %add3A_170 = arith.constant 80 : i32
    %add3A_171 = arith.addi %mul3A_169, %add3A_170 : i32
    %dma_wait3A_172 = arith.constant 0 : i32
    %dma_wait3A_173 = tpu.memref_slice %arg11[%add3A_171, %dma_wait3A_172] : memref<10240x64xf32, #tpu.memory_space<vmem_shared>> -> memref<80x64xf32, #tpu.memory_space<vmem_shared>>
    %dma_wait3A_174 = arith.constant 0 : i32
    %dma_wait3A_175 = tpu.memref_slice %arg11[%add3A_171, %dma_wait3A_174] : memref<10240x64xf32, #tpu.memory_space<vmem_shared>> -> memref<80x64xf32, #tpu.memory_space<vmem_shared>>
    tpu.wait_dma2 semaphore(%arg16 : memref<!tpu.dma_semaphore, #tpu.memory_space<semaphore_mem>>) src(%arg8 : memref<80x64xf32, #tpu.memory_space<vmem>>) dst(%dma_wait3A_175 : memref<80x64xf32, #tpu.memory_space<vmem_shared>>)
    %mul3A_176 = arith.constant 640 : i32
    %mul3A_177 = arith.muli %arg1, %mul3A_176 : i32
    %add3A_178 = arith.constant 80 : i32
    %add3A_179 = arith.addi %mul3A_177, %add3A_178 : i32
    %dma_wait3A_180 = arith.constant 0 : i32
    %dma_wait3A_181 = tpu.memref_slice %arg12[%add3A_179, %dma_wait3A_180] : memref<10240x16xf32, #tpu.memory_space<vmem_shared>> -> memref<80x16xf32, #tpu.memory_space<vmem_shared>>
    %dma_wait3A_182 = arith.constant 0 : i32
    %dma_wait3A_183 = tpu.memref_slice %arg12[%add3A_179, %dma_wait3A_182] : memref<10240x16xf32, #tpu.memory_space<vmem_shared>> -> memref<80x16xf32, #tpu.memory_space<vmem_shared>>
    tpu.wait_dma2 semaphore(%arg16 : memref<!tpu.dma_semaphore, #tpu.memory_space<semaphore_mem>>) src(%arg10 : memref<80x16xf32, #tpu.memory_space<vmem>>) dst(%dma_wait3A_183 : memref<80x16xf32, #tpu.memory_space<vmem_shared>>)
    %mul3A_184 = arith.constant 640 : i32
    %mul3A_185 = arith.muli %arg1, %mul3A_184 : i32
    %add3A_186 = arith.constant 160 : i32
    %add3A_187 = arith.addi %mul3A_185, %add3A_186 : i32
    %dma_wait3A_188 = arith.constant 0 : i32
    %dma_wait3A_189 = tpu.memref_slice %arg11[%add3A_187, %dma_wait3A_188] : memref<10240x64xf32, #tpu.memory_space<vmem_shared>> -> memref<80x64xf32, #tpu.memory_space<vmem_shared>>
    %dma_wait3A_190 = arith.constant 0 : i32
    %dma_wait3A_191 = tpu.memref_slice %arg11[%add3A_187, %dma_wait3A_190] : memref<10240x64xf32, #tpu.memory_space<vmem_shared>> -> memref<80x64xf32, #tpu.memory_space<vmem_shared>>
    tpu.wait_dma2 semaphore(%arg16 : memref<!tpu.dma_semaphore, #tpu.memory_space<semaphore_mem>>) src(%arg8 : memref<80x64xf32, #tpu.memory_space<vmem>>) dst(%dma_wait3A_191 : memref<80x64xf32, #tpu.memory_space<vmem_shared>>)
    %mul3A_192 = arith.constant 640 : i32
    %mul3A_193 = arith.muli %arg1, %mul3A_192 : i32
    %add3A_194 = arith.constant 160 : i32
    %add3A_195 = arith.addi %mul3A_193, %add3A_194 : i32
    %dma_wait3A_196 = arith.constant 0 : i32
    %dma_wait3A_197 = tpu.memref_slice %arg12[%add3A_195, %dma_wait3A_196] : memref<10240x16xf32, #tpu.memory_space<vmem_shared>> -> memref<80x16xf32, #tpu.memory_space<vmem_shared>>
    %dma_wait3A_198 = arith.constant 0 : i32
    %dma_wait3A_199 = tpu.memref_slice %arg12[%add3A_195, %dma_wait3A_198] : memref<10240x16xf32, #tpu.memory_space<vmem_shared>> -> memref<80x16xf32, #tpu.memory_space<vmem_shared>>
    tpu.wait_dma2 semaphore(%arg16 : memref<!tpu.dma_semaphore, #tpu.memory_space<semaphore_mem>>) src(%arg10 : memref<80x16xf32, #tpu.memory_space<vmem>>) dst(%dma_wait3A_199 : memref<80x16xf32, #tpu.memory_space<vmem_shared>>)
    %mul3A_200 = arith.constant 640 : i32
    %mul3A_201 = arith.muli %arg1, %mul3A_200 : i32
    %add3A_202 = arith.constant 240 : i32
    %add3A_203 = arith.addi %mul3A_201, %add3A_202 : i32
    %dma_wait3A_204 = arith.constant 0 : i32
    %dma_wait3A_205 = tpu.memref_slice %arg11[%add3A_203, %dma_wait3A_204] : memref<10240x64xf32, #tpu.memory_space<vmem_shared>> -> memref<80x64xf32, #tpu.memory_space<vmem_shared>>
    %dma_wait3A_206 = arith.constant 0 : i32
    %dma_wait3A_207 = tpu.memref_slice %arg11[%add3A_203, %dma_wait3A_206] : memref<10240x64xf32, #tpu.memory_space<vmem_shared>> -> memref<80x64xf32, #tpu.memory_space<vmem_shared>>
    tpu.wait_dma2 semaphore(%arg16 : memref<!tpu.dma_semaphore, #tpu.memory_space<semaphore_mem>>) src(%arg8 : memref<80x64xf32, #tpu.memory_space<vmem>>) dst(%dma_wait3A_207 : memref<80x64xf32, #tpu.memory_space<vmem_shared>>)
    %mul3A_208 = arith.constant 640 : i32
    %mul3A_209 = arith.muli %arg1, %mul3A_208 : i32
    %add3A_210 = arith.constant 240 : i32
    %add3A_211 = arith.addi %mul3A_209, %add3A_210 : i32
    %dma_wait3A_212 = arith.constant 0 : i32
    %dma_wait3A_213 = tpu.memref_slice %arg12[%add3A_211, %dma_wait3A_212] : memref<10240x16xf32, #tpu.memory_space<vmem_shared>> -> memref<80x16xf32, #tpu.memory_space<vmem_shared>>
    %dma_wait3A_214 = arith.constant 0 : i32
    %dma_wait3A_215 = tpu.memref_slice %arg12[%add3A_211, %dma_wait3A_214] : memref<10240x16xf32, #tpu.memory_space<vmem_shared>> -> memref<80x16xf32, #tpu.memory_space<vmem_shared>>
    tpu.wait_dma2 semaphore(%arg16 : memref<!tpu.dma_semaphore, #tpu.memory_space<semaphore_mem>>) src(%arg10 : memref<80x16xf32, #tpu.memory_space<vmem>>) dst(%dma_wait3A_215 : memref<80x16xf32, #tpu.memory_space<vmem_shared>>)
    %mul3A_216 = arith.constant 640 : i32
    %mul3A_217 = arith.muli %arg1, %mul3A_216 : i32
    %add3A_218 = arith.constant 320 : i32
    %add3A_219 = arith.addi %mul3A_217, %add3A_218 : i32
    %dma_wait3A_220 = arith.constant 0 : i32
    %dma_wait3A_221 = tpu.memref_slice %arg11[%add3A_219, %dma_wait3A_220] : memref<10240x64xf32, #tpu.memory_space<vmem_shared>> -> memref<80x64xf32, #tpu.memory_space<vmem_shared>>
    %dma_wait3A_222 = arith.constant 0 : i32
    %dma_wait3A_223 = tpu.memref_slice %arg11[%add3A_219, %dma_wait3A_222] : memref<10240x64xf32, #tpu.memory_space<vmem_shared>> -> memref<80x64xf32, #tpu.memory_space<vmem_shared>>
    tpu.wait_dma2 semaphore(%arg16 : memref<!tpu.dma_semaphore, #tpu.memory_space<semaphore_mem>>) src(%arg8 : memref<80x64xf32, #tpu.memory_space<vmem>>) dst(%dma_wait3A_223 : memref<80x64xf32, #tpu.memory_space<vmem_shared>>)
    %mul3A_224 = arith.constant 640 : i32
    %mul3A_225 = arith.muli %arg1, %mul3A_224 : i32
    %add3A_226 = arith.constant 320 : i32
    %add3A_227 = arith.addi %mul3A_225, %add3A_226 : i32
    %dma_wait3A_228 = arith.constant 0 : i32
    %dma_wait3A_229 = tpu.memref_slice %arg12[%add3A_227, %dma_wait3A_228] : memref<10240x16xf32, #tpu.memory_space<vmem_shared>> -> memref<80x16xf32, #tpu.memory_space<vmem_shared>>
    %dma_wait3A_230 = arith.constant 0 : i32
    %dma_wait3A_231 = tpu.memref_slice %arg12[%add3A_227, %dma_wait3A_230] : memref<10240x16xf32, #tpu.memory_space<vmem_shared>> -> memref<80x16xf32, #tpu.memory_space<vmem_shared>>
    tpu.wait_dma2 semaphore(%arg16 : memref<!tpu.dma_semaphore, #tpu.memory_space<semaphore_mem>>) src(%arg10 : memref<80x16xf32, #tpu.memory_space<vmem>>) dst(%dma_wait3A_231 : memref<80x16xf32, #tpu.memory_space<vmem_shared>>)
    %mul3A_232 = arith.constant 640 : i32
    %mul3A_233 = arith.muli %arg1, %mul3A_232 : i32
    %add3A_234 = arith.constant 400 : i32
    %add3A_235 = arith.addi %mul3A_233, %add3A_234 : i32
    %dma_wait3A_236 = arith.constant 0 : i32
    %dma_wait3A_237 = tpu.memref_slice %arg11[%add3A_235, %dma_wait3A_236] : memref<10240x64xf32, #tpu.memory_space<vmem_shared>> -> memref<80x64xf32, #tpu.memory_space<vmem_shared>>
    %dma_wait3A_238 = arith.constant 0 : i32
    %dma_wait3A_239 = tpu.memref_slice %arg11[%add3A_235, %dma_wait3A_238] : memref<10240x64xf32, #tpu.memory_space<vmem_shared>> -> memref<80x64xf32, #tpu.memory_space<vmem_shared>>
    tpu.wait_dma2 semaphore(%arg16 : memref<!tpu.dma_semaphore, #tpu.memory_space<semaphore_mem>>) src(%arg8 : memref<80x64xf32, #tpu.memory_space<vmem>>) dst(%dma_wait3A_239 : memref<80x64xf32, #tpu.memory_space<vmem_shared>>)
    %mul3A_240 = arith.constant 640 : i32
    %mul3A_241 = arith.muli %arg1, %mul3A_240 : i32
    %add3A_242 = arith.constant 400 : i32
    %add3A_243 = arith.addi %mul3A_241, %add3A_242 : i32
    %dma_wait3A_244 = arith.constant 0 : i32
    %dma_wait3A_245 = tpu.memref_slice %arg12[%add3A_243, %dma_wait3A_244] : memref<10240x16xf32, #tpu.memory_space<vmem_shared>> -> memref<80x16xf32, #tpu.memory_space<vmem_shared>>
    %dma_wait3A_246 = arith.constant 0 : i32
    %dma_wait3A_247 = tpu.memref_slice %arg12[%add3A_243, %dma_wait3A_246] : memref<10240x16xf32, #tpu.memory_space<vmem_shared>> -> memref<80x16xf32, #tpu.memory_space<vmem_shared>>
    tpu.wait_dma2 semaphore(%arg16 : memref<!tpu.dma_semaphore, #tpu.memory_space<semaphore_mem>>) src(%arg10 : memref<80x16xf32, #tpu.memory_space<vmem>>) dst(%dma_wait3A_247 : memref<80x16xf32, #tpu.memory_space<vmem_shared>>)
    %mul3A_248 = arith.constant 640 : i32
    %mul3A_249 = arith.muli %arg1, %mul3A_248 : i32
    %add3A_250 = arith.constant 480 : i32
    %add3A_251 = arith.addi %mul3A_249, %add3A_250 : i32
    %dma_wait3A_252 = arith.constant 0 : i32
    %dma_wait3A_253 = tpu.memref_slice %arg11[%add3A_251, %dma_wait3A_252] : memref<10240x64xf32, #tpu.memory_space<vmem_shared>> -> memref<80x64xf32, #tpu.memory_space<vmem_shared>>
    %dma_wait3A_254 = arith.constant 0 : i32
    %dma_wait3A_255 = tpu.memref_slice %arg11[%add3A_251, %dma_wait3A_254] : memref<10240x64xf32, #tpu.memory_space<vmem_shared>> -> memref<80x64xf32, #tpu.memory_space<vmem_shared>>
    tpu.wait_dma2 semaphore(%arg16 : memref<!tpu.dma_semaphore, #tpu.memory_space<semaphore_mem>>) src(%arg8 : memref<80x64xf32, #tpu.memory_space<vmem>>) dst(%dma_wait3A_255 : memref<80x64xf32, #tpu.memory_space<vmem_shared>>)
    %mul3A_256 = arith.constant 640 : i32
    %mul3A_257 = arith.muli %arg1, %mul3A_256 : i32
    %add3A_258 = arith.constant 480 : i32
    %add3A_259 = arith.addi %mul3A_257, %add3A_258 : i32
    %dma_wait3A_260 = arith.constant 0 : i32
    %dma_wait3A_261 = tpu.memref_slice %arg12[%add3A_259, %dma_wait3A_260] : memref<10240x16xf32, #tpu.memory_space<vmem_shared>> -> memref<80x16xf32, #tpu.memory_space<vmem_shared>>
    %dma_wait3A_262 = arith.constant 0 : i32
    %dma_wait3A_263 = tpu.memref_slice %arg12[%add3A_259, %dma_wait3A_262] : memref<10240x16xf32, #tpu.memory_space<vmem_shared>> -> memref<80x16xf32, #tpu.memory_space<vmem_shared>>
    tpu.wait_dma2 semaphore(%arg16 : memref<!tpu.dma_semaphore, #tpu.memory_space<semaphore_mem>>) src(%arg10 : memref<80x16xf32, #tpu.memory_space<vmem>>) dst(%dma_wait3A_263 : memref<80x16xf32, #tpu.memory_space<vmem_shared>>)
    %mul3A_264 = arith.constant 640 : i32
    %mul3A_265 = arith.muli %arg1, %mul3A_264 : i32
    %add3A_266 = arith.constant 560 : i32
    %add3A_267 = arith.addi %mul3A_265, %add3A_266 : i32
    %dma_wait3A_268 = arith.constant 0 : i32
    %dma_wait3A_269 = tpu.memref_slice %arg11[%add3A_267, %dma_wait3A_268] : memref<10240x64xf32, #tpu.memory_space<vmem_shared>> -> memref<80x64xf32, #tpu.memory_space<vmem_shared>>
    %dma_wait3A_270 = arith.constant 0 : i32
    %dma_wait3A_271 = tpu.memref_slice %arg11[%add3A_267, %dma_wait3A_270] : memref<10240x64xf32, #tpu.memory_space<vmem_shared>> -> memref<80x64xf32, #tpu.memory_space<vmem_shared>>
    tpu.wait_dma2 semaphore(%arg16 : memref<!tpu.dma_semaphore, #tpu.memory_space<semaphore_mem>>) src(%arg8 : memref<80x64xf32, #tpu.memory_space<vmem>>) dst(%dma_wait3A_271 : memref<80x64xf32, #tpu.memory_space<vmem_shared>>)
    %mul3A_272 = arith.constant 640 : i32
    %mul3A_273 = arith.muli %arg1, %mul3A_272 : i32
    %add3A_274 = arith.constant 560 : i32
    %add3A_275 = arith.addi %mul3A_273, %add3A_274 : i32
    %dma_wait3A_276 = arith.constant 0 : i32
    %dma_wait3A_277 = tpu.memref_slice %arg12[%add3A_275, %dma_wait3A_276] : memref<10240x16xf32, #tpu.memory_space<vmem_shared>> -> memref<80x16xf32, #tpu.memory_space<vmem_shared>>
    %dma_wait3A_278 = arith.constant 0 : i32
    %dma_wait3A_279 = tpu.memref_slice %arg12[%add3A_275, %dma_wait3A_278] : memref<10240x16xf32, #tpu.memory_space<vmem_shared>> -> memref<80x16xf32, #tpu.memory_space<vmem_shared>>
    tpu.wait_dma2 semaphore(%arg16 : memref<!tpu.dma_semaphore, #tpu.memory_space<semaphore_mem>>) src(%arg10 : memref<80x16xf32, #tpu.memory_space<vmem>>) dst(%dma_wait3A_279 : memref<80x16xf32, #tpu.memory_space<vmem_shared>>)
    "tpu.region"() ({
      %run_scoped3A_421 = tpu.sem_alloc : memref<!tpu.dma_semaphore, #tpu.memory_space<semaphore_mem>>
      %dma_start3A_422 = arith.constant 0 : i32
      %dma_start3A_423 = arith.constant 0 : i32
      %dma_start3A_424 = tpu.memref_slice %arg3[%add3A, %dma_start3A_422, %dma_start3A_423] : memref<32x125x80xi32, #tpu.memory_space<hbm>> -> memref<1x125x80xi32, #tpu.memory_space<hbm>>
      %dma_start3A_425 = tpu.memref_squeeze %dma_start3A_424 : memref<1x125x80xi32, #tpu.memory_space<hbm>> -> memref<125x80xi32, #tpu.memory_space<hbm>>
      %dma_start3A_426 = arith.constant 0 : i32
      %dma_start3A_427 = arith.constant 0 : i32
      %dma_start3A_428 = tpu.memref_slice %arg3[%add3A, %dma_start3A_426, %dma_start3A_427] : memref<32x125x80xi32, #tpu.memory_space<hbm>> -> memref<1x125x80xi32, #tpu.memory_space<hbm>>
      %dma_start3A_429 = tpu.memref_squeeze %dma_start3A_428 : memref<1x125x80xi32, #tpu.memory_space<hbm>> -> memref<125x80xi32, #tpu.memory_space<hbm>>
      tpu.enqueue_dma source(%dma_start3A_429 : memref<125x80xi32, #tpu.memory_space<hbm>>) target(%arg7 : memref<125x80xi32, #tpu.memory_space<vmem>>) target_semaphore(%run_scoped3A_421 : memref<!tpu.dma_semaphore, #tpu.memory_space<semaphore_mem>>)
      %dma_wait3A_430 = arith.constant 0 : i32
      %dma_wait3A_431 = arith.constant 0 : i32
      %dma_wait3A_432 = tpu.memref_slice %arg3[%add3A, %dma_wait3A_430, %dma_wait3A_431] : memref<32x125x80xi32, #tpu.memory_space<hbm>> -> memref<1x125x80xi32, #tpu.memory_space<hbm>>
      %dma_wait3A_433 = tpu.memref_squeeze %dma_wait3A_432 : memref<1x125x80xi32, #tpu.memory_space<hbm>> -> memref<125x80xi32, #tpu.memory_space<hbm>>
      %dma_wait3A_434 = arith.constant 0 : i32
      %dma_wait3A_435 = arith.constant 0 : i32
      %dma_wait3A_436 = tpu.memref_slice %arg3[%add3A, %dma_wait3A_434, %dma_wait3A_435] : memref<32x125x80xi32, #tpu.memory_space<hbm>> -> memref<1x125x80xi32, #tpu.memory_space<hbm>>
      %dma_wait3A_437 = tpu.memref_squeeze %dma_wait3A_436 : memref<1x125x80xi32, #tpu.memory_space<hbm>> -> memref<125x80xi32, #tpu.memory_space<hbm>>
      tpu.wait_dma2 semaphore(%run_scoped3A_421 : memref<!tpu.dma_semaphore, #tpu.memory_space<semaphore_mem>>) src(%dma_wait3A_437 : memref<125x80xi32, #tpu.memory_space<hbm>>) dst(%arg7 : memref<125x80xi32, #tpu.memory_space<vmem>>)
      tpu.yield
    }) : () -> ()
    %barrier3A = arith.constant 0 : index
    tpu.barrier barrier_id(%barrier3A)
    %mul3A_280 = arith.constant 160000 : i32
    %mul3A_281 = arith.muli %arg0, %mul3A_280 : i32
    %mul3A_282 = arith.constant 10000 : i32
    %mul3A_283 = arith.muli %arg1, %mul3A_282 : i32
    %add3A_284 = arith.addi %mul3A_281, %mul3A_283 : i32
    %add3A_285 = arith.constant 0 : i32
    %add3A_286 = arith.addi %add3A_284, %add3A_285 : i32
    %dma_start3A_287 = arith.constant 0 : i32
    %dma_start3A_288 = arith.constant 0 : i32
    %dma_start3A_289 = arith.constant 0 : i32
    %dma_start3A_290 = tpu.memref_slice %arg6[%dma_start3A_287, %dma_start3A_288, %dma_start3A_289] : memref<2x400x64xf32, #tpu.memory_space<vmem>> -> memref<1x400x64xf32, #tpu.memory_space<vmem>>
    %dma_start3A_291 = tpu.memref_squeeze %dma_start3A_290 : memref<1x400x64xf32, #tpu.memory_space<vmem>> -> memref<400x64xf32, #tpu.memory_space<vmem>>
    %dma_start3A_292 = arith.constant 0 : i32
    %dma_start3A_293 = tpu.memref_slice %arg2[%add3A_286, %dma_start3A_292] : memref<320000x64xf32, #tpu.memory_space<hbm>> -> memref<400x64xf32, #tpu.memory_space<hbm>>
    %dma_start3A_294 = arith.constant 0 : i32
    %dma_start3A_295 = arith.constant 0 : i32
    %dma_start3A_296 = tpu.memref_slice %arg6[%dma_start3A_287, %dma_start3A_294, %dma_start3A_295] : memref<2x400x64xf32, #tpu.memory_space<vmem>> -> memref<1x400x64xf32, #tpu.memory_space<vmem>>
    %dma_start3A_297 = tpu.memref_squeeze %dma_start3A_296 : memref<1x400x64xf32, #tpu.memory_space<vmem>> -> memref<400x64xf32, #tpu.memory_space<vmem>>
    %dma_start3A_298 = arith.constant 0 : i32
    %dma_start3A_299 = tpu.memref_slice %arg2[%add3A_286, %dma_start3A_298] : memref<320000x64xf32, #tpu.memory_space<hbm>> -> memref<400x64xf32, #tpu.memory_space<hbm>>
    tpu.enqueue_dma source(%dma_start3A_299 : memref<400x64xf32, #tpu.memory_space<hbm>>) target(%dma_start3A_297 : memref<400x64xf32, #tpu.memory_space<vmem>>) target_semaphore(%arg13 : memref<!tpu.dma_semaphore, #tpu.memory_space<semaphore_mem>>)
    %scan3A_300 = arith.constant 0 : i32
    %scan3A_301 = arith.constant 0 : i32
    %scan3A_302 = arith.constant 25 : i32
    %scan3A_303 = arith.addi %scan3A_301, %scan3A_302 : i32
    %scan3A_304 = arith.constant 1 : i32
    %scan3A_305 = scf.for %scan3A_421 = %scan3A_301 to %scan3A_303 step %scan3A_304 iter_args(%scan3A_422 = %scan3A_300) -> (i32)  : i32 {
      %and3A = arith.constant 1 : i32
      %and3A_423 = arith.andi %scan3A_421, %and3A : i32
      %mul3A_424 = arith.constant 400 : i32
      %mul3A_425 = arith.muli %scan3A_421, %mul3A_424 : i32
      %add3A_426 = arith.addi %add3A_284, %mul3A_425 : i32
      %dma_wait3A_427 = arith.constant 0 : i32
      %dma_wait3A_428 = arith.constant 0 : i32
      %dma_wait3A_429 = tpu.memref_slice %arg6[%and3A_423, %dma_wait3A_427, %dma_wait3A_428] : memref<2x400x64xf32, #tpu.memory_space<vmem>> -> memref<1x400x64xf32, #tpu.memory_space<vmem>>
      %dma_wait3A_430 = tpu.memref_squeeze %dma_wait3A_429 : memref<1x400x64xf32, #tpu.memory_space<vmem>> -> memref<400x64xf32, #tpu.memory_space<vmem>>
      %dma_wait3A_431 = arith.constant 0 : i32
      %dma_wait3A_432 = tpu.memref_slice %arg2[%add3A_426, %dma_wait3A_431] : memref<320000x64xf32, #tpu.memory_space<hbm>> -> memref<400x64xf32, #tpu.memory_space<hbm>>
      %dma_wait3A_433 = arith.constant 0 : i32
      %dma_wait3A_434 = arith.constant 0 : i32
      %dma_wait3A_435 = tpu.memref_slice %arg6[%and3A_423, %dma_wait3A_433, %dma_wait3A_434] : memref<2x400x64xf32, #tpu.memory_space<vmem>> -> memref<1x400x64xf32, #tpu.memory_space<vmem>>
      %dma_wait3A_436 = tpu.memref_squeeze %dma_wait3A_435 : memref<1x400x64xf32, #tpu.memory_space<vmem>> -> memref<400x64xf32, #tpu.memory_space<vmem>>
      %dma_wait3A_437 = arith.constant 0 : i32
      %dma_wait3A_438 = tpu.memref_slice %arg2[%add3A_426, %dma_wait3A_437] : memref<320000x64xf32, #tpu.memory_space<hbm>> -> memref<400x64xf32, #tpu.memory_space<hbm>>
      tpu.wait_dma2 semaphore(%arg13 : memref<!tpu.dma_semaphore, #tpu.memory_space<semaphore_mem>>) src(%dma_wait3A_438 : memref<400x64xf32, #tpu.memory_space<hbm>>) dst(%dma_wait3A_436 : memref<400x64xf32, #tpu.memory_space<vmem>>)
      %add3A_439 = arith.constant 1 : i32
      %add3A_440 = arith.addi %scan3A_421, %add3A_439 : i32
      %lt3A = arith.constant 25 : i32
      %lt3A_441 = arith.cmpi slt, %add3A_440, %lt3A : i32
      %convert_element_type3A = arith.extui %lt3A_441 : i1 to i32
      %cond3A = arith.constant 0 : i32
      %cond3A_442 = arith.cmpi ne, %convert_element_type3A, %cond3A : i32
      scf.if %cond3A_442 {
        %add3A_634 = arith.constant 1 : i32
        %add3A_635 = arith.addi %scan3A_421, %add3A_634 : i32
        %mul3A_636 = arith.constant 400 : i32
        %mul3A_637 = arith.muli %add3A_635, %mul3A_636 : i32
        %add3A_638 = arith.addi %add3A_284, %mul3A_637 : i32
        %sub3A = arith.constant 1 : i32
        %sub3A_639 = arith.subi %sub3A, %and3A_423 : i32
        %dma_start3A_640 = arith.constant 0 : i32
        %dma_start3A_641 = arith.constant 0 : i32
        %dma_start3A_642 = tpu.memref_slice %arg6[%sub3A_639, %dma_start3A_640, %dma_start3A_641] : memref<2x400x64xf32, #tpu.memory_space<vmem>> -> memref<1x400x64xf32, #tpu.memory_space<vmem>>
        %dma_start3A_643 = tpu.memref_squeeze %dma_start3A_642 : memref<1x400x64xf32, #tpu.memory_space<vmem>> -> memref<400x64xf32, #tpu.memory_space<vmem>>
        %dma_start3A_644 = arith.constant 0 : i32
        %dma_start3A_645 = tpu.memref_slice %arg2[%add3A_638, %dma_start3A_644] : memref<320000x64xf32, #tpu.memory_space<hbm>> -> memref<400x64xf32, #tpu.memory_space<hbm>>
        %dma_start3A_646 = arith.constant 0 : i32
        %dma_start3A_647 = arith.constant 0 : i32
        %dma_start3A_648 = tpu.memref_slice %arg6[%sub3A_639, %dma_start3A_646, %dma_start3A_647] : memref<2x400x64xf32, #tpu.memory_space<vmem>> -> memref<1x400x64xf32, #tpu.memory_space<vmem>>
        %dma_start3A_649 = tpu.memref_squeeze %dma_start3A_648 : memref<1x400x64xf32, #tpu.memory_space<vmem>> -> memref<400x64xf32, #tpu.memory_space<vmem>>
        %dma_start3A_650 = arith.constant 0 : i32
        %dma_start3A_651 = tpu.memref_slice %arg2[%add3A_638, %dma_start3A_650] : memref<320000x64xf32, #tpu.memory_space<hbm>> -> memref<400x64xf32, #tpu.memory_space<hbm>>
        tpu.enqueue_dma source(%dma_start3A_651 : memref<400x64xf32, #tpu.memory_space<hbm>>) target(%dma_start3A_649 : memref<400x64xf32, #tpu.memory_space<vmem>>) target_semaphore(%arg13 : memref<!tpu.dma_semaphore, #tpu.memory_space<semaphore_mem>>)
      } else {
      }
      %mul3A_443 = arith.constant 5 : i32
      %mul3A_444 = arith.muli %scan3A_421, %mul3A_443 : i32
      %add3A_445 = arith.constant 0 : i32
      %add3A_446 = arith.addi %mul3A_444, %add3A_445 : i32
      %dma_start3A_447 = arith.constant 0 : i32
      %dma_start3A_448 = arith.constant 0 : i32
      %dma_start3A_449 = tpu.memref_slice %arg6[%and3A_423, %dma_start3A_447, %dma_start3A_448] : memref<2x400x64xf32, #tpu.memory_space<vmem>> -> memref<1x80x64xf32, #tpu.memory_space<vmem>>
      %dma_start3A_450 = tpu.memref_squeeze %dma_start3A_449 : memref<1x80x64xf32, #tpu.memory_space<vmem>> -> memref<80x64xf32, #tpu.memory_space<vmem>>
      %dma_start3A_451 = arith.constant 0 : i32
      %dma_start3A_452 = tpu.memref_slice %arg7[%add3A_446, %dma_start3A_451] : memref<125x80xi32, #tpu.memory_space<vmem>> -> memref<1x80xi32, #tpu.memory_space<vmem>>
      %dma_start3A_453 = tpu.memref_squeeze %dma_start3A_452 : memref<1x80xi32, #tpu.memory_space<vmem>> -> memref<80xi32, #tpu.memory_space<vmem>>
      %dma_start3A_454 = arith.constant 0 : i32
      %dma_start3A_455 = arith.constant 0 : i32
      %dma_start3A_456 = tpu.memref_slice %arg11[%dma_start3A_454, %dma_start3A_455] : memref<10240x64xf32, #tpu.memory_space<vmem_shared>> -> memref<10240x64xf32, #tpu.memory_space<vmem_shared>>
      tpu.enqueue_indirect_dma source(%dma_start3A_450 : memref<80x64xf32, #tpu.memory_space<vmem>>) target(%dma_start3A_456 : memref<10240x64xf32, #tpu.memory_space<vmem_shared>>) offsets(%dma_start3A_453 : memref<80xi32, #tpu.memory_space<vmem>>) semaphore(%arg14 : memref<!tpu.dma_semaphore, #tpu.memory_space<semaphore_mem>>) {add = true}
      %dma_start3A_457 = arith.constant 0 : i32
      %dma_start3A_458 = tpu.memref_slice %arg7[%add3A_446, %dma_start3A_457] : memref<125x80xi32, #tpu.memory_space<vmem>> -> memref<1x80xi32, #tpu.memory_space<vmem>>
      %dma_start3A_459 = tpu.memref_squeeze %dma_start3A_458 : memref<1x80xi32, #tpu.memory_space<vmem>> -> memref<80xi32, #tpu.memory_space<vmem>>
      %dma_start3A_460 = arith.constant 0 : i32
      %dma_start3A_461 = arith.constant 0 : i32
      %dma_start3A_462 = tpu.memref_slice %arg12[%dma_start3A_460, %dma_start3A_461] : memref<10240x16xf32, #tpu.memory_space<vmem_shared>> -> memref<10240x16xf32, #tpu.memory_space<vmem_shared>>
      tpu.enqueue_indirect_dma source(%arg9 : memref<80x16xf32, #tpu.memory_space<vmem>>) target(%dma_start3A_462 : memref<10240x16xf32, #tpu.memory_space<vmem_shared>>) offsets(%dma_start3A_459 : memref<80xi32, #tpu.memory_space<vmem>>) semaphore(%arg15 : memref<!tpu.dma_semaphore, #tpu.memory_space<semaphore_mem>>) {add = true}
      %mul3A_463 = arith.constant 5 : i32
      %mul3A_464 = arith.muli %scan3A_421, %mul3A_463 : i32
      %add3A_465 = arith.constant 1 : i32
      %add3A_466 = arith.addi %mul3A_464, %add3A_465 : i32
      %dma_start3A_467 = arith.constant 80 : i32
      %dma_start3A_468 = arith.constant 0 : i32
      %dma_start3A_469 = tpu.memref_slice %arg6[%and3A_423, %dma_start3A_467, %dma_start3A_468] : memref<2x400x64xf32, #tpu.memory_space<vmem>> -> memref<1x80x64xf32, #tpu.memory_space<vmem>>
      %dma_start3A_470 = tpu.memref_squeeze %dma_start3A_469 : memref<1x80x64xf32, #tpu.memory_space<vmem>> -> memref<80x64xf32, #tpu.memory_space<vmem>>
      %dma_start3A_471 = arith.constant 0 : i32
      %dma_start3A_472 = tpu.memref_slice %arg7[%add3A_466, %dma_start3A_471] : memref<125x80xi32, #tpu.memory_space<vmem>> -> memref<1x80xi32, #tpu.memory_space<vmem>>
      %dma_start3A_473 = tpu.memref_squeeze %dma_start3A_472 : memref<1x80xi32, #tpu.memory_space<vmem>> -> memref<80xi32, #tpu.memory_space<vmem>>
      %dma_start3A_474 = arith.constant 0 : i32
      %dma_start3A_475 = arith.constant 0 : i32
      %dma_start3A_476 = tpu.memref_slice %arg11[%dma_start3A_474, %dma_start3A_475] : memref<10240x64xf32, #tpu.memory_space<vmem_shared>> -> memref<10240x64xf32, #tpu.memory_space<vmem_shared>>
      tpu.enqueue_indirect_dma source(%dma_start3A_470 : memref<80x64xf32, #tpu.memory_space<vmem>>) target(%dma_start3A_476 : memref<10240x64xf32, #tpu.memory_space<vmem_shared>>) offsets(%dma_start3A_473 : memref<80xi32, #tpu.memory_space<vmem>>) semaphore(%arg14 : memref<!tpu.dma_semaphore, #tpu.memory_space<semaphore_mem>>) {add = true}
      %dma_start3A_477 = arith.constant 0 : i32
      %dma_start3A_478 = tpu.memref_slice %arg7[%add3A_466, %dma_start3A_477] : memref<125x80xi32, #tpu.memory_space<vmem>> -> memref<1x80xi32, #tpu.memory_space<vmem>>
      %dma_start3A_479 = tpu.memref_squeeze %dma_start3A_478 : memref<1x80xi32, #tpu.memory_space<vmem>> -> memref<80xi32, #tpu.memory_space<vmem>>
      %dma_start3A_480 = arith.constant 0 : i32
      %dma_start3A_481 = arith.constant 0 : i32
      %dma_start3A_482 = tpu.memref_slice %arg12[%dma_start3A_480, %dma_start3A_481] : memref<10240x16xf32, #tpu.memory_space<vmem_shared>> -> memref<10240x16xf32, #tpu.memory_space<vmem_shared>>
      tpu.enqueue_indirect_dma source(%arg9 : memref<80x16xf32, #tpu.memory_space<vmem>>) target(%dma_start3A_482 : memref<10240x16xf32, #tpu.memory_space<vmem_shared>>) offsets(%dma_start3A_479 : memref<80xi32, #tpu.memory_space<vmem>>) semaphore(%arg15 : memref<!tpu.dma_semaphore, #tpu.memory_space<semaphore_mem>>) {add = true}
      %mul3A_483 = arith.constant 5 : i32
      %mul3A_484 = arith.muli %scan3A_421, %mul3A_483 : i32
      %add3A_485 = arith.constant 2 : i32
      %add3A_486 = arith.addi %mul3A_484, %add3A_485 : i32
      %dma_start3A_487 = arith.constant 160 : i32
      %dma_start3A_488 = arith.constant 0 : i32
      %dma_start3A_489 = tpu.memref_slice %arg6[%and3A_423, %dma_start3A_487, %dma_start3A_488] : memref<2x400x64xf32, #tpu.memory_space<vmem>> -> memref<1x80x64xf32, #tpu.memory_space<vmem>>
      %dma_start3A_490 = tpu.memref_squeeze %dma_start3A_489 : memref<1x80x64xf32, #tpu.memory_space<vmem>> -> memref<80x64xf32, #tpu.memory_space<vmem>>
      %dma_start3A_491 = arith.constant 0 : i32
      %dma_start3A_492 = tpu.memref_slice %arg7[%add3A_486, %dma_start3A_491] : memref<125x80xi32, #tpu.memory_space<vmem>> -> memref<1x80xi32, #tpu.memory_space<vmem>>
      %dma_start3A_493 = tpu.memref_squeeze %dma_start3A_492 : memref<1x80xi32, #tpu.memory_space<vmem>> -> memref<80xi32, #tpu.memory_space<vmem>>
      %dma_start3A_494 = arith.constant 0 : i32
      %dma_start3A_495 = arith.constant 0 : i32
      %dma_start3A_496 = tpu.memref_slice %arg11[%dma_start3A_494, %dma_start3A_495] : memref<10240x64xf32, #tpu.memory_space<vmem_shared>> -> memref<10240x64xf32, #tpu.memory_space<vmem_shared>>
      tpu.enqueue_indirect_dma source(%dma_start3A_490 : memref<80x64xf32, #tpu.memory_space<vmem>>) target(%dma_start3A_496 : memref<10240x64xf32, #tpu.memory_space<vmem_shared>>) offsets(%dma_start3A_493 : memref<80xi32, #tpu.memory_space<vmem>>) semaphore(%arg14 : memref<!tpu.dma_semaphore, #tpu.memory_space<semaphore_mem>>) {add = true}
      %dma_start3A_497 = arith.constant 0 : i32
      %dma_start3A_498 = tpu.memref_slice %arg7[%add3A_486, %dma_start3A_497] : memref<125x80xi32, #tpu.memory_space<vmem>> -> memref<1x80xi32, #tpu.memory_space<vmem>>
      %dma_start3A_499 = tpu.memref_squeeze %dma_start3A_498 : memref<1x80xi32, #tpu.memory_space<vmem>> -> memref<80xi32, #tpu.memory_space<vmem>>
      %dma_start3A_500 = arith.constant 0 : i32
      %dma_start3A_501 = arith.constant 0 : i32
      %dma_start3A_502 = tpu.memref_slice %arg12[%dma_start3A_500, %dma_start3A_501] : memref<10240x16xf32, #tpu.memory_space<vmem_shared>> -> memref<10240x16xf32, #tpu.memory_space<vmem_shared>>
      tpu.enqueue_indirect_dma source(%arg9 : memref<80x16xf32, #tpu.memory_space<vmem>>) target(%dma_start3A_502 : memref<10240x16xf32, #tpu.memory_space<vmem_shared>>) offsets(%dma_start3A_499 : memref<80xi32, #tpu.memory_space<vmem>>) semaphore(%arg15 : memref<!tpu.dma_semaphore, #tpu.memory_space<semaphore_mem>>) {add = true}
      %mul3A_503 = arith.constant 5 : i32
      %mul3A_504 = arith.muli %scan3A_421, %mul3A_503 : i32
      %add3A_505 = arith.constant 3 : i32
      %add3A_506 = arith.addi %mul3A_504, %add3A_505 : i32
      %dma_start3A_507 = arith.constant 240 : i32
      %dma_start3A_508 = arith.constant 0 : i32
      %dma_start3A_509 = tpu.memref_slice %arg6[%and3A_423, %dma_start3A_507, %dma_start3A_508] : memref<2x400x64xf32, #tpu.memory_space<vmem>> -> memref<1x80x64xf32, #tpu.memory_space<vmem>>
      %dma_start3A_510 = tpu.memref_squeeze %dma_start3A_509 : memref<1x80x64xf32, #tpu.memory_space<vmem>> -> memref<80x64xf32, #tpu.memory_space<vmem>>
      %dma_start3A_511 = arith.constant 0 : i32
      %dma_start3A_512 = tpu.memref_slice %arg7[%add3A_506, %dma_start3A_511] : memref<125x80xi32, #tpu.memory_space<vmem>> -> memref<1x80xi32, #tpu.memory_space<vmem>>
      %dma_start3A_513 = tpu.memref_squeeze %dma_start3A_512 : memref<1x80xi32, #tpu.memory_space<vmem>> -> memref<80xi32, #tpu.memory_space<vmem>>
      %dma_start3A_514 = arith.constant 0 : i32
      %dma_start3A_515 = arith.constant 0 : i32
      %dma_start3A_516 = tpu.memref_slice %arg11[%dma_start3A_514, %dma_start3A_515] : memref<10240x64xf32, #tpu.memory_space<vmem_shared>> -> memref<10240x64xf32, #tpu.memory_space<vmem_shared>>
      tpu.enqueue_indirect_dma source(%dma_start3A_510 : memref<80x64xf32, #tpu.memory_space<vmem>>) target(%dma_start3A_516 : memref<10240x64xf32, #tpu.memory_space<vmem_shared>>) offsets(%dma_start3A_513 : memref<80xi32, #tpu.memory_space<vmem>>) semaphore(%arg14 : memref<!tpu.dma_semaphore, #tpu.memory_space<semaphore_mem>>) {add = true}
      %dma_start3A_517 = arith.constant 0 : i32
      %dma_start3A_518 = tpu.memref_slice %arg7[%add3A_506, %dma_start3A_517] : memref<125x80xi32, #tpu.memory_space<vmem>> -> memref<1x80xi32, #tpu.memory_space<vmem>>
      %dma_start3A_519 = tpu.memref_squeeze %dma_start3A_518 : memref<1x80xi32, #tpu.memory_space<vmem>> -> memref<80xi32, #tpu.memory_space<vmem>>
      %dma_start3A_520 = arith.constant 0 : i32
      %dma_start3A_521 = arith.constant 0 : i32
      %dma_start3A_522 = tpu.memref_slice %arg12[%dma_start3A_520, %dma_start3A_521] : memref<10240x16xf32, #tpu.memory_space<vmem_shared>> -> memref<10240x16xf32, #tpu.memory_space<vmem_shared>>
      tpu.enqueue_indirect_dma source(%arg9 : memref<80x16xf32, #tpu.memory_space<vmem>>) target(%dma_start3A_522 : memref<10240x16xf32, #tpu.memory_space<vmem_shared>>) offsets(%dma_start3A_519 : memref<80xi32, #tpu.memory_space<vmem>>) semaphore(%arg15 : memref<!tpu.dma_semaphore, #tpu.memory_space<semaphore_mem>>) {add = true}
      %mul3A_523 = arith.constant 5 : i32
      %mul3A_524 = arith.muli %scan3A_421, %mul3A_523 : i32
      %add3A_525 = arith.constant 4 : i32
      %add3A_526 = arith.addi %mul3A_524, %add3A_525 : i32
      %dma_start3A_527 = arith.constant 320 : i32
      %dma_start3A_528 = arith.constant 0 : i32
      %dma_start3A_529 = tpu.memref_slice %arg6[%and3A_423, %dma_start3A_527, %dma_start3A_528] : memref<2x400x64xf32, #tpu.memory_space<vmem>> -> memref<1x80x64xf32, #tpu.memory_space<vmem>>
      %dma_start3A_530 = tpu.memref_squeeze %dma_start3A_529 : memref<1x80x64xf32, #tpu.memory_space<vmem>> -> memref<80x64xf32, #tpu.memory_space<vmem>>
      %dma_start3A_531 = arith.constant 0 : i32
      %dma_start3A_532 = tpu.memref_slice %arg7[%add3A_526, %dma_start3A_531] : memref<125x80xi32, #tpu.memory_space<vmem>> -> memref<1x80xi32, #tpu.memory_space<vmem>>
      %dma_start3A_533 = tpu.memref_squeeze %dma_start3A_532 : memref<1x80xi32, #tpu.memory_space<vmem>> -> memref<80xi32, #tpu.memory_space<vmem>>
      %dma_start3A_534 = arith.constant 0 : i32
      %dma_start3A_535 = arith.constant 0 : i32
      %dma_start3A_536 = tpu.memref_slice %arg11[%dma_start3A_534, %dma_start3A_535] : memref<10240x64xf32, #tpu.memory_space<vmem_shared>> -> memref<10240x64xf32, #tpu.memory_space<vmem_shared>>
      tpu.enqueue_indirect_dma source(%dma_start3A_530 : memref<80x64xf32, #tpu.memory_space<vmem>>) target(%dma_start3A_536 : memref<10240x64xf32, #tpu.memory_space<vmem_shared>>) offsets(%dma_start3A_533 : memref<80xi32, #tpu.memory_space<vmem>>) semaphore(%arg14 : memref<!tpu.dma_semaphore, #tpu.memory_space<semaphore_mem>>) {add = true}
      %dma_start3A_537 = arith.constant 0 : i32
      %dma_start3A_538 = tpu.memref_slice %arg7[%add3A_526, %dma_start3A_537] : memref<125x80xi32, #tpu.memory_space<vmem>> -> memref<1x80xi32, #tpu.memory_space<vmem>>
      %dma_start3A_539 = tpu.memref_squeeze %dma_start3A_538 : memref<1x80xi32, #tpu.memory_space<vmem>> -> memref<80xi32, #tpu.memory_space<vmem>>
      %dma_start3A_540 = arith.constant 0 : i32
      %dma_start3A_541 = arith.constant 0 : i32
      %dma_start3A_542 = tpu.memref_slice %arg12[%dma_start3A_540, %dma_start3A_541] : memref<10240x16xf32, #tpu.memory_space<vmem_shared>> -> memref<10240x16xf32, #tpu.memory_space<vmem_shared>>
      tpu.enqueue_indirect_dma source(%arg9 : memref<80x16xf32, #tpu.memory_space<vmem>>) target(%dma_start3A_542 : memref<10240x16xf32, #tpu.memory_space<vmem_shared>>) offsets(%dma_start3A_539 : memref<80xi32, #tpu.memory_space<vmem>>) semaphore(%arg15 : memref<!tpu.dma_semaphore, #tpu.memory_space<semaphore_mem>>) {add = true}
      %dma_wait3A_543 = arith.constant 0 : i32
      %dma_wait3A_544 = arith.constant 0 : i32
      %dma_wait3A_545 = arith.constant 0 : i32
      %dma_wait3A_546 = tpu.memref_slice %arg6[%and3A_423, %dma_wait3A_544, %dma_wait3A_545] : memref<2x400x64xf32, #tpu.memory_space<vmem>> -> memref<1x80x64xf32, #tpu.memory_space<vmem>>
      %dma_wait3A_547 = tpu.memref_squeeze %dma_wait3A_546 : memref<1x80x64xf32, #tpu.memory_space<vmem>> -> memref<80x64xf32, #tpu.memory_space<vmem>>
      %dma_wait3A_548 = arith.constant 0 : i32
      %dma_wait3A_549 = tpu.memref_slice %arg7[%dma_wait3A_543, %dma_wait3A_548] : memref<125x80xi32, #tpu.memory_space<vmem>> -> memref<1x80xi32, #tpu.memory_space<vmem>>
      %dma_wait3A_550 = tpu.memref_squeeze %dma_wait3A_549 : memref<1x80xi32, #tpu.memory_space<vmem>> -> memref<80xi32, #tpu.memory_space<vmem>>
      %dma_wait3A_551 = arith.constant 0 : i32
      %dma_wait3A_552 = arith.constant 0 : i32
      %dma_wait3A_553 = tpu.memref_slice %arg11[%dma_wait3A_551, %dma_wait3A_552] : memref<10240x64xf32, #tpu.memory_space<vmem_shared>> -> memref<10240x64xf32, #tpu.memory_space<vmem_shared>>
      tpu.wait_indirect_dma semaphore(%arg14 : memref<!tpu.dma_semaphore, #tpu.memory_space<semaphore_mem>>) src(%dma_wait3A_547 : memref<80x64xf32, #tpu.memory_space<vmem>>) dst(%dma_wait3A_553 : memref<10240x64xf32, #tpu.memory_space<vmem_shared>>)
      %dma_wait3A_554 = arith.constant 0 : i32
      %dma_wait3A_555 = arith.constant 0 : i32
      %dma_wait3A_556 = tpu.memref_slice %arg7[%dma_wait3A_554, %dma_wait3A_555] : memref<125x80xi32, #tpu.memory_space<vmem>> -> memref<1x80xi32, #tpu.memory_space<vmem>>
      %dma_wait3A_557 = tpu.memref_squeeze %dma_wait3A_556 : memref<1x80xi32, #tpu.memory_space<vmem>> -> memref<80xi32, #tpu.memory_space<vmem>>
      %dma_wait3A_558 = arith.constant 0 : i32
      %dma_wait3A_559 = arith.constant 0 : i32
      %dma_wait3A_560 = tpu.memref_slice %arg12[%dma_wait3A_558, %dma_wait3A_559] : memref<10240x16xf32, #tpu.memory_space<vmem_shared>> -> memref<10240x16xf32, #tpu.memory_space<vmem_shared>>
      tpu.wait_indirect_dma semaphore(%arg15 : memref<!tpu.dma_semaphore, #tpu.memory_space<semaphore_mem>>) src(%arg9 : memref<80x16xf32, #tpu.memory_space<vmem>>) dst(%dma_wait3A_560 : memref<10240x16xf32, #tpu.memory_space<vmem_shared>>)
      %dma_wait3A_561 = arith.constant 0 : i32
      %dma_wait3A_562 = arith.constant 80 : i32
      %dma_wait3A_563 = arith.constant 0 : i32
      %dma_wait3A_564 = tpu.memref_slice %arg6[%and3A_423, %dma_wait3A_562, %dma_wait3A_563] : memref<2x400x64xf32, #tpu.memory_space<vmem>> -> memref<1x80x64xf32, #tpu.memory_space<vmem>>
      %dma_wait3A_565 = tpu.memref_squeeze %dma_wait3A_564 : memref<1x80x64xf32, #tpu.memory_space<vmem>> -> memref<80x64xf32, #tpu.memory_space<vmem>>
      %dma_wait3A_566 = arith.constant 0 : i32
      %dma_wait3A_567 = tpu.memref_slice %arg7[%dma_wait3A_561, %dma_wait3A_566] : memref<125x80xi32, #tpu.memory_space<vmem>> -> memref<1x80xi32, #tpu.memory_space<vmem>>
      %dma_wait3A_568 = tpu.memref_squeeze %dma_wait3A_567 : memref<1x80xi32, #tpu.memory_space<vmem>> -> memref<80xi32, #tpu.memory_space<vmem>>
      %dma_wait3A_569 = arith.constant 0 : i32
      %dma_wait3A_570 = arith.constant 0 : i32
      %dma_wait3A_571 = tpu.memref_slice %arg11[%dma_wait3A_569, %dma_wait3A_570] : memref<10240x64xf32, #tpu.memory_space<vmem_shared>> -> memref<10240x64xf32, #tpu.memory_space<vmem_shared>>
      tpu.wait_indirect_dma semaphore(%arg14 : memref<!tpu.dma_semaphore, #tpu.memory_space<semaphore_mem>>) src(%dma_wait3A_565 : memref<80x64xf32, #tpu.memory_space<vmem>>) dst(%dma_wait3A_571 : memref<10240x64xf32, #tpu.memory_space<vmem_shared>>)
      %dma_wait3A_572 = arith.constant 0 : i32
      %dma_wait3A_573 = arith.constant 0 : i32
      %dma_wait3A_574 = tpu.memref_slice %arg7[%dma_wait3A_572, %dma_wait3A_573] : memref<125x80xi32, #tpu.memory_space<vmem>> -> memref<1x80xi32, #tpu.memory_space<vmem>>
      %dma_wait3A_575 = tpu.memref_squeeze %dma_wait3A_574 : memref<1x80xi32, #tpu.memory_space<vmem>> -> memref<80xi32, #tpu.memory_space<vmem>>
      %dma_wait3A_576 = arith.constant 0 : i32
      %dma_wait3A_577 = arith.constant 0 : i32
      %dma_wait3A_578 = tpu.memref_slice %arg12[%dma_wait3A_576, %dma_wait3A_577] : memref<10240x16xf32, #tpu.memory_space<vmem_shared>> -> memref<10240x16xf32, #tpu.memory_space<vmem_shared>>
      tpu.wait_indirect_dma semaphore(%arg15 : memref<!tpu.dma_semaphore, #tpu.memory_space<semaphore_mem>>) src(%arg9 : memref<80x16xf32, #tpu.memory_space<vmem>>) dst(%dma_wait3A_578 : memref<10240x16xf32, #tpu.memory_space<vmem_shared>>)
      %dma_wait3A_579 = arith.constant 0 : i32
      %dma_wait3A_580 = arith.constant 160 : i32
      %dma_wait3A_581 = arith.constant 0 : i32
      %dma_wait3A_582 = tpu.memref_slice %arg6[%and3A_423, %dma_wait3A_580, %dma_wait3A_581] : memref<2x400x64xf32, #tpu.memory_space<vmem>> -> memref<1x80x64xf32, #tpu.memory_space<vmem>>
      %dma_wait3A_583 = tpu.memref_squeeze %dma_wait3A_582 : memref<1x80x64xf32, #tpu.memory_space<vmem>> -> memref<80x64xf32, #tpu.memory_space<vmem>>
      %dma_wait3A_584 = arith.constant 0 : i32
      %dma_wait3A_585 = tpu.memref_slice %arg7[%dma_wait3A_579, %dma_wait3A_584] : memref<125x80xi32, #tpu.memory_space<vmem>> -> memref<1x80xi32, #tpu.memory_space<vmem>>
      %dma_wait3A_586 = tpu.memref_squeeze %dma_wait3A_585 : memref<1x80xi32, #tpu.memory_space<vmem>> -> memref<80xi32, #tpu.memory_space<vmem>>
      %dma_wait3A_587 = arith.constant 0 : i32
      %dma_wait3A_588 = arith.constant 0 : i32
      %dma_wait3A_589 = tpu.memref_slice %arg11[%dma_wait3A_587, %dma_wait3A_588] : memref<10240x64xf32, #tpu.memory_space<vmem_shared>> -> memref<10240x64xf32, #tpu.memory_space<vmem_shared>>
      tpu.wait_indirect_dma semaphore(%arg14 : memref<!tpu.dma_semaphore, #tpu.memory_space<semaphore_mem>>) src(%dma_wait3A_583 : memref<80x64xf32, #tpu.memory_space<vmem>>) dst(%dma_wait3A_589 : memref<10240x64xf32, #tpu.memory_space<vmem_shared>>)
      %dma_wait3A_590 = arith.constant 0 : i32
      %dma_wait3A_591 = arith.constant 0 : i32
      %dma_wait3A_592 = tpu.memref_slice %arg7[%dma_wait3A_590, %dma_wait3A_591] : memref<125x80xi32, #tpu.memory_space<vmem>> -> memref<1x80xi32, #tpu.memory_space<vmem>>
      %dma_wait3A_593 = tpu.memref_squeeze %dma_wait3A_592 : memref<1x80xi32, #tpu.memory_space<vmem>> -> memref<80xi32, #tpu.memory_space<vmem>>
      %dma_wait3A_594 = arith.constant 0 : i32
      %dma_wait3A_595 = arith.constant 0 : i32
      %dma_wait3A_596 = tpu.memref_slice %arg12[%dma_wait3A_594, %dma_wait3A_595] : memref<10240x16xf32, #tpu.memory_space<vmem_shared>> -> memref<10240x16xf32, #tpu.memory_space<vmem_shared>>
      tpu.wait_indirect_dma semaphore(%arg15 : memref<!tpu.dma_semaphore, #tpu.memory_space<semaphore_mem>>) src(%arg9 : memref<80x16xf32, #tpu.memory_space<vmem>>) dst(%dma_wait3A_596 : memref<10240x16xf32, #tpu.memory_space<vmem_shared>>)
      %dma_wait3A_597 = arith.constant 0 : i32
      %dma_wait3A_598 = arith.constant 240 : i32
      %dma_wait3A_599 = arith.constant 0 : i32
      %dma_wait3A_600 = tpu.memref_slice %arg6[%and3A_423, %dma_wait3A_598, %dma_wait3A_599] : memref<2x400x64xf32, #tpu.memory_space<vmem>> -> memref<1x80x64xf32, #tpu.memory_space<vmem>>
      %dma_wait3A_601 = tpu.memref_squeeze %dma_wait3A_600 : memref<1x80x64xf32, #tpu.memory_space<vmem>> -> memref<80x64xf32, #tpu.memory_space<vmem>>
      %dma_wait3A_602 = arith.constant 0 : i32
      %dma_wait3A_603 = tpu.memref_slice %arg7[%dma_wait3A_597, %dma_wait3A_602] : memref<125x80xi32, #tpu.memory_space<vmem>> -> memref<1x80xi32, #tpu.memory_space<vmem>>
      %dma_wait3A_604 = tpu.memref_squeeze %dma_wait3A_603 : memref<1x80xi32, #tpu.memory_space<vmem>> -> memref<80xi32, #tpu.memory_space<vmem>>
      %dma_wait3A_605 = arith.constant 0 : i32
      %dma_wait3A_606 = arith.constant 0 : i32
      %dma_wait3A_607 = tpu.memref_slice %arg11[%dma_wait3A_605, %dma_wait3A_606] : memref<10240x64xf32, #tpu.memory_space<vmem_shared>> -> memref<10240x64xf32, #tpu.memory_space<vmem_shared>>
      tpu.wait_indirect_dma semaphore(%arg14 : memref<!tpu.dma_semaphore, #tpu.memory_space<semaphore_mem>>) src(%dma_wait3A_601 : memref<80x64xf32, #tpu.memory_space<vmem>>) dst(%dma_wait3A_607 : memref<10240x64xf32, #tpu.memory_space<vmem_shared>>)
      %dma_wait3A_608 = arith.constant 0 : i32
      %dma_wait3A_609 = arith.constant 0 : i32
      %dma_wait3A_610 = tpu.memref_slice %arg7[%dma_wait3A_608, %dma_wait3A_609] : memref<125x80xi32, #tpu.memory_space<vmem>> -> memref<1x80xi32, #tpu.memory_space<vmem>>
      %dma_wait3A_611 = tpu.memref_squeeze %dma_wait3A_610 : memref<1x80xi32, #tpu.memory_space<vmem>> -> memref<80xi32, #tpu.memory_space<vmem>>
      %dma_wait3A_612 = arith.constant 0 : i32
      %dma_wait3A_613 = arith.constant 0 : i32
      %dma_wait3A_614 = tpu.memref_slice %arg12[%dma_wait3A_612, %dma_wait3A_613] : memref<10240x16xf32, #tpu.memory_space<vmem_shared>> -> memref<10240x16xf32, #tpu.memory_space<vmem_shared>>
      tpu.wait_indirect_dma semaphore(%arg15 : memref<!tpu.dma_semaphore, #tpu.memory_space<semaphore_mem>>) src(%arg9 : memref<80x16xf32, #tpu.memory_space<vmem>>) dst(%dma_wait3A_614 : memref<10240x16xf32, #tpu.memory_space<vmem_shared>>)
      %dma_wait3A_615 = arith.constant 0 : i32
      %dma_wait3A_616 = arith.constant 320 : i32
      %dma_wait3A_617 = arith.constant 0 : i32
      %dma_wait3A_618 = tpu.memref_slice %arg6[%and3A_423, %dma_wait3A_616, %dma_wait3A_617] : memref<2x400x64xf32, #tpu.memory_space<vmem>> -> memref<1x80x64xf32, #tpu.memory_space<vmem>>
      %dma_wait3A_619 = tpu.memref_squeeze %dma_wait3A_618 : memref<1x80x64xf32, #tpu.memory_space<vmem>> -> memref<80x64xf32, #tpu.memory_space<vmem>>
      %dma_wait3A_620 = arith.constant 0 : i32
      %dma_wait3A_621 = tpu.memref_slice %arg7[%dma_wait3A_615, %dma_wait3A_620] : memref<125x80xi32, #tpu.memory_space<vmem>> -> memref<1x80xi32, #tpu.memory_space<vmem>>
      %dma_wait3A_622 = tpu.memref_squeeze %dma_wait3A_621 : memref<1x80xi32, #tpu.memory_space<vmem>> -> memref<80xi32, #tpu.memory_space<vmem>>
      %dma_wait3A_623 = arith.constant 0 : i32
      %dma_wait3A_624 = arith.constant 0 : i32
      %dma_wait3A_625 = tpu.memref_slice %arg11[%dma_wait3A_623, %dma_wait3A_624] : memref<10240x64xf32, #tpu.memory_space<vmem_shared>> -> memref<10240x64xf32, #tpu.memory_space<vmem_shared>>
      tpu.wait_indirect_dma semaphore(%arg14 : memref<!tpu.dma_semaphore, #tpu.memory_space<semaphore_mem>>) src(%dma_wait3A_619 : memref<80x64xf32, #tpu.memory_space<vmem>>) dst(%dma_wait3A_625 : memref<10240x64xf32, #tpu.memory_space<vmem_shared>>)
      %dma_wait3A_626 = arith.constant 0 : i32
      %dma_wait3A_627 = arith.constant 0 : i32
      %dma_wait3A_628 = tpu.memref_slice %arg7[%dma_wait3A_626, %dma_wait3A_627] : memref<125x80xi32, #tpu.memory_space<vmem>> -> memref<1x80xi32, #tpu.memory_space<vmem>>
      %dma_wait3A_629 = tpu.memref_squeeze %dma_wait3A_628 : memref<1x80xi32, #tpu.memory_space<vmem>> -> memref<80xi32, #tpu.memory_space<vmem>>
      %dma_wait3A_630 = arith.constant 0 : i32
      %dma_wait3A_631 = arith.constant 0 : i32
      %dma_wait3A_632 = tpu.memref_slice %arg12[%dma_wait3A_630, %dma_wait3A_631] : memref<10240x16xf32, #tpu.memory_space<vmem_shared>> -> memref<10240x16xf32, #tpu.memory_space<vmem_shared>>
      tpu.wait_indirect_dma semaphore(%arg15 : memref<!tpu.dma_semaphore, #tpu.memory_space<semaphore_mem>>) src(%arg9 : memref<80x16xf32, #tpu.memory_space<vmem>>) dst(%dma_wait3A_632 : memref<10240x16xf32, #tpu.memory_space<vmem_shared>>)
      %scan3A_633 = arith.constant 0 : i32
      scf.yield %scan3A_633 : i32
    }
    %scan3A_306 = arith.constant 25 : i32
    %barrier3A_307 = arith.constant 0 : index
    tpu.barrier barrier_id(%barrier3A_307)
    %mul3A_308 = arith.constant 640 : i32
    %mul3A_309 = arith.muli %arg1, %mul3A_308 : i32
    %add3A_310 = arith.constant 0 : i32
    %add3A_311 = arith.addi %mul3A_309, %add3A_310 : i32
    %run_scoped3A = arith.constant 0 : i32
    "tpu.region"() ({
      %run_scoped3A_421 = tpu.sem_alloc : memref<!tpu.dma_semaphore, #tpu.memory_space<semaphore_mem>>
      %dma_start3A_422 = arith.constant 0 : i32
      %dma_start3A_423 = arith.constant 0 : i32
      %dma_start3A_424 = tpu.memref_slice %arg6[%run_scoped3A, %dma_start3A_422, %dma_start3A_423] : memref<2x400x64xf32, #tpu.memory_space<vmem>> -> memref<1x320x64xf32, #tpu.memory_space<vmem>>
      %dma_start3A_425 = tpu.memref_squeeze %dma_start3A_424 : memref<1x320x64xf32, #tpu.memory_space<vmem>> -> memref<320x64xf32, #tpu.memory_space<vmem>>
      %dma_start3A_426 = arith.constant 0 : i32
      %dma_start3A_427 = tpu.memref_slice %arg11[%add3A_311, %dma_start3A_426] : memref<10240x64xf32, #tpu.memory_space<vmem_shared>> -> memref<320x64xf32, #tpu.memory_space<vmem_shared>>
      %dma_start3A_428 = arith.constant 0 : i32
      %dma_start3A_429 = arith.constant 0 : i32
      %dma_start3A_430 = tpu.memref_slice %arg6[%run_scoped3A, %dma_start3A_428, %dma_start3A_429] : memref<2x400x64xf32, #tpu.memory_space<vmem>> -> memref<1x320x64xf32, #tpu.memory_space<vmem>>
      %dma_start3A_431 = tpu.memref_squeeze %dma_start3A_430 : memref<1x320x64xf32, #tpu.memory_space<vmem>> -> memref<320x64xf32, #tpu.memory_space<vmem>>
      %dma_start3A_432 = arith.constant 0 : i32
      %dma_start3A_433 = tpu.memref_slice %arg11[%add3A_311, %dma_start3A_432] : memref<10240x64xf32, #tpu.memory_space<vmem_shared>> -> memref<320x64xf32, #tpu.memory_space<vmem_shared>>
      tpu.enqueue_dma source(%dma_start3A_433 : memref<320x64xf32, #tpu.memory_space<vmem_shared>>) target(%dma_start3A_431 : memref<320x64xf32, #tpu.memory_space<vmem>>) target_semaphore(%run_scoped3A_421 : memref<!tpu.dma_semaphore, #tpu.memory_space<semaphore_mem>>)
      %dma_wait3A_434 = arith.constant 0 : i32
      %dma_wait3A_435 = arith.constant 0 : i32
      %dma_wait3A_436 = tpu.memref_slice %arg6[%run_scoped3A, %dma_wait3A_434, %dma_wait3A_435] : memref<2x400x64xf32, #tpu.memory_space<vmem>> -> memref<1x320x64xf32, #tpu.memory_space<vmem>>
      %dma_wait3A_437 = tpu.memref_squeeze %dma_wait3A_436 : memref<1x320x64xf32, #tpu.memory_space<vmem>> -> memref<320x64xf32, #tpu.memory_space<vmem>>
      %dma_wait3A_438 = arith.constant 0 : i32
      %dma_wait3A_439 = tpu.memref_slice %arg11[%add3A_311, %dma_wait3A_438] : memref<10240x64xf32, #tpu.memory_space<vmem_shared>> -> memref<320x64xf32, #tpu.memory_space<vmem_shared>>
      %dma_wait3A_440 = arith.constant 0 : i32
      %dma_wait3A_441 = arith.constant 0 : i32
      %dma_wait3A_442 = tpu.memref_slice %arg6[%run_scoped3A, %dma_wait3A_440, %dma_wait3A_441] : memref<2x400x64xf32, #tpu.memory_space<vmem>> -> memref<1x320x64xf32, #tpu.memory_space<vmem>>
      %dma_wait3A_443 = tpu.memref_squeeze %dma_wait3A_442 : memref<1x320x64xf32, #tpu.memory_space<vmem>> -> memref<320x64xf32, #tpu.memory_space<vmem>>
      %dma_wait3A_444 = arith.constant 0 : i32
      %dma_wait3A_445 = tpu.memref_slice %arg11[%add3A_311, %dma_wait3A_444] : memref<10240x64xf32, #tpu.memory_space<vmem_shared>> -> memref<320x64xf32, #tpu.memory_space<vmem_shared>>
      tpu.wait_dma2 semaphore(%run_scoped3A_421 : memref<!tpu.dma_semaphore, #tpu.memory_space<semaphore_mem>>) src(%dma_wait3A_445 : memref<320x64xf32, #tpu.memory_space<vmem_shared>>) dst(%dma_wait3A_443 : memref<320x64xf32, #tpu.memory_space<vmem>>)
      tpu.yield
    }) : () -> ()
    %mul3A_312 = arith.constant 10240 : i32
    %mul3A_313 = arith.muli %arg0, %mul3A_312 : i32
    %mul3A_314 = arith.constant 640 : i32
    %mul3A_315 = arith.muli %arg1, %mul3A_314 : i32
    %add3A_316 = arith.addi %mul3A_313, %mul3A_315 : i32
    %add3A_317 = arith.constant 0 : i32
    %add3A_318 = arith.addi %add3A_316, %add3A_317 : i32
    %run_scoped3A_319 = arith.constant 0 : i32
    "tpu.region"() ({
      %run_scoped3A_421 = tpu.sem_alloc : memref<!tpu.dma_semaphore, #tpu.memory_space<semaphore_mem>>
      %dma_start3A_422 = arith.constant 0 : i32
      %dma_start3A_423 = arith.constant 0 : i32
      %dma_start3A_424 = tpu.memref_slice %arg6[%run_scoped3A_319, %dma_start3A_422, %dma_start3A_423] : memref<2x400x64xf32, #tpu.memory_space<vmem>> -> memref<1x320x64xf32, #tpu.memory_space<vmem>>
      %dma_start3A_425 = tpu.memref_squeeze %dma_start3A_424 : memref<1x320x64xf32, #tpu.memory_space<vmem>> -> memref<320x64xf32, #tpu.memory_space<vmem>>
      %dma_start3A_426 = arith.constant 0 : i32
      %dma_start3A_427 = tpu.memref_slice %arg4[%add3A_318, %dma_start3A_426] : memref<20480x64xf32, #tpu.memory_space<hbm>> -> memref<320x64xf32, #tpu.memory_space<hbm>>
      %dma_start3A_428 = arith.constant 0 : i32
      %dma_start3A_429 = tpu.memref_slice %arg4[%add3A_318, %dma_start3A_428] : memref<20480x64xf32, #tpu.memory_space<hbm>> -> memref<320x64xf32, #tpu.memory_space<hbm>>
      %dma_start3A_430 = arith.constant 0 : i32
      %dma_start3A_431 = arith.constant 0 : i32
      %dma_start3A_432 = tpu.memref_slice %arg6[%run_scoped3A_319, %dma_start3A_430, %dma_start3A_431] : memref<2x400x64xf32, #tpu.memory_space<vmem>> -> memref<1x320x64xf32, #tpu.memory_space<vmem>>
      %dma_start3A_433 = tpu.memref_squeeze %dma_start3A_432 : memref<1x320x64xf32, #tpu.memory_space<vmem>> -> memref<320x64xf32, #tpu.memory_space<vmem>>
      tpu.enqueue_dma source(%dma_start3A_433 : memref<320x64xf32, #tpu.memory_space<vmem>>) target(%dma_start3A_429 : memref<320x64xf32, #tpu.memory_space<hbm>>) target_semaphore(%run_scoped3A_421 : memref<!tpu.dma_semaphore, #tpu.memory_space<semaphore_mem>>)
      %dma_wait3A_434 = arith.constant 0 : i32
      %dma_wait3A_435 = arith.constant 0 : i32
      %dma_wait3A_436 = tpu.memref_slice %arg6[%run_scoped3A_319, %dma_wait3A_434, %dma_wait3A_435] : memref<2x400x64xf32, #tpu.memory_space<vmem>> -> memref<1x320x64xf32, #tpu.memory_space<vmem>>
      %dma_wait3A_437 = tpu.memref_squeeze %dma_wait3A_436 : memref<1x320x64xf32, #tpu.memory_space<vmem>> -> memref<320x64xf32, #tpu.memory_space<vmem>>
      %dma_wait3A_438 = arith.constant 0 : i32
      %dma_wait3A_439 = tpu.memref_slice %arg4[%add3A_318, %dma_wait3A_438] : memref<20480x64xf32, #tpu.memory_space<hbm>> -> memref<320x64xf32, #tpu.memory_space<hbm>>
      %dma_wait3A_440 = arith.constant 0 : i32
      %dma_wait3A_441 = tpu.memref_slice %arg4[%add3A_318, %dma_wait3A_440] : memref<20480x64xf32, #tpu.memory_space<hbm>> -> memref<320x64xf32, #tpu.memory_space<hbm>>
      %dma_wait3A_442 = arith.constant 0 : i32
      %dma_wait3A_443 = arith.constant 0 : i32
      %dma_wait3A_444 = tpu.memref_slice %arg6[%run_scoped3A_319, %dma_wait3A_442, %dma_wait3A_443] : memref<2x400x64xf32, #tpu.memory_space<vmem>> -> memref<1x320x64xf32, #tpu.memory_space<vmem>>
      %dma_wait3A_445 = tpu.memref_squeeze %dma_wait3A_444 : memref<1x320x64xf32, #tpu.memory_space<vmem>> -> memref<320x64xf32, #tpu.memory_space<vmem>>
      tpu.wait_dma2 semaphore(%run_scoped3A_421 : memref<!tpu.dma_semaphore, #tpu.memory_space<semaphore_mem>>) src(%dma_wait3A_445 : memref<320x64xf32, #tpu.memory_space<vmem>>) dst(%dma_wait3A_441 : memref<320x64xf32, #tpu.memory_space<hbm>>)
      tpu.yield
    }) : () -> ()
    %mul3A_320 = arith.constant 640 : i32
    %mul3A_321 = arith.muli %arg1, %mul3A_320 : i32
    %add3A_322 = arith.constant 320 : i32
    %add3A_323 = arith.addi %mul3A_321, %add3A_322 : i32
    %run_scoped3A_324 = arith.constant 0 : i32
    "tpu.region"() ({
      %run_scoped3A_421 = tpu.sem_alloc : memref<!tpu.dma_semaphore, #tpu.memory_space<semaphore_mem>>
      %dma_start3A_422 = arith.constant 0 : i32
      %dma_start3A_423 = arith.constant 0 : i32
      %dma_start3A_424 = tpu.memref_slice %arg6[%run_scoped3A_324, %dma_start3A_422, %dma_start3A_423] : memref<2x400x64xf32, #tpu.memory_space<vmem>> -> memref<1x320x64xf32, #tpu.memory_space<vmem>>
      %dma_start3A_425 = tpu.memref_squeeze %dma_start3A_424 : memref<1x320x64xf32, #tpu.memory_space<vmem>> -> memref<320x64xf32, #tpu.memory_space<vmem>>
      %dma_start3A_426 = arith.constant 0 : i32
      %dma_start3A_427 = tpu.memref_slice %arg11[%add3A_323, %dma_start3A_426] : memref<10240x64xf32, #tpu.memory_space<vmem_shared>> -> memref<320x64xf32, #tpu.memory_space<vmem_shared>>
      %dma_start3A_428 = arith.constant 0 : i32
      %dma_start3A_429 = arith.constant 0 : i32
      %dma_start3A_430 = tpu.memref_slice %arg6[%run_scoped3A_324, %dma_start3A_428, %dma_start3A_429] : memref<2x400x64xf32, #tpu.memory_space<vmem>> -> memref<1x320x64xf32, #tpu.memory_space<vmem>>
      %dma_start3A_431 = tpu.memref_squeeze %dma_start3A_430 : memref<1x320x64xf32, #tpu.memory_space<vmem>> -> memref<320x64xf32, #tpu.memory_space<vmem>>
      %dma_start3A_432 = arith.constant 0 : i32
      %dma_start3A_433 = tpu.memref_slice %arg11[%add3A_323, %dma_start3A_432] : memref<10240x64xf32, #tpu.memory_space<vmem_shared>> -> memref<320x64xf32, #tpu.memory_space<vmem_shared>>
      tpu.enqueue_dma source(%dma_start3A_433 : memref<320x64xf32, #tpu.memory_space<vmem_shared>>) target(%dma_start3A_431 : memref<320x64xf32, #tpu.memory_space<vmem>>) target_semaphore(%run_scoped3A_421 : memref<!tpu.dma_semaphore, #tpu.memory_space<semaphore_mem>>)
      %dma_wait3A_434 = arith.constant 0 : i32
      %dma_wait3A_435 = arith.constant 0 : i32
      %dma_wait3A_436 = tpu.memref_slice %arg6[%run_scoped3A_324, %dma_wait3A_434, %dma_wait3A_435] : memref<2x400x64xf32, #tpu.memory_space<vmem>> -> memref<1x320x64xf32, #tpu.memory_space<vmem>>
      %dma_wait3A_437 = tpu.memref_squeeze %dma_wait3A_436 : memref<1x320x64xf32, #tpu.memory_space<vmem>> -> memref<320x64xf32, #tpu.memory_space<vmem>>
      %dma_wait3A_438 = arith.constant 0 : i32
      %dma_wait3A_439 = tpu.memref_slice %arg11[%add3A_323, %dma_wait3A_438] : memref<10240x64xf32, #tpu.memory_space<vmem_shared>> -> memref<320x64xf32, #tpu.memory_space<vmem_shared>>
      %dma_wait3A_440 = arith.constant 0 : i32
      %dma_wait3A_441 = arith.constant 0 : i32
      %dma_wait3A_442 = tpu.memref_slice %arg6[%run_scoped3A_324, %dma_wait3A_440, %dma_wait3A_441] : memref<2x400x64xf32, #tpu.memory_space<vmem>> -> memref<1x320x64xf32, #tpu.memory_space<vmem>>
      %dma_wait3A_443 = tpu.memref_squeeze %dma_wait3A_442 : memref<1x320x64xf32, #tpu.memory_space<vmem>> -> memref<320x64xf32, #tpu.memory_space<vmem>>
      %dma_wait3A_444 = arith.constant 0 : i32
      %dma_wait3A_445 = tpu.memref_slice %arg11[%add3A_323, %dma_wait3A_444] : memref<10240x64xf32, #tpu.memory_space<vmem_shared>> -> memref<320x64xf32, #tpu.memory_space<vmem_shared>>
      tpu.wait_dma2 semaphore(%run_scoped3A_421 : memref<!tpu.dma_semaphore, #tpu.memory_space<semaphore_mem>>) src(%dma_wait3A_445 : memref<320x64xf32, #tpu.memory_space<vmem_shared>>) dst(%dma_wait3A_443 : memref<320x64xf32, #tpu.memory_space<vmem>>)
      tpu.yield
    }) : () -> ()
    %mul3A_325 = arith.constant 10240 : i32
    %mul3A_326 = arith.muli %arg0, %mul3A_325 : i32
    %mul3A_327 = arith.constant 640 : i32
    %mul3A_328 = arith.muli %arg1, %mul3A_327 : i32
    %add3A_329 = arith.addi %mul3A_326, %mul3A_328 : i32
    %add3A_330 = arith.constant 320 : i32
    %add3A_331 = arith.addi %add3A_329, %add3A_330 : i32
    %run_scoped3A_332 = arith.constant 0 : i32
    "tpu.region"() ({
      %run_scoped3A_421 = tpu.sem_alloc : memref<!tpu.dma_semaphore, #tpu.memory_space<semaphore_mem>>
      %dma_start3A_422 = arith.constant 0 : i32
      %dma_start3A_423 = arith.constant 0 : i32
      %dma_start3A_424 = tpu.memref_slice %arg6[%run_scoped3A_332, %dma_start3A_422, %dma_start3A_423] : memref<2x400x64xf32, #tpu.memory_space<vmem>> -> memref<1x320x64xf32, #tpu.memory_space<vmem>>
      %dma_start3A_425 = tpu.memref_squeeze %dma_start3A_424 : memref<1x320x64xf32, #tpu.memory_space<vmem>> -> memref<320x64xf32, #tpu.memory_space<vmem>>
      %dma_start3A_426 = arith.constant 0 : i32
      %dma_start3A_427 = tpu.memref_slice %arg4[%add3A_331, %dma_start3A_426] : memref<20480x64xf32, #tpu.memory_space<hbm>> -> memref<320x64xf32, #tpu.memory_space<hbm>>
      %dma_start3A_428 = arith.constant 0 : i32
      %dma_start3A_429 = tpu.memref_slice %arg4[%add3A_331, %dma_start3A_428] : memref<20480x64xf32, #tpu.memory_space<hbm>> -> memref<320x64xf32, #tpu.memory_space<hbm>>
      %dma_start3A_430 = arith.constant 0 : i32
      %dma_start3A_431 = arith.constant 0 : i32
      %dma_start3A_432 = tpu.memref_slice %arg6[%run_scoped3A_332, %dma_start3A_430, %dma_start3A_431] : memref<2x400x64xf32, #tpu.memory_space<vmem>> -> memref<1x320x64xf32, #tpu.memory_space<vmem>>
      %dma_start3A_433 = tpu.memref_squeeze %dma_start3A_432 : memref<1x320x64xf32, #tpu.memory_space<vmem>> -> memref<320x64xf32, #tpu.memory_space<vmem>>
      tpu.enqueue_dma source(%dma_start3A_433 : memref<320x64xf32, #tpu.memory_space<vmem>>) target(%dma_start3A_429 : memref<320x64xf32, #tpu.memory_space<hbm>>) target_semaphore(%run_scoped3A_421 : memref<!tpu.dma_semaphore, #tpu.memory_space<semaphore_mem>>)
      %dma_wait3A_434 = arith.constant 0 : i32
      %dma_wait3A_435 = arith.constant 0 : i32
      %dma_wait3A_436 = tpu.memref_slice %arg6[%run_scoped3A_332, %dma_wait3A_434, %dma_wait3A_435] : memref<2x400x64xf32, #tpu.memory_space<vmem>> -> memref<1x320x64xf32, #tpu.memory_space<vmem>>
      %dma_wait3A_437 = tpu.memref_squeeze %dma_wait3A_436 : memref<1x320x64xf32, #tpu.memory_space<vmem>> -> memref<320x64xf32, #tpu.memory_space<vmem>>
      %dma_wait3A_438 = arith.constant 0 : i32
      %dma_wait3A_439 = tpu.memref_slice %arg4[%add3A_331, %dma_wait3A_438] : memref<20480x64xf32, #tpu.memory_space<hbm>> -> memref<320x64xf32, #tpu.memory_space<hbm>>
      %dma_wait3A_440 = arith.constant 0 : i32
      %dma_wait3A_441 = tpu.memref_slice %arg4[%add3A_331, %dma_wait3A_440] : memref<20480x64xf32, #tpu.memory_space<hbm>> -> memref<320x64xf32, #tpu.memory_space<hbm>>
      %dma_wait3A_442 = arith.constant 0 : i32
      %dma_wait3A_443 = arith.constant 0 : i32
      %dma_wait3A_444 = tpu.memref_slice %arg6[%run_scoped3A_332, %dma_wait3A_442, %dma_wait3A_443] : memref<2x400x64xf32, #tpu.memory_space<vmem>> -> memref<1x320x64xf32, #tpu.memory_space<vmem>>
      %dma_wait3A_445 = tpu.memref_squeeze %dma_wait3A_444 : memref<1x320x64xf32, #tpu.memory_space<vmem>> -> memref<320x64xf32, #tpu.memory_space<vmem>>
      tpu.wait_dma2 semaphore(%run_scoped3A_421 : memref<!tpu.dma_semaphore, #tpu.memory_space<semaphore_mem>>) src(%dma_wait3A_445 : memref<320x64xf32, #tpu.memory_space<vmem>>) dst(%dma_wait3A_441 : memref<320x64xf32, #tpu.memory_space<hbm>>)
      tpu.yield
    }) : () -> ()
    %mul3A_333 = arith.constant 640 : i32
    %mul3A_334 = arith.muli %arg1, %mul3A_333 : i32
    %add3A_335 = arith.constant 0 : i32
    %add3A_336 = arith.addi %mul3A_334, %add3A_335 : i32
    "tpu.region"() ({
      %run_scoped3A_421 = tpu.sem_alloc : memref<!tpu.dma_semaphore, #tpu.memory_space<semaphore_mem>>
      %dma_start3A_422 = arith.constant 0 : i32
      %dma_start3A_423 = tpu.memref_slice %arg12[%add3A_336, %dma_start3A_422] : memref<10240x16xf32, #tpu.memory_space<vmem_shared>> -> memref<80x16xf32, #tpu.memory_space<vmem_shared>>
      %dma_start3A_424 = arith.constant 0 : i32
      %dma_start3A_425 = tpu.memref_slice %arg12[%add3A_336, %dma_start3A_424] : memref<10240x16xf32, #tpu.memory_space<vmem_shared>> -> memref<80x16xf32, #tpu.memory_space<vmem_shared>>
      tpu.enqueue_dma source(%dma_start3A_425 : memref<80x16xf32, #tpu.memory_space<vmem_shared>>) target(%arg10 : memref<80x16xf32, #tpu.memory_space<vmem>>) target_semaphore(%run_scoped3A_421 : memref<!tpu.dma_semaphore, #tpu.memory_space<semaphore_mem>>)
      %dma_wait3A_426 = arith.constant 0 : i32
      %dma_wait3A_427 = tpu.memref_slice %arg12[%add3A_336, %dma_wait3A_426] : memref<10240x16xf32, #tpu.memory_space<vmem_shared>> -> memref<80x16xf32, #tpu.memory_space<vmem_shared>>
      %dma_wait3A_428 = arith.constant 0 : i32
      %dma_wait3A_429 = tpu.memref_slice %arg12[%add3A_336, %dma_wait3A_428] : memref<10240x16xf32, #tpu.memory_space<vmem_shared>> -> memref<80x16xf32, #tpu.memory_space<vmem_shared>>
      tpu.wait_dma2 semaphore(%run_scoped3A_421 : memref<!tpu.dma_semaphore, #tpu.memory_space<semaphore_mem>>) src(%dma_wait3A_429 : memref<80x16xf32, #tpu.memory_space<vmem_shared>>) dst(%arg10 : memref<80x16xf32, #tpu.memory_space<vmem>>)
      tpu.yield
    }) : () -> ()
    %mul3A_337 = arith.constant 10240 : i32
    %mul3A_338 = arith.muli %arg0, %mul3A_337 : i32
    %mul3A_339 = arith.constant 640 : i32
    %mul3A_340 = arith.muli %arg1, %mul3A_339 : i32
    %add3A_341 = arith.addi %mul3A_338, %mul3A_340 : i32
    %add3A_342 = arith.constant 0 : i32
    %add3A_343 = arith.addi %add3A_341, %add3A_342 : i32
    "tpu.region"() ({
      %run_scoped3A_421 = tpu.sem_alloc : memref<!tpu.dma_semaphore, #tpu.memory_space<semaphore_mem>>
      %dma_start3A_422 = arith.constant 0 : i32
      %dma_start3A_423 = tpu.memref_slice %arg5[%add3A_343, %dma_start3A_422] : memref<20480x16xf32, #tpu.memory_space<hbm>> -> memref<80x16xf32, #tpu.memory_space<hbm>>
      %dma_start3A_424 = arith.constant 0 : i32
      %dma_start3A_425 = tpu.memref_slice %arg5[%add3A_343, %dma_start3A_424] : memref<20480x16xf32, #tpu.memory_space<hbm>> -> memref<80x16xf32, #tpu.memory_space<hbm>>
      tpu.enqueue_dma source(%arg10 : memref<80x16xf32, #tpu.memory_space<vmem>>) target(%dma_start3A_425 : memref<80x16xf32, #tpu.memory_space<hbm>>) target_semaphore(%run_scoped3A_421 : memref<!tpu.dma_semaphore, #tpu.memory_space<semaphore_mem>>)
      %dma_wait3A_426 = arith.constant 0 : i32
      %dma_wait3A_427 = tpu.memref_slice %arg5[%add3A_343, %dma_wait3A_426] : memref<20480x16xf32, #tpu.memory_space<hbm>> -> memref<80x16xf32, #tpu.memory_space<hbm>>
      %dma_wait3A_428 = arith.constant 0 : i32
      %dma_wait3A_429 = tpu.memref_slice %arg5[%add3A_343, %dma_wait3A_428] : memref<20480x16xf32, #tpu.memory_space<hbm>> -> memref<80x16xf32, #tpu.memory_space<hbm>>
      tpu.wait_dma2 semaphore(%run_scoped3A_421 : memref<!tpu.dma_semaphore, #tpu.memory_space<semaphore_mem>>) src(%arg10 : memref<80x16xf32, #tpu.memory_space<vmem>>) dst(%dma_wait3A_429 : memref<80x16xf32, #tpu.memory_space<hbm>>)
      tpu.yield
    }) : () -> ()
    %mul3A_344 = arith.constant 640 : i32
    %mul3A_345 = arith.muli %arg1, %mul3A_344 : i32
    %add3A_346 = arith.constant 80 : i32
    %add3A_347 = arith.addi %mul3A_345, %add3A_346 : i32
    "tpu.region"() ({
      %run_scoped3A_421 = tpu.sem_alloc : memref<!tpu.dma_semaphore, #tpu.memory_space<semaphore_mem>>
      %dma_start3A_422 = arith.constant 0 : i32
      %dma_start3A_423 = tpu.memref_slice %arg12[%add3A_347, %dma_start3A_422] : memref<10240x16xf32, #tpu.memory_space<vmem_shared>> -> memref<80x16xf32, #tpu.memory_space<vmem_shared>>
      %dma_start3A_424 = arith.constant 0 : i32
      %dma_start3A_425 = tpu.memref_slice %arg12[%add3A_347, %dma_start3A_424] : memref<10240x16xf32, #tpu.memory_space<vmem_shared>> -> memref<80x16xf32, #tpu.memory_space<vmem_shared>>
      tpu.enqueue_dma source(%dma_start3A_425 : memref<80x16xf32, #tpu.memory_space<vmem_shared>>) target(%arg10 : memref<80x16xf32, #tpu.memory_space<vmem>>) target_semaphore(%run_scoped3A_421 : memref<!tpu.dma_semaphore, #tpu.memory_space<semaphore_mem>>)
      %dma_wait3A_426 = arith.constant 0 : i32
      %dma_wait3A_427 = tpu.memref_slice %arg12[%add3A_347, %dma_wait3A_426] : memref<10240x16xf32, #tpu.memory_space<vmem_shared>> -> memref<80x16xf32, #tpu.memory_space<vmem_shared>>
      %dma_wait3A_428 = arith.constant 0 : i32
      %dma_wait3A_429 = tpu.memref_slice %arg12[%add3A_347, %dma_wait3A_428] : memref<10240x16xf32, #tpu.memory_space<vmem_shared>> -> memref<80x16xf32, #tpu.memory_space<vmem_shared>>
      tpu.wait_dma2 semaphore(%run_scoped3A_421 : memref<!tpu.dma_semaphore, #tpu.memory_space<semaphore_mem>>) src(%dma_wait3A_429 : memref<80x16xf32, #tpu.memory_space<vmem_shared>>) dst(%arg10 : memref<80x16xf32, #tpu.memory_space<vmem>>)
      tpu.yield
    }) : () -> ()
    %mul3A_348 = arith.constant 10240 : i32
    %mul3A_349 = arith.muli %arg0, %mul3A_348 : i32
    %mul3A_350 = arith.constant 640 : i32
    %mul3A_351 = arith.muli %arg1, %mul3A_350 : i32
    %add3A_352 = arith.addi %mul3A_349, %mul3A_351 : i32
    %add3A_353 = arith.constant 80 : i32
    %add3A_354 = arith.addi %add3A_352, %add3A_353 : i32
    "tpu.region"() ({
      %run_scoped3A_421 = tpu.sem_alloc : memref<!tpu.dma_semaphore, #tpu.memory_space<semaphore_mem>>
      %dma_start3A_422 = arith.constant 0 : i32
      %dma_start3A_423 = tpu.memref_slice %arg5[%add3A_354, %dma_start3A_422] : memref<20480x16xf32, #tpu.memory_space<hbm>> -> memref<80x16xf32, #tpu.memory_space<hbm>>
      %dma_start3A_424 = arith.constant 0 : i32
      %dma_start3A_425 = tpu.memref_slice %arg5[%add3A_354, %dma_start3A_424] : memref<20480x16xf32, #tpu.memory_space<hbm>> -> memref<80x16xf32, #tpu.memory_space<hbm>>
      tpu.enqueue_dma source(%arg10 : memref<80x16xf32, #tpu.memory_space<vmem>>) target(%dma_start3A_425 : memref<80x16xf32, #tpu.memory_space<hbm>>) target_semaphore(%run_scoped3A_421 : memref<!tpu.dma_semaphore, #tpu.memory_space<semaphore_mem>>)
      %dma_wait3A_426 = arith.constant 0 : i32
      %dma_wait3A_427 = tpu.memref_slice %arg5[%add3A_354, %dma_wait3A_426] : memref<20480x16xf32, #tpu.memory_space<hbm>> -> memref<80x16xf32, #tpu.memory_space<hbm>>
      %dma_wait3A_428 = arith.constant 0 : i32
      %dma_wait3A_429 = tpu.memref_slice %arg5[%add3A_354, %dma_wait3A_428] : memref<20480x16xf32, #tpu.memory_space<hbm>> -> memref<80x16xf32, #tpu.memory_space<hbm>>
      tpu.wait_dma2 semaphore(%run_scoped3A_421 : memref<!tpu.dma_semaphore, #tpu.memory_space<semaphore_mem>>) src(%arg10 : memref<80x16xf32, #tpu.memory_space<vmem>>) dst(%dma_wait3A_429 : memref<80x16xf32, #tpu.memory_space<hbm>>)
      tpu.yield
    }) : () -> ()
    %mul3A_355 = arith.constant 640 : i32
    %mul3A_356 = arith.muli %arg1, %mul3A_355 : i32
    %add3A_357 = arith.constant 160 : i32
    %add3A_358 = arith.addi %mul3A_356, %add3A_357 : i32
    "tpu.region"() ({
      %run_scoped3A_421 = tpu.sem_alloc : memref<!tpu.dma_semaphore, #tpu.memory_space<semaphore_mem>>
      %dma_start3A_422 = arith.constant 0 : i32
      %dma_start3A_423 = tpu.memref_slice %arg12[%add3A_358, %dma_start3A_422] : memref<10240x16xf32, #tpu.memory_space<vmem_shared>> -> memref<80x16xf32, #tpu.memory_space<vmem_shared>>
      %dma_start3A_424 = arith.constant 0 : i32
      %dma_start3A_425 = tpu.memref_slice %arg12[%add3A_358, %dma_start3A_424] : memref<10240x16xf32, #tpu.memory_space<vmem_shared>> -> memref<80x16xf32, #tpu.memory_space<vmem_shared>>
      tpu.enqueue_dma source(%dma_start3A_425 : memref<80x16xf32, #tpu.memory_space<vmem_shared>>) target(%arg10 : memref<80x16xf32, #tpu.memory_space<vmem>>) target_semaphore(%run_scoped3A_421 : memref<!tpu.dma_semaphore, #tpu.memory_space<semaphore_mem>>)
      %dma_wait3A_426 = arith.constant 0 : i32
      %dma_wait3A_427 = tpu.memref_slice %arg12[%add3A_358, %dma_wait3A_426] : memref<10240x16xf32, #tpu.memory_space<vmem_shared>> -> memref<80x16xf32, #tpu.memory_space<vmem_shared>>
      %dma_wait3A_428 = arith.constant 0 : i32
      %dma_wait3A_429 = tpu.memref_slice %arg12[%add3A_358, %dma_wait3A_428] : memref<10240x16xf32, #tpu.memory_space<vmem_shared>> -> memref<80x16xf32, #tpu.memory_space<vmem_shared>>
      tpu.wait_dma2 semaphore(%run_scoped3A_421 : memref<!tpu.dma_semaphore, #tpu.memory_space<semaphore_mem>>) src(%dma_wait3A_429 : memref<80x16xf32, #tpu.memory_space<vmem_shared>>) dst(%arg10 : memref<80x16xf32, #tpu.memory_space<vmem>>)
      tpu.yield
    }) : () -> ()
    %mul3A_359 = arith.constant 10240 : i32
    %mul3A_360 = arith.muli %arg0, %mul3A_359 : i32
    %mul3A_361 = arith.constant 640 : i32
    %mul3A_362 = arith.muli %arg1, %mul3A_361 : i32
    %add3A_363 = arith.addi %mul3A_360, %mul3A_362 : i32
    %add3A_364 = arith.constant 160 : i32
    %add3A_365 = arith.addi %add3A_363, %add3A_364 : i32
    "tpu.region"() ({
      %run_scoped3A_421 = tpu.sem_alloc : memref<!tpu.dma_semaphore, #tpu.memory_space<semaphore_mem>>
      %dma_start3A_422 = arith.constant 0 : i32
      %dma_start3A_423 = tpu.memref_slice %arg5[%add3A_365, %dma_start3A_422] : memref<20480x16xf32, #tpu.memory_space<hbm>> -> memref<80x16xf32, #tpu.memory_space<hbm>>
      %dma_start3A_424 = arith.constant 0 : i32
      %dma_start3A_425 = tpu.memref_slice %arg5[%add3A_365, %dma_start3A_424] : memref<20480x16xf32, #tpu.memory_space<hbm>> -> memref<80x16xf32, #tpu.memory_space<hbm>>
      tpu.enqueue_dma source(%arg10 : memref<80x16xf32, #tpu.memory_space<vmem>>) target(%dma_start3A_425 : memref<80x16xf32, #tpu.memory_space<hbm>>) target_semaphore(%run_scoped3A_421 : memref<!tpu.dma_semaphore, #tpu.memory_space<semaphore_mem>>)
      %dma_wait3A_426 = arith.constant 0 : i32
      %dma_wait3A_427 = tpu.memref_slice %arg5[%add3A_365, %dma_wait3A_426] : memref<20480x16xf32, #tpu.memory_space<hbm>> -> memref<80x16xf32, #tpu.memory_space<hbm>>
      %dma_wait3A_428 = arith.constant 0 : i32
      %dma_wait3A_429 = tpu.memref_slice %arg5[%add3A_365, %dma_wait3A_428] : memref<20480x16xf32, #tpu.memory_space<hbm>> -> memref<80x16xf32, #tpu.memory_space<hbm>>
      tpu.wait_dma2 semaphore(%run_scoped3A_421 : memref<!tpu.dma_semaphore, #tpu.memory_space<semaphore_mem>>) src(%arg10 : memref<80x16xf32, #tpu.memory_space<vmem>>) dst(%dma_wait3A_429 : memref<80x16xf32, #tpu.memory_space<hbm>>)
      tpu.yield
    }) : () -> ()
    %mul3A_366 = arith.constant 640 : i32
    %mul3A_367 = arith.muli %arg1, %mul3A_366 : i32
    %add3A_368 = arith.constant 240 : i32
    %add3A_369 = arith.addi %mul3A_367, %add3A_368 : i32
    "tpu.region"() ({
      %run_scoped3A_421 = tpu.sem_alloc : memref<!tpu.dma_semaphore, #tpu.memory_space<semaphore_mem>>
      %dma_start3A_422 = arith.constant 0 : i32
      %dma_start3A_423 = tpu.memref_slice %arg12[%add3A_369, %dma_start3A_422] : memref<10240x16xf32, #tpu.memory_space<vmem_shared>> -> memref<80x16xf32, #tpu.memory_space<vmem_shared>>
      %dma_start3A_424 = arith.constant 0 : i32
      %dma_start3A_425 = tpu.memref_slice %arg12[%add3A_369, %dma_start3A_424] : memref<10240x16xf32, #tpu.memory_space<vmem_shared>> -> memref<80x16xf32, #tpu.memory_space<vmem_shared>>
      tpu.enqueue_dma source(%dma_start3A_425 : memref<80x16xf32, #tpu.memory_space<vmem_shared>>) target(%arg10 : memref<80x16xf32, #tpu.memory_space<vmem>>) target_semaphore(%run_scoped3A_421 : memref<!tpu.dma_semaphore, #tpu.memory_space<semaphore_mem>>)
      %dma_wait3A_426 = arith.constant 0 : i32
      %dma_wait3A_427 = tpu.memref_slice %arg12[%add3A_369, %dma_wait3A_426] : memref<10240x16xf32, #tpu.memory_space<vmem_shared>> -> memref<80x16xf32, #tpu.memory_space<vmem_shared>>
      %dma_wait3A_428 = arith.constant 0 : i32
      %dma_wait3A_429 = tpu.memref_slice %arg12[%add3A_369, %dma_wait3A_428] : memref<10240x16xf32, #tpu.memory_space<vmem_shared>> -> memref<80x16xf32, #tpu.memory_space<vmem_shared>>
      tpu.wait_dma2 semaphore(%run_scoped3A_421 : memref<!tpu.dma_semaphore, #tpu.memory_space<semaphore_mem>>) src(%dma_wait3A_429 : memref<80x16xf32, #tpu.memory_space<vmem_shared>>) dst(%arg10 : memref<80x16xf32, #tpu.memory_space<vmem>>)
      tpu.yield
    }) : () -> ()
    %mul3A_370 = arith.constant 10240 : i32
    %mul3A_371 = arith.muli %arg0, %mul3A_370 : i32
    %mul3A_372 = arith.constant 640 : i32
    %mul3A_373 = arith.muli %arg1, %mul3A_372 : i32
    %add3A_374 = arith.addi %mul3A_371, %mul3A_373 : i32
    %add3A_375 = arith.constant 240 : i32
    %add3A_376 = arith.addi %add3A_374, %add3A_375 : i32
    "tpu.region"() ({
      %run_scoped3A_421 = tpu.sem_alloc : memref<!tpu.dma_semaphore, #tpu.memory_space<semaphore_mem>>
      %dma_start3A_422 = arith.constant 0 : i32
      %dma_start3A_423 = tpu.memref_slice %arg5[%add3A_376, %dma_start3A_422] : memref<20480x16xf32, #tpu.memory_space<hbm>> -> memref<80x16xf32, #tpu.memory_space<hbm>>
      %dma_start3A_424 = arith.constant 0 : i32
      %dma_start3A_425 = tpu.memref_slice %arg5[%add3A_376, %dma_start3A_424] : memref<20480x16xf32, #tpu.memory_space<hbm>> -> memref<80x16xf32, #tpu.memory_space<hbm>>
      tpu.enqueue_dma source(%arg10 : memref<80x16xf32, #tpu.memory_space<vmem>>) target(%dma_start3A_425 : memref<80x16xf32, #tpu.memory_space<hbm>>) target_semaphore(%run_scoped3A_421 : memref<!tpu.dma_semaphore, #tpu.memory_space<semaphore_mem>>)
      %dma_wait3A_426 = arith.constant 0 : i32
      %dma_wait3A_427 = tpu.memref_slice %arg5[%add3A_376, %dma_wait3A_426] : memref<20480x16xf32, #tpu.memory_space<hbm>> -> memref<80x16xf32, #tpu.memory_space<hbm>>
      %dma_wait3A_428 = arith.constant 0 : i32
      %dma_wait3A_429 = tpu.memref_slice %arg5[%add3A_376, %dma_wait3A_428] : memref<20480x16xf32, #tpu.memory_space<hbm>> -> memref<80x16xf32, #tpu.memory_space<hbm>>
      tpu.wait_dma2 semaphore(%run_scoped3A_421 : memref<!tpu.dma_semaphore, #tpu.memory_space<semaphore_mem>>) src(%arg10 : memref<80x16xf32, #tpu.memory_space<vmem>>) dst(%dma_wait3A_429 : memref<80x16xf32, #tpu.memory_space<hbm>>)
      tpu.yield
    }) : () -> ()
    %mul3A_377 = arith.constant 640 : i32
    %mul3A_378 = arith.muli %arg1, %mul3A_377 : i32
    %add3A_379 = arith.constant 320 : i32
    %add3A_380 = arith.addi %mul3A_378, %add3A_379 : i32
    "tpu.region"() ({
      %run_scoped3A_421 = tpu.sem_alloc : memref<!tpu.dma_semaphore, #tpu.memory_space<semaphore_mem>>
      %dma_start3A_422 = arith.constant 0 : i32
      %dma_start3A_423 = tpu.memref_slice %arg12[%add3A_380, %dma_start3A_422] : memref<10240x16xf32, #tpu.memory_space<vmem_shared>> -> memref<80x16xf32, #tpu.memory_space<vmem_shared>>
      %dma_start3A_424 = arith.constant 0 : i32
      %dma_start3A_425 = tpu.memref_slice %arg12[%add3A_380, %dma_start3A_424] : memref<10240x16xf32, #tpu.memory_space<vmem_shared>> -> memref<80x16xf32, #tpu.memory_space<vmem_shared>>
      tpu.enqueue_dma source(%dma_start3A_425 : memref<80x16xf32, #tpu.memory_space<vmem_shared>>) target(%arg10 : memref<80x16xf32, #tpu.memory_space<vmem>>) target_semaphore(%run_scoped3A_421 : memref<!tpu.dma_semaphore, #tpu.memory_space<semaphore_mem>>)
      %dma_wait3A_426 = arith.constant 0 : i32
      %dma_wait3A_427 = tpu.memref_slice %arg12[%add3A_380, %dma_wait3A_426] : memref<10240x16xf32, #tpu.memory_space<vmem_shared>> -> memref<80x16xf32, #tpu.memory_space<vmem_shared>>
      %dma_wait3A_428 = arith.constant 0 : i32
      %dma_wait3A_429 = tpu.memref_slice %arg12[%add3A_380, %dma_wait3A_428] : memref<10240x16xf32, #tpu.memory_space<vmem_shared>> -> memref<80x16xf32, #tpu.memory_space<vmem_shared>>
      tpu.wait_dma2 semaphore(%run_scoped3A_421 : memref<!tpu.dma_semaphore, #tpu.memory_space<semaphore_mem>>) src(%dma_wait3A_429 : memref<80x16xf32, #tpu.memory_space<vmem_shared>>) dst(%arg10 : memref<80x16xf32, #tpu.memory_space<vmem>>)
      tpu.yield
    }) : () -> ()
    %mul3A_381 = arith.constant 10240 : i32
    %mul3A_382 = arith.muli %arg0, %mul3A_381 : i32
    %mul3A_383 = arith.constant 640 : i32
    %mul3A_384 = arith.muli %arg1, %mul3A_383 : i32
    %add3A_385 = arith.addi %mul3A_382, %mul3A_384 : i32
    %add3A_386 = arith.constant 320 : i32
    %add3A_387 = arith.addi %add3A_385, %add3A_386 : i32
    "tpu.region"() ({
      %run_scoped3A_421 = tpu.sem_alloc : memref<!tpu.dma_semaphore, #tpu.memory_space<semaphore_mem>>
      %dma_start3A_422 = arith.constant 0 : i32
      %dma_start3A_423 = tpu.memref_slice %arg5[%add3A_387, %dma_start3A_422] : memref<20480x16xf32, #tpu.memory_space<hbm>> -> memref<80x16xf32, #tpu.memory_space<hbm>>
      %dma_start3A_424 = arith.constant 0 : i32
      %dma_start3A_425 = tpu.memref_slice %arg5[%add3A_387, %dma_start3A_424] : memref<20480x16xf32, #tpu.memory_space<hbm>> -> memref<80x16xf32, #tpu.memory_space<hbm>>
      tpu.enqueue_dma source(%arg10 : memref<80x16xf32, #tpu.memory_space<vmem>>) target(%dma_start3A_425 : memref<80x16xf32, #tpu.memory_space<hbm>>) target_semaphore(%run_scoped3A_421 : memref<!tpu.dma_semaphore, #tpu.memory_space<semaphore_mem>>)
      %dma_wait3A_426 = arith.constant 0 : i32
      %dma_wait3A_427 = tpu.memref_slice %arg5[%add3A_387, %dma_wait3A_426] : memref<20480x16xf32, #tpu.memory_space<hbm>> -> memref<80x16xf32, #tpu.memory_space<hbm>>
      %dma_wait3A_428 = arith.constant 0 : i32
      %dma_wait3A_429 = tpu.memref_slice %arg5[%add3A_387, %dma_wait3A_428] : memref<20480x16xf32, #tpu.memory_space<hbm>> -> memref<80x16xf32, #tpu.memory_space<hbm>>
      tpu.wait_dma2 semaphore(%run_scoped3A_421 : memref<!tpu.dma_semaphore, #tpu.memory_space<semaphore_mem>>) src(%arg10 : memref<80x16xf32, #tpu.memory_space<vmem>>) dst(%dma_wait3A_429 : memref<80x16xf32, #tpu.memory_space<hbm>>)
      tpu.yield
    }) : () -> ()
    %mul3A_388 = arith.constant 640 : i32
    %mul3A_389 = arith.muli %arg1, %mul3A_388 : i32
    %add3A_390 = arith.constant 400 : i32
    %add3A_391 = arith.addi %mul3A_389, %add3A_390 : i32
    "tpu.region"() ({
      %run_scoped3A_421 = tpu.sem_alloc : memref<!tpu.dma_semaphore, #tpu.memory_space<semaphore_mem>>
      %dma_start3A_422 = arith.constant 0 : i32
      %dma_start3A_423 = tpu.memref_slice %arg12[%add3A_391, %dma_start3A_422] : memref<10240x16xf32, #tpu.memory_space<vmem_shared>> -> memref<80x16xf32, #tpu.memory_space<vmem_shared>>
      %dma_start3A_424 = arith.constant 0 : i32
      %dma_start3A_425 = tpu.memref_slice %arg12[%add3A_391, %dma_start3A_424] : memref<10240x16xf32, #tpu.memory_space<vmem_shared>> -> memref<80x16xf32, #tpu.memory_space<vmem_shared>>
      tpu.enqueue_dma source(%dma_start3A_425 : memref<80x16xf32, #tpu.memory_space<vmem_shared>>) target(%arg10 : memref<80x16xf32, #tpu.memory_space<vmem>>) target_semaphore(%run_scoped3A_421 : memref<!tpu.dma_semaphore, #tpu.memory_space<semaphore_mem>>)
      %dma_wait3A_426 = arith.constant 0 : i32
      %dma_wait3A_427 = tpu.memref_slice %arg12[%add3A_391, %dma_wait3A_426] : memref<10240x16xf32, #tpu.memory_space<vmem_shared>> -> memref<80x16xf32, #tpu.memory_space<vmem_shared>>
      %dma_wait3A_428 = arith.constant 0 : i32
      %dma_wait3A_429 = tpu.memref_slice %arg12[%add3A_391, %dma_wait3A_428] : memref<10240x16xf32, #tpu.memory_space<vmem_shared>> -> memref<80x16xf32, #tpu.memory_space<vmem_shared>>
      tpu.wait_dma2 semaphore(%run_scoped3A_421 : memref<!tpu.dma_semaphore, #tpu.memory_space<semaphore_mem>>) src(%dma_wait3A_429 : memref<80x16xf32, #tpu.memory_space<vmem_shared>>) dst(%arg10 : memref<80x16xf32, #tpu.memory_space<vmem>>)
      tpu.yield
    }) : () -> ()
    %mul3A_392 = arith.constant 10240 : i32
    %mul3A_393 = arith.muli %arg0, %mul3A_392 : i32
    %mul3A_394 = arith.constant 640 : i32
    %mul3A_395 = arith.muli %arg1, %mul3A_394 : i32
    %add3A_396 = arith.addi %mul3A_393, %mul3A_395 : i32
    %add3A_397 = arith.constant 400 : i32
    %add3A_398 = arith.addi %add3A_396, %add3A_397 : i32
    "tpu.region"() ({
      %run_scoped3A_421 = tpu.sem_alloc : memref<!tpu.dma_semaphore, #tpu.memory_space<semaphore_mem>>
      %dma_start3A_422 = arith.constant 0 : i32
      %dma_start3A_423 = tpu.memref_slice %arg5[%add3A_398, %dma_start3A_422] : memref<20480x16xf32, #tpu.memory_space<hbm>> -> memref<80x16xf32, #tpu.memory_space<hbm>>
      %dma_start3A_424 = arith.constant 0 : i32
      %dma_start3A_425 = tpu.memref_slice %arg5[%add3A_398, %dma_start3A_424] : memref<20480x16xf32, #tpu.memory_space<hbm>> -> memref<80x16xf32, #tpu.memory_space<hbm>>
      tpu.enqueue_dma source(%arg10 : memref<80x16xf32, #tpu.memory_space<vmem>>) target(%dma_start3A_425 : memref<80x16xf32, #tpu.memory_space<hbm>>) target_semaphore(%run_scoped3A_421 : memref<!tpu.dma_semaphore, #tpu.memory_space<semaphore_mem>>)
      %dma_wait3A_426 = arith.constant 0 : i32
      %dma_wait3A_427 = tpu.memref_slice %arg5[%add3A_398, %dma_wait3A_426] : memref<20480x16xf32, #tpu.memory_space<hbm>> -> memref<80x16xf32, #tpu.memory_space<hbm>>
      %dma_wait3A_428 = arith.constant 0 : i32
      %dma_wait3A_429 = tpu.memref_slice %arg5[%add3A_398, %dma_wait3A_428] : memref<20480x16xf32, #tpu.memory_space<hbm>> -> memref<80x16xf32, #tpu.memory_space<hbm>>
      tpu.wait_dma2 semaphore(%run_scoped3A_421 : memref<!tpu.dma_semaphore, #tpu.memory_space<semaphore_mem>>) src(%arg10 : memref<80x16xf32, #tpu.memory_space<vmem>>) dst(%dma_wait3A_429 : memref<80x16xf32, #tpu.memory_space<hbm>>)
      tpu.yield
    }) : () -> ()
    %mul3A_399 = arith.constant 640 : i32
    %mul3A_400 = arith.muli %arg1, %mul3A_399 : i32
    %add3A_401 = arith.constant 480 : i32
    %add3A_402 = arith.addi %mul3A_400, %add3A_401 : i32
    "tpu.region"() ({
      %run_scoped3A_421 = tpu.sem_alloc : memref<!tpu.dma_semaphore, #tpu.memory_space<semaphore_mem>>
      %dma_start3A_422 = arith.constant 0 : i32
      %dma_start3A_423 = tpu.memref_slice %arg12[%add3A_402, %dma_start3A_422] : memref<10240x16xf32, #tpu.memory_space<vmem_shared>> -> memref<80x16xf32, #tpu.memory_space<vmem_shared>>
      %dma_start3A_424 = arith.constant 0 : i32
      %dma_start3A_425 = tpu.memref_slice %arg12[%add3A_402, %dma_start3A_424] : memref<10240x16xf32, #tpu.memory_space<vmem_shared>> -> memref<80x16xf32, #tpu.memory_space<vmem_shared>>
      tpu.enqueue_dma source(%dma_start3A_425 : memref<80x16xf32, #tpu.memory_space<vmem_shared>>) target(%arg10 : memref<80x16xf32, #tpu.memory_space<vmem>>) target_semaphore(%run_scoped3A_421 : memref<!tpu.dma_semaphore, #tpu.memory_space<semaphore_mem>>)
      %dma_wait3A_426 = arith.constant 0 : i32
      %dma_wait3A_427 = tpu.memref_slice %arg12[%add3A_402, %dma_wait3A_426] : memref<10240x16xf32, #tpu.memory_space<vmem_shared>> -> memref<80x16xf32, #tpu.memory_space<vmem_shared>>
      %dma_wait3A_428 = arith.constant 0 : i32
      %dma_wait3A_429 = tpu.memref_slice %arg12[%add3A_402, %dma_wait3A_428] : memref<10240x16xf32, #tpu.memory_space<vmem_shared>> -> memref<80x16xf32, #tpu.memory_space<vmem_shared>>
      tpu.wait_dma2 semaphore(%run_scoped3A_421 : memref<!tpu.dma_semaphore, #tpu.memory_space<semaphore_mem>>) src(%dma_wait3A_429 : memref<80x16xf32, #tpu.memory_space<vmem_shared>>) dst(%arg10 : memref<80x16xf32, #tpu.memory_space<vmem>>)
      tpu.yield
    }) : () -> ()
    %mul3A_403 = arith.constant 10240 : i32
    %mul3A_404 = arith.muli %arg0, %mul3A_403 : i32
    %mul3A_405 = arith.constant 640 : i32
    %mul3A_406 = arith.muli %arg1, %mul3A_405 : i32
    %add3A_407 = arith.addi %mul3A_404, %mul3A_406 : i32
    %add3A_408 = arith.constant 480 : i32
    %add3A_409 = arith.addi %add3A_407, %add3A_408 : i32
    "tpu.region"() ({
      %run_scoped3A_421 = tpu.sem_alloc : memref<!tpu.dma_semaphore, #tpu.memory_space<semaphore_mem>>
      %dma_start3A_422 = arith.constant 0 : i32
      %dma_start3A_423 = tpu.memref_slice %arg5[%add3A_409, %dma_start3A_422] : memref<20480x16xf32, #tpu.memory_space<hbm>> -> memref<80x16xf32, #tpu.memory_space<hbm>>
      %dma_start3A_424 = arith.constant 0 : i32
      %dma_start3A_425 = tpu.memref_slice %arg5[%add3A_409, %dma_start3A_424] : memref<20480x16xf32, #tpu.memory_space<hbm>> -> memref<80x16xf32, #tpu.memory_space<hbm>>
      tpu.enqueue_dma source(%arg10 : memref<80x16xf32, #tpu.memory_space<vmem>>) target(%dma_start3A_425 : memref<80x16xf32, #tpu.memory_space<hbm>>) target_semaphore(%run_scoped3A_421 : memref<!tpu.dma_semaphore, #tpu.memory_space<semaphore_mem>>)
      %dma_wait3A_426 = arith.constant 0 : i32
      %dma_wait3A_427 = tpu.memref_slice %arg5[%add3A_409, %dma_wait3A_426] : memref<20480x16xf32, #tpu.memory_space<hbm>> -> memref<80x16xf32, #tpu.memory_space<hbm>>
      %dma_wait3A_428 = arith.constant 0 : i32
      %dma_wait3A_429 = tpu.memref_slice %arg5[%add3A_409, %dma_wait3A_428] : memref<20480x16xf32, #tpu.memory_space<hbm>> -> memref<80x16xf32, #tpu.memory_space<hbm>>
      tpu.wait_dma2 semaphore(%run_scoped3A_421 : memref<!tpu.dma_semaphore, #tpu.memory_space<semaphore_mem>>) src(%arg10 : memref<80x16xf32, #tpu.memory_space<vmem>>) dst(%dma_wait3A_429 : memref<80x16xf32, #tpu.memory_space<hbm>>)
      tpu.yield
    }) : () -> ()
    %mul3A_410 = arith.constant 640 : i32
    %mul3A_411 = arith.muli %arg1, %mul3A_410 : i32
    %add3A_412 = arith.constant 560 : i32
    %add3A_413 = arith.addi %mul3A_411, %add3A_412 : i32
    "tpu.region"() ({
      %run_scoped3A_421 = tpu.sem_alloc : memref<!tpu.dma_semaphore, #tpu.memory_space<semaphore_mem>>
      %dma_start3A_422 = arith.constant 0 : i32
      %dma_start3A_423 = tpu.memref_slice %arg12[%add3A_413, %dma_start3A_422] : memref<10240x16xf32, #tpu.memory_space<vmem_shared>> -> memref<80x16xf32, #tpu.memory_space<vmem_shared>>
      %dma_start3A_424 = arith.constant 0 : i32
      %dma_start3A_425 = tpu.memref_slice %arg12[%add3A_413, %dma_start3A_424] : memref<10240x16xf32, #tpu.memory_space<vmem_shared>> -> memref<80x16xf32, #tpu.memory_space<vmem_shared>>
      tpu.enqueue_dma source(%dma_start3A_425 : memref<80x16xf32, #tpu.memory_space<vmem_shared>>) target(%arg10 : memref<80x16xf32, #tpu.memory_space<vmem>>) target_semaphore(%run_scoped3A_421 : memref<!tpu.dma_semaphore, #tpu.memory_space<semaphore_mem>>)
      %dma_wait3A_426 = arith.constant 0 : i32
      %dma_wait3A_427 = tpu.memref_slice %arg12[%add3A_413, %dma_wait3A_426] : memref<10240x16xf32, #tpu.memory_space<vmem_shared>> -> memref<80x16xf32, #tpu.memory_space<vmem_shared>>
      %dma_wait3A_428 = arith.constant 0 : i32
      %dma_wait3A_429 = tpu.memref_slice %arg12[%add3A_413, %dma_wait3A_428] : memref<10240x16xf32, #tpu.memory_space<vmem_shared>> -> memref<80x16xf32, #tpu.memory_space<vmem_shared>>
      tpu.wait_dma2 semaphore(%run_scoped3A_421 : memref<!tpu.dma_semaphore, #tpu.memory_space<semaphore_mem>>) src(%dma_wait3A_429 : memref<80x16xf32, #tpu.memory_space<vmem_shared>>) dst(%arg10 : memref<80x16xf32, #tpu.memory_space<vmem>>)
      tpu.yield
    }) : () -> ()
    %mul3A_414 = arith.constant 10240 : i32
    %mul3A_415 = arith.muli %arg0, %mul3A_414 : i32
    %mul3A_416 = arith.constant 640 : i32
    %mul3A_417 = arith.muli %arg1, %mul3A_416 : i32
    %add3A_418 = arith.addi %mul3A_415, %mul3A_417 : i32
    %add3A_419 = arith.constant 560 : i32
    %add3A_420 = arith.addi %add3A_418, %add3A_419 : i32
    "tpu.region"() ({
      %run_scoped3A_421 = tpu.sem_alloc : memref<!tpu.dma_semaphore, #tpu.memory_space<semaphore_mem>>
      %dma_start3A_422 = arith.constant 0 : i32
      %dma_start3A_423 = tpu.memref_slice %arg5[%add3A_420, %dma_start3A_422] : memref<20480x16xf32, #tpu.memory_space<hbm>> -> memref<80x16xf32, #tpu.memory_space<hbm>>
      %dma_start3A_424 = arith.constant 0 : i32
      %dma_start3A_425 = tpu.memref_slice %arg5[%add3A_420, %dma_start3A_424] : memref<20480x16xf32, #tpu.memory_space<hbm>> -> memref<80x16xf32, #tpu.memory_space<hbm>>
      tpu.enqueue_dma source(%arg10 : memref<80x16xf32, #tpu.memory_space<vmem>>) target(%dma_start3A_425 : memref<80x16xf32, #tpu.memory_space<hbm>>) target_semaphore(%run_scoped3A_421 : memref<!tpu.dma_semaphore, #tpu.memory_space<semaphore_mem>>)
      %dma_wait3A_426 = arith.constant 0 : i32
      %dma_wait3A_427 = tpu.memref_slice %arg5[%add3A_420, %dma_wait3A_426] : memref<20480x16xf32, #tpu.memory_space<hbm>> -> memref<80x16xf32, #tpu.memory_space<hbm>>
      %dma_wait3A_428 = arith.constant 0 : i32
      %dma_wait3A_429 = tpu.memref_slice %arg5[%add3A_420, %dma_wait3A_428] : memref<20480x16xf32, #tpu.memory_space<hbm>> -> memref<80x16xf32, #tpu.memory_space<hbm>>
      tpu.wait_dma2 semaphore(%run_scoped3A_421 : memref<!tpu.dma_semaphore, #tpu.memory_space<semaphore_mem>>) src(%arg10 : memref<80x16xf32, #tpu.memory_space<vmem>>) dst(%dma_wait3A_429 : memref<80x16xf32, #tpu.memory_space<hbm>>)
      tpu.yield
    }) : () -> ()
    return
  }
}

#map = affine_map<(d0, d1) -> (0, 0)>
#map1 = affine_map<(d0, d1) -> (0, 0, 0)>
module attributes {stable_mosaic.version = 14 : i64} {
  func.func @_scatter_body(%arg0: i32, %arg1: i32, %arg2: memref<320000x64xf32, #tpu.memory_space<hbm>>, %arg3: memref<32x125x80xi32, #tpu.memory_space<hbm>>, %arg4: memref<20480x64xf32, #tpu.memory_space<hbm>>, %arg5: memref<20480x16xf32, #tpu.memory_space<hbm>>, %arg6: memref<2x400x64xf32, #tpu.memory_space<vmem>>, %arg7: memref<125x80xi32, #tpu.memory_space<vmem>>, %arg8: memref<80x64xf32, #tpu.memory_space<vmem>>, %arg9: memref<80x16xf32, #tpu.memory_space<vmem>>, %arg10: memref<80x16xf32, #tpu.memory_space<vmem>>, %arg11: memref<10240x64xf32, #tpu.memory_space<vmem_shared>>, %arg12: memref<10240x16xf32, #tpu.memory_space<vmem_shared>>, %arg13: memref<!tpu.dma_semaphore, #tpu.memory_space<semaphore_mem>>, %arg14: memref<!tpu.dma_semaphore, #tpu.memory_space<semaphore_mem>>, %arg15: memref<!tpu.dma_semaphore, #tpu.memory_space<semaphore_mem>>, %arg16: memref<!tpu.dma_semaphore, #tpu.memory_space<semaphore_mem>>) attributes {dimension_semantics = [#tpu.dimension_semantics<core_parallel>, #tpu.dimension_semantics<subcore_parallel>], iteration_bounds = array<i64: 2, 16>, scalar_prefetch = 0 : i64, scratch_operands = 11 : i64, tpu.core_type = #tpu.core_type<sc_vector_subcore>, window_params = [{transform_indices = #map}, {transform_indices = #map1}, {transform_indices = #map}, {transform_indices = #map}]} {
    %mul3A = arith.constant 16 : i32
    %mul3A_0 = arith.muli %arg0, %mul3A : i32
    %add3A = arith.addi %mul3A_0, %arg1 : i32
    %broadcast_in_dim3A = arith.constant 0.000000e+00 : f32
    %broadcast_in_dim3A_1 = vector.broadcast %broadcast_in_dim3A : f32 to vector<16xf32>
    %scan3A = arith.constant 0 : i32
    %scan3A_2 = arith.constant 0 : i32
    %scan3A_3 = arith.constant 80 : i32
    %scan3A_4 = arith.addi %scan3A_2, %scan3A_3 : i32
    %scan3A_5 = arith.constant 1 : i32
    %scan3A_6 = scf.for %scan3A_187 = %scan3A_2 to %scan3A_4 step %scan3A_5 iter_args(%scan3A_188 = %scan3A) -> (i32)  : i32 {
      %scan3A_189 = arith.constant 0 : i32
      %scan3A_190 = arith.constant 0 : i32
      %scan3A_191 = arith.constant 4 : i32
      %scan3A_192 = arith.addi %scan3A_190, %scan3A_191 : i32
      %scan3A_193 = arith.constant 1 : i32
      %scan3A_194 = scf.for %scan3A_196 = %scan3A_190 to %scan3A_192 step %scan3A_193 iter_args(%scan3A_197 = %scan3A_189) -> (i32)  : i32 {
        %mul3A_198 = arith.constant 16 : i32
        %mul3A_199 = arith.muli %scan3A_196, %mul3A_198 : i32
        %swap3A = arith.index_cast %scan3A_187 : i32 to index
        %swap3A_200 = arith.index_cast %mul3A_199 : i32 to index
        %swap3A_201 = tpu.vector_load %arg8[%swap3A, %swap3A_200] {strides = array<i32>} : memref<80x64xf32, #tpu.memory_space<vmem>>, vector<1x16xf32>,
        %swap3A_202 = vector.shape_cast %swap3A_201 : vector<1x16xf32> to vector<16xf32>
        %swap3A_203 = vector.shape_cast %broadcast_in_dim3A_1 : vector<16xf32> to vector<1x16xf32>
        tpu.vector_store %arg8[%swap3A, %swap3A_200], %swap3A_203 {strides = array<i32>} : memref<80x64xf32, #tpu.memory_space<vmem>>, vector<1x16xf32>,
        %scan3A_204 = arith.constant 0 : i32
        scf.yield %scan3A_204 : i32
      }
      %scan3A_195 = arith.constant 4 : i32
      scf.yield %scan3A_194 : i32
    }
    %scan3A_7 = arith.constant 80 : i32
    %mul3A_8 = arith.constant 640 : i32
    %mul3A_9 = arith.muli %arg1, %mul3A_8 : i32
    %add3A_10 = arith.constant 0 : i32
    %add3A_11 = arith.addi %mul3A_9, %add3A_10 : i32
    %dma_start3A = arith.constant 0 : i32
    %dma_start3A_12 = tpu.memref_slice %arg11[%add3A_11, %dma_start3A] : memref<10240x64xf32, #tpu.memory_space<vmem_shared>> -> memref<80x64xf32, #tpu.memory_space<vmem_shared>>
    %dma_start3A_13 = arith.constant 0 : i32
    %dma_start3A_14 = tpu.memref_slice %arg11[%add3A_11, %dma_start3A_13] : memref<10240x64xf32, #tpu.memory_space<vmem_shared>> -> memref<80x64xf32, #tpu.memory_space<vmem_shared>>
    tpu.enqueue_dma source(%arg8 : memref<80x64xf32, #tpu.memory_space<vmem>>) target(%dma_start3A_14 : memref<80x64xf32, #tpu.memory_space<vmem_shared>>) target_semaphore(%arg16 : memref<!tpu.dma_semaphore, #tpu.memory_space<semaphore_mem>>)
    %mul3A_15 = arith.constant 640 : i32
    %mul3A_16 = arith.muli %arg1, %mul3A_15 : i32
    %add3A_17 = arith.constant 80 : i32
    %add3A_18 = arith.addi %mul3A_16, %add3A_17 : i32
    %dma_start3A_19 = arith.constant 0 : i32
    %dma_start3A_20 = tpu.memref_slice %arg11[%add3A_18, %dma_start3A_19] : memref<10240x64xf32, #tpu.memory_space<vmem_shared>> -> memref<80x64xf32, #tpu.memory_space<vmem_shared>>
    %dma_start3A_21 = arith.constant 0 : i32
    %dma_start3A_22 = tpu.memref_slice %arg11[%add3A_18, %dma_start3A_21] : memref<10240x64xf32, #tpu.memory_space<vmem_shared>> -> memref<80x64xf32, #tpu.memory_space<vmem_shared>>
    tpu.enqueue_dma source(%arg8 : memref<80x64xf32, #tpu.memory_space<vmem>>) target(%dma_start3A_22 : memref<80x64xf32, #tpu.memory_space<vmem_shared>>) target_semaphore(%arg16 : memref<!tpu.dma_semaphore, #tpu.memory_space<semaphore_mem>>)
    %mul3A_23 = arith.constant 640 : i32
    %mul3A_24 = arith.muli %arg1, %mul3A_23 : i32
    %add3A_25 = arith.constant 160 : i32
    %add3A_26 = arith.addi %mul3A_24, %add3A_25 : i32
    %dma_start3A_27 = arith.constant 0 : i32
    %dma_start3A_28 = tpu.memref_slice %arg11[%add3A_26, %dma_start3A_27] : memref<10240x64xf32, #tpu.memory_space<vmem_shared>> -> memref<80x64xf32, #tpu.memory_space<vmem_shared>>
    %dma_start3A_29 = arith.constant 0 : i32
    %dma_start3A_30 = tpu.memref_slice %arg11[%add3A_26, %dma_start3A_29] : memref<10240x64xf32, #tpu.memory_space<vmem_shared>> -> memref<80x64xf32, #tpu.memory_space<vmem_shared>>
    tpu.enqueue_dma source(%arg8 : memref<80x64xf32, #tpu.memory_space<vmem>>) target(%dma_start3A_30 : memref<80x64xf32, #tpu.memory_space<vmem_shared>>) target_semaphore(%arg16 : memref<!tpu.dma_semaphore, #tpu.memory_space<semaphore_mem>>)
    %mul3A_31 = arith.constant 640 : i32
    %mul3A_32 = arith.muli %arg1, %mul3A_31 : i32
    %add3A_33 = arith.constant 240 : i32
    %add3A_34 = arith.addi %mul3A_32, %add3A_33 : i32
    %dma_start3A_35 = arith.constant 0 : i32
    %dma_start3A_36 = tpu.memref_slice %arg11[%add3A_34, %dma_start3A_35] : memref<10240x64xf32, #tpu.memory_space<vmem_shared>> -> memref<80x64xf32, #tpu.memory_space<vmem_shared>>
    %dma_start3A_37 = arith.constant 0 : i32
    %dma_start3A_38 = tpu.memref_slice %arg11[%add3A_34, %dma_start3A_37] : memref<10240x64xf32, #tpu.memory_space<vmem_shared>> -> memref<80x64xf32, #tpu.memory_space<vmem_shared>>
    tpu.enqueue_dma source(%arg8 : memref<80x64xf32, #tpu.memory_space<vmem>>) target(%dma_start3A_38 : memref<80x64xf32, #tpu.memory_space<vmem_shared>>) target_semaphore(%arg16 : memref<!tpu.dma_semaphore, #tpu.memory_space<semaphore_mem>>)
    %mul3A_39 = arith.constant 640 : i32
    %mul3A_40 = arith.muli %arg1, %mul3A_39 : i32
    %add3A_41 = arith.constant 320 : i32
    %add3A_42 = arith.addi %mul3A_40, %add3A_41 : i32
    %dma_start3A_43 = arith.constant 0 : i32
    %dma_start3A_44 = tpu.memref_slice %arg11[%add3A_42, %dma_start3A_43] : memref<10240x64xf32, #tpu.memory_space<vmem_shared>> -> memref<80x64xf32, #tpu.memory_space<vmem_shared>>
    %dma_start3A_45 = arith.constant 0 : i32
    %dma_start3A_46 = tpu.memref_slice %arg11[%add3A_42, %dma_start3A_45] : memref<10240x64xf32, #tpu.memory_space<vmem_shared>> -> memref<80x64xf32, #tpu.memory_space<vmem_shared>>
    tpu.enqueue_dma source(%arg8 : memref<80x64xf32, #tpu.memory_space<vmem>>) target(%dma_start3A_46 : memref<80x64xf32, #tpu.memory_space<vmem_shared>>) target_semaphore(%arg16 : memref<!tpu.dma_semaphore, #tpu.memory_space<semaphore_mem>>)
    %mul3A_47 = arith.constant 640 : i32
    %mul3A_48 = arith.muli %arg1, %mul3A_47 : i32
    %add3A_49 = arith.constant 400 : i32
    %add3A_50 = arith.addi %mul3A_48, %add3A_49 : i32
    %dma_start3A_51 = arith.constant 0 : i32
    %dma_start3A_52 = tpu.memref_slice %arg11[%add3A_50, %dma_start3A_51] : memref<10240x64xf32, #tpu.memory_space<vmem_shared>> -> memref<80x64xf32, #tpu.memory_space<vmem_shared>>
    %dma_start3A_53 = arith.constant 0 : i32
    %dma_start3A_54 = tpu.memref_slice %arg11[%add3A_50, %dma_start3A_53] : memref<10240x64xf32, #tpu.memory_space<vmem_shared>> -> memref<80x64xf32, #tpu.memory_space<vmem_shared>>
    tpu.enqueue_dma source(%arg8 : memref<80x64xf32, #tpu.memory_space<vmem>>) target(%dma_start3A_54 : memref<80x64xf32, #tpu.memory_space<vmem_shared>>) target_semaphore(%arg16 : memref<!tpu.dma_semaphore, #tpu.memory_space<semaphore_mem>>)
    %mul3A_55 = arith.constant 640 : i32
    %mul3A_56 = arith.muli %arg1, %mul3A_55 : i32
    %add3A_57 = arith.constant 480 : i32
    %add3A_58 = arith.addi %mul3A_56, %add3A_57 : i32
    %dma_start3A_59 = arith.constant 0 : i32
    %dma_start3A_60 = tpu.memref_slice %arg11[%add3A_58, %dma_start3A_59] : memref<10240x64xf32, #tpu.memory_space<vmem_shared>> -> memref<80x64xf32, #tpu.memory_space<vmem_shared>>
    %dma_start3A_61 = arith.constant 0 : i32
    %dma_start3A_62 = tpu.memref_slice %arg11[%add3A_58, %dma_start3A_61] : memref<10240x64xf32, #tpu.memory_space<vmem_shared>> -> memref<80x64xf32, #tpu.memory_space<vmem_shared>>
    tpu.enqueue_dma source(%arg8 : memref<80x64xf32, #tpu.memory_space<vmem>>) target(%dma_start3A_62 : memref<80x64xf32, #tpu.memory_space<vmem_shared>>) target_semaphore(%arg16 : memref<!tpu.dma_semaphore, #tpu.memory_space<semaphore_mem>>)
    %mul3A_63 = arith.constant 640 : i32
    %mul3A_64 = arith.muli %arg1, %mul3A_63 : i32
    %add3A_65 = arith.constant 560 : i32
    %add3A_66 = arith.addi %mul3A_64, %add3A_65 : i32
    %dma_start3A_67 = arith.constant 0 : i32
    %dma_start3A_68 = tpu.memref_slice %arg11[%add3A_66, %dma_start3A_67] : memref<10240x64xf32, #tpu.memory_space<vmem_shared>> -> memref<80x64xf32, #tpu.memory_space<vmem_shared>>
    %dma_start3A_69 = arith.constant 0 : i32
    %dma_start3A_70 = tpu.memref_slice %arg11[%add3A_66, %dma_start3A_69] : memref<10240x64xf32, #tpu.memory_space<vmem_shared>> -> memref<80x64xf32, #tpu.memory_space<vmem_shared>>
    tpu.enqueue_dma source(%arg8 : memref<80x64xf32, #tpu.memory_space<vmem>>) target(%dma_start3A_70 : memref<80x64xf32, #tpu.memory_space<vmem_shared>>) target_semaphore(%arg16 : memref<!tpu.dma_semaphore, #tpu.memory_space<semaphore_mem>>)
    %mul3A_71 = arith.constant 640 : i32
    %mul3A_72 = arith.muli %arg1, %mul3A_71 : i32
    %add3A_73 = arith.constant 0 : i32
    %add3A_74 = arith.addi %mul3A_72, %add3A_73 : i32
    %dma_wait3A = arith.constant 0 : i32
    %dma_wait3A_75 = tpu.memref_slice %arg11[%add3A_74, %dma_wait3A] : memref<10240x64xf32, #tpu.memory_space<vmem_shared>> -> memref<80x64xf32, #tpu.memory_space<vmem_shared>>
    %dma_wait3A_76 = arith.constant 0 : i32
    %dma_wait3A_77 = tpu.memref_slice %arg11[%add3A_74, %dma_wait3A_76] : memref<10240x64xf32, #tpu.memory_space<vmem_shared>> -> memref<80x64xf32, #tpu.memory_space<vmem_shared>>
    tpu.wait_dma2 semaphore(%arg16 : memref<!tpu.dma_semaphore, #tpu.memory_space<semaphore_mem>>) src(%arg8 : memref<80x64xf32, #tpu.memory_space<vmem>>) dst(%dma_wait3A_77 : memref<80x64xf32, #tpu.memory_space<vmem_shared>>)
    %mul3A_78 = arith.constant 640 : i32
    %mul3A_79 = arith.muli %arg1, %mul3A_78 : i32
    %add3A_80 = arith.constant 80 : i32
    %add3A_81 = arith.addi %mul3A_79, %add3A_80 : i32
    %dma_wait3A_82 = arith.constant 0 : i32
    %dma_wait3A_83 = tpu.memref_slice %arg11[%add3A_81, %dma_wait3A_82] : memref<10240x64xf32, #tpu.memory_space<vmem_shared>> -> memref<80x64xf32, #tpu.memory_space<vmem_shared>>
    %dma_wait3A_84 = arith.constant 0 : i32
    %dma_wait3A_85 = tpu.memref_slice %arg11[%add3A_81, %dma_wait3A_84] : memref<10240x64xf32, #tpu.memory_space<vmem_shared>> -> memref<80x64xf32, #tpu.memory_space<vmem_shared>>
    tpu.wait_dma2 semaphore(%arg16 : memref<!tpu.dma_semaphore, #tpu.memory_space<semaphore_mem>>) src(%arg8 : memref<80x64xf32, #tpu.memory_space<vmem>>) dst(%dma_wait3A_85 : memref<80x64xf32, #tpu.memory_space<vmem_shared>>)
    %mul3A_86 = arith.constant 640 : i32
    %mul3A_87 = arith.muli %arg1, %mul3A_86 : i32
    %add3A_88 = arith.constant 160 : i32
    %add3A_89 = arith.addi %mul3A_87, %add3A_88 : i32
    %dma_wait3A_90 = arith.constant 0 : i32
    %dma_wait3A_91 = tpu.memref_slice %arg11[%add3A_89, %dma_wait3A_90] : memref<10240x64xf32, #tpu.memory_space<vmem_shared>> -> memref<80x64xf32, #tpu.memory_space<vmem_shared>>
    %dma_wait3A_92 = arith.constant 0 : i32
    %dma_wait3A_93 = tpu.memref_slice %arg11[%add3A_89, %dma_wait3A_92] : memref<10240x64xf32, #tpu.memory_space<vmem_shared>> -> memref<80x64xf32, #tpu.memory_space<vmem_shared>>
    tpu.wait_dma2 semaphore(%arg16 : memref<!tpu.dma_semaphore, #tpu.memory_space<semaphore_mem>>) src(%arg8 : memref<80x64xf32, #tpu.memory_space<vmem>>) dst(%dma_wait3A_93 : memref<80x64xf32, #tpu.memory_space<vmem_shared>>)
    %mul3A_94 = arith.constant 640 : i32
    %mul3A_95 = arith.muli %arg1, %mul3A_94 : i32
    %add3A_96 = arith.constant 240 : i32
    %add3A_97 = arith.addi %mul3A_95, %add3A_96 : i32
    %dma_wait3A_98 = arith.constant 0 : i32
    %dma_wait3A_99 = tpu.memref_slice %arg11[%add3A_97, %dma_wait3A_98] : memref<10240x64xf32, #tpu.memory_space<vmem_shared>> -> memref<80x64xf32, #tpu.memory_space<vmem_shared>>
    %dma_wait3A_100 = arith.constant 0 : i32
    %dma_wait3A_101 = tpu.memref_slice %arg11[%add3A_97, %dma_wait3A_100] : memref<10240x64xf32, #tpu.memory_space<vmem_shared>> -> memref<80x64xf32, #tpu.memory_space<vmem_shared>>
    tpu.wait_dma2 semaphore(%arg16 : memref<!tpu.dma_semaphore, #tpu.memory_space<semaphore_mem>>) src(%arg8 : memref<80x64xf32, #tpu.memory_space<vmem>>) dst(%dma_wait3A_101 : memref<80x64xf32, #tpu.memory_space<vmem_shared>>)
    %mul3A_102 = arith.constant 640 : i32
    %mul3A_103 = arith.muli %arg1, %mul3A_102 : i32
    %add3A_104 = arith.constant 320 : i32
    %add3A_105 = arith.addi %mul3A_103, %add3A_104 : i32
    %dma_wait3A_106 = arith.constant 0 : i32
    %dma_wait3A_107 = tpu.memref_slice %arg11[%add3A_105, %dma_wait3A_106] : memref<10240x64xf32, #tpu.memory_space<vmem_shared>> -> memref<80x64xf32, #tpu.memory_space<vmem_shared>>
    %dma_wait3A_108 = arith.constant 0 : i32
    %dma_wait3A_109 = tpu.memref_slice %arg11[%add3A_105, %dma_wait3A_108] : memref<10240x64xf32, #tpu.memory_space<vmem_shared>> -> memref<80x64xf32, #tpu.memory_space<vmem_shared>>
    tpu.wait_dma2 semaphore(%arg16 : memref<!tpu.dma_semaphore, #tpu.memory_space<semaphore_mem>>) src(%arg8 : memref<80x64xf32, #tpu.memory_space<vmem>>) dst(%dma_wait3A_109 : memref<80x64xf32, #tpu.memory_space<vmem_shared>>)
    %mul3A_110 = arith.constant 640 : i32
    %mul3A_111 = arith.muli %arg1, %mul3A_110 : i32
    %add3A_112 = arith.constant 400 : i32
    %add3A_113 = arith.addi %mul3A_111, %add3A_112 : i32
    %dma_wait3A_114 = arith.constant 0 : i32
    %dma_wait3A_115 = tpu.memref_slice %arg11[%add3A_113, %dma_wait3A_114] : memref<10240x64xf32, #tpu.memory_space<vmem_shared>> -> memref<80x64xf32, #tpu.memory_space<vmem_shared>>
    %dma_wait3A_116 = arith.constant 0 : i32
    %dma_wait3A_117 = tpu.memref_slice %arg11[%add3A_113, %dma_wait3A_116] : memref<10240x64xf32, #tpu.memory_space<vmem_shared>> -> memref<80x64xf32, #tpu.memory_space<vmem_shared>>
    tpu.wait_dma2 semaphore(%arg16 : memref<!tpu.dma_semaphore, #tpu.memory_space<semaphore_mem>>) src(%arg8 : memref<80x64xf32, #tpu.memory_space<vmem>>) dst(%dma_wait3A_117 : memref<80x64xf32, #tpu.memory_space<vmem_shared>>)
    %mul3A_118 = arith.constant 640 : i32
    %mul3A_119 = arith.muli %arg1, %mul3A_118 : i32
    %add3A_120 = arith.constant 480 : i32
    %add3A_121 = arith.addi %mul3A_119, %add3A_120 : i32
    %dma_wait3A_122 = arith.constant 0 : i32
    %dma_wait3A_123 = tpu.memref_slice %arg11[%add3A_121, %dma_wait3A_122] : memref<10240x64xf32, #tpu.memory_space<vmem_shared>> -> memref<80x64xf32, #tpu.memory_space<vmem_shared>>
    %dma_wait3A_124 = arith.constant 0 : i32
    %dma_wait3A_125 = tpu.memref_slice %arg11[%add3A_121, %dma_wait3A_124] : memref<10240x64xf32, #tpu.memory_space<vmem_shared>> -> memref<80x64xf32, #tpu.memory_space<vmem_shared>>
    tpu.wait_dma2 semaphore(%arg16 : memref<!tpu.dma_semaphore, #tpu.memory_space<semaphore_mem>>) src(%arg8 : memref<80x64xf32, #tpu.memory_space<vmem>>) dst(%dma_wait3A_125 : memref<80x64xf32, #tpu.memory_space<vmem_shared>>)
    %mul3A_126 = arith.constant 640 : i32
    %mul3A_127 = arith.muli %arg1, %mul3A_126 : i32
    %add3A_128 = arith.constant 560 : i32
    %add3A_129 = arith.addi %mul3A_127, %add3A_128 : i32
    %dma_wait3A_130 = arith.constant 0 : i32
    %dma_wait3A_131 = tpu.memref_slice %arg11[%add3A_129, %dma_wait3A_130] : memref<10240x64xf32, #tpu.memory_space<vmem_shared>> -> memref<80x64xf32, #tpu.memory_space<vmem_shared>>
    %dma_wait3A_132 = arith.constant 0 : i32
    %dma_wait3A_133 = tpu.memref_slice %arg11[%add3A_129, %dma_wait3A_132] : memref<10240x64xf32, #tpu.memory_space<vmem_shared>> -> memref<80x64xf32, #tpu.memory_space<vmem_shared>>
    tpu.wait_dma2 semaphore(%arg16 : memref<!tpu.dma_semaphore, #tpu.memory_space<semaphore_mem>>) src(%arg8 : memref<80x64xf32, #tpu.memory_space<vmem>>) dst(%dma_wait3A_133 : memref<80x64xf32, #tpu.memory_space<vmem_shared>>)
    "tpu.region"() ({
      %run_scoped3A_187 = tpu.sem_alloc : memref<!tpu.dma_semaphore, #tpu.memory_space<semaphore_mem>>
      %dma_start3A_188 = arith.constant 0 : i32
      %dma_start3A_189 = arith.constant 0 : i32
      %dma_start3A_190 = tpu.memref_slice %arg3[%add3A, %dma_start3A_188, %dma_start3A_189] : memref<32x125x80xi32, #tpu.memory_space<hbm>> -> memref<1x125x80xi32, #tpu.memory_space<hbm>>
      %dma_start3A_191 = tpu.memref_squeeze %dma_start3A_190 : memref<1x125x80xi32, #tpu.memory_space<hbm>> -> memref<125x80xi32, #tpu.memory_space<hbm>>
      %dma_start3A_192 = arith.constant 0 : i32
      %dma_start3A_193 = arith.constant 0 : i32
      %dma_start3A_194 = tpu.memref_slice %arg3[%add3A, %dma_start3A_192, %dma_start3A_193] : memref<32x125x80xi32, #tpu.memory_space<hbm>> -> memref<1x125x80xi32, #tpu.memory_space<hbm>>
      %dma_start3A_195 = tpu.memref_squeeze %dma_start3A_194 : memref<1x125x80xi32, #tpu.memory_space<hbm>> -> memref<125x80xi32, #tpu.memory_space<hbm>>
      tpu.enqueue_dma source(%dma_start3A_195 : memref<125x80xi32, #tpu.memory_space<hbm>>) target(%arg7 : memref<125x80xi32, #tpu.memory_space<vmem>>) target_semaphore(%run_scoped3A_187 : memref<!tpu.dma_semaphore, #tpu.memory_space<semaphore_mem>>)
      %dma_wait3A_196 = arith.constant 0 : i32
      %dma_wait3A_197 = arith.constant 0 : i32
      %dma_wait3A_198 = tpu.memref_slice %arg3[%add3A, %dma_wait3A_196, %dma_wait3A_197] : memref<32x125x80xi32, #tpu.memory_space<hbm>> -> memref<1x125x80xi32, #tpu.memory_space<hbm>>
      %dma_wait3A_199 = tpu.memref_squeeze %dma_wait3A_198 : memref<1x125x80xi32, #tpu.memory_space<hbm>> -> memref<125x80xi32, #tpu.memory_space<hbm>>
      %dma_wait3A_200 = arith.constant 0 : i32
      %dma_wait3A_201 = arith.constant 0 : i32
      %dma_wait3A_202 = tpu.memref_slice %arg3[%add3A, %dma_wait3A_200, %dma_wait3A_201] : memref<32x125x80xi32, #tpu.memory_space<hbm>> -> memref<1x125x80xi32, #tpu.memory_space<hbm>>
      %dma_wait3A_203 = tpu.memref_squeeze %dma_wait3A_202 : memref<1x125x80xi32, #tpu.memory_space<hbm>> -> memref<125x80xi32, #tpu.memory_space<hbm>>
      tpu.wait_dma2 semaphore(%run_scoped3A_187 : memref<!tpu.dma_semaphore, #tpu.memory_space<semaphore_mem>>) src(%dma_wait3A_203 : memref<125x80xi32, #tpu.memory_space<hbm>>) dst(%arg7 : memref<125x80xi32, #tpu.memory_space<vmem>>)
      tpu.yield
    }) : () -> ()
    %barrier3A = arith.constant 0 : index
    tpu.barrier barrier_id(%barrier3A)
    %mul3A_134 = arith.constant 160000 : i32
    %mul3A_135 = arith.muli %arg0, %mul3A_134 : i32
    %mul3A_136 = arith.constant 10000 : i32
    %mul3A_137 = arith.muli %arg1, %mul3A_136 : i32
    %add3A_138 = arith.addi %mul3A_135, %mul3A_137 : i32
    %add3A_139 = arith.constant 0 : i32
    %add3A_140 = arith.addi %add3A_138, %add3A_139 : i32
    %dma_start3A_141 = arith.constant 0 : i32
    %dma_start3A_142 = arith.constant 0 : i32
    %dma_start3A_143 = arith.constant 0 : i32
    %dma_start3A_144 = tpu.memref_slice %arg6[%dma_start3A_141, %dma_start3A_142, %dma_start3A_143] : memref<2x400x64xf32, #tpu.memory_space<vmem>> -> memref<1x400x64xf32, #tpu.memory_space<vmem>>
    %dma_start3A_145 = tpu.memref_squeeze %dma_start3A_144 : memref<1x400x64xf32, #tpu.memory_space<vmem>> -> memref<400x64xf32, #tpu.memory_space<vmem>>
    %dma_start3A_146 = arith.constant 0 : i32
    %dma_start3A_147 = tpu.memref_slice %arg2[%add3A_140, %dma_start3A_146] : memref<320000x64xf32, #tpu.memory_space<hbm>> -> memref<400x64xf32, #tpu.memory_space<hbm>>
    %dma_start3A_148 = arith.constant 0 : i32
    %dma_start3A_149 = arith.constant 0 : i32
    %dma_start3A_150 = tpu.memref_slice %arg6[%dma_start3A_141, %dma_start3A_148, %dma_start3A_149] : memref<2x400x64xf32, #tpu.memory_space<vmem>> -> memref<1x400x64xf32, #tpu.memory_space<vmem>>
    %dma_start3A_151 = tpu.memref_squeeze %dma_start3A_150 : memref<1x400x64xf32, #tpu.memory_space<vmem>> -> memref<400x64xf32, #tpu.memory_space<vmem>>
    %dma_start3A_152 = arith.constant 0 : i32
    %dma_start3A_153 = tpu.memref_slice %arg2[%add3A_140, %dma_start3A_152] : memref<320000x64xf32, #tpu.memory_space<hbm>> -> memref<400x64xf32, #tpu.memory_space<hbm>>
    tpu.enqueue_dma source(%dma_start3A_153 : memref<400x64xf32, #tpu.memory_space<hbm>>) target(%dma_start3A_151 : memref<400x64xf32, #tpu.memory_space<vmem>>) target_semaphore(%arg13 : memref<!tpu.dma_semaphore, #tpu.memory_space<semaphore_mem>>)
    %scan3A_154 = arith.constant 0 : i32
    %scan3A_155 = arith.constant 0 : i32
    %scan3A_156 = arith.constant 25 : i32
    %scan3A_157 = arith.addi %scan3A_155, %scan3A_156 : i32
    %scan3A_158 = arith.constant 1 : i32
    %scan3A_159 = scf.for %scan3A_187 = %scan3A_155 to %scan3A_157 step %scan3A_158 iter_args(%scan3A_188 = %scan3A_154) -> (i32)  : i32 {
      %and3A = arith.constant 1 : i32
      %and3A_189 = arith.andi %scan3A_187, %and3A : i32
      %mul3A_190 = arith.constant 400 : i32
      %mul3A_191 = arith.muli %scan3A_187, %mul3A_190 : i32
      %add3A_192 = arith.addi %add3A_138, %mul3A_191 : i32
      %dma_wait3A_193 = arith.constant 0 : i32
      %dma_wait3A_194 = arith.constant 0 : i32
      %dma_wait3A_195 = tpu.memref_slice %arg6[%and3A_189, %dma_wait3A_193, %dma_wait3A_194] : memref<2x400x64xf32, #tpu.memory_space<vmem>> -> memref<1x400x64xf32, #tpu.memory_space<vmem>>
      %dma_wait3A_196 = tpu.memref_squeeze %dma_wait3A_195 : memref<1x400x64xf32, #tpu.memory_space<vmem>> -> memref<400x64xf32, #tpu.memory_space<vmem>>
      %dma_wait3A_197 = arith.constant 0 : i32
      %dma_wait3A_198 = tpu.memref_slice %arg2[%add3A_192, %dma_wait3A_197] : memref<320000x64xf32, #tpu.memory_space<hbm>> -> memref<400x64xf32, #tpu.memory_space<hbm>>
      %dma_wait3A_199 = arith.constant 0 : i32
      %dma_wait3A_200 = arith.constant 0 : i32
      %dma_wait3A_201 = tpu.memref_slice %arg6[%and3A_189, %dma_wait3A_199, %dma_wait3A_200] : memref<2x400x64xf32, #tpu.memory_space<vmem>> -> memref<1x400x64xf32, #tpu.memory_space<vmem>>
      %dma_wait3A_202 = tpu.memref_squeeze %dma_wait3A_201 : memref<1x400x64xf32, #tpu.memory_space<vmem>> -> memref<400x64xf32, #tpu.memory_space<vmem>>
      %dma_wait3A_203 = arith.constant 0 : i32
      %dma_wait3A_204 = tpu.memref_slice %arg2[%add3A_192, %dma_wait3A_203] : memref<320000x64xf32, #tpu.memory_space<hbm>> -> memref<400x64xf32, #tpu.memory_space<hbm>>
      tpu.wait_dma2 semaphore(%arg13 : memref<!tpu.dma_semaphore, #tpu.memory_space<semaphore_mem>>) src(%dma_wait3A_204 : memref<400x64xf32, #tpu.memory_space<hbm>>) dst(%dma_wait3A_202 : memref<400x64xf32, #tpu.memory_space<vmem>>)
      %add3A_205 = arith.constant 1 : i32
      %add3A_206 = arith.addi %scan3A_187, %add3A_205 : i32
      %lt3A = arith.constant 25 : i32
      %lt3A_207 = arith.cmpi slt, %add3A_206, %lt3A : i32
      %convert_element_type3A = arith.extui %lt3A_207 : i1 to i32
      %cond3A = arith.constant 0 : i32
      %cond3A_208 = arith.cmpi ne, %convert_element_type3A, %cond3A : i32
      scf.if %cond3A_208 {
        %add3A_335 = arith.constant 1 : i32
        %add3A_336 = arith.addi %scan3A_187, %add3A_335 : i32
        %mul3A_337 = arith.constant 400 : i32
        %mul3A_338 = arith.muli %add3A_336, %mul3A_337 : i32
        %add3A_339 = arith.addi %add3A_138, %mul3A_338 : i32
        %sub3A = arith.constant 1 : i32
        %sub3A_340 = arith.subi %sub3A, %and3A_189 : i32
        %dma_start3A_341 = arith.constant 0 : i32
        %dma_start3A_342 = arith.constant 0 : i32
        %dma_start3A_343 = tpu.memref_slice %arg6[%sub3A_340, %dma_start3A_341, %dma_start3A_342] : memref<2x400x64xf32, #tpu.memory_space<vmem>> -> memref<1x400x64xf32, #tpu.memory_space<vmem>>
        %dma_start3A_344 = tpu.memref_squeeze %dma_start3A_343 : memref<1x400x64xf32, #tpu.memory_space<vmem>> -> memref<400x64xf32, #tpu.memory_space<vmem>>
        %dma_start3A_345 = arith.constant 0 : i32
        %dma_start3A_346 = tpu.memref_slice %arg2[%add3A_339, %dma_start3A_345] : memref<320000x64xf32, #tpu.memory_space<hbm>> -> memref<400x64xf32, #tpu.memory_space<hbm>>
        %dma_start3A_347 = arith.constant 0 : i32
        %dma_start3A_348 = arith.constant 0 : i32
        %dma_start3A_349 = tpu.memref_slice %arg6[%sub3A_340, %dma_start3A_347, %dma_start3A_348] : memref<2x400x64xf32, #tpu.memory_space<vmem>> -> memref<1x400x64xf32, #tpu.memory_space<vmem>>
        %dma_start3A_350 = tpu.memref_squeeze %dma_start3A_349 : memref<1x400x64xf32, #tpu.memory_space<vmem>> -> memref<400x64xf32, #tpu.memory_space<vmem>>
        %dma_start3A_351 = arith.constant 0 : i32
        %dma_start3A_352 = tpu.memref_slice %arg2[%add3A_339, %dma_start3A_351] : memref<320000x64xf32, #tpu.memory_space<hbm>> -> memref<400x64xf32, #tpu.memory_space<hbm>>
        tpu.enqueue_dma source(%dma_start3A_352 : memref<400x64xf32, #tpu.memory_space<hbm>>) target(%dma_start3A_350 : memref<400x64xf32, #tpu.memory_space<vmem>>) target_semaphore(%arg13 : memref<!tpu.dma_semaphore, #tpu.memory_space<semaphore_mem>>)
      } else {
      }
      %mul3A_209 = arith.constant 5 : i32
      %mul3A_210 = arith.muli %scan3A_187, %mul3A_209 : i32
      %add3A_211 = arith.constant 0 : i32
      %add3A_212 = arith.addi %mul3A_210, %add3A_211 : i32
      %dma_start3A_213 = arith.constant 0 : i32
      %dma_start3A_214 = arith.constant 0 : i32
      %dma_start3A_215 = tpu.memref_slice %arg6[%and3A_189, %dma_start3A_213, %dma_start3A_214] : memref<2x400x64xf32, #tpu.memory_space<vmem>> -> memref<1x80x64xf32, #tpu.memory_space<vmem>>
      %dma_start3A_216 = tpu.memref_squeeze %dma_start3A_215 : memref<1x80x64xf32, #tpu.memory_space<vmem>> -> memref<80x64xf32, #tpu.memory_space<vmem>>
      %dma_start3A_217 = arith.constant 0 : i32
      %dma_start3A_218 = tpu.memref_slice %arg7[%add3A_212, %dma_start3A_217] : memref<125x80xi32, #tpu.memory_space<vmem>> -> memref<1x80xi32, #tpu.memory_space<vmem>>
      %dma_start3A_219 = tpu.memref_squeeze %dma_start3A_218 : memref<1x80xi32, #tpu.memory_space<vmem>> -> memref<80xi32, #tpu.memory_space<vmem>>
      %dma_start3A_220 = arith.constant 0 : i32
      %dma_start3A_221 = arith.constant 0 : i32
      %dma_start3A_222 = tpu.memref_slice %arg11[%dma_start3A_220, %dma_start3A_221] : memref<10240x64xf32, #tpu.memory_space<vmem_shared>> -> memref<10240x64xf32, #tpu.memory_space<vmem_shared>>
      tpu.enqueue_indirect_dma source(%dma_start3A_216 : memref<80x64xf32, #tpu.memory_space<vmem>>) target(%dma_start3A_222 : memref<10240x64xf32, #tpu.memory_space<vmem_shared>>) offsets(%dma_start3A_219 : memref<80xi32, #tpu.memory_space<vmem>>) semaphore(%arg14 : memref<!tpu.dma_semaphore, #tpu.memory_space<semaphore_mem>>) {add = true}
      %mul3A_223 = arith.constant 5 : i32
      %mul3A_224 = arith.muli %scan3A_187, %mul3A_223 : i32
      %add3A_225 = arith.constant 1 : i32
      %add3A_226 = arith.addi %mul3A_224, %add3A_225 : i32
      %dma_start3A_227 = arith.constant 80 : i32
      %dma_start3A_228 = arith.constant 0 : i32
      %dma_start3A_229 = tpu.memref_slice %arg6[%and3A_189, %dma_start3A_227, %dma_start3A_228] : memref<2x400x64xf32, #tpu.memory_space<vmem>> -> memref<1x80x64xf32, #tpu.memory_space<vmem>>
      %dma_start3A_230 = tpu.memref_squeeze %dma_start3A_229 : memref<1x80x64xf32, #tpu.memory_space<vmem>> -> memref<80x64xf32, #tpu.memory_space<vmem>>
      %dma_start3A_231 = arith.constant 0 : i32
      %dma_start3A_232 = tpu.memref_slice %arg7[%add3A_226, %dma_start3A_231] : memref<125x80xi32, #tpu.memory_space<vmem>> -> memref<1x80xi32, #tpu.memory_space<vmem>>
      %dma_start3A_233 = tpu.memref_squeeze %dma_start3A_232 : memref<1x80xi32, #tpu.memory_space<vmem>> -> memref<80xi32, #tpu.memory_space<vmem>>
      %dma_start3A_234 = arith.constant 0 : i32
      %dma_start3A_235 = arith.constant 0 : i32
      %dma_start3A_236 = tpu.memref_slice %arg11[%dma_start3A_234, %dma_start3A_235] : memref<10240x64xf32, #tpu.memory_space<vmem_shared>> -> memref<10240x64xf32, #tpu.memory_space<vmem_shared>>
      tpu.enqueue_indirect_dma source(%dma_start3A_230 : memref<80x64xf32, #tpu.memory_space<vmem>>) target(%dma_start3A_236 : memref<10240x64xf32, #tpu.memory_space<vmem_shared>>) offsets(%dma_start3A_233 : memref<80xi32, #tpu.memory_space<vmem>>) semaphore(%arg14 : memref<!tpu.dma_semaphore, #tpu.memory_space<semaphore_mem>>) {add = true}
      %mul3A_237 = arith.constant 5 : i32
      %mul3A_238 = arith.muli %scan3A_187, %mul3A_237 : i32
      %add3A_239 = arith.constant 2 : i32
      %add3A_240 = arith.addi %mul3A_238, %add3A_239 : i32
      %dma_start3A_241 = arith.constant 160 : i32
      %dma_start3A_242 = arith.constant 0 : i32
      %dma_start3A_243 = tpu.memref_slice %arg6[%and3A_189, %dma_start3A_241, %dma_start3A_242] : memref<2x400x64xf32, #tpu.memory_space<vmem>> -> memref<1x80x64xf32, #tpu.memory_space<vmem>>
      %dma_start3A_244 = tpu.memref_squeeze %dma_start3A_243 : memref<1x80x64xf32, #tpu.memory_space<vmem>> -> memref<80x64xf32, #tpu.memory_space<vmem>>
      %dma_start3A_245 = arith.constant 0 : i32
      %dma_start3A_246 = tpu.memref_slice %arg7[%add3A_240, %dma_start3A_245] : memref<125x80xi32, #tpu.memory_space<vmem>> -> memref<1x80xi32, #tpu.memory_space<vmem>>
      %dma_start3A_247 = tpu.memref_squeeze %dma_start3A_246 : memref<1x80xi32, #tpu.memory_space<vmem>> -> memref<80xi32, #tpu.memory_space<vmem>>
      %dma_start3A_248 = arith.constant 0 : i32
      %dma_start3A_249 = arith.constant 0 : i32
      %dma_start3A_250 = tpu.memref_slice %arg11[%dma_start3A_248, %dma_start3A_249] : memref<10240x64xf32, #tpu.memory_space<vmem_shared>> -> memref<10240x64xf32, #tpu.memory_space<vmem_shared>>
      tpu.enqueue_indirect_dma source(%dma_start3A_244 : memref<80x64xf32, #tpu.memory_space<vmem>>) target(%dma_start3A_250 : memref<10240x64xf32, #tpu.memory_space<vmem_shared>>) offsets(%dma_start3A_247 : memref<80xi32, #tpu.memory_space<vmem>>) semaphore(%arg14 : memref<!tpu.dma_semaphore, #tpu.memory_space<semaphore_mem>>) {add = true}
      %mul3A_251 = arith.constant 5 : i32
      %mul3A_252 = arith.muli %scan3A_187, %mul3A_251 : i32
      %add3A_253 = arith.constant 3 : i32
      %add3A_254 = arith.addi %mul3A_252, %add3A_253 : i32
      %dma_start3A_255 = arith.constant 240 : i32
      %dma_start3A_256 = arith.constant 0 : i32
      %dma_start3A_257 = tpu.memref_slice %arg6[%and3A_189, %dma_start3A_255, %dma_start3A_256] : memref<2x400x64xf32, #tpu.memory_space<vmem>> -> memref<1x80x64xf32, #tpu.memory_space<vmem>>
      %dma_start3A_258 = tpu.memref_squeeze %dma_start3A_257 : memref<1x80x64xf32, #tpu.memory_space<vmem>> -> memref<80x64xf32, #tpu.memory_space<vmem>>
      %dma_start3A_259 = arith.constant 0 : i32
      %dma_start3A_260 = tpu.memref_slice %arg7[%add3A_254, %dma_start3A_259] : memref<125x80xi32, #tpu.memory_space<vmem>> -> memref<1x80xi32, #tpu.memory_space<vmem>>
      %dma_start3A_261 = tpu.memref_squeeze %dma_start3A_260 : memref<1x80xi32, #tpu.memory_space<vmem>> -> memref<80xi32, #tpu.memory_space<vmem>>
      %dma_start3A_262 = arith.constant 0 : i32
      %dma_start3A_263 = arith.constant 0 : i32
      %dma_start3A_264 = tpu.memref_slice %arg11[%dma_start3A_262, %dma_start3A_263] : memref<10240x64xf32, #tpu.memory_space<vmem_shared>> -> memref<10240x64xf32, #tpu.memory_space<vmem_shared>>
      tpu.enqueue_indirect_dma source(%dma_start3A_258 : memref<80x64xf32, #tpu.memory_space<vmem>>) target(%dma_start3A_264 : memref<10240x64xf32, #tpu.memory_space<vmem_shared>>) offsets(%dma_start3A_261 : memref<80xi32, #tpu.memory_space<vmem>>) semaphore(%arg14 : memref<!tpu.dma_semaphore, #tpu.memory_space<semaphore_mem>>) {add = true}
      %mul3A_265 = arith.constant 5 : i32
      %mul3A_266 = arith.muli %scan3A_187, %mul3A_265 : i32
      %add3A_267 = arith.constant 4 : i32
      %add3A_268 = arith.addi %mul3A_266, %add3A_267 : i32
      %dma_start3A_269 = arith.constant 320 : i32
      %dma_start3A_270 = arith.constant 0 : i32
      %dma_start3A_271 = tpu.memref_slice %arg6[%and3A_189, %dma_start3A_269, %dma_start3A_270] : memref<2x400x64xf32, #tpu.memory_space<vmem>> -> memref<1x80x64xf32, #tpu.memory_space<vmem>>
      %dma_start3A_272 = tpu.memref_squeeze %dma_start3A_271 : memref<1x80x64xf32, #tpu.memory_space<vmem>> -> memref<80x64xf32, #tpu.memory_space<vmem>>
      %dma_start3A_273 = arith.constant 0 : i32
      %dma_start3A_274 = tpu.memref_slice %arg7[%add3A_268, %dma_start3A_273] : memref<125x80xi32, #tpu.memory_space<vmem>> -> memref<1x80xi32, #tpu.memory_space<vmem>>
      %dma_start3A_275 = tpu.memref_squeeze %dma_start3A_274 : memref<1x80xi32, #tpu.memory_space<vmem>> -> memref<80xi32, #tpu.memory_space<vmem>>
      %dma_start3A_276 = arith.constant 0 : i32
      %dma_start3A_277 = arith.constant 0 : i32
      %dma_start3A_278 = tpu.memref_slice %arg11[%dma_start3A_276, %dma_start3A_277] : memref<10240x64xf32, #tpu.memory_space<vmem_shared>> -> memref<10240x64xf32, #tpu.memory_space<vmem_shared>>
      tpu.enqueue_indirect_dma source(%dma_start3A_272 : memref<80x64xf32, #tpu.memory_space<vmem>>) target(%dma_start3A_278 : memref<10240x64xf32, #tpu.memory_space<vmem_shared>>) offsets(%dma_start3A_275 : memref<80xi32, #tpu.memory_space<vmem>>) semaphore(%arg14 : memref<!tpu.dma_semaphore, #tpu.memory_space<semaphore_mem>>) {add = true}
      %dma_wait3A_279 = arith.constant 0 : i32
      %dma_wait3A_280 = arith.constant 0 : i32
      %dma_wait3A_281 = arith.constant 0 : i32
      %dma_wait3A_282 = tpu.memref_slice %arg6[%and3A_189, %dma_wait3A_280, %dma_wait3A_281] : memref<2x400x64xf32, #tpu.memory_space<vmem>> -> memref<1x80x64xf32, #tpu.memory_space<vmem>>
      %dma_wait3A_283 = tpu.memref_squeeze %dma_wait3A_282 : memref<1x80x64xf32, #tpu.memory_space<vmem>> -> memref<80x64xf32, #tpu.memory_space<vmem>>
      %dma_wait3A_284 = arith.constant 0 : i32
      %dma_wait3A_285 = tpu.memref_slice %arg7[%dma_wait3A_279, %dma_wait3A_284] : memref<125x80xi32, #tpu.memory_space<vmem>> -> memref<1x80xi32, #tpu.memory_space<vmem>>
      %dma_wait3A_286 = tpu.memref_squeeze %dma_wait3A_285 : memref<1x80xi32, #tpu.memory_space<vmem>> -> memref<80xi32, #tpu.memory_space<vmem>>
      %dma_wait3A_287 = arith.constant 0 : i32
      %dma_wait3A_288 = arith.constant 0 : i32
      %dma_wait3A_289 = tpu.memref_slice %arg11[%dma_wait3A_287, %dma_wait3A_288] : memref<10240x64xf32, #tpu.memory_space<vmem_shared>> -> memref<10240x64xf32, #tpu.memory_space<vmem_shared>>
      tpu.wait_indirect_dma semaphore(%arg14 : memref<!tpu.dma_semaphore, #tpu.memory_space<semaphore_mem>>) src(%dma_wait3A_283 : memref<80x64xf32, #tpu.memory_space<vmem>>) dst(%dma_wait3A_289 : memref<10240x64xf32, #tpu.memory_space<vmem_shared>>)
      %dma_wait3A_290 = arith.constant 0 : i32
      %dma_wait3A_291 = arith.constant 80 : i32
      %dma_wait3A_292 = arith.constant 0 : i32
      %dma_wait3A_293 = tpu.memref_slice %arg6[%and3A_189, %dma_wait3A_291, %dma_wait3A_292] : memref<2x400x64xf32, #tpu.memory_space<vmem>> -> memref<1x80x64xf32, #tpu.memory_space<vmem>>
      %dma_wait3A_294 = tpu.memref_squeeze %dma_wait3A_293 : memref<1x80x64xf32, #tpu.memory_space<vmem>> -> memref<80x64xf32, #tpu.memory_space<vmem>>
      %dma_wait3A_295 = arith.constant 0 : i32
      %dma_wait3A_296 = tpu.memref_slice %arg7[%dma_wait3A_290, %dma_wait3A_295] : memref<125x80xi32, #tpu.memory_space<vmem>> -> memref<1x80xi32, #tpu.memory_space<vmem>>
      %dma_wait3A_297 = tpu.memref_squeeze %dma_wait3A_296 : memref<1x80xi32, #tpu.memory_space<vmem>> -> memref<80xi32, #tpu.memory_space<vmem>>
      %dma_wait3A_298 = arith.constant 0 : i32
      %dma_wait3A_299 = arith.constant 0 : i32
      %dma_wait3A_300 = tpu.memref_slice %arg11[%dma_wait3A_298, %dma_wait3A_299] : memref<10240x64xf32, #tpu.memory_space<vmem_shared>> -> memref<10240x64xf32, #tpu.memory_space<vmem_shared>>
      tpu.wait_indirect_dma semaphore(%arg14 : memref<!tpu.dma_semaphore, #tpu.memory_space<semaphore_mem>>) src(%dma_wait3A_294 : memref<80x64xf32, #tpu.memory_space<vmem>>) dst(%dma_wait3A_300 : memref<10240x64xf32, #tpu.memory_space<vmem_shared>>)
      %dma_wait3A_301 = arith.constant 0 : i32
      %dma_wait3A_302 = arith.constant 160 : i32
      %dma_wait3A_303 = arith.constant 0 : i32
      %dma_wait3A_304 = tpu.memref_slice %arg6[%and3A_189, %dma_wait3A_302, %dma_wait3A_303] : memref<2x400x64xf32, #tpu.memory_space<vmem>> -> memref<1x80x64xf32, #tpu.memory_space<vmem>>
      %dma_wait3A_305 = tpu.memref_squeeze %dma_wait3A_304 : memref<1x80x64xf32, #tpu.memory_space<vmem>> -> memref<80x64xf32, #tpu.memory_space<vmem>>
      %dma_wait3A_306 = arith.constant 0 : i32
      %dma_wait3A_307 = tpu.memref_slice %arg7[%dma_wait3A_301, %dma_wait3A_306] : memref<125x80xi32, #tpu.memory_space<vmem>> -> memref<1x80xi32, #tpu.memory_space<vmem>>
      %dma_wait3A_308 = tpu.memref_squeeze %dma_wait3A_307 : memref<1x80xi32, #tpu.memory_space<vmem>> -> memref<80xi32, #tpu.memory_space<vmem>>
      %dma_wait3A_309 = arith.constant 0 : i32
      %dma_wait3A_310 = arith.constant 0 : i32
      %dma_wait3A_311 = tpu.memref_slice %arg11[%dma_wait3A_309, %dma_wait3A_310] : memref<10240x64xf32, #tpu.memory_space<vmem_shared>> -> memref<10240x64xf32, #tpu.memory_space<vmem_shared>>
      tpu.wait_indirect_dma semaphore(%arg14 : memref<!tpu.dma_semaphore, #tpu.memory_space<semaphore_mem>>) src(%dma_wait3A_305 : memref<80x64xf32, #tpu.memory_space<vmem>>) dst(%dma_wait3A_311 : memref<10240x64xf32, #tpu.memory_space<vmem_shared>>)
      %dma_wait3A_312 = arith.constant 0 : i32
      %dma_wait3A_313 = arith.constant 240 : i32
      %dma_wait3A_314 = arith.constant 0 : i32
      %dma_wait3A_315 = tpu.memref_slice %arg6[%and3A_189, %dma_wait3A_313, %dma_wait3A_314] : memref<2x400x64xf32, #tpu.memory_space<vmem>> -> memref<1x80x64xf32, #tpu.memory_space<vmem>>
      %dma_wait3A_316 = tpu.memref_squeeze %dma_wait3A_315 : memref<1x80x64xf32, #tpu.memory_space<vmem>> -> memref<80x64xf32, #tpu.memory_space<vmem>>
      %dma_wait3A_317 = arith.constant 0 : i32
      %dma_wait3A_318 = tpu.memref_slice %arg7[%dma_wait3A_312, %dma_wait3A_317] : memref<125x80xi32, #tpu.memory_space<vmem>> -> memref<1x80xi32, #tpu.memory_space<vmem>>
      %dma_wait3A_319 = tpu.memref_squeeze %dma_wait3A_318 : memref<1x80xi32, #tpu.memory_space<vmem>> -> memref<80xi32, #tpu.memory_space<vmem>>
      %dma_wait3A_320 = arith.constant 0 : i32
      %dma_wait3A_321 = arith.constant 0 : i32
      %dma_wait3A_322 = tpu.memref_slice %arg11[%dma_wait3A_320, %dma_wait3A_321] : memref<10240x64xf32, #tpu.memory_space<vmem_shared>> -> memref<10240x64xf32, #tpu.memory_space<vmem_shared>>
      tpu.wait_indirect_dma semaphore(%arg14 : memref<!tpu.dma_semaphore, #tpu.memory_space<semaphore_mem>>) src(%dma_wait3A_316 : memref<80x64xf32, #tpu.memory_space<vmem>>) dst(%dma_wait3A_322 : memref<10240x64xf32, #tpu.memory_space<vmem_shared>>)
      %dma_wait3A_323 = arith.constant 0 : i32
      %dma_wait3A_324 = arith.constant 320 : i32
      %dma_wait3A_325 = arith.constant 0 : i32
      %dma_wait3A_326 = tpu.memref_slice %arg6[%and3A_189, %dma_wait3A_324, %dma_wait3A_325] : memref<2x400x64xf32, #tpu.memory_space<vmem>> -> memref<1x80x64xf32, #tpu.memory_space<vmem>>
      %dma_wait3A_327 = tpu.memref_squeeze %dma_wait3A_326 : memref<1x80x64xf32, #tpu.memory_space<vmem>> -> memref<80x64xf32, #tpu.memory_space<vmem>>
      %dma_wait3A_328 = arith.constant 0 : i32
      %dma_wait3A_329 = tpu.memref_slice %arg7[%dma_wait3A_323, %dma_wait3A_328] : memref<125x80xi32, #tpu.memory_space<vmem>> -> memref<1x80xi32, #tpu.memory_space<vmem>>
      %dma_wait3A_330 = tpu.memref_squeeze %dma_wait3A_329 : memref<1x80xi32, #tpu.memory_space<vmem>> -> memref<80xi32, #tpu.memory_space<vmem>>
      %dma_wait3A_331 = arith.constant 0 : i32
      %dma_wait3A_332 = arith.constant 0 : i32
      %dma_wait3A_333 = tpu.memref_slice %arg11[%dma_wait3A_331, %dma_wait3A_332] : memref<10240x64xf32, #tpu.memory_space<vmem_shared>> -> memref<10240x64xf32, #tpu.memory_space<vmem_shared>>
      tpu.wait_indirect_dma semaphore(%arg14 : memref<!tpu.dma_semaphore, #tpu.memory_space<semaphore_mem>>) src(%dma_wait3A_327 : memref<80x64xf32, #tpu.memory_space<vmem>>) dst(%dma_wait3A_333 : memref<10240x64xf32, #tpu.memory_space<vmem_shared>>)
      %scan3A_334 = arith.constant 0 : i32
      scf.yield %scan3A_334 : i32
    }
    %scan3A_160 = arith.constant 25 : i32
    %barrier3A_161 = arith.constant 0 : index
    tpu.barrier barrier_id(%barrier3A_161)
    %mul3A_162 = arith.constant 640 : i32
    %mul3A_163 = arith.muli %arg1, %mul3A_162 : i32
    %add3A_164 = arith.constant 0 : i32
    %add3A_165 = arith.addi %mul3A_163, %add3A_164 : i32
    %run_scoped3A = arith.constant 0 : i32
    "tpu.region"() ({
      %run_scoped3A_187 = tpu.sem_alloc : memref<!tpu.dma_semaphore, #tpu.memory_space<semaphore_mem>>
      %dma_start3A_188 = arith.constant 0 : i32
      %dma_start3A_189 = arith.constant 0 : i32
      %dma_start3A_190 = tpu.memref_slice %arg6[%run_scoped3A, %dma_start3A_188, %dma_start3A_189] : memref<2x400x64xf32, #tpu.memory_space<vmem>> -> memref<1x320x64xf32, #tpu.memory_space<vmem>>
      %dma_start3A_191 = tpu.memref_squeeze %dma_start3A_190 : memref<1x320x64xf32, #tpu.memory_space<vmem>> -> memref<320x64xf32, #tpu.memory_space<vmem>>
      %dma_start3A_192 = arith.constant 0 : i32
      %dma_start3A_193 = tpu.memref_slice %arg11[%add3A_165, %dma_start3A_192] : memref<10240x64xf32, #tpu.memory_space<vmem_shared>> -> memref<320x64xf32, #tpu.memory_space<vmem_shared>>
      %dma_start3A_194 = arith.constant 0 : i32
      %dma_start3A_195 = arith.constant 0 : i32
      %dma_start3A_196 = tpu.memref_slice %arg6[%run_scoped3A, %dma_start3A_194, %dma_start3A_195] : memref<2x400x64xf32, #tpu.memory_space<vmem>> -> memref<1x320x64xf32, #tpu.memory_space<vmem>>
      %dma_start3A_197 = tpu.memref_squeeze %dma_start3A_196 : memref<1x320x64xf32, #tpu.memory_space<vmem>> -> memref<320x64xf32, #tpu.memory_space<vmem>>
      %dma_start3A_198 = arith.constant 0 : i32
      %dma_start3A_199 = tpu.memref_slice %arg11[%add3A_165, %dma_start3A_198] : memref<10240x64xf32, #tpu.memory_space<vmem_shared>> -> memref<320x64xf32, #tpu.memory_space<vmem_shared>>
      tpu.enqueue_dma source(%dma_start3A_199 : memref<320x64xf32, #tpu.memory_space<vmem_shared>>) target(%dma_start3A_197 : memref<320x64xf32, #tpu.memory_space<vmem>>) target_semaphore(%run_scoped3A_187 : memref<!tpu.dma_semaphore, #tpu.memory_space<semaphore_mem>>)
      %dma_wait3A_200 = arith.constant 0 : i32
      %dma_wait3A_201 = arith.constant 0 : i32
      %dma_wait3A_202 = tpu.memref_slice %arg6[%run_scoped3A, %dma_wait3A_200, %dma_wait3A_201] : memref<2x400x64xf32, #tpu.memory_space<vmem>> -> memref<1x320x64xf32, #tpu.memory_space<vmem>>
      %dma_wait3A_203 = tpu.memref_squeeze %dma_wait3A_202 : memref<1x320x64xf32, #tpu.memory_space<vmem>> -> memref<320x64xf32, #tpu.memory_space<vmem>>
      %dma_wait3A_204 = arith.constant 0 : i32
      %dma_wait3A_205 = tpu.memref_slice %arg11[%add3A_165, %dma_wait3A_204] : memref<10240x64xf32, #tpu.memory_space<vmem_shared>> -> memref<320x64xf32, #tpu.memory_space<vmem_shared>>
      %dma_wait3A_206 = arith.constant 0 : i32
      %dma_wait3A_207 = arith.constant 0 : i32
      %dma_wait3A_208 = tpu.memref_slice %arg6[%run_scoped3A, %dma_wait3A_206, %dma_wait3A_207] : memref<2x400x64xf32, #tpu.memory_space<vmem>> -> memref<1x320x64xf32, #tpu.memory_space<vmem>>
      %dma_wait3A_209 = tpu.memref_squeeze %dma_wait3A_208 : memref<1x320x64xf32, #tpu.memory_space<vmem>> -> memref<320x64xf32, #tpu.memory_space<vmem>>
      %dma_wait3A_210 = arith.constant 0 : i32
      %dma_wait3A_211 = tpu.memref_slice %arg11[%add3A_165, %dma_wait3A_210] : memref<10240x64xf32, #tpu.memory_space<vmem_shared>> -> memref<320x64xf32, #tpu.memory_space<vmem_shared>>
      tpu.wait_dma2 semaphore(%run_scoped3A_187 : memref<!tpu.dma_semaphore, #tpu.memory_space<semaphore_mem>>) src(%dma_wait3A_211 : memref<320x64xf32, #tpu.memory_space<vmem_shared>>) dst(%dma_wait3A_209 : memref<320x64xf32, #tpu.memory_space<vmem>>)
      tpu.yield
    }) : () -> ()
    %mul3A_166 = arith.constant 10240 : i32
    %mul3A_167 = arith.muli %arg0, %mul3A_166 : i32
    %mul3A_168 = arith.constant 640 : i32
    %mul3A_169 = arith.muli %arg1, %mul3A_168 : i32
    %add3A_170 = arith.addi %mul3A_167, %mul3A_169 : i32
    %add3A_171 = arith.constant 0 : i32
    %add3A_172 = arith.addi %add3A_170, %add3A_171 : i32
    %run_scoped3A_173 = arith.constant 0 : i32
    "tpu.region"() ({
      %run_scoped3A_187 = tpu.sem_alloc : memref<!tpu.dma_semaphore, #tpu.memory_space<semaphore_mem>>
      %dma_start3A_188 = arith.constant 0 : i32
      %dma_start3A_189 = arith.constant 0 : i32
      %dma_start3A_190 = tpu.memref_slice %arg6[%run_scoped3A_173, %dma_start3A_188, %dma_start3A_189] : memref<2x400x64xf32, #tpu.memory_space<vmem>> -> memref<1x320x64xf32, #tpu.memory_space<vmem>>
      %dma_start3A_191 = tpu.memref_squeeze %dma_start3A_190 : memref<1x320x64xf32, #tpu.memory_space<vmem>> -> memref<320x64xf32, #tpu.memory_space<vmem>>
      %dma_start3A_192 = arith.constant 0 : i32
      %dma_start3A_193 = tpu.memref_slice %arg4[%add3A_172, %dma_start3A_192] : memref<20480x64xf32, #tpu.memory_space<hbm>> -> memref<320x64xf32, #tpu.memory_space<hbm>>
      %dma_start3A_194 = arith.constant 0 : i32
      %dma_start3A_195 = tpu.memref_slice %arg4[%add3A_172, %dma_start3A_194] : memref<20480x64xf32, #tpu.memory_space<hbm>> -> memref<320x64xf32, #tpu.memory_space<hbm>>
      %dma_start3A_196 = arith.constant 0 : i32
      %dma_start3A_197 = arith.constant 0 : i32
      %dma_start3A_198 = tpu.memref_slice %arg6[%run_scoped3A_173, %dma_start3A_196, %dma_start3A_197] : memref<2x400x64xf32, #tpu.memory_space<vmem>> -> memref<1x320x64xf32, #tpu.memory_space<vmem>>
      %dma_start3A_199 = tpu.memref_squeeze %dma_start3A_198 : memref<1x320x64xf32, #tpu.memory_space<vmem>> -> memref<320x64xf32, #tpu.memory_space<vmem>>
      tpu.enqueue_dma source(%dma_start3A_199 : memref<320x64xf32, #tpu.memory_space<vmem>>) target(%dma_start3A_195 : memref<320x64xf32, #tpu.memory_space<hbm>>) target_semaphore(%run_scoped3A_187 : memref<!tpu.dma_semaphore, #tpu.memory_space<semaphore_mem>>)
      %dma_wait3A_200 = arith.constant 0 : i32
      %dma_wait3A_201 = arith.constant 0 : i32
      %dma_wait3A_202 = tpu.memref_slice %arg6[%run_scoped3A_173, %dma_wait3A_200, %dma_wait3A_201] : memref<2x400x64xf32, #tpu.memory_space<vmem>> -> memref<1x320x64xf32, #tpu.memory_space<vmem>>
      %dma_wait3A_203 = tpu.memref_squeeze %dma_wait3A_202 : memref<1x320x64xf32, #tpu.memory_space<vmem>> -> memref<320x64xf32, #tpu.memory_space<vmem>>
      %dma_wait3A_204 = arith.constant 0 : i32
      %dma_wait3A_205 = tpu.memref_slice %arg4[%add3A_172, %dma_wait3A_204] : memref<20480x64xf32, #tpu.memory_space<hbm>> -> memref<320x64xf32, #tpu.memory_space<hbm>>
      %dma_wait3A_206 = arith.constant 0 : i32
      %dma_wait3A_207 = tpu.memref_slice %arg4[%add3A_172, %dma_wait3A_206] : memref<20480x64xf32, #tpu.memory_space<hbm>> -> memref<320x64xf32, #tpu.memory_space<hbm>>
      %dma_wait3A_208 = arith.constant 0 : i32
      %dma_wait3A_209 = arith.constant 0 : i32
      %dma_wait3A_210 = tpu.memref_slice %arg6[%run_scoped3A_173, %dma_wait3A_208, %dma_wait3A_209] : memref<2x400x64xf32, #tpu.memory_space<vmem>> -> memref<1x320x64xf32, #tpu.memory_space<vmem>>
      %dma_wait3A_211 = tpu.memref_squeeze %dma_wait3A_210 : memref<1x320x64xf32, #tpu.memory_space<vmem>> -> memref<320x64xf32, #tpu.memory_space<vmem>>
      tpu.wait_dma2 semaphore(%run_scoped3A_187 : memref<!tpu.dma_semaphore, #tpu.memory_space<semaphore_mem>>) src(%dma_wait3A_211 : memref<320x64xf32, #tpu.memory_space<vmem>>) dst(%dma_wait3A_207 : memref<320x64xf32, #tpu.memory_space<hbm>>)
      tpu.yield
    }) : () -> ()
    %mul3A_174 = arith.constant 640 : i32
    %mul3A_175 = arith.muli %arg1, %mul3A_174 : i32
    %add3A_176 = arith.constant 320 : i32
    %add3A_177 = arith.addi %mul3A_175, %add3A_176 : i32
    %run_scoped3A_178 = arith.constant 0 : i32
    "tpu.region"() ({
      %run_scoped3A_187 = tpu.sem_alloc : memref<!tpu.dma_semaphore, #tpu.memory_space<semaphore_mem>>
      %dma_start3A_188 = arith.constant 0 : i32
      %dma_start3A_189 = arith.constant 0 : i32
      %dma_start3A_190 = tpu.memref_slice %arg6[%run_scoped3A_178, %dma_start3A_188, %dma_start3A_189] : memref<2x400x64xf32, #tpu.memory_space<vmem>> -> memref<1x320x64xf32, #tpu.memory_space<vmem>>
      %dma_start3A_191 = tpu.memref_squeeze %dma_start3A_190 : memref<1x320x64xf32, #tpu.memory_space<vmem>> -> memref<320x64xf32, #tpu.memory_space<vmem>>
      %dma_start3A_192 = arith.constant 0 : i32
      %dma_start3A_193 = tpu.memref_slice %arg11[%add3A_177, %dma_start3A_192] : memref<10240x64xf32, #tpu.memory_space<vmem_shared>> -> memref<320x64xf32, #tpu.memory_space<vmem_shared>>
      %dma_start3A_194 = arith.constant 0 : i32
      %dma_start3A_195 = arith.constant 0 : i32
      %dma_start3A_196 = tpu.memref_slice %arg6[%run_scoped3A_178, %dma_start3A_194, %dma_start3A_195] : memref<2x400x64xf32, #tpu.memory_space<vmem>> -> memref<1x320x64xf32, #tpu.memory_space<vmem>>
      %dma_start3A_197 = tpu.memref_squeeze %dma_start3A_196 : memref<1x320x64xf32, #tpu.memory_space<vmem>> -> memref<320x64xf32, #tpu.memory_space<vmem>>
      %dma_start3A_198 = arith.constant 0 : i32
      %dma_start3A_199 = tpu.memref_slice %arg11[%add3A_177, %dma_start3A_198] : memref<10240x64xf32, #tpu.memory_space<vmem_shared>> -> memref<320x64xf32, #tpu.memory_space<vmem_shared>>
      tpu.enqueue_dma source(%dma_start3A_199 : memref<320x64xf32, #tpu.memory_space<vmem_shared>>) target(%dma_start3A_197 : memref<320x64xf32, #tpu.memory_space<vmem>>) target_semaphore(%run_scoped3A_187 : memref<!tpu.dma_semaphore, #tpu.memory_space<semaphore_mem>>)
      %dma_wait3A_200 = arith.constant 0 : i32
      %dma_wait3A_201 = arith.constant 0 : i32
      %dma_wait3A_202 = tpu.memref_slice %arg6[%run_scoped3A_178, %dma_wait3A_200, %dma_wait3A_201] : memref<2x400x64xf32, #tpu.memory_space<vmem>> -> memref<1x320x64xf32, #tpu.memory_space<vmem>>
      %dma_wait3A_203 = tpu.memref_squeeze %dma_wait3A_202 : memref<1x320x64xf32, #tpu.memory_space<vmem>> -> memref<320x64xf32, #tpu.memory_space<vmem>>
      %dma_wait3A_204 = arith.constant 0 : i32
      %dma_wait3A_205 = tpu.memref_slice %arg11[%add3A_177, %dma_wait3A_204] : memref<10240x64xf32, #tpu.memory_space<vmem_shared>> -> memref<320x64xf32, #tpu.memory_space<vmem_shared>>
      %dma_wait3A_206 = arith.constant 0 : i32
      %dma_wait3A_207 = arith.constant 0 : i32
      %dma_wait3A_208 = tpu.memref_slice %arg6[%run_scoped3A_178, %dma_wait3A_206, %dma_wait3A_207] : memref<2x400x64xf32, #tpu.memory_space<vmem>> -> memref<1x320x64xf32, #tpu.memory_space<vmem>>
      %dma_wait3A_209 = tpu.memref_squeeze %dma_wait3A_208 : memref<1x320x64xf32, #tpu.memory_space<vmem>> -> memref<320x64xf32, #tpu.memory_space<vmem>>
      %dma_wait3A_210 = arith.constant 0 : i32
      %dma_wait3A_211 = tpu.memref_slice %arg11[%add3A_177, %dma_wait3A_210] : memref<10240x64xf32, #tpu.memory_space<vmem_shared>> -> memref<320x64xf32, #tpu.memory_space<vmem_shared>>
      tpu.wait_dma2 semaphore(%run_scoped3A_187 : memref<!tpu.dma_semaphore, #tpu.memory_space<semaphore_mem>>) src(%dma_wait3A_211 : memref<320x64xf32, #tpu.memory_space<vmem_shared>>) dst(%dma_wait3A_209 : memref<320x64xf32, #tpu.memory_space<vmem>>)
      tpu.yield
    }) : () -> ()
    %mul3A_179 = arith.constant 10240 : i32
    %mul3A_180 = arith.muli %arg0, %mul3A_179 : i32
    %mul3A_181 = arith.constant 640 : i32
    %mul3A_182 = arith.muli %arg1, %mul3A_181 : i32
    %add3A_183 = arith.addi %mul3A_180, %mul3A_182 : i32
    %add3A_184 = arith.constant 320 : i32
    %add3A_185 = arith.addi %add3A_183, %add3A_184 : i32
    %run_scoped3A_186 = arith.constant 0 : i32
    "tpu.region"() ({
      %run_scoped3A_187 = tpu.sem_alloc : memref<!tpu.dma_semaphore, #tpu.memory_space<semaphore_mem>>
      %dma_start3A_188 = arith.constant 0 : i32
      %dma_start3A_189 = arith.constant 0 : i32
      %dma_start3A_190 = tpu.memref_slice %arg6[%run_scoped3A_186, %dma_start3A_188, %dma_start3A_189] : memref<2x400x64xf32, #tpu.memory_space<vmem>> -> memref<1x320x64xf32, #tpu.memory_space<vmem>>
      %dma_start3A_191 = tpu.memref_squeeze %dma_start3A_190 : memref<1x320x64xf32, #tpu.memory_space<vmem>> -> memref<320x64xf32, #tpu.memory_space<vmem>>
      %dma_start3A_192 = arith.constant 0 : i32
      %dma_start3A_193 = tpu.memref_slice %arg4[%add3A_185, %dma_start3A_192] : memref<20480x64xf32, #tpu.memory_space<hbm>> -> memref<320x64xf32, #tpu.memory_space<hbm>>
      %dma_start3A_194 = arith.constant 0 : i32
      %dma_start3A_195 = tpu.memref_slice %arg4[%add3A_185, %dma_start3A_194] : memref<20480x64xf32, #tpu.memory_space<hbm>> -> memref<320x64xf32, #tpu.memory_space<hbm>>
      %dma_start3A_196 = arith.constant 0 : i32
      %dma_start3A_197 = arith.constant 0 : i32
      %dma_start3A_198 = tpu.memref_slice %arg6[%run_scoped3A_186, %dma_start3A_196, %dma_start3A_197] : memref<2x400x64xf32, #tpu.memory_space<vmem>> -> memref<1x320x64xf32, #tpu.memory_space<vmem>>
      %dma_start3A_199 = tpu.memref_squeeze %dma_start3A_198 : memref<1x320x64xf32, #tpu.memory_space<vmem>> -> memref<320x64xf32, #tpu.memory_space<vmem>>
      tpu.enqueue_dma source(%dma_start3A_199 : memref<320x64xf32, #tpu.memory_space<vmem>>) target(%dma_start3A_195 : memref<320x64xf32, #tpu.memory_space<hbm>>) target_semaphore(%run_scoped3A_187 : memref<!tpu.dma_semaphore, #tpu.memory_space<semaphore_mem>>)
      %dma_wait3A_200 = arith.constant 0 : i32
      %dma_wait3A_201 = arith.constant 0 : i32
      %dma_wait3A_202 = tpu.memref_slice %arg6[%run_scoped3A_186, %dma_wait3A_200, %dma_wait3A_201] : memref<2x400x64xf32, #tpu.memory_space<vmem>> -> memref<1x320x64xf32, #tpu.memory_space<vmem>>
      %dma_wait3A_203 = tpu.memref_squeeze %dma_wait3A_202 : memref<1x320x64xf32, #tpu.memory_space<vmem>> -> memref<320x64xf32, #tpu.memory_space<vmem>>
      %dma_wait3A_204 = arith.constant 0 : i32
      %dma_wait3A_205 = tpu.memref_slice %arg4[%add3A_185, %dma_wait3A_204] : memref<20480x64xf32, #tpu.memory_space<hbm>> -> memref<320x64xf32, #tpu.memory_space<hbm>>
      %dma_wait3A_206 = arith.constant 0 : i32
      %dma_wait3A_207 = tpu.memref_slice %arg4[%add3A_185, %dma_wait3A_206] : memref<20480x64xf32, #tpu.memory_space<hbm>> -> memref<320x64xf32, #tpu.memory_space<hbm>>
      %dma_wait3A_208 = arith.constant 0 : i32
      %dma_wait3A_209 = arith.constant 0 : i32
      %dma_wait3A_210 = tpu.memref_slice %arg6[%run_scoped3A_186, %dma_wait3A_208, %dma_wait3A_209] : memref<2x400x64xf32, #tpu.memory_space<vmem>> -> memref<1x320x64xf32, #tpu.memory_space<vmem>>
      %dma_wait3A_211 = tpu.memref_squeeze %dma_wait3A_210 : memref<1x320x64xf32, #tpu.memory_space<vmem>> -> memref<320x64xf32, #tpu.memory_space<vmem>>
      tpu.wait_dma2 semaphore(%run_scoped3A_187 : memref<!tpu.dma_semaphore, #tpu.memory_space<semaphore_mem>>) src(%dma_wait3A_211 : memref<320x64xf32, #tpu.memory_space<vmem>>) dst(%dma_wait3A_207 : memref<320x64xf32, #tpu.memory_space<hbm>>)
      tpu.yield
    }) : () -> ()
    return
  }
}

#map = affine_map<(d0, d1) -> (0, 0)>
#map1 = affine_map<(d0, d1) -> (0, 0, 0)>
module attributes {stable_mosaic.version = 14 : i64} {
  func.func @_gather_body(%arg0: i32, %arg1: i32, %arg2: memref<10000x128xf32, #tpu.memory_space<hbm>>, %arg3: memref<32x125x80xi32, #tpu.memory_space<hbm>>, %arg4: memref<320000x128xf32, #tpu.memory_space<hbm>>, %arg5: memref<125x80xi32, #tpu.memory_space<vmem>>, %arg6: memref<2x80x128xf32, #tpu.memory_space<vmem>>, %arg7: memref<!tpu.dma_semaphore, #tpu.memory_space<semaphore_mem>>, %arg8: memref<!tpu.dma_semaphore, #tpu.memory_space<semaphore_mem>>) attributes {dimension_semantics = [#tpu.dimension_semantics<core_parallel>, #tpu.dimension_semantics<subcore_parallel>], iteration_bounds = array<i64: 2, 16>, scalar_prefetch = 0 : i64, scratch_operands = 4 : i64, tpu.core_type = #tpu.core_type<sc_vector_subcore>, window_params = [{transform_indices = #map}, {transform_indices = #map1}, {transform_indices = #map}]} {
    %mul3A = arith.constant 16 : i32
    %mul3A_0 = arith.muli %arg0, %mul3A : i32
    %add3A = arith.addi %mul3A_0, %arg1 : i32
    "tpu.region"() ({
      %run_scoped3A = tpu.sem_alloc : memref<!tpu.dma_semaphore, #tpu.memory_space<semaphore_mem>>
      %dma_start3A_35 = arith.constant 0 : i32
      %dma_start3A_36 = arith.constant 0 : i32
      %dma_start3A_37 = tpu.memref_slice %arg3[%add3A, %dma_start3A_35, %dma_start3A_36] : memref<32x125x80xi32, #tpu.memory_space<hbm>> -> memref<1x125x80xi32, #tpu.memory_space<hbm>>
      %dma_start3A_38 = tpu.memref_squeeze %dma_start3A_37 : memref<1x125x80xi32, #tpu.memory_space<hbm>> -> memref<125x80xi32, #tpu.memory_space<hbm>>
      %dma_start3A_39 = arith.constant 0 : i32
      %dma_start3A_40 = arith.constant 0 : i32
      %dma_start3A_41 = tpu.memref_slice %arg3[%add3A, %dma_start3A_39, %dma_start3A_40] : memref<32x125x80xi32, #tpu.memory_space<hbm>> -> memref<1x125x80xi32, #tpu.memory_space<hbm>>
      %dma_start3A_42 = tpu.memref_squeeze %dma_start3A_41 : memref<1x125x80xi32, #tpu.memory_space<hbm>> -> memref<125x80xi32, #tpu.memory_space<hbm>>
      tpu.enqueue_dma source(%dma_start3A_42 : memref<125x80xi32, #tpu.memory_space<hbm>>) target(%arg5 : memref<125x80xi32, #tpu.memory_space<vmem>>) target_semaphore(%run_scoped3A : memref<!tpu.dma_semaphore, #tpu.memory_space<semaphore_mem>>)
      %dma_wait3A_43 = arith.constant 0 : i32
      %dma_wait3A_44 = arith.constant 0 : i32
      %dma_wait3A_45 = tpu.memref_slice %arg3[%add3A, %dma_wait3A_43, %dma_wait3A_44] : memref<32x125x80xi32, #tpu.memory_space<hbm>> -> memref<1x125x80xi32, #tpu.memory_space<hbm>>
      %dma_wait3A_46 = tpu.memref_squeeze %dma_wait3A_45 : memref<1x125x80xi32, #tpu.memory_space<hbm>> -> memref<125x80xi32, #tpu.memory_space<hbm>>
      %dma_wait3A_47 = arith.constant 0 : i32
      %dma_wait3A_48 = arith.constant 0 : i32
      %dma_wait3A_49 = tpu.memref_slice %arg3[%add3A, %dma_wait3A_47, %dma_wait3A_48] : memref<32x125x80xi32, #tpu.memory_space<hbm>> -> memref<1x125x80xi32, #tpu.memory_space<hbm>>
      %dma_wait3A_50 = tpu.memref_squeeze %dma_wait3A_49 : memref<1x125x80xi32, #tpu.memory_space<hbm>> -> memref<125x80xi32, #tpu.memory_space<hbm>>
      tpu.wait_dma2 semaphore(%run_scoped3A : memref<!tpu.dma_semaphore, #tpu.memory_space<semaphore_mem>>) src(%dma_wait3A_50 : memref<125x80xi32, #tpu.memory_space<hbm>>) dst(%arg5 : memref<125x80xi32, #tpu.memory_space<vmem>>)
      tpu.yield
    }) : () -> ()
    %mul3A_1 = arith.constant 160000 : i32
    %mul3A_2 = arith.muli %arg0, %mul3A_1 : i32
    %mul3A_3 = arith.constant 10000 : i32
    %mul3A_4 = arith.muli %arg1, %mul3A_3 : i32
    %add3A_5 = arith.addi %mul3A_2, %mul3A_4 : i32
    %dma_start3A = arith.constant 0 : i32
    %dma_start3A_6 = arith.constant 0 : i32
    %dma_start3A_7 = arith.constant 0 : i32
    %dma_start3A_8 = arith.constant 0 : i32
    %dma_start3A_9 = tpu.memref_slice %arg6[%dma_start3A_6, %dma_start3A_7, %dma_start3A_8] : memref<2x80x128xf32, #tpu.memory_space<vmem>> -> memref<1x80x128xf32, #tpu.memory_space<vmem>>
    %dma_start3A_10 = tpu.memref_squeeze %dma_start3A_9 : memref<1x80x128xf32, #tpu.memory_space<vmem>> -> memref<80x128xf32, #tpu.memory_space<vmem>>
    %dma_start3A_11 = arith.constant 0 : i32
    %dma_start3A_12 = tpu.memref_slice %arg5[%dma_start3A, %dma_start3A_11] : memref<125x80xi32, #tpu.memory_space<vmem>> -> memref<1x80xi32, #tpu.memory_space<vmem>>
    %dma_start3A_13 = tpu.memref_squeeze %dma_start3A_12 : memref<1x80xi32, #tpu.memory_space<vmem>> -> memref<80xi32, #tpu.memory_space<vmem>>
    %dma_start3A_14 = arith.constant 0 : i32
    %dma_start3A_15 = arith.constant 0 : i32
    %dma_start3A_16 = tpu.memref_slice %arg2[%dma_start3A_14, %dma_start3A_15] : memref<10000x128xf32, #tpu.memory_space<hbm>> -> memref<10000x128xf32, #tpu.memory_space<hbm>>
    tpu.enqueue_indirect_dma source(%dma_start3A_16 : memref<10000x128xf32, #tpu.memory_space<hbm>>) target(%dma_start3A_10 : memref<80x128xf32, #tpu.memory_space<vmem>>) offsets(%dma_start3A_13 : memref<80xi32, #tpu.memory_space<vmem>>) semaphore(%arg7 : memref<!tpu.dma_semaphore, #tpu.memory_space<semaphore_mem>>)
    %scan3A = arith.constant 0 : i32
    %scan3A_17 = arith.constant 0 : i32
    %scan3A_18 = arith.constant 125 : i32
    %scan3A_19 = arith.addi %scan3A_17, %scan3A_18 : i32
    %scan3A_20 = arith.constant 1 : i32
    %scan3A_21 = scf.for %scan3A_35 = %scan3A_17 to %scan3A_19 step %scan3A_20 iter_args(%scan3A_36 = %scan3A) -> (i32)  : i32 {
      %and3A = arith.constant 1 : i32
      %and3A_37 = arith.andi %scan3A_35, %and3A : i32
      %dma_wait3A_38 = arith.constant 0 : i32
      %dma_wait3A_39 = arith.constant 0 : i32
      %dma_wait3A_40 = arith.constant 0 : i32
      %dma_wait3A_41 = tpu.memref_slice %arg6[%and3A_37, %dma_wait3A_39, %dma_wait3A_40] : memref<2x80x128xf32, #tpu.memory_space<vmem>> -> memref<1x80x128xf32, #tpu.memory_space<vmem>>
      %dma_wait3A_42 = tpu.memref_squeeze %dma_wait3A_41 : memref<1x80x128xf32, #tpu.memory_space<vmem>> -> memref<80x128xf32, #tpu.memory_space<vmem>>
      %dma_wait3A_43 = arith.constant 0 : i32
      %dma_wait3A_44 = tpu.memref_slice %arg5[%dma_wait3A_38, %dma_wait3A_43] : memref<125x80xi32, #tpu.memory_space<vmem>> -> memref<1x80xi32, #tpu.memory_space<vmem>>
      %dma_wait3A_45 = tpu.memref_squeeze %dma_wait3A_44 : memref<1x80xi32, #tpu.memory_space<vmem>> -> memref<80xi32, #tpu.memory_space<vmem>>
      %dma_wait3A_46 = arith.constant 0 : i32
      %dma_wait3A_47 = arith.constant 0 : i32
      %dma_wait3A_48 = tpu.memref_slice %arg2[%dma_wait3A_46, %dma_wait3A_47] : memref<10000x128xf32, #tpu.memory_space<hbm>> -> memref<10000x128xf32, #tpu.memory_space<hbm>>
      tpu.wait_indirect_dma semaphore(%arg7 : memref<!tpu.dma_semaphore, #tpu.memory_space<semaphore_mem>>) src(%dma_wait3A_48 : memref<10000x128xf32, #tpu.memory_space<hbm>>) dst(%dma_wait3A_42 : memref<80x128xf32, #tpu.memory_space<vmem>>)
      %ge3A = arith.constant 1 : i32
      %ge3A_49 = arith.cmpi sge, %scan3A_35, %ge3A : i32
      %convert_element_type3A = arith.extui %ge3A_49 : i1 to i32
      %cond3A = arith.constant 0 : i32
      %cond3A_50 = arith.cmpi ne, %convert_element_type3A, %cond3A : i32
      scf.if %cond3A_50 {
        %sub3A = arith.constant 1 : i32
        %sub3A_73 = arith.subi %sub3A, %and3A_37 : i32
        %dma_wait3A_74 = arith.constant 0 : i32
        %dma_wait3A_75 = arith.constant 0 : i32
        %dma_wait3A_76 = tpu.memref_slice %arg6[%sub3A_73, %dma_wait3A_74, %dma_wait3A_75] : memref<2x80x128xf32, #tpu.memory_space<vmem>> -> memref<1x80x128xf32, #tpu.memory_space<vmem>>
        %dma_wait3A_77 = tpu.memref_squeeze %dma_wait3A_76 : memref<1x80x128xf32, #tpu.memory_space<vmem>> -> memref<80x128xf32, #tpu.memory_space<vmem>>
        %dma_wait3A_78 = arith.constant 0 : i32
        %dma_wait3A_79 = tpu.memref_slice %arg4[%add3A_5, %dma_wait3A_78] : memref<320000x128xf32, #tpu.memory_space<hbm>> -> memref<80x128xf32, #tpu.memory_space<hbm>>
        %dma_wait3A_80 = arith.constant 0 : i32
        %dma_wait3A_81 = tpu.memref_slice %arg4[%add3A_5, %dma_wait3A_80] : memref<320000x128xf32, #tpu.memory_space<hbm>> -> memref<80x128xf32, #tpu.memory_space<hbm>>
        %dma_wait3A_82 = arith.constant 0 : i32
        %dma_wait3A_83 = arith.constant 0 : i32
        %dma_wait3A_84 = tpu.memref_slice %arg6[%sub3A_73, %dma_wait3A_82, %dma_wait3A_83] : memref<2x80x128xf32, #tpu.memory_space<vmem>> -> memref<1x80x128xf32, #tpu.memory_space<vmem>>
        %dma_wait3A_85 = tpu.memref_squeeze %dma_wait3A_84 : memref<1x80x128xf32, #tpu.memory_space<vmem>> -> memref<80x128xf32, #tpu.memory_space<vmem>>
        tpu.wait_dma2 semaphore(%arg8 : memref<!tpu.dma_semaphore, #tpu.memory_space<semaphore_mem>>) src(%dma_wait3A_85 : memref<80x128xf32, #tpu.memory_space<vmem>>) dst(%dma_wait3A_81 : memref<80x128xf32, #tpu.memory_space<hbm>>)
      } else {
      }
      %add3A_51 = arith.constant 1 : i32
      %add3A_52 = arith.addi %scan3A_35, %add3A_51 : i32
      %lt3A = arith.constant 125 : i32
      %lt3A_53 = arith.cmpi slt, %add3A_52, %lt3A : i32
      %convert_element_type3A_54 = arith.extui %lt3A_53 : i1 to i32
      %cond3A_55 = arith.constant 0 : i32
      %cond3A_56 = arith.cmpi ne, %convert_element_type3A_54, %cond3A_55 : i32
      scf.if %cond3A_56 {
        %add3A_73 = arith.constant 1 : i32
        %add3A_74 = arith.addi %scan3A_35, %add3A_73 : i32
        %sub3A = arith.constant 1 : i32
        %sub3A_75 = arith.subi %sub3A, %and3A_37 : i32
        %dma_start3A_76 = arith.constant 0 : i32
        %dma_start3A_77 = arith.constant 0 : i32
        %dma_start3A_78 = tpu.memref_slice %arg6[%sub3A_75, %dma_start3A_76, %dma_start3A_77] : memref<2x80x128xf32, #tpu.memory_space<vmem>> -> memref<1x80x128xf32, #tpu.memory_space<vmem>>
        %dma_start3A_79 = tpu.memref_squeeze %dma_start3A_78 : memref<1x80x128xf32, #tpu.memory_space<vmem>> -> memref<80x128xf32, #tpu.memory_space<vmem>>
        %dma_start3A_80 = arith.constant 0 : i32
        %dma_start3A_81 = tpu.memref_slice %arg5[%add3A_74, %dma_start3A_80] : memref<125x80xi32, #tpu.memory_space<vmem>> -> memref<1x80xi32, #tpu.memory_space<vmem>>
        %dma_start3A_82 = tpu.memref_squeeze %dma_start3A_81 : memref<1x80xi32, #tpu.memory_space<vmem>> -> memref<80xi32, #tpu.memory_space<vmem>>
        %dma_start3A_83 = arith.constant 0 : i32
        %dma_start3A_84 = arith.constant 0 : i32
        %dma_start3A_85 = tpu.memref_slice %arg2[%dma_start3A_83, %dma_start3A_84] : memref<10000x128xf32, #tpu.memory_space<hbm>> -> memref<10000x128xf32, #tpu.memory_space<hbm>>
        tpu.enqueue_indirect_dma source(%dma_start3A_85 : memref<10000x128xf32, #tpu.memory_space<hbm>>) target(%dma_start3A_79 : memref<80x128xf32, #tpu.memory_space<vmem>>) offsets(%dma_start3A_82 : memref<80xi32, #tpu.memory_space<vmem>>) semaphore(%arg7 : memref<!tpu.dma_semaphore, #tpu.memory_space<semaphore_mem>>)
      } else {
      }
      %mul3A_57 = arith.constant 80 : i32
      %mul3A_58 = arith.muli %scan3A_35, %mul3A_57 : i32
      %add3A_59 = arith.addi %add3A_5, %mul3A_58 : i32
      %dma_start3A_60 = arith.constant 0 : i32
      %dma_start3A_61 = arith.constant 0 : i32
      %dma_start3A_62 = tpu.memref_slice %arg6[%and3A_37, %dma_start3A_60, %dma_start3A_61] : memref<2x80x128xf32, #tpu.memory_space<vmem>> -> memref<1x80x128xf32, #tpu.memory_space<vmem>>
      %dma_start3A_63 = tpu.memref_squeeze %dma_start3A_62 : memref<1x80x128xf32, #tpu.memory_space<vmem>> -> memref<80x128xf32, #tpu.memory_space<vmem>>
      %dma_start3A_64 = arith.constant 0 : i32
      %dma_start3A_65 = tpu.memref_slice %arg4[%add3A_59, %dma_start3A_64] : memref<320000x128xf32, #tpu.memory_space<hbm>> -> memref<80x128xf32, #tpu.memory_space<hbm>>
      %dma_start3A_66 = arith.constant 0 : i32
      %dma_start3A_67 = tpu.memref_slice %arg4[%add3A_59, %dma_start3A_66] : memref<320000x128xf32, #tpu.memory_space<hbm>> -> memref<80x128xf32, #tpu.memory_space<hbm>>
      %dma_start3A_68 = arith.constant 0 : i32
      %dma_start3A_69 = arith.constant 0 : i32
      %dma_start3A_70 = tpu.memref_slice %arg6[%and3A_37, %dma_start3A_68, %dma_start3A_69] : memref<2x80x128xf32, #tpu.memory_space<vmem>> -> memref<1x80x128xf32, #tpu.memory_space<vmem>>
      %dma_start3A_71 = tpu.memref_squeeze %dma_start3A_70 : memref<1x80x128xf32, #tpu.memory_space<vmem>> -> memref<80x128xf32, #tpu.memory_space<vmem>>
      tpu.enqueue_dma source(%dma_start3A_71 : memref<80x128xf32, #tpu.memory_space<vmem>>) target(%dma_start3A_67 : memref<80x128xf32, #tpu.memory_space<hbm>>) target_semaphore(%arg8 : memref<!tpu.dma_semaphore, #tpu.memory_space<semaphore_mem>>)
      %scan3A_72 = arith.constant 0 : i32
      scf.yield %scan3A_72 : i32
    }
    %scan3A_22 = arith.constant 125 : i32
    %dma_wait3A = arith.constant 0 : i32
    %dma_wait3A_23 = arith.constant 0 : i32
    %dma_wait3A_24 = arith.constant 0 : i32
    %dma_wait3A_25 = tpu.memref_slice %arg6[%dma_wait3A, %dma_wait3A_23, %dma_wait3A_24] : memref<2x80x128xf32, #tpu.memory_space<vmem>> -> memref<1x80x128xf32, #tpu.memory_space<vmem>>
    %dma_wait3A_26 = tpu.memref_squeeze %dma_wait3A_25 : memref<1x80x128xf32, #tpu.memory_space<vmem>> -> memref<80x128xf32, #tpu.memory_space<vmem>>
    %dma_wait3A_27 = arith.constant 0 : i32
    %dma_wait3A_28 = tpu.memref_slice %arg4[%add3A_5, %dma_wait3A_27] : memref<320000x128xf32, #tpu.memory_space<hbm>> -> memref<80x128xf32, #tpu.memory_space<hbm>>
    %dma_wait3A_29 = arith.constant 0 : i32
    %dma_wait3A_30 = tpu.memref_slice %arg4[%add3A_5, %dma_wait3A_29] : memref<320000x128xf32, #tpu.memory_space<hbm>> -> memref<80x128xf32, #tpu.memory_space<hbm>>
    %dma_wait3A_31 = arith.constant 0 : i32
    %dma_wait3A_32 = arith.constant 0 : i32
    %dma_wait3A_33 = tpu.memref_slice %arg6[%dma_wait3A, %dma_wait3A_31, %dma_wait3A_32] : memref<2x80x128xf32, #tpu.memory_space<vmem>> -> memref<1x80x128xf32, #tpu.memory_space<vmem>>
    %dma_wait3A_34 = tpu.memref_squeeze %dma_wait3A_33 : memref<1x80x128xf32, #tpu.memory_space<vmem>> -> memref<80x128xf32, #tpu.memory_space<vmem>>
    tpu.wait_dma2 semaphore(%arg8 : memref<!tpu.dma_semaphore, #tpu.memory_space<semaphore_mem>>) src(%dma_wait3A_34 : memref<80x128xf32, #tpu.memory_space<vmem>>) dst(%dma_wait3A_30 : memref<80x128xf32, #tpu.memory_space<hbm>>)
    return
  }
}

#map = affine_map<(d0, d1) -> (0, 0)>
#map1 = affine_map<(d0, d1) -> (0, 0, 0)>
module attributes {stable_mosaic.version = 14 : i64} {
  func.func @_gather_body(%arg0: i32, %arg1: i32, %arg2: memref<10000x128xf32, #tpu.memory_space<hbm>>, %arg3: memref<32x125x80xi32, #tpu.memory_space<hbm>>, %arg4: memref<320000x128xf32, #tpu.memory_space<hbm>>, %arg5: memref<125x80xi32, #tpu.memory_space<vmem>>, %arg6: memref<2x80x128xf32, #tpu.memory_space<vmem>>, %arg7: memref<!tpu.dma_semaphore, #tpu.memory_space<semaphore_mem>>, %arg8: memref<!tpu.dma_semaphore, #tpu.memory_space<semaphore_mem>>) attributes {dimension_semantics = [#tpu.dimension_semantics<core_parallel>, #tpu.dimension_semantics<subcore_parallel>], iteration_bounds = array<i64: 2, 16>, scalar_prefetch = 0 : i64, scratch_operands = 4 : i64, tpu.core_type = #tpu.core_type<sc_vector_subcore>, window_params = [{transform_indices = #map}, {transform_indices = #map1}, {transform_indices = #map}]} {
    %mul3A = arith.constant 16 : i32
    %mul3A_0 = arith.muli %arg0, %mul3A : i32
    %add3A = arith.addi %mul3A_0, %arg1 : i32
    "tpu.region"() ({
      %run_scoped3A = tpu.sem_alloc : memref<!tpu.dma_semaphore, #tpu.memory_space<semaphore_mem>>
      %dma_start3A_35 = arith.constant 0 : i32
      %dma_start3A_36 = arith.constant 0 : i32
      %dma_start3A_37 = tpu.memref_slice %arg3[%add3A, %dma_start3A_35, %dma_start3A_36] : memref<32x125x80xi32, #tpu.memory_space<hbm>> -> memref<1x125x80xi32, #tpu.memory_space<hbm>>
      %dma_start3A_38 = tpu.memref_squeeze %dma_start3A_37 : memref<1x125x80xi32, #tpu.memory_space<hbm>> -> memref<125x80xi32, #tpu.memory_space<hbm>>
      %dma_start3A_39 = arith.constant 0 : i32
      %dma_start3A_40 = arith.constant 0 : i32
      %dma_start3A_41 = tpu.memref_slice %arg3[%add3A, %dma_start3A_39, %dma_start3A_40] : memref<32x125x80xi32, #tpu.memory_space<hbm>> -> memref<1x125x80xi32, #tpu.memory_space<hbm>>
      %dma_start3A_42 = tpu.memref_squeeze %dma_start3A_41 : memref<1x125x80xi32, #tpu.memory_space<hbm>> -> memref<125x80xi32, #tpu.memory_space<hbm>>
      tpu.enqueue_dma source(%dma_start3A_42 : memref<125x80xi32, #tpu.memory_space<hbm>>) target(%arg5 : memref<125x80xi32, #tpu.memory_space<vmem>>) target_semaphore(%run_scoped3A : memref<!tpu.dma_semaphore, #tpu.memory_space<semaphore_mem>>)
      %dma_wait3A_43 = arith.constant 0 : i32
      %dma_wait3A_44 = arith.constant 0 : i32
      %dma_wait3A_45 = tpu.memref_slice %arg3[%add3A, %dma_wait3A_43, %dma_wait3A_44] : memref<32x125x80xi32, #tpu.memory_space<hbm>> -> memref<1x125x80xi32, #tpu.memory_space<hbm>>
      %dma_wait3A_46 = tpu.memref_squeeze %dma_wait3A_45 : memref<1x125x80xi32, #tpu.memory_space<hbm>> -> memref<125x80xi32, #tpu.memory_space<hbm>>
      %dma_wait3A_47 = arith.constant 0 : i32
      %dma_wait3A_48 = arith.constant 0 : i32
      %dma_wait3A_49 = tpu.memref_slice %arg3[%add3A, %dma_wait3A_47, %dma_wait3A_48] : memref<32x125x80xi32, #tpu.memory_space<hbm>> -> memref<1x125x80xi32, #tpu.memory_space<hbm>>
      %dma_wait3A_50 = tpu.memref_squeeze %dma_wait3A_49 : memref<1x125x80xi32, #tpu.memory_space<hbm>> -> memref<125x80xi32, #tpu.memory_space<hbm>>
      tpu.wait_dma2 semaphore(%run_scoped3A : memref<!tpu.dma_semaphore, #tpu.memory_space<semaphore_mem>>) src(%dma_wait3A_50 : memref<125x80xi32, #tpu.memory_space<hbm>>) dst(%arg5 : memref<125x80xi32, #tpu.memory_space<vmem>>)
      tpu.yield
    }) : () -> ()
    %mul3A_1 = arith.constant 160000 : i32
    %mul3A_2 = arith.muli %arg0, %mul3A_1 : i32
    %mul3A_3 = arith.constant 10000 : i32
    %mul3A_4 = arith.muli %arg1, %mul3A_3 : i32
    %add3A_5 = arith.addi %mul3A_2, %mul3A_4 : i32
    %dma_start3A = arith.constant 0 : i32
    %dma_start3A_6 = arith.constant 0 : i32
    %dma_start3A_7 = arith.constant 0 : i32
    %dma_start3A_8 = arith.constant 0 : i32
    %dma_start3A_9 = tpu.memref_slice %arg6[%dma_start3A_6, %dma_start3A_7, %dma_start3A_8] : memref<2x80x128xf32, #tpu.memory_space<vmem>> -> memref<1x80x128xf32, #tpu.memory_space<vmem>>
    %dma_start3A_10 = tpu.memref_squeeze %dma_start3A_9 : memref<1x80x128xf32, #tpu.memory_space<vmem>> -> memref<80x128xf32, #tpu.memory_space<vmem>>
    %dma_start3A_11 = arith.constant 0 : i32
    %dma_start3A_12 = tpu.memref_slice %arg5[%dma_start3A, %dma_start3A_11] : memref<125x80xi32, #tpu.memory_space<vmem>> -> memref<1x80xi32, #tpu.memory_space<vmem>>
    %dma_start3A_13 = tpu.memref_squeeze %dma_start3A_12 : memref<1x80xi32, #tpu.memory_space<vmem>> -> memref<80xi32, #tpu.memory_space<vmem>>
    %dma_start3A_14 = arith.constant 0 : i32
    %dma_start3A_15 = arith.constant 0 : i32
    %dma_start3A_16 = tpu.memref_slice %arg2[%dma_start3A_14, %dma_start3A_15] : memref<10000x128xf32, #tpu.memory_space<hbm>> -> memref<10000x128xf32, #tpu.memory_space<hbm>>
    tpu.enqueue_indirect_dma source(%dma_start3A_16 : memref<10000x128xf32, #tpu.memory_space<hbm>>) target(%dma_start3A_10 : memref<80x128xf32, #tpu.memory_space<vmem>>) offsets(%dma_start3A_13 : memref<80xi32, #tpu.memory_space<vmem>>) semaphore(%arg7 : memref<!tpu.dma_semaphore, #tpu.memory_space<semaphore_mem>>)
    %scan3A = arith.constant 0 : i32
    %scan3A_17 = arith.constant 0 : i32
    %scan3A_18 = arith.constant 125 : i32
    %scan3A_19 = arith.addi %scan3A_17, %scan3A_18 : i32
    %scan3A_20 = arith.constant 1 : i32
    %scan3A_21 = scf.for %scan3A_35 = %scan3A_17 to %scan3A_19 step %scan3A_20 iter_args(%scan3A_36 = %scan3A) -> (i32)  : i32 {
      %and3A = arith.constant 1 : i32
      %and3A_37 = arith.andi %scan3A_35, %and3A : i32
      %dma_wait3A_38 = arith.constant 0 : i32
      %dma_wait3A_39 = arith.constant 0 : i32
      %dma_wait3A_40 = arith.constant 0 : i32
      %dma_wait3A_41 = tpu.memref_slice %arg6[%and3A_37, %dma_wait3A_39, %dma_wait3A_40] : memref<2x80x128xf32, #tpu.memory_space<vmem>> -> memref<1x80x128xf32, #tpu.memory_space<vmem>>
      %dma_wait3A_42 = tpu.memref_squeeze %dma_wait3A_41 : memref<1x80x128xf32, #tpu.memory_space<vmem>> -> memref<80x128xf32, #tpu.memory_space<vmem>>
      %dma_wait3A_43 = arith.constant 0 : i32
      %dma_wait3A_44 = tpu.memref_slice %arg5[%dma_wait3A_38, %dma_wait3A_43] : memref<125x80xi32, #tpu.memory_space<vmem>> -> memref<1x80xi32, #tpu.memory_space<vmem>>
      %dma_wait3A_45 = tpu.memref_squeeze %dma_wait3A_44 : memref<1x80xi32, #tpu.memory_space<vmem>> -> memref<80xi32, #tpu.memory_space<vmem>>
      %dma_wait3A_46 = arith.constant 0 : i32
      %dma_wait3A_47 = arith.constant 0 : i32
      %dma_wait3A_48 = tpu.memref_slice %arg2[%dma_wait3A_46, %dma_wait3A_47] : memref<10000x128xf32, #tpu.memory_space<hbm>> -> memref<10000x128xf32, #tpu.memory_space<hbm>>
      tpu.wait_indirect_dma semaphore(%arg7 : memref<!tpu.dma_semaphore, #tpu.memory_space<semaphore_mem>>) src(%dma_wait3A_48 : memref<10000x128xf32, #tpu.memory_space<hbm>>) dst(%dma_wait3A_42 : memref<80x128xf32, #tpu.memory_space<vmem>>)
      %ge3A = arith.constant 1 : i32
      %ge3A_49 = arith.cmpi sge, %scan3A_35, %ge3A : i32
      %convert_element_type3A = arith.extui %ge3A_49 : i1 to i32
      %cond3A = arith.constant 0 : i32
      %cond3A_50 = arith.cmpi ne, %convert_element_type3A, %cond3A : i32
      scf.if %cond3A_50 {
        %sub3A = arith.constant 1 : i32
        %sub3A_73 = arith.subi %sub3A, %and3A_37 : i32
        %dma_wait3A_74 = arith.constant 0 : i32
        %dma_wait3A_75 = arith.constant 0 : i32
        %dma_wait3A_76 = tpu.memref_slice %arg6[%sub3A_73, %dma_wait3A_74, %dma_wait3A_75] : memref<2x80x128xf32, #tpu.memory_space<vmem>> -> memref<1x80x128xf32, #tpu.memory_space<vmem>>
        %dma_wait3A_77 = tpu.memref_squeeze %dma_wait3A_76 : memref<1x80x128xf32, #tpu.memory_space<vmem>> -> memref<80x128xf32, #tpu.memory_space<vmem>>
        %dma_wait3A_78 = arith.constant 0 : i32
        %dma_wait3A_79 = tpu.memref_slice %arg4[%add3A_5, %dma_wait3A_78] : memref<320000x128xf32, #tpu.memory_space<hbm>> -> memref<80x128xf32, #tpu.memory_space<hbm>>
        %dma_wait3A_80 = arith.constant 0 : i32
        %dma_wait3A_81 = tpu.memref_slice %arg4[%add3A_5, %dma_wait3A_80] : memref<320000x128xf32, #tpu.memory_space<hbm>> -> memref<80x128xf32, #tpu.memory_space<hbm>>
        %dma_wait3A_82 = arith.constant 0 : i32
        %dma_wait3A_83 = arith.constant 0 : i32
        %dma_wait3A_84 = tpu.memref_slice %arg6[%sub3A_73, %dma_wait3A_82, %dma_wait3A_83] : memref<2x80x128xf32, #tpu.memory_space<vmem>> -> memref<1x80x128xf32, #tpu.memory_space<vmem>>
        %dma_wait3A_85 = tpu.memref_squeeze %dma_wait3A_84 : memref<1x80x128xf32, #tpu.memory_space<vmem>> -> memref<80x128xf32, #tpu.memory_space<vmem>>
        tpu.wait_dma2 semaphore(%arg8 : memref<!tpu.dma_semaphore, #tpu.memory_space<semaphore_mem>>) src(%dma_wait3A_85 : memref<80x128xf32, #tpu.memory_space<vmem>>) dst(%dma_wait3A_81 : memref<80x128xf32, #tpu.memory_space<hbm>>)
      } else {
      }
      %add3A_51 = arith.constant 1 : i32
      %add3A_52 = arith.addi %scan3A_35, %add3A_51 : i32
      %lt3A = arith.constant 125 : i32
      %lt3A_53 = arith.cmpi slt, %add3A_52, %lt3A : i32
      %convert_element_type3A_54 = arith.extui %lt3A_53 : i1 to i32
      %cond3A_55 = arith.constant 0 : i32
      %cond3A_56 = arith.cmpi ne, %convert_element_type3A_54, %cond3A_55 : i32
      scf.if %cond3A_56 {
        %add3A_73 = arith.constant 1 : i32
        %add3A_74 = arith.addi %scan3A_35, %add3A_73 : i32
        %sub3A = arith.constant 1 : i32
        %sub3A_75 = arith.subi %sub3A, %and3A_37 : i32
        %dma_start3A_76 = arith.constant 0 : i32
        %dma_start3A_77 = arith.constant 0 : i32
        %dma_start3A_78 = tpu.memref_slice %arg6[%sub3A_75, %dma_start3A_76, %dma_start3A_77] : memref<2x80x128xf32, #tpu.memory_space<vmem>> -> memref<1x80x128xf32, #tpu.memory_space<vmem>>
        %dma_start3A_79 = tpu.memref_squeeze %dma_start3A_78 : memref<1x80x128xf32, #tpu.memory_space<vmem>> -> memref<80x128xf32, #tpu.memory_space<vmem>>
        %dma_start3A_80 = arith.constant 0 : i32
        %dma_start3A_81 = tpu.memref_slice %arg5[%add3A_74, %dma_start3A_80] : memref<125x80xi32, #tpu.memory_space<vmem>> -> memref<1x80xi32, #tpu.memory_space<vmem>>
        %dma_start3A_82 = tpu.memref_squeeze %dma_start3A_81 : memref<1x80xi32, #tpu.memory_space<vmem>> -> memref<80xi32, #tpu.memory_space<vmem>>
        %dma_start3A_83 = arith.constant 0 : i32
        %dma_start3A_84 = arith.constant 0 : i32
        %dma_start3A_85 = tpu.memref_slice %arg2[%dma_start3A_83, %dma_start3A_84] : memref<10000x128xf32, #tpu.memory_space<hbm>> -> memref<10000x128xf32, #tpu.memory_space<hbm>>
        tpu.enqueue_indirect_dma source(%dma_start3A_85 : memref<10000x128xf32, #tpu.memory_space<hbm>>) target(%dma_start3A_79 : memref<80x128xf32, #tpu.memory_space<vmem>>) offsets(%dma_start3A_82 : memref<80xi32, #tpu.memory_space<vmem>>) semaphore(%arg7 : memref<!tpu.dma_semaphore, #tpu.memory_space<semaphore_mem>>)
      } else {
      }
      %mul3A_57 = arith.constant 80 : i32
      %mul3A_58 = arith.muli %scan3A_35, %mul3A_57 : i32
      %add3A_59 = arith.addi %add3A_5, %mul3A_58 : i32
      %dma_start3A_60 = arith.constant 0 : i32
      %dma_start3A_61 = arith.constant 0 : i32
      %dma_start3A_62 = tpu.memref_slice %arg6[%and3A_37, %dma_start3A_60, %dma_start3A_61] : memref<2x80x128xf32, #tpu.memory_space<vmem>> -> memref<1x80x128xf32, #tpu.memory_space<vmem>>
      %dma_start3A_63 = tpu.memref_squeeze %dma_start3A_62 : memref<1x80x128xf32, #tpu.memory_space<vmem>> -> memref<80x128xf32, #tpu.memory_space<vmem>>
      %dma_start3A_64 = arith.constant 0 : i32
      %dma_start3A_65 = tpu.memref_slice %arg4[%add3A_59, %dma_start3A_64] : memref<320000x128xf32, #tpu.memory_space<hbm>> -> memref<80x128xf32, #tpu.memory_space<hbm>>
      %dma_start3A_66 = arith.constant 0 : i32
      %dma_start3A_67 = tpu.memref_slice %arg4[%add3A_59, %dma_start3A_66] : memref<320000x128xf32, #tpu.memory_space<hbm>> -> memref<80x128xf32, #tpu.memory_space<hbm>>
      %dma_start3A_68 = arith.constant 0 : i32
      %dma_start3A_69 = arith.constant 0 : i32
      %dma_start3A_70 = tpu.memref_slice %arg6[%and3A_37, %dma_start3A_68, %dma_start3A_69] : memref<2x80x128xf32, #tpu.memory_space<vmem>> -> memref<1x80x128xf32, #tpu.memory_space<vmem>>
      %dma_start3A_71 = tpu.memref_squeeze %dma_start3A_70 : memref<1x80x128xf32, #tpu.memory_space<vmem>> -> memref<80x128xf32, #tpu.memory_space<vmem>>
      tpu.enqueue_dma source(%dma_start3A_71 : memref<80x128xf32, #tpu.memory_space<vmem>>) target(%dma_start3A_67 : memref<80x128xf32, #tpu.memory_space<hbm>>) target_semaphore(%arg8 : memref<!tpu.dma_semaphore, #tpu.memory_space<semaphore_mem>>)
      %scan3A_72 = arith.constant 0 : i32
      scf.yield %scan3A_72 : i32
    }
    %scan3A_22 = arith.constant 125 : i32
    %dma_wait3A = arith.constant 0 : i32
    %dma_wait3A_23 = arith.constant 0 : i32
    %dma_wait3A_24 = arith.constant 0 : i32
    %dma_wait3A_25 = tpu.memref_slice %arg6[%dma_wait3A, %dma_wait3A_23, %dma_wait3A_24] : memref<2x80x128xf32, #tpu.memory_space<vmem>> -> memref<1x80x128xf32, #tpu.memory_space<vmem>>
    %dma_wait3A_26 = tpu.memref_squeeze %dma_wait3A_25 : memref<1x80x128xf32, #tpu.memory_space<vmem>> -> memref<80x128xf32, #tpu.memory_space<vmem>>
    %dma_wait3A_27 = arith.constant 0 : i32
    %dma_wait3A_28 = tpu.memref_slice %arg4[%add3A_5, %dma_wait3A_27] : memref<320000x128xf32, #tpu.memory_space<hbm>> -> memref<80x128xf32, #tpu.memory_space<hbm>>
    %dma_wait3A_29 = arith.constant 0 : i32
    %dma_wait3A_30 = tpu.memref_slice %arg4[%add3A_5, %dma_wait3A_29] : memref<320000x128xf32, #tpu.memory_space<hbm>> -> memref<80x128xf32, #tpu.memory_space<hbm>>
    %dma_wait3A_31 = arith.constant 0 : i32
    %dma_wait3A_32 = arith.constant 0 : i32
    %dma_wait3A_33 = tpu.memref_slice %arg6[%dma_wait3A, %dma_wait3A_31, %dma_wait3A_32] : memref<2x80x128xf32, #tpu.memory_space<vmem>> -> memref<1x80x128xf32, #tpu.memory_space<vmem>>
    %dma_wait3A_34 = tpu.memref_squeeze %dma_wait3A_33 : memref<1x80x128xf32, #tpu.memory_space<vmem>> -> memref<80x128xf32, #tpu.memory_space<vmem>>
    tpu.wait_dma2 semaphore(%arg8 : memref<!tpu.dma_semaphore, #tpu.memory_space<semaphore_mem>>) src(%dma_wait3A_34 : memref<80x128xf32, #tpu.memory_space<vmem>>) dst(%dma_wait3A_30 : memref<80x128xf32, #tpu.memory_space<hbm>>)
    return
  }
}

#map = affine_map<(d0, d1) -> (0, 0)>
#map1 = affine_map<(d0, d1) -> (0, 0, 0)>
module attributes {stable_mosaic.version = 14 : i64} {
  func.func @_scatter_body(%arg0: i32, %arg1: i32, %arg2: memref<320000x64xf32, #tpu.memory_space<hbm>>, %arg3: memref<32x125x80xi32, #tpu.memory_space<hbm>>, %arg4: memref<20480x64xf32, #tpu.memory_space<hbm>>, %arg5: memref<20480x16xf32, #tpu.memory_space<hbm>>, %arg6: memref<2x400x64xf32, #tpu.memory_space<vmem>>, %arg7: memref<125x80xi32, #tpu.memory_space<vmem>>, %arg8: memref<80x64xf32, #tpu.memory_space<vmem>>, %arg9: memref<80x16xf32, #tpu.memory_space<vmem>>, %arg10: memref<80x16xf32, #tpu.memory_space<vmem>>, %arg11: memref<10240x64xf32, #tpu.memory_space<vmem_shared>>, %arg12: memref<10240x16xf32, #tpu.memory_space<vmem_shared>>, %arg13: memref<!tpu.dma_semaphore, #tpu.memory_space<semaphore_mem>>, %arg14: memref<!tpu.dma_semaphore, #tpu.memory_space<semaphore_mem>>, %arg15: memref<!tpu.dma_semaphore, #tpu.memory_space<semaphore_mem>>, %arg16: memref<!tpu.dma_semaphore, #tpu.memory_space<semaphore_mem>>) attributes {dimension_semantics = [#tpu.dimension_semantics<core_parallel>, #tpu.dimension_semantics<subcore_parallel>], iteration_bounds = array<i64: 2, 16>, scalar_prefetch = 0 : i64, scratch_operands = 11 : i64, tpu.core_type = #tpu.core_type<sc_vector_subcore>, window_params = [{transform_indices = #map}, {transform_indices = #map1}, {transform_indices = #map}, {transform_indices = #map}]} {
    %mul3A = arith.constant 16 : i32
    %mul3A_0 = arith.muli %arg0, %mul3A : i32
    %add3A = arith.addi %mul3A_0, %arg1 : i32
    %broadcast_in_dim3A = arith.constant 0.000000e+00 : f32
    %broadcast_in_dim3A_1 = vector.broadcast %broadcast_in_dim3A : f32 to vector<16xf32>
    %scan3A = arith.constant 0 : i32
    %scan3A_2 = arith.constant 0 : i32
    %scan3A_3 = arith.constant 80 : i32
    %scan3A_4 = arith.addi %scan3A_2, %scan3A_3 : i32
    %scan3A_5 = arith.constant 1 : i32
    %scan3A_6 = scf.for %scan3A_187 = %scan3A_2 to %scan3A_4 step %scan3A_5 iter_args(%scan3A_188 = %scan3A) -> (i32)  : i32 {
      %scan3A_189 = arith.constant 0 : i32
      %scan3A_190 = arith.constant 0 : i32
      %scan3A_191 = arith.constant 4 : i32
      %scan3A_192 = arith.addi %scan3A_190, %scan3A_191 : i32
      %scan3A_193 = arith.constant 1 : i32
      %scan3A_194 = scf.for %scan3A_196 = %scan3A_190 to %scan3A_192 step %scan3A_193 iter_args(%scan3A_197 = %scan3A_189) -> (i32)  : i32 {
        %mul3A_198 = arith.constant 16 : i32
        %mul3A_199 = arith.muli %scan3A_196, %mul3A_198 : i32
        %swap3A = arith.index_cast %scan3A_187 : i32 to index
        %swap3A_200 = arith.index_cast %mul3A_199 : i32 to index
        %swap3A_201 = tpu.vector_load %arg8[%swap3A, %swap3A_200] {strides = array<i32>} : memref<80x64xf32, #tpu.memory_space<vmem>>, vector<1x16xf32>,
        %swap3A_202 = vector.shape_cast %swap3A_201 : vector<1x16xf32> to vector<16xf32>
        %swap3A_203 = vector.shape_cast %broadcast_in_dim3A_1 : vector<16xf32> to vector<1x16xf32>
        tpu.vector_store %arg8[%swap3A, %swap3A_200], %swap3A_203 {strides = array<i32>} : memref<80x64xf32, #tpu.memory_space<vmem>>, vector<1x16xf32>,
        %scan3A_204 = arith.constant 0 : i32
        scf.yield %scan3A_204 : i32
      }
      %scan3A_195 = arith.constant 4 : i32
      scf.yield %scan3A_194 : i32
    }
    %scan3A_7 = arith.constant 80 : i32
    %mul3A_8 = arith.constant 640 : i32
    %mul3A_9 = arith.muli %arg1, %mul3A_8 : i32
    %add3A_10 = arith.constant 0 : i32
    %add3A_11 = arith.addi %mul3A_9, %add3A_10 : i32
    %dma_start3A = arith.constant 0 : i32
    %dma_start3A_12 = tpu.memref_slice %arg11[%add3A_11, %dma_start3A] : memref<10240x64xf32, #tpu.memory_space<vmem_shared>> -> memref<80x64xf32, #tpu.memory_space<vmem_shared>>
    %dma_start3A_13 = arith.constant 0 : i32
    %dma_start3A_14 = tpu.memref_slice %arg11[%add3A_11, %dma_start3A_13] : memref<10240x64xf32, #tpu.memory_space<vmem_shared>> -> memref<80x64xf32, #tpu.memory_space<vmem_shared>>
    tpu.enqueue_dma source(%arg8 : memref<80x64xf32, #tpu.memory_space<vmem>>) target(%dma_start3A_14 : memref<80x64xf32, #tpu.memory_space<vmem_shared>>) target_semaphore(%arg16 : memref<!tpu.dma_semaphore, #tpu.memory_space<semaphore_mem>>)
    %mul3A_15 = arith.constant 640 : i32
    %mul3A_16 = arith.muli %arg1, %mul3A_15 : i32
    %add3A_17 = arith.constant 80 : i32
    %add3A_18 = arith.addi %mul3A_16, %add3A_17 : i32
    %dma_start3A_19 = arith.constant 0 : i32
    %dma_start3A_20 = tpu.memref_slice %arg11[%add3A_18, %dma_start3A_19] : memref<10240x64xf32, #tpu.memory_space<vmem_shared>> -> memref<80x64xf32, #tpu.memory_space<vmem_shared>>
    %dma_start3A_21 = arith.constant 0 : i32
    %dma_start3A_22 = tpu.memref_slice %arg11[%add3A_18, %dma_start3A_21] : memref<10240x64xf32, #tpu.memory_space<vmem_shared>> -> memref<80x64xf32, #tpu.memory_space<vmem_shared>>
    tpu.enqueue_dma source(%arg8 : memref<80x64xf32, #tpu.memory_space<vmem>>) target(%dma_start3A_22 : memref<80x64xf32, #tpu.memory_space<vmem_shared>>) target_semaphore(%arg16 : memref<!tpu.dma_semaphore, #tpu.memory_space<semaphore_mem>>)
    %mul3A_23 = arith.constant 640 : i32
    %mul3A_24 = arith.muli %arg1, %mul3A_23 : i32
    %add3A_25 = arith.constant 160 : i32
    %add3A_26 = arith.addi %mul3A_24, %add3A_25 : i32
    %dma_start3A_27 = arith.constant 0 : i32
    %dma_start3A_28 = tpu.memref_slice %arg11[%add3A_26, %dma_start3A_27] : memref<10240x64xf32, #tpu.memory_space<vmem_shared>> -> memref<80x64xf32, #tpu.memory_space<vmem_shared>>
    %dma_start3A_29 = arith.constant 0 : i32
    %dma_start3A_30 = tpu.memref_slice %arg11[%add3A_26, %dma_start3A_29] : memref<10240x64xf32, #tpu.memory_space<vmem_shared>> -> memref<80x64xf32, #tpu.memory_space<vmem_shared>>
    tpu.enqueue_dma source(%arg8 : memref<80x64xf32, #tpu.memory_space<vmem>>) target(%dma_start3A_30 : memref<80x64xf32, #tpu.memory_space<vmem_shared>>) target_semaphore(%arg16 : memref<!tpu.dma_semaphore, #tpu.memory_space<semaphore_mem>>)
    %mul3A_31 = arith.constant 640 : i32
    %mul3A_32 = arith.muli %arg1, %mul3A_31 : i32
    %add3A_33 = arith.constant 240 : i32
    %add3A_34 = arith.addi %mul3A_32, %add3A_33 : i32
    %dma_start3A_35 = arith.constant 0 : i32
    %dma_start3A_36 = tpu.memref_slice %arg11[%add3A_34, %dma_start3A_35] : memref<10240x64xf32, #tpu.memory_space<vmem_shared>> -> memref<80x64xf32, #tpu.memory_space<vmem_shared>>
    %dma_start3A_37 = arith.constant 0 : i32
    %dma_start3A_38 = tpu.memref_slice %arg11[%add3A_34, %dma_start3A_37] : memref<10240x64xf32, #tpu.memory_space<vmem_shared>> -> memref<80x64xf32, #tpu.memory_space<vmem_shared>>
    tpu.enqueue_dma source(%arg8 : memref<80x64xf32, #tpu.memory_space<vmem>>) target(%dma_start3A_38 : memref<80x64xf32, #tpu.memory_space<vmem_shared>>) target_semaphore(%arg16 : memref<!tpu.dma_semaphore, #tpu.memory_space<semaphore_mem>>)
    %mul3A_39 = arith.constant 640 : i32
    %mul3A_40 = arith.muli %arg1, %mul3A_39 : i32
    %add3A_41 = arith.constant 320 : i32
    %add3A_42 = arith.addi %mul3A_40, %add3A_41 : i32
    %dma_start3A_43 = arith.constant 0 : i32
    %dma_start3A_44 = tpu.memref_slice %arg11[%add3A_42, %dma_start3A_43] : memref<10240x64xf32, #tpu.memory_space<vmem_shared>> -> memref<80x64xf32, #tpu.memory_space<vmem_shared>>
    %dma_start3A_45 = arith.constant 0 : i32
    %dma_start3A_46 = tpu.memref_slice %arg11[%add3A_42, %dma_start3A_45] : memref<10240x64xf32, #tpu.memory_space<vmem_shared>> -> memref<80x64xf32, #tpu.memory_space<vmem_shared>>
    tpu.enqueue_dma source(%arg8 : memref<80x64xf32, #tpu.memory_space<vmem>>) target(%dma_start3A_46 : memref<80x64xf32, #tpu.memory_space<vmem_shared>>) target_semaphore(%arg16 : memref<!tpu.dma_semaphore, #tpu.memory_space<semaphore_mem>>)
    %mul3A_47 = arith.constant 640 : i32
    %mul3A_48 = arith.muli %arg1, %mul3A_47 : i32
    %add3A_49 = arith.constant 400 : i32
    %add3A_50 = arith.addi %mul3A_48, %add3A_49 : i32
    %dma_start3A_51 = arith.constant 0 : i32
    %dma_start3A_52 = tpu.memref_slice %arg11[%add3A_50, %dma_start3A_51] : memref<10240x64xf32, #tpu.memory_space<vmem_shared>> -> memref<80x64xf32, #tpu.memory_space<vmem_shared>>
    %dma_start3A_53 = arith.constant 0 : i32
    %dma_start3A_54 = tpu.memref_slice %arg11[%add3A_50, %dma_start3A_53] : memref<10240x64xf32, #tpu.memory_space<vmem_shared>> -> memref<80x64xf32, #tpu.memory_space<vmem_shared>>
    tpu.enqueue_dma source(%arg8 : memref<80x64xf32, #tpu.memory_space<vmem>>) target(%dma_start3A_54 : memref<80x64xf32, #tpu.memory_space<vmem_shared>>) target_semaphore(%arg16 : memref<!tpu.dma_semaphore, #tpu.memory_space<semaphore_mem>>)
    %mul3A_55 = arith.constant 640 : i32
    %mul3A_56 = arith.muli %arg1, %mul3A_55 : i32
    %add3A_57 = arith.constant 480 : i32
    %add3A_58 = arith.addi %mul3A_56, %add3A_57 : i32
    %dma_start3A_59 = arith.constant 0 : i32
    %dma_start3A_60 = tpu.memref_slice %arg11[%add3A_58, %dma_start3A_59] : memref<10240x64xf32, #tpu.memory_space<vmem_shared>> -> memref<80x64xf32, #tpu.memory_space<vmem_shared>>
    %dma_start3A_61 = arith.constant 0 : i32
    %dma_start3A_62 = tpu.memref_slice %arg11[%add3A_58, %dma_start3A_61] : memref<10240x64xf32, #tpu.memory_space<vmem_shared>> -> memref<80x64xf32, #tpu.memory_space<vmem_shared>>
    tpu.enqueue_dma source(%arg8 : memref<80x64xf32, #tpu.memory_space<vmem>>) target(%dma_start3A_62 : memref<80x64xf32, #tpu.memory_space<vmem_shared>>) target_semaphore(%arg16 : memref<!tpu.dma_semaphore, #tpu.memory_space<semaphore_mem>>)
    %mul3A_63 = arith.constant 640 : i32
    %mul3A_64 = arith.muli %arg1, %mul3A_63 : i32
    %add3A_65 = arith.constant 560 : i32
    %add3A_66 = arith.addi %mul3A_64, %add3A_65 : i32
    %dma_start3A_67 = arith.constant 0 : i32
    %dma_start3A_68 = tpu.memref_slice %arg11[%add3A_66, %dma_start3A_67] : memref<10240x64xf32, #tpu.memory_space<vmem_shared>> -> memref<80x64xf32, #tpu.memory_space<vmem_shared>>
    %dma_start3A_69 = arith.constant 0 : i32
    %dma_start3A_70 = tpu.memref_slice %arg11[%add3A_66, %dma_start3A_69] : memref<10240x64xf32, #tpu.memory_space<vmem_shared>> -> memref<80x64xf32, #tpu.memory_space<vmem_shared>>
    tpu.enqueue_dma source(%arg8 : memref<80x64xf32, #tpu.memory_space<vmem>>) target(%dma_start3A_70 : memref<80x64xf32, #tpu.memory_space<vmem_shared>>) target_semaphore(%arg16 : memref<!tpu.dma_semaphore, #tpu.memory_space<semaphore_mem>>)
    %mul3A_71 = arith.constant 640 : i32
    %mul3A_72 = arith.muli %arg1, %mul3A_71 : i32
    %add3A_73 = arith.constant 0 : i32
    %add3A_74 = arith.addi %mul3A_72, %add3A_73 : i32
    %dma_wait3A = arith.constant 0 : i32
    %dma_wait3A_75 = tpu.memref_slice %arg11[%add3A_74, %dma_wait3A] : memref<10240x64xf32, #tpu.memory_space<vmem_shared>> -> memref<80x64xf32, #tpu.memory_space<vmem_shared>>
    %dma_wait3A_76 = arith.constant 0 : i32
    %dma_wait3A_77 = tpu.memref_slice %arg11[%add3A_74, %dma_wait3A_76] : memref<10240x64xf32, #tpu.memory_space<vmem_shared>> -> memref<80x64xf32, #tpu.memory_space<vmem_shared>>
    tpu.wait_dma2 semaphore(%arg16 : memref<!tpu.dma_semaphore, #tpu.memory_space<semaphore_mem>>) src(%arg8 : memref<80x64xf32, #tpu.memory_space<vmem>>) dst(%dma_wait3A_77 : memref<80x64xf32, #tpu.memory_space<vmem_shared>>)
    %mul3A_78 = arith.constant 640 : i32
    %mul3A_79 = arith.muli %arg1, %mul3A_78 : i32
    %add3A_80 = arith.constant 80 : i32
    %add3A_81 = arith.addi %mul3A_79, %add3A_80 : i32
    %dma_wait3A_82 = arith.constant 0 : i32
    %dma_wait3A_83 = tpu.memref_slice %arg11[%add3A_81, %dma_wait3A_82] : memref<10240x64xf32, #tpu.memory_space<vmem_shared>> -> memref<80x64xf32, #tpu.memory_space<vmem_shared>>
    %dma_wait3A_84 = arith.constant 0 : i32
    %dma_wait3A_85 = tpu.memref_slice %arg11[%add3A_81, %dma_wait3A_84] : memref<10240x64xf32, #tpu.memory_space<vmem_shared>> -> memref<80x64xf32, #tpu.memory_space<vmem_shared>>
    tpu.wait_dma2 semaphore(%arg16 : memref<!tpu.dma_semaphore, #tpu.memory_space<semaphore_mem>>) src(%arg8 : memref<80x64xf32, #tpu.memory_space<vmem>>) dst(%dma_wait3A_85 : memref<80x64xf32, #tpu.memory_space<vmem_shared>>)
    %mul3A_86 = arith.constant 640 : i32
    %mul3A_87 = arith.muli %arg1, %mul3A_86 : i32
    %add3A_88 = arith.constant 160 : i32
    %add3A_89 = arith.addi %mul3A_87, %add3A_88 : i32
    %dma_wait3A_90 = arith.constant 0 : i32
    %dma_wait3A_91 = tpu.memref_slice %arg11[%add3A_89, %dma_wait3A_90] : memref<10240x64xf32, #tpu.memory_space<vmem_shared>> -> memref<80x64xf32, #tpu.memory_space<vmem_shared>>
    %dma_wait3A_92 = arith.constant 0 : i32
    %dma_wait3A_93 = tpu.memref_slice %arg11[%add3A_89, %dma_wait3A_92] : memref<10240x64xf32, #tpu.memory_space<vmem_shared>> -> memref<80x64xf32, #tpu.memory_space<vmem_shared>>
    tpu.wait_dma2 semaphore(%arg16 : memref<!tpu.dma_semaphore, #tpu.memory_space<semaphore_mem>>) src(%arg8 : memref<80x64xf32, #tpu.memory_space<vmem>>) dst(%dma_wait3A_93 : memref<80x64xf32, #tpu.memory_space<vmem_shared>>)
    %mul3A_94 = arith.constant 640 : i32
    %mul3A_95 = arith.muli %arg1, %mul3A_94 : i32
    %add3A_96 = arith.constant 240 : i32
    %add3A_97 = arith.addi %mul3A_95, %add3A_96 : i32
    %dma_wait3A_98 = arith.constant 0 : i32
    %dma_wait3A_99 = tpu.memref_slice %arg11[%add3A_97, %dma_wait3A_98] : memref<10240x64xf32, #tpu.memory_space<vmem_shared>> -> memref<80x64xf32, #tpu.memory_space<vmem_shared>>
    %dma_wait3A_100 = arith.constant 0 : i32
    %dma_wait3A_101 = tpu.memref_slice %arg11[%add3A_97, %dma_wait3A_100] : memref<10240x64xf32, #tpu.memory_space<vmem_shared>> -> memref<80x64xf32, #tpu.memory_space<vmem_shared>>
    tpu.wait_dma2 semaphore(%arg16 : memref<!tpu.dma_semaphore, #tpu.memory_space<semaphore_mem>>) src(%arg8 : memref<80x64xf32, #tpu.memory_space<vmem>>) dst(%dma_wait3A_101 : memref<80x64xf32, #tpu.memory_space<vmem_shared>>)
    %mul3A_102 = arith.constant 640 : i32
    %mul3A_103 = arith.muli %arg1, %mul3A_102 : i32
    %add3A_104 = arith.constant 320 : i32
    %add3A_105 = arith.addi %mul3A_103, %add3A_104 : i32
    %dma_wait3A_106 = arith.constant 0 : i32
    %dma_wait3A_107 = tpu.memref_slice %arg11[%add3A_105, %dma_wait3A_106] : memref<10240x64xf32, #tpu.memory_space<vmem_shared>> -> memref<80x64xf32, #tpu.memory_space<vmem_shared>>
    %dma_wait3A_108 = arith.constant 0 : i32
    %dma_wait3A_109 = tpu.memref_slice %arg11[%add3A_105, %dma_wait3A_108] : memref<10240x64xf32, #tpu.memory_space<vmem_shared>> -> memref<80x64xf32, #tpu.memory_space<vmem_shared>>
    tpu.wait_dma2 semaphore(%arg16 : memref<!tpu.dma_semaphore, #tpu.memory_space<semaphore_mem>>) src(%arg8 : memref<80x64xf32, #tpu.memory_space<vmem>>) dst(%dma_wait3A_109 : memref<80x64xf32, #tpu.memory_space<vmem_shared>>)
    %mul3A_110 = arith.constant 640 : i32
    %mul3A_111 = arith.muli %arg1, %mul3A_110 : i32
    %add3A_112 = arith.constant 400 : i32
    %add3A_113 = arith.addi %mul3A_111, %add3A_112 : i32
    %dma_wait3A_114 = arith.constant 0 : i32
    %dma_wait3A_115 = tpu.memref_slice %arg11[%add3A_113, %dma_wait3A_114] : memref<10240x64xf32, #tpu.memory_space<vmem_shared>> -> memref<80x64xf32, #tpu.memory_space<vmem_shared>>
    %dma_wait3A_116 = arith.constant 0 : i32
    %dma_wait3A_117 = tpu.memref_slice %arg11[%add3A_113, %dma_wait3A_116] : memref<10240x64xf32, #tpu.memory_space<vmem_shared>> -> memref<80x64xf32, #tpu.memory_space<vmem_shared>>
    tpu.wait_dma2 semaphore(%arg16 : memref<!tpu.dma_semaphore, #tpu.memory_space<semaphore_mem>>) src(%arg8 : memref<80x64xf32, #tpu.memory_space<vmem>>) dst(%dma_wait3A_117 : memref<80x64xf32, #tpu.memory_space<vmem_shared>>)
    %mul3A_118 = arith.constant 640 : i32
    %mul3A_119 = arith.muli %arg1, %mul3A_118 : i32
    %add3A_120 = arith.constant 480 : i32
    %add3A_121 = arith.addi %mul3A_119, %add3A_120 : i32
    %dma_wait3A_122 = arith.constant 0 : i32
    %dma_wait3A_123 = tpu.memref_slice %arg11[%add3A_121, %dma_wait3A_122] : memref<10240x64xf32, #tpu.memory_space<vmem_shared>> -> memref<80x64xf32, #tpu.memory_space<vmem_shared>>
    %dma_wait3A_124 = arith.constant 0 : i32
    %dma_wait3A_125 = tpu.memref_slice %arg11[%add3A_121, %dma_wait3A_124] : memref<10240x64xf32, #tpu.memory_space<vmem_shared>> -> memref<80x64xf32, #tpu.memory_space<vmem_shared>>
    tpu.wait_dma2 semaphore(%arg16 : memref<!tpu.dma_semaphore, #tpu.memory_space<semaphore_mem>>) src(%arg8 : memref<80x64xf32, #tpu.memory_space<vmem>>) dst(%dma_wait3A_125 : memref<80x64xf32, #tpu.memory_space<vmem_shared>>)
    %mul3A_126 = arith.constant 640 : i32
    %mul3A_127 = arith.muli %arg1, %mul3A_126 : i32
    %add3A_128 = arith.constant 560 : i32
    %add3A_129 = arith.addi %mul3A_127, %add3A_128 : i32
    %dma_wait3A_130 = arith.constant 0 : i32
    %dma_wait3A_131 = tpu.memref_slice %arg11[%add3A_129, %dma_wait3A_130] : memref<10240x64xf32, #tpu.memory_space<vmem_shared>> -> memref<80x64xf32, #tpu.memory_space<vmem_shared>>
    %dma_wait3A_132 = arith.constant 0 : i32
    %dma_wait3A_133 = tpu.memref_slice %arg11[%add3A_129, %dma_wait3A_132] : memref<10240x64xf32, #tpu.memory_space<vmem_shared>> -> memref<80x64xf32, #tpu.memory_space<vmem_shared>>
    tpu.wait_dma2 semaphore(%arg16 : memref<!tpu.dma_semaphore, #tpu.memory_space<semaphore_mem>>) src(%arg8 : memref<80x64xf32, #tpu.memory_space<vmem>>) dst(%dma_wait3A_133 : memref<80x64xf32, #tpu.memory_space<vmem_shared>>)
    "tpu.region"() ({
      %run_scoped3A_187 = tpu.sem_alloc : memref<!tpu.dma_semaphore, #tpu.memory_space<semaphore_mem>>
      %dma_start3A_188 = arith.constant 0 : i32
      %dma_start3A_189 = arith.constant 0 : i32
      %dma_start3A_190 = tpu.memref_slice %arg3[%add3A, %dma_start3A_188, %dma_start3A_189] : memref<32x125x80xi32, #tpu.memory_space<hbm>> -> memref<1x125x80xi32, #tpu.memory_space<hbm>>
      %dma_start3A_191 = tpu.memref_squeeze %dma_start3A_190 : memref<1x125x80xi32, #tpu.memory_space<hbm>> -> memref<125x80xi32, #tpu.memory_space<hbm>>
      %dma_start3A_192 = arith.constant 0 : i32
      %dma_start3A_193 = arith.constant 0 : i32
      %dma_start3A_194 = tpu.memref_slice %arg3[%add3A, %dma_start3A_192, %dma_start3A_193] : memref<32x125x80xi32, #tpu.memory_space<hbm>> -> memref<1x125x80xi32, #tpu.memory_space<hbm>>
      %dma_start3A_195 = tpu.memref_squeeze %dma_start3A_194 : memref<1x125x80xi32, #tpu.memory_space<hbm>> -> memref<125x80xi32, #tpu.memory_space<hbm>>
      tpu.enqueue_dma source(%dma_start3A_195 : memref<125x80xi32, #tpu.memory_space<hbm>>) target(%arg7 : memref<125x80xi32, #tpu.memory_space<vmem>>) target_semaphore(%run_scoped3A_187 : memref<!tpu.dma_semaphore, #tpu.memory_space<semaphore_mem>>)
      %dma_wait3A_196 = arith.constant 0 : i32
      %dma_wait3A_197 = arith.constant 0 : i32
      %dma_wait3A_198 = tpu.memref_slice %arg3[%add3A, %dma_wait3A_196, %dma_wait3A_197] : memref<32x125x80xi32, #tpu.memory_space<hbm>> -> memref<1x125x80xi32, #tpu.memory_space<hbm>>
      %dma_wait3A_199 = tpu.memref_squeeze %dma_wait3A_198 : memref<1x125x80xi32, #tpu.memory_space<hbm>> -> memref<125x80xi32, #tpu.memory_space<hbm>>
      %dma_wait3A_200 = arith.constant 0 : i32
      %dma_wait3A_201 = arith.constant 0 : i32
      %dma_wait3A_202 = tpu.memref_slice %arg3[%add3A, %dma_wait3A_200, %dma_wait3A_201] : memref<32x125x80xi32, #tpu.memory_space<hbm>> -> memref<1x125x80xi32, #tpu.memory_space<hbm>>
      %dma_wait3A_203 = tpu.memref_squeeze %dma_wait3A_202 : memref<1x125x80xi32, #tpu.memory_space<hbm>> -> memref<125x80xi32, #tpu.memory_space<hbm>>
      tpu.wait_dma2 semaphore(%run_scoped3A_187 : memref<!tpu.dma_semaphore, #tpu.memory_space<semaphore_mem>>) src(%dma_wait3A_203 : memref<125x80xi32, #tpu.memory_space<hbm>>) dst(%arg7 : memref<125x80xi32, #tpu.memory_space<vmem>>)
      tpu.yield
    }) : () -> ()
    %barrier3A = arith.constant 0 : index
    tpu.barrier barrier_id(%barrier3A)
    %mul3A_134 = arith.constant 160000 : i32
    %mul3A_135 = arith.muli %arg0, %mul3A_134 : i32
    %mul3A_136 = arith.constant 10000 : i32
    %mul3A_137 = arith.muli %arg1, %mul3A_136 : i32
    %add3A_138 = arith.addi %mul3A_135, %mul3A_137 : i32
    %add3A_139 = arith.constant 0 : i32
    %add3A_140 = arith.addi %add3A_138, %add3A_139 : i32
    %dma_start3A_141 = arith.constant 0 : i32
    %dma_start3A_142 = arith.constant 0 : i32
    %dma_start3A_143 = arith.constant 0 : i32
    %dma_start3A_144 = tpu.memref_slice %arg6[%dma_start3A_141, %dma_start3A_142, %dma_start3A_143] : memref<2x400x64xf32, #tpu.memory_space<vmem>> -> memref<1x400x64xf32, #tpu.memory_space<vmem>>
    %dma_start3A_145 = tpu.memref_squeeze %dma_start3A_144 : memref<1x400x64xf32, #tpu.memory_space<vmem>> -> memref<400x64xf32, #tpu.memory_space<vmem>>
    %dma_start3A_146 = arith.constant 0 : i32
    %dma_start3A_147 = tpu.memref_slice %arg2[%add3A_140, %dma_start3A_146] : memref<320000x64xf32, #tpu.memory_space<hbm>> -> memref<400x64xf32, #tpu.memory_space<hbm>>
    %dma_start3A_148 = arith.constant 0 : i32
    %dma_start3A_149 = arith.constant 0 : i32
    %dma_start3A_150 = tpu.memref_slice %arg6[%dma_start3A_141, %dma_start3A_148, %dma_start3A_149] : memref<2x400x64xf32, #tpu.memory_space<vmem>> -> memref<1x400x64xf32, #tpu.memory_space<vmem>>
    %dma_start3A_151 = tpu.memref_squeeze %dma_start3A_150 : memref<1x400x64xf32, #tpu.memory_space<vmem>> -> memref<400x64xf32, #tpu.memory_space<vmem>>
    %dma_start3A_152 = arith.constant 0 : i32
    %dma_start3A_153 = tpu.memref_slice %arg2[%add3A_140, %dma_start3A_152] : memref<320000x64xf32, #tpu.memory_space<hbm>> -> memref<400x64xf32, #tpu.memory_space<hbm>>
    tpu.enqueue_dma source(%dma_start3A_153 : memref<400x64xf32, #tpu.memory_space<hbm>>) target(%dma_start3A_151 : memref<400x64xf32, #tpu.memory_space<vmem>>) target_semaphore(%arg13 : memref<!tpu.dma_semaphore, #tpu.memory_space<semaphore_mem>>)
    %scan3A_154 = arith.constant 0 : i32
    %scan3A_155 = arith.constant 0 : i32
    %scan3A_156 = arith.constant 25 : i32
    %scan3A_157 = arith.addi %scan3A_155, %scan3A_156 : i32
    %scan3A_158 = arith.constant 1 : i32
    %scan3A_159 = scf.for %scan3A_187 = %scan3A_155 to %scan3A_157 step %scan3A_158 iter_args(%scan3A_188 = %scan3A_154) -> (i32)  : i32 {
      %and3A = arith.constant 1 : i32
      %and3A_189 = arith.andi %scan3A_187, %and3A : i32
      %mul3A_190 = arith.constant 400 : i32
      %mul3A_191 = arith.muli %scan3A_187, %mul3A_190 : i32
      %add3A_192 = arith.addi %add3A_138, %mul3A_191 : i32
      %dma_wait3A_193 = arith.constant 0 : i32
      %dma_wait3A_194 = arith.constant 0 : i32
      %dma_wait3A_195 = tpu.memref_slice %arg6[%and3A_189, %dma_wait3A_193, %dma_wait3A_194] : memref<2x400x64xf32, #tpu.memory_space<vmem>> -> memref<1x400x64xf32, #tpu.memory_space<vmem>>
      %dma_wait3A_196 = tpu.memref_squeeze %dma_wait3A_195 : memref<1x400x64xf32, #tpu.memory_space<vmem>> -> memref<400x64xf32, #tpu.memory_space<vmem>>
      %dma_wait3A_197 = arith.constant 0 : i32
      %dma_wait3A_198 = tpu.memref_slice %arg2[%add3A_192, %dma_wait3A_197] : memref<320000x64xf32, #tpu.memory_space<hbm>> -> memref<400x64xf32, #tpu.memory_space<hbm>>
      %dma_wait3A_199 = arith.constant 0 : i32
      %dma_wait3A_200 = arith.constant 0 : i32
      %dma_wait3A_201 = tpu.memref_slice %arg6[%and3A_189, %dma_wait3A_199, %dma_wait3A_200] : memref<2x400x64xf32, #tpu.memory_space<vmem>> -> memref<1x400x64xf32, #tpu.memory_space<vmem>>
      %dma_wait3A_202 = tpu.memref_squeeze %dma_wait3A_201 : memref<1x400x64xf32, #tpu.memory_space<vmem>> -> memref<400x64xf32, #tpu.memory_space<vmem>>
      %dma_wait3A_203 = arith.constant 0 : i32
      %dma_wait3A_204 = tpu.memref_slice %arg2[%add3A_192, %dma_wait3A_203] : memref<320000x64xf32, #tpu.memory_space<hbm>> -> memref<400x64xf32, #tpu.memory_space<hbm>>
      tpu.wait_dma2 semaphore(%arg13 : memref<!tpu.dma_semaphore, #tpu.memory_space<semaphore_mem>>) src(%dma_wait3A_204 : memref<400x64xf32, #tpu.memory_space<hbm>>) dst(%dma_wait3A_202 : memref<400x64xf32, #tpu.memory_space<vmem>>)
      %add3A_205 = arith.constant 1 : i32
      %add3A_206 = arith.addi %scan3A_187, %add3A_205 : i32
      %lt3A = arith.constant 25 : i32
      %lt3A_207 = arith.cmpi slt, %add3A_206, %lt3A : i32
      %convert_element_type3A = arith.extui %lt3A_207 : i1 to i32
      %cond3A = arith.constant 0 : i32
      %cond3A_208 = arith.cmpi ne, %convert_element_type3A, %cond3A : i32
      scf.if %cond3A_208 {
        %add3A_335 = arith.constant 1 : i32
        %add3A_336 = arith.addi %scan3A_187, %add3A_335 : i32
        %mul3A_337 = arith.constant 400 : i32
        %mul3A_338 = arith.muli %add3A_336, %mul3A_337 : i32
        %add3A_339 = arith.addi %add3A_138, %mul3A_338 : i32
        %sub3A = arith.constant 1 : i32
        %sub3A_340 = arith.subi %sub3A, %and3A_189 : i32
        %dma_start3A_341 = arith.constant 0 : i32
        %dma_start3A_342 = arith.constant 0 : i32
        %dma_start3A_343 = tpu.memref_slice %arg6[%sub3A_340, %dma_start3A_341, %dma_start3A_342] : memref<2x400x64xf32, #tpu.memory_space<vmem>> -> memref<1x400x64xf32, #tpu.memory_space<vmem>>
        %dma_start3A_344 = tpu.memref_squeeze %dma_start3A_343 : memref<1x400x64xf32, #tpu.memory_space<vmem>> -> memref<400x64xf32, #tpu.memory_space<vmem>>
        %dma_start3A_345 = arith.constant 0 : i32
        %dma_start3A_346 = tpu.memref_slice %arg2[%add3A_339, %dma_start3A_345] : memref<320000x64xf32, #tpu.memory_space<hbm>> -> memref<400x64xf32, #tpu.memory_space<hbm>>
        %dma_start3A_347 = arith.constant 0 : i32
        %dma_start3A_348 = arith.constant 0 : i32
        %dma_start3A_349 = tpu.memref_slice %arg6[%sub3A_340, %dma_start3A_347, %dma_start3A_348] : memref<2x400x64xf32, #tpu.memory_space<vmem>> -> memref<1x400x64xf32, #tpu.memory_space<vmem>>
        %dma_start3A_350 = tpu.memref_squeeze %dma_start3A_349 : memref<1x400x64xf32, #tpu.memory_space<vmem>> -> memref<400x64xf32, #tpu.memory_space<vmem>>
        %dma_start3A_351 = arith.constant 0 : i32
        %dma_start3A_352 = tpu.memref_slice %arg2[%add3A_339, %dma_start3A_351] : memref<320000x64xf32, #tpu.memory_space<hbm>> -> memref<400x64xf32, #tpu.memory_space<hbm>>
        tpu.enqueue_dma source(%dma_start3A_352 : memref<400x64xf32, #tpu.memory_space<hbm>>) target(%dma_start3A_350 : memref<400x64xf32, #tpu.memory_space<vmem>>) target_semaphore(%arg13 : memref<!tpu.dma_semaphore, #tpu.memory_space<semaphore_mem>>)
      } else {
      }
      %mul3A_209 = arith.constant 5 : i32
      %mul3A_210 = arith.muli %scan3A_187, %mul3A_209 : i32
      %add3A_211 = arith.constant 0 : i32
      %add3A_212 = arith.addi %mul3A_210, %add3A_211 : i32
      %dma_start3A_213 = arith.constant 0 : i32
      %dma_start3A_214 = arith.constant 0 : i32
      %dma_start3A_215 = tpu.memref_slice %arg6[%and3A_189, %dma_start3A_213, %dma_start3A_214] : memref<2x400x64xf32, #tpu.memory_space<vmem>> -> memref<1x80x64xf32, #tpu.memory_space<vmem>>
      %dma_start3A_216 = tpu.memref_squeeze %dma_start3A_215 : memref<1x80x64xf32, #tpu.memory_space<vmem>> -> memref<80x64xf32, #tpu.memory_space<vmem>>
      %dma_start3A_217 = arith.constant 0 : i32
      %dma_start3A_218 = tpu.memref_slice %arg7[%add3A_212, %dma_start3A_217] : memref<125x80xi32, #tpu.memory_space<vmem>> -> memref<1x80xi32, #tpu.memory_space<vmem>>
      %dma_start3A_219 = tpu.memref_squeeze %dma_start3A_218 : memref<1x80xi32, #tpu.memory_space<vmem>> -> memref<80xi32, #tpu.memory_space<vmem>>
      %dma_start3A_220 = arith.constant 0 : i32
      %dma_start3A_221 = arith.constant 0 : i32
      %dma_start3A_222 = tpu.memref_slice %arg11[%dma_start3A_220, %dma_start3A_221] : memref<10240x64xf32, #tpu.memory_space<vmem_shared>> -> memref<10240x64xf32, #tpu.memory_space<vmem_shared>>
      tpu.enqueue_indirect_dma source(%dma_start3A_216 : memref<80x64xf32, #tpu.memory_space<vmem>>) target(%dma_start3A_222 : memref<10240x64xf32, #tpu.memory_space<vmem_shared>>) offsets(%dma_start3A_219 : memref<80xi32, #tpu.memory_space<vmem>>) semaphore(%arg14 : memref<!tpu.dma_semaphore, #tpu.memory_space<semaphore_mem>>) {add = true}
      %mul3A_223 = arith.constant 5 : i32
      %mul3A_224 = arith.muli %scan3A_187, %mul3A_223 : i32
      %add3A_225 = arith.constant 1 : i32
      %add3A_226 = arith.addi %mul3A_224, %add3A_225 : i32
      %dma_start3A_227 = arith.constant 80 : i32
      %dma_start3A_228 = arith.constant 0 : i32
      %dma_start3A_229 = tpu.memref_slice %arg6[%and3A_189, %dma_start3A_227, %dma_start3A_228] : memref<2x400x64xf32, #tpu.memory_space<vmem>> -> memref<1x80x64xf32, #tpu.memory_space<vmem>>
      %dma_start3A_230 = tpu.memref_squeeze %dma_start3A_229 : memref<1x80x64xf32, #tpu.memory_space<vmem>> -> memref<80x64xf32, #tpu.memory_space<vmem>>
      %dma_start3A_231 = arith.constant 0 : i32
      %dma_start3A_232 = tpu.memref_slice %arg7[%add3A_226, %dma_start3A_231] : memref<125x80xi32, #tpu.memory_space<vmem>> -> memref<1x80xi32, #tpu.memory_space<vmem>>
      %dma_start3A_233 = tpu.memref_squeeze %dma_start3A_232 : memref<1x80xi32, #tpu.memory_space<vmem>> -> memref<80xi32, #tpu.memory_space<vmem>>
      %dma_start3A_234 = arith.constant 0 : i32
      %dma_start3A_235 = arith.constant 0 : i32
      %dma_start3A_236 = tpu.memref_slice %arg11[%dma_start3A_234, %dma_start3A_235] : memref<10240x64xf32, #tpu.memory_space<vmem_shared>> -> memref<10240x64xf32, #tpu.memory_space<vmem_shared>>
      tpu.enqueue_indirect_dma source(%dma_start3A_230 : memref<80x64xf32, #tpu.memory_space<vmem>>) target(%dma_start3A_236 : memref<10240x64xf32, #tpu.memory_space<vmem_shared>>) offsets(%dma_start3A_233 : memref<80xi32, #tpu.memory_space<vmem>>) semaphore(%arg14 : memref<!tpu.dma_semaphore, #tpu.memory_space<semaphore_mem>>) {add = true}
      %mul3A_237 = arith.constant 5 : i32
      %mul3A_238 = arith.muli %scan3A_187, %mul3A_237 : i32
      %add3A_239 = arith.constant 2 : i32
      %add3A_240 = arith.addi %mul3A_238, %add3A_239 : i32
      %dma_start3A_241 = arith.constant 160 : i32
      %dma_start3A_242 = arith.constant 0 : i32
      %dma_start3A_243 = tpu.memref_slice %arg6[%and3A_189, %dma_start3A_241, %dma_start3A_242] : memref<2x400x64xf32, #tpu.memory_space<vmem>> -> memref<1x80x64xf32, #tpu.memory_space<vmem>>
      %dma_start3A_244 = tpu.memref_squeeze %dma_start3A_243 : memref<1x80x64xf32, #tpu.memory_space<vmem>> -> memref<80x64xf32, #tpu.memory_space<vmem>>
      %dma_start3A_245 = arith.constant 0 : i32
      %dma_start3A_246 = tpu.memref_slice %arg7[%add3A_240, %dma_start3A_245] : memref<125x80xi32, #tpu.memory_space<vmem>> -> memref<1x80xi32, #tpu.memory_space<vmem>>
      %dma_start3A_247 = tpu.memref_squeeze %dma_start3A_246 : memref<1x80xi32, #tpu.memory_space<vmem>> -> memref<80xi32, #tpu.memory_space<vmem>>
      %dma_start3A_248 = arith.constant 0 : i32
      %dma_start3A_249 = arith.constant 0 : i32
      %dma_start3A_250 = tpu.memref_slice %arg11[%dma_start3A_248, %dma_start3A_249] : memref<10240x64xf32, #tpu.memory_space<vmem_shared>> -> memref<10240x64xf32, #tpu.memory_space<vmem_shared>>
      tpu.enqueue_indirect_dma source(%dma_start3A_244 : memref<80x64xf32, #tpu.memory_space<vmem>>) target(%dma_start3A_250 : memref<10240x64xf32, #tpu.memory_space<vmem_shared>>) offsets(%dma_start3A_247 : memref<80xi32, #tpu.memory_space<vmem>>) semaphore(%arg14 : memref<!tpu.dma_semaphore, #tpu.memory_space<semaphore_mem>>) {add = true}
      %mul3A_251 = arith.constant 5 : i32
      %mul3A_252 = arith.muli %scan3A_187, %mul3A_251 : i32
      %add3A_253 = arith.constant 3 : i32
      %add3A_254 = arith.addi %mul3A_252, %add3A_253 : i32
      %dma_start3A_255 = arith.constant 240 : i32
      %dma_start3A_256 = arith.constant 0 : i32
      %dma_start3A_257 = tpu.memref_slice %arg6[%and3A_189, %dma_start3A_255, %dma_start3A_256] : memref<2x400x64xf32, #tpu.memory_space<vmem>> -> memref<1x80x64xf32, #tpu.memory_space<vmem>>
      %dma_start3A_258 = tpu.memref_squeeze %dma_start3A_257 : memref<1x80x64xf32, #tpu.memory_space<vmem>> -> memref<80x64xf32, #tpu.memory_space<vmem>>
      %dma_start3A_259 = arith.constant 0 : i32
      %dma_start3A_260 = tpu.memref_slice %arg7[%add3A_254, %dma_start3A_259] : memref<125x80xi32, #tpu.memory_space<vmem>> -> memref<1x80xi32, #tpu.memory_space<vmem>>
      %dma_start3A_261 = tpu.memref_squeeze %dma_start3A_260 : memref<1x80xi32, #tpu.memory_space<vmem>> -> memref<80xi32, #tpu.memory_space<vmem>>
      %dma_start3A_262 = arith.constant 0 : i32
      %dma_start3A_263 = arith.constant 0 : i32
      %dma_start3A_264 = tpu.memref_slice %arg11[%dma_start3A_262, %dma_start3A_263] : memref<10240x64xf32, #tpu.memory_space<vmem_shared>> -> memref<10240x64xf32, #tpu.memory_space<vmem_shared>>
      tpu.enqueue_indirect_dma source(%dma_start3A_258 : memref<80x64xf32, #tpu.memory_space<vmem>>) target(%dma_start3A_264 : memref<10240x64xf32, #tpu.memory_space<vmem_shared>>) offsets(%dma_start3A_261 : memref<80xi32, #tpu.memory_space<vmem>>) semaphore(%arg14 : memref<!tpu.dma_semaphore, #tpu.memory_space<semaphore_mem>>) {add = true}
      %mul3A_265 = arith.constant 5 : i32
      %mul3A_266 = arith.muli %scan3A_187, %mul3A_265 : i32
      %add3A_267 = arith.constant 4 : i32
      %add3A_268 = arith.addi %mul3A_266, %add3A_267 : i32
      %dma_start3A_269 = arith.constant 320 : i32
      %dma_start3A_270 = arith.constant 0 : i32
      %dma_start3A_271 = tpu.memref_slice %arg6[%and3A_189, %dma_start3A_269, %dma_start3A_270] : memref<2x400x64xf32, #tpu.memory_space<vmem>> -> memref<1x80x64xf32, #tpu.memory_space<vmem>>
      %dma_start3A_272 = tpu.memref_squeeze %dma_start3A_271 : memref<1x80x64xf32, #tpu.memory_space<vmem>> -> memref<80x64xf32, #tpu.memory_space<vmem>>
      %dma_start3A_273 = arith.constant 0 : i32
      %dma_start3A_274 = tpu.memref_slice %arg7[%add3A_268, %dma_start3A_273] : memref<125x80xi32, #tpu.memory_space<vmem>> -> memref<1x80xi32, #tpu.memory_space<vmem>>
      %dma_start3A_275 = tpu.memref_squeeze %dma_start3A_274 : memref<1x80xi32, #tpu.memory_space<vmem>> -> memref<80xi32, #tpu.memory_space<vmem>>
      %dma_start3A_276 = arith.constant 0 : i32
      %dma_start3A_277 = arith.constant 0 : i32
      %dma_start3A_278 = tpu.memref_slice %arg11[%dma_start3A_276, %dma_start3A_277] : memref<10240x64xf32, #tpu.memory_space<vmem_shared>> -> memref<10240x64xf32, #tpu.memory_space<vmem_shared>>
      tpu.enqueue_indirect_dma source(%dma_start3A_272 : memref<80x64xf32, #tpu.memory_space<vmem>>) target(%dma_start3A_278 : memref<10240x64xf32, #tpu.memory_space<vmem_shared>>) offsets(%dma_start3A_275 : memref<80xi32, #tpu.memory_space<vmem>>) semaphore(%arg14 : memref<!tpu.dma_semaphore, #tpu.memory_space<semaphore_mem>>) {add = true}
      %dma_wait3A_279 = arith.constant 0 : i32
      %dma_wait3A_280 = arith.constant 0 : i32
      %dma_wait3A_281 = arith.constant 0 : i32
      %dma_wait3A_282 = tpu.memref_slice %arg6[%and3A_189, %dma_wait3A_280, %dma_wait3A_281] : memref<2x400x64xf32, #tpu.memory_space<vmem>> -> memref<1x80x64xf32, #tpu.memory_space<vmem>>
      %dma_wait3A_283 = tpu.memref_squeeze %dma_wait3A_282 : memref<1x80x64xf32, #tpu.memory_space<vmem>> -> memref<80x64xf32, #tpu.memory_space<vmem>>
      %dma_wait3A_284 = arith.constant 0 : i32
      %dma_wait3A_285 = tpu.memref_slice %arg7[%dma_wait3A_279, %dma_wait3A_284] : memref<125x80xi32, #tpu.memory_space<vmem>> -> memref<1x80xi32, #tpu.memory_space<vmem>>
      %dma_wait3A_286 = tpu.memref_squeeze %dma_wait3A_285 : memref<1x80xi32, #tpu.memory_space<vmem>> -> memref<80xi32, #tpu.memory_space<vmem>>
      %dma_wait3A_287 = arith.constant 0 : i32
      %dma_wait3A_288 = arith.constant 0 : i32
      %dma_wait3A_289 = tpu.memref_slice %arg11[%dma_wait3A_287, %dma_wait3A_288] : memref<10240x64xf32, #tpu.memory_space<vmem_shared>> -> memref<10240x64xf32, #tpu.memory_space<vmem_shared>>
      tpu.wait_indirect_dma semaphore(%arg14 : memref<!tpu.dma_semaphore, #tpu.memory_space<semaphore_mem>>) src(%dma_wait3A_283 : memref<80x64xf32, #tpu.memory_space<vmem>>) dst(%dma_wait3A_289 : memref<10240x64xf32, #tpu.memory_space<vmem_shared>>)
      %dma_wait3A_290 = arith.constant 0 : i32
      %dma_wait3A_291 = arith.constant 80 : i32
      %dma_wait3A_292 = arith.constant 0 : i32
      %dma_wait3A_293 = tpu.memref_slice %arg6[%and3A_189, %dma_wait3A_291, %dma_wait3A_292] : memref<2x400x64xf32, #tpu.memory_space<vmem>> -> memref<1x80x64xf32, #tpu.memory_space<vmem>>
      %dma_wait3A_294 = tpu.memref_squeeze %dma_wait3A_293 : memref<1x80x64xf32, #tpu.memory_space<vmem>> -> memref<80x64xf32, #tpu.memory_space<vmem>>
      %dma_wait3A_295 = arith.constant 0 : i32
      %dma_wait3A_296 = tpu.memref_slice %arg7[%dma_wait3A_290, %dma_wait3A_295] : memref<125x80xi32, #tpu.memory_space<vmem>> -> memref<1x80xi32, #tpu.memory_space<vmem>>
      %dma_wait3A_297 = tpu.memref_squeeze %dma_wait3A_296 : memref<1x80xi32, #tpu.memory_space<vmem>> -> memref<80xi32, #tpu.memory_space<vmem>>
      %dma_wait3A_298 = arith.constant 0 : i32
      %dma_wait3A_299 = arith.constant 0 : i32
      %dma_wait3A_300 = tpu.memref_slice %arg11[%dma_wait3A_298, %dma_wait3A_299] : memref<10240x64xf32, #tpu.memory_space<vmem_shared>> -> memref<10240x64xf32, #tpu.memory_space<vmem_shared>>
      tpu.wait_indirect_dma semaphore(%arg14 : memref<!tpu.dma_semaphore, #tpu.memory_space<semaphore_mem>>) src(%dma_wait3A_294 : memref<80x64xf32, #tpu.memory_space<vmem>>) dst(%dma_wait3A_300 : memref<10240x64xf32, #tpu.memory_space<vmem_shared>>)
      %dma_wait3A_301 = arith.constant 0 : i32
      %dma_wait3A_302 = arith.constant 160 : i32
      %dma_wait3A_303 = arith.constant 0 : i32
      %dma_wait3A_304 = tpu.memref_slice %arg6[%and3A_189, %dma_wait3A_302, %dma_wait3A_303] : memref<2x400x64xf32, #tpu.memory_space<vmem>> -> memref<1x80x64xf32, #tpu.memory_space<vmem>>
      %dma_wait3A_305 = tpu.memref_squeeze %dma_wait3A_304 : memref<1x80x64xf32, #tpu.memory_space<vmem>> -> memref<80x64xf32, #tpu.memory_space<vmem>>
      %dma_wait3A_306 = arith.constant 0 : i32
      %dma_wait3A_307 = tpu.memref_slice %arg7[%dma_wait3A_301, %dma_wait3A_306] : memref<125x80xi32, #tpu.memory_space<vmem>> -> memref<1x80xi32, #tpu.memory_space<vmem>>
      %dma_wait3A_308 = tpu.memref_squeeze %dma_wait3A_307 : memref<1x80xi32, #tpu.memory_space<vmem>> -> memref<80xi32, #tpu.memory_space<vmem>>
      %dma_wait3A_309 = arith.constant 0 : i32
      %dma_wait3A_310 = arith.constant 0 : i32
      %dma_wait3A_311 = tpu.memref_slice %arg11[%dma_wait3A_309, %dma_wait3A_310] : memref<10240x64xf32, #tpu.memory_space<vmem_shared>> -> memref<10240x64xf32, #tpu.memory_space<vmem_shared>>
      tpu.wait_indirect_dma semaphore(%arg14 : memref<!tpu.dma_semaphore, #tpu.memory_space<semaphore_mem>>) src(%dma_wait3A_305 : memref<80x64xf32, #tpu.memory_space<vmem>>) dst(%dma_wait3A_311 : memref<10240x64xf32, #tpu.memory_space<vmem_shared>>)
      %dma_wait3A_312 = arith.constant 0 : i32
      %dma_wait3A_313 = arith.constant 240 : i32
      %dma_wait3A_314 = arith.constant 0 : i32
      %dma_wait3A_315 = tpu.memref_slice %arg6[%and3A_189, %dma_wait3A_313, %dma_wait3A_314] : memref<2x400x64xf32, #tpu.memory_space<vmem>> -> memref<1x80x64xf32, #tpu.memory_space<vmem>>
      %dma_wait3A_316 = tpu.memref_squeeze %dma_wait3A_315 : memref<1x80x64xf32, #tpu.memory_space<vmem>> -> memref<80x64xf32, #tpu.memory_space<vmem>>
      %dma_wait3A_317 = arith.constant 0 : i32
      %dma_wait3A_318 = tpu.memref_slice %arg7[%dma_wait3A_312, %dma_wait3A_317] : memref<125x80xi32, #tpu.memory_space<vmem>> -> memref<1x80xi32, #tpu.memory_space<vmem>>
      %dma_wait3A_319 = tpu.memref_squeeze %dma_wait3A_318 : memref<1x80xi32, #tpu.memory_space<vmem>> -> memref<80xi32, #tpu.memory_space<vmem>>
      %dma_wait3A_320 = arith.constant 0 : i32
      %dma_wait3A_321 = arith.constant 0 : i32
      %dma_wait3A_322 = tpu.memref_slice %arg11[%dma_wait3A_320, %dma_wait3A_321] : memref<10240x64xf32, #tpu.memory_space<vmem_shared>> -> memref<10240x64xf32, #tpu.memory_space<vmem_shared>>
      tpu.wait_indirect_dma semaphore(%arg14 : memref<!tpu.dma_semaphore, #tpu.memory_space<semaphore_mem>>) src(%dma_wait3A_316 : memref<80x64xf32, #tpu.memory_space<vmem>>) dst(%dma_wait3A_322 : memref<10240x64xf32, #tpu.memory_space<vmem_shared>>)
      %dma_wait3A_323 = arith.constant 0 : i32
      %dma_wait3A_324 = arith.constant 320 : i32
      %dma_wait3A_325 = arith.constant 0 : i32
      %dma_wait3A_326 = tpu.memref_slice %arg6[%and3A_189, %dma_wait3A_324, %dma_wait3A_325] : memref<2x400x64xf32, #tpu.memory_space<vmem>> -> memref<1x80x64xf32, #tpu.memory_space<vmem>>
      %dma_wait3A_327 = tpu.memref_squeeze %dma_wait3A_326 : memref<1x80x64xf32, #tpu.memory_space<vmem>> -> memref<80x64xf32, #tpu.memory_space<vmem>>
      %dma_wait3A_328 = arith.constant 0 : i32
      %dma_wait3A_329 = tpu.memref_slice %arg7[%dma_wait3A_323, %dma_wait3A_328] : memref<125x80xi32, #tpu.memory_space<vmem>> -> memref<1x80xi32, #tpu.memory_space<vmem>>
      %dma_wait3A_330 = tpu.memref_squeeze %dma_wait3A_329 : memref<1x80xi32, #tpu.memory_space<vmem>> -> memref<80xi32, #tpu.memory_space<vmem>>
      %dma_wait3A_331 = arith.constant 0 : i32
      %dma_wait3A_332 = arith.constant 0 : i32
      %dma_wait3A_333 = tpu.memref_slice %arg11[%dma_wait3A_331, %dma_wait3A_332] : memref<10240x64xf32, #tpu.memory_space<vmem_shared>> -> memref<10240x64xf32, #tpu.memory_space<vmem_shared>>
      tpu.wait_indirect_dma semaphore(%arg14 : memref<!tpu.dma_semaphore, #tpu.memory_space<semaphore_mem>>) src(%dma_wait3A_327 : memref<80x64xf32, #tpu.memory_space<vmem>>) dst(%dma_wait3A_333 : memref<10240x64xf32, #tpu.memory_space<vmem_shared>>)
      %scan3A_334 = arith.constant 0 : i32
      scf.yield %scan3A_334 : i32
    }
    %scan3A_160 = arith.constant 25 : i32
    %barrier3A_161 = arith.constant 0 : index
    tpu.barrier barrier_id(%barrier3A_161)
    %mul3A_162 = arith.constant 640 : i32
    %mul3A_163 = arith.muli %arg1, %mul3A_162 : i32
    %add3A_164 = arith.constant 0 : i32
    %add3A_165 = arith.addi %mul3A_163, %add3A_164 : i32
    %run_scoped3A = arith.constant 0 : i32
    "tpu.region"() ({
      %run_scoped3A_187 = tpu.sem_alloc : memref<!tpu.dma_semaphore, #tpu.memory_space<semaphore_mem>>
      %dma_start3A_188 = arith.constant 0 : i32
      %dma_start3A_189 = arith.constant 0 : i32
      %dma_start3A_190 = tpu.memref_slice %arg6[%run_scoped3A, %dma_start3A_188, %dma_start3A_189] : memref<2x400x64xf32, #tpu.memory_space<vmem>> -> memref<1x320x64xf32, #tpu.memory_space<vmem>>
      %dma_start3A_191 = tpu.memref_squeeze %dma_start3A_190 : memref<1x320x64xf32, #tpu.memory_space<vmem>> -> memref<320x64xf32, #tpu.memory_space<vmem>>
      %dma_start3A_192 = arith.constant 0 : i32
      %dma_start3A_193 = tpu.memref_slice %arg11[%add3A_165, %dma_start3A_192] : memref<10240x64xf32, #tpu.memory_space<vmem_shared>> -> memref<320x64xf32, #tpu.memory_space<vmem_shared>>
      %dma_start3A_194 = arith.constant 0 : i32
      %dma_start3A_195 = arith.constant 0 : i32
      %dma_start3A_196 = tpu.memref_slice %arg6[%run_scoped3A, %dma_start3A_194, %dma_start3A_195] : memref<2x400x64xf32, #tpu.memory_space<vmem>> -> memref<1x320x64xf32, #tpu.memory_space<vmem>>
      %dma_start3A_197 = tpu.memref_squeeze %dma_start3A_196 : memref<1x320x64xf32, #tpu.memory_space<vmem>> -> memref<320x64xf32, #tpu.memory_space<vmem>>
      %dma_start3A_198 = arith.constant 0 : i32
      %dma_start3A_199 = tpu.memref_slice %arg11[%add3A_165, %dma_start3A_198] : memref<10240x64xf32, #tpu.memory_space<vmem_shared>> -> memref<320x64xf32, #tpu.memory_space<vmem_shared>>
      tpu.enqueue_dma source(%dma_start3A_199 : memref<320x64xf32, #tpu.memory_space<vmem_shared>>) target(%dma_start3A_197 : memref<320x64xf32, #tpu.memory_space<vmem>>) target_semaphore(%run_scoped3A_187 : memref<!tpu.dma_semaphore, #tpu.memory_space<semaphore_mem>>)
      %dma_wait3A_200 = arith.constant 0 : i32
      %dma_wait3A_201 = arith.constant 0 : i32
      %dma_wait3A_202 = tpu.memref_slice %arg6[%run_scoped3A, %dma_wait3A_200, %dma_wait3A_201] : memref<2x400x64xf32, #tpu.memory_space<vmem>> -> memref<1x320x64xf32, #tpu.memory_space<vmem>>
      %dma_wait3A_203 = tpu.memref_squeeze %dma_wait3A_202 : memref<1x320x64xf32, #tpu.memory_space<vmem>> -> memref<320x64xf32, #tpu.memory_space<vmem>>
      %dma_wait3A_204 = arith.constant 0 : i32
      %dma_wait3A_205 = tpu.memref_slice %arg11[%add3A_165, %dma_wait3A_204] : memref<10240x64xf32, #tpu.memory_space<vmem_shared>> -> memref<320x64xf32, #tpu.memory_space<vmem_shared>>
      %dma_wait3A_206 = arith.constant 0 : i32
      %dma_wait3A_207 = arith.constant 0 : i32
      %dma_wait3A_208 = tpu.memref_slice %arg6[%run_scoped3A, %dma_wait3A_206, %dma_wait3A_207] : memref<2x400x64xf32, #tpu.memory_space<vmem>> -> memref<1x320x64xf32, #tpu.memory_space<vmem>>
      %dma_wait3A_209 = tpu.memref_squeeze %dma_wait3A_208 : memref<1x320x64xf32, #tpu.memory_space<vmem>> -> memref<320x64xf32, #tpu.memory_space<vmem>>
      %dma_wait3A_210 = arith.constant 0 : i32
      %dma_wait3A_211 = tpu.memref_slice %arg11[%add3A_165, %dma_wait3A_210] : memref<10240x64xf32, #tpu.memory_space<vmem_shared>> -> memref<320x64xf32, #tpu.memory_space<vmem_shared>>
      tpu.wait_dma2 semaphore(%run_scoped3A_187 : memref<!tpu.dma_semaphore, #tpu.memory_space<semaphore_mem>>) src(%dma_wait3A_211 : memref<320x64xf32, #tpu.memory_space<vmem_shared>>) dst(%dma_wait3A_209 : memref<320x64xf32, #tpu.memory_space<vmem>>)
      tpu.yield
    }) : () -> ()
    %mul3A_166 = arith.constant 10240 : i32
    %mul3A_167 = arith.muli %arg0, %mul3A_166 : i32
    %mul3A_168 = arith.constant 640 : i32
    %mul3A_169 = arith.muli %arg1, %mul3A_168 : i32
    %add3A_170 = arith.addi %mul3A_167, %mul3A_169 : i32
    %add3A_171 = arith.constant 0 : i32
    %add3A_172 = arith.addi %add3A_170, %add3A_171 : i32
    %run_scoped3A_173 = arith.constant 0 : i32
    "tpu.region"() ({
      %run_scoped3A_187 = tpu.sem_alloc : memref<!tpu.dma_semaphore, #tpu.memory_space<semaphore_mem>>
      %dma_start3A_188 = arith.constant 0 : i32
      %dma_start3A_189 = arith.constant 0 : i32
      %dma_start3A_190 = tpu.memref_slice %arg6[%run_scoped3A_173, %dma_start3A_188, %dma_start3A_189] : memref<2x400x64xf32, #tpu.memory_space<vmem>> -> memref<1x320x64xf32, #tpu.memory_space<vmem>>
      %dma_start3A_191 = tpu.memref_squeeze %dma_start3A_190 : memref<1x320x64xf32, #tpu.memory_space<vmem>> -> memref<320x64xf32, #tpu.memory_space<vmem>>
      %dma_start3A_192 = arith.constant 0 : i32
      %dma_start3A_193 = tpu.memref_slice %arg4[%add3A_172, %dma_start3A_192] : memref<20480x64xf32, #tpu.memory_space<hbm>> -> memref<320x64xf32, #tpu.memory_space<hbm>>
      %dma_start3A_194 = arith.constant 0 : i32
      %dma_start3A_195 = tpu.memref_slice %arg4[%add3A_172, %dma_start3A_194] : memref<20480x64xf32, #tpu.memory_space<hbm>> -> memref<320x64xf32, #tpu.memory_space<hbm>>
      %dma_start3A_196 = arith.constant 0 : i32
      %dma_start3A_197 = arith.constant 0 : i32
      %dma_start3A_198 = tpu.memref_slice %arg6[%run_scoped3A_173, %dma_start3A_196, %dma_start3A_197] : memref<2x400x64xf32, #tpu.memory_space<vmem>> -> memref<1x320x64xf32, #tpu.memory_space<vmem>>
      %dma_start3A_199 = tpu.memref_squeeze %dma_start3A_198 : memref<1x320x64xf32, #tpu.memory_space<vmem>> -> memref<320x64xf32, #tpu.memory_space<vmem>>
      tpu.enqueue_dma source(%dma_start3A_199 : memref<320x64xf32, #tpu.memory_space<vmem>>) target(%dma_start3A_195 : memref<320x64xf32, #tpu.memory_space<hbm>>) target_semaphore(%run_scoped3A_187 : memref<!tpu.dma_semaphore, #tpu.memory_space<semaphore_mem>>)
      %dma_wait3A_200 = arith.constant 0 : i32
      %dma_wait3A_201 = arith.constant 0 : i32
      %dma_wait3A_202 = tpu.memref_slice %arg6[%run_scoped3A_173, %dma_wait3A_200, %dma_wait3A_201] : memref<2x400x64xf32, #tpu.memory_space<vmem>> -> memref<1x320x64xf32, #tpu.memory_space<vmem>>
      %dma_wait3A_203 = tpu.memref_squeeze %dma_wait3A_202 : memref<1x320x64xf32, #tpu.memory_space<vmem>> -> memref<320x64xf32, #tpu.memory_space<vmem>>
      %dma_wait3A_204 = arith.constant 0 : i32
      %dma_wait3A_205 = tpu.memref_slice %arg4[%add3A_172, %dma_wait3A_204] : memref<20480x64xf32, #tpu.memory_space<hbm>> -> memref<320x64xf32, #tpu.memory_space<hbm>>
      %dma_wait3A_206 = arith.constant 0 : i32
      %dma_wait3A_207 = tpu.memref_slice %arg4[%add3A_172, %dma_wait3A_206] : memref<20480x64xf32, #tpu.memory_space<hbm>> -> memref<320x64xf32, #tpu.memory_space<hbm>>
      %dma_wait3A_208 = arith.constant 0 : i32
      %dma_wait3A_209 = arith.constant 0 : i32
      %dma_wait3A_210 = tpu.memref_slice %arg6[%run_scoped3A_173, %dma_wait3A_208, %dma_wait3A_209] : memref<2x400x64xf32, #tpu.memory_space<vmem>> -> memref<1x320x64xf32, #tpu.memory_space<vmem>>
      %dma_wait3A_211 = tpu.memref_squeeze %dma_wait3A_210 : memref<1x320x64xf32, #tpu.memory_space<vmem>> -> memref<320x64xf32, #tpu.memory_space<vmem>>
      tpu.wait_dma2 semaphore(%run_scoped3A_187 : memref<!tpu.dma_semaphore, #tpu.memory_space<semaphore_mem>>) src(%dma_wait3A_211 : memref<320x64xf32, #tpu.memory_space<vmem>>) dst(%dma_wait3A_207 : memref<320x64xf32, #tpu.memory_space<hbm>>)
      tpu.yield
    }) : () -> ()
    %mul3A_174 = arith.constant 640 : i32
    %mul3A_175 = arith.muli %arg1, %mul3A_174 : i32
    %add3A_176 = arith.constant 320 : i32
    %add3A_177 = arith.addi %mul3A_175, %add3A_176 : i32
    %run_scoped3A_178 = arith.constant 0 : i32
    "tpu.region"() ({
      %run_scoped3A_187 = tpu.sem_alloc : memref<!tpu.dma_semaphore, #tpu.memory_space<semaphore_mem>>
      %dma_start3A_188 = arith.constant 0 : i32
      %dma_start3A_189 = arith.constant 0 : i32
      %dma_start3A_190 = tpu.memref_slice %arg6[%run_scoped3A_178, %dma_start3A_188, %dma_start3A_189] : memref<2x400x64xf32, #tpu.memory_space<vmem>> -> memref<1x320x64xf32, #tpu.memory_space<vmem>>
      %dma_start3A_191 = tpu.memref_squeeze %dma_start3A_190 : memref<1x320x64xf32, #tpu.memory_space<vmem>> -> memref<320x64xf32, #tpu.memory_space<vmem>>
      %dma_start3A_192 = arith.constant 0 : i32
      %dma_start3A_193 = tpu.memref_slice %arg11[%add3A_177, %dma_start3A_192] : memref<10240x64xf32, #tpu.memory_space<vmem_shared>> -> memref<320x64xf32, #tpu.memory_space<vmem_shared>>
      %dma_start3A_194 = arith.constant 0 : i32
      %dma_start3A_195 = arith.constant 0 : i32
      %dma_start3A_196 = tpu.memref_slice %arg6[%run_scoped3A_178, %dma_start3A_194, %dma_start3A_195] : memref<2x400x64xf32, #tpu.memory_space<vmem>> -> memref<1x320x64xf32, #tpu.memory_space<vmem>>
      %dma_start3A_197 = tpu.memref_squeeze %dma_start3A_196 : memref<1x320x64xf32, #tpu.memory_space<vmem>> -> memref<320x64xf32, #tpu.memory_space<vmem>>
      %dma_start3A_198 = arith.constant 0 : i32
      %dma_start3A_199 = tpu.memref_slice %arg11[%add3A_177, %dma_start3A_198] : memref<10240x64xf32, #tpu.memory_space<vmem_shared>> -> memref<320x64xf32, #tpu.memory_space<vmem_shared>>
      tpu.enqueue_dma source(%dma_start3A_199 : memref<320x64xf32, #tpu.memory_space<vmem_shared>>) target(%dma_start3A_197 : memref<320x64xf32, #tpu.memory_space<vmem>>) target_semaphore(%run_scoped3A_187 : memref<!tpu.dma_semaphore, #tpu.memory_space<semaphore_mem>>)
      %dma_wait3A_200 = arith.constant 0 : i32
      %dma_wait3A_201 = arith.constant 0 : i32
      %dma_wait3A_202 = tpu.memref_slice %arg6[%run_scoped3A_178, %dma_wait3A_200, %dma_wait3A_201] : memref<2x400x64xf32, #tpu.memory_space<vmem>> -> memref<1x320x64xf32, #tpu.memory_space<vmem>>
      %dma_wait3A_203 = tpu.memref_squeeze %dma_wait3A_202 : memref<1x320x64xf32, #tpu.memory_space<vmem>> -> memref<320x64xf32, #tpu.memory_space<vmem>>
      %dma_wait3A_204 = arith.constant 0 : i32
      %dma_wait3A_205 = tpu.memref_slice %arg11[%add3A_177, %dma_wait3A_204] : memref<10240x64xf32, #tpu.memory_space<vmem_shared>> -> memref<320x64xf32, #tpu.memory_space<vmem_shared>>
      %dma_wait3A_206 = arith.constant 0 : i32
      %dma_wait3A_207 = arith.constant 0 : i32
      %dma_wait3A_208 = tpu.memref_slice %arg6[%run_scoped3A_178, %dma_wait3A_206, %dma_wait3A_207] : memref<2x400x64xf32, #tpu.memory_space<vmem>> -> memref<1x320x64xf32, #tpu.memory_space<vmem>>
      %dma_wait3A_209 = tpu.memref_squeeze %dma_wait3A_208 : memref<1x320x64xf32, #tpu.memory_space<vmem>> -> memref<320x64xf32, #tpu.memory_space<vmem>>
      %dma_wait3A_210 = arith.constant 0 : i32
      %dma_wait3A_211 = tpu.memref_slice %arg11[%add3A_177, %dma_wait3A_210] : memref<10240x64xf32, #tpu.memory_space<vmem_shared>> -> memref<320x64xf32, #tpu.memory_space<vmem_shared>>
      tpu.wait_dma2 semaphore(%run_scoped3A_187 : memref<!tpu.dma_semaphore, #tpu.memory_space<semaphore_mem>>) src(%dma_wait3A_211 : memref<320x64xf32, #tpu.memory_space<vmem_shared>>) dst(%dma_wait3A_209 : memref<320x64xf32, #tpu.memory_space<vmem>>)
      tpu.yield
    }) : () -> ()
    %mul3A_179 = arith.constant 10240 : i32
    %mul3A_180 = arith.muli %arg0, %mul3A_179 : i32
    %mul3A_181 = arith.constant 640 : i32
    %mul3A_182 = arith.muli %arg1, %mul3A_181 : i32
    %add3A_183 = arith.addi %mul3A_180, %mul3A_182 : i32
    %add3A_184 = arith.constant 320 : i32
    %add3A_185 = arith.addi %add3A_183, %add3A_184 : i32
    %run_scoped3A_186 = arith.constant 0 : i32
    "tpu.region"() ({
      %run_scoped3A_187 = tpu.sem_alloc : memref<!tpu.dma_semaphore, #tpu.memory_space<semaphore_mem>>
      %dma_start3A_188 = arith.constant 0 : i32
      %dma_start3A_189 = arith.constant 0 : i32
      %dma_start3A_190 = tpu.memref_slice %arg6[%run_scoped3A_186, %dma_start3A_188, %dma_start3A_189] : memref<2x400x64xf32, #tpu.memory_space<vmem>> -> memref<1x320x64xf32, #tpu.memory_space<vmem>>
      %dma_start3A_191 = tpu.memref_squeeze %dma_start3A_190 : memref<1x320x64xf32, #tpu.memory_space<vmem>> -> memref<320x64xf32, #tpu.memory_space<vmem>>
      %dma_start3A_192 = arith.constant 0 : i32
      %dma_start3A_193 = tpu.memref_slice %arg4[%add3A_185, %dma_start3A_192] : memref<20480x64xf32, #tpu.memory_space<hbm>> -> memref<320x64xf32, #tpu.memory_space<hbm>>
      %dma_start3A_194 = arith.constant 0 : i32
      %dma_start3A_195 = tpu.memref_slice %arg4[%add3A_185, %dma_start3A_194] : memref<20480x64xf32, #tpu.memory_space<hbm>> -> memref<320x64xf32, #tpu.memory_space<hbm>>
      %dma_start3A_196 = arith.constant 0 : i32
      %dma_start3A_197 = arith.constant 0 : i32
      %dma_start3A_198 = tpu.memref_slice %arg6[%run_scoped3A_186, %dma_start3A_196, %dma_start3A_197] : memref<2x400x64xf32, #tpu.memory_space<vmem>> -> memref<1x320x64xf32, #tpu.memory_space<vmem>>
      %dma_start3A_199 = tpu.memref_squeeze %dma_start3A_198 : memref<1x320x64xf32, #tpu.memory_space<vmem>> -> memref<320x64xf32, #tpu.memory_space<vmem>>
      tpu.enqueue_dma source(%dma_start3A_199 : memref<320x64xf32, #tpu.memory_space<vmem>>) target(%dma_start3A_195 : memref<320x64xf32, #tpu.memory_space<hbm>>) target_semaphore(%run_scoped3A_187 : memref<!tpu.dma_semaphore, #tpu.memory_space<semaphore_mem>>)
      %dma_wait3A_200 = arith.constant 0 : i32
      %dma_wait3A_201 = arith.constant 0 : i32
      %dma_wait3A_202 = tpu.memref_slice %arg6[%run_scoped3A_186, %dma_wait3A_200, %dma_wait3A_201] : memref<2x400x64xf32, #tpu.memory_space<vmem>> -> memref<1x320x64xf32, #tpu.memory_space<vmem>>
      %dma_wait3A_203 = tpu.memref_squeeze %dma_wait3A_202 : memref<1x320x64xf32, #tpu.memory_space<vmem>> -> memref<320x64xf32, #tpu.memory_space<vmem>>
      %dma_wait3A_204 = arith.constant 0 : i32
      %dma_wait3A_205 = tpu.memref_slice %arg4[%add3A_185, %dma_wait3A_204] : memref<20480x64xf32, #tpu.memory_space<hbm>> -> memref<320x64xf32, #tpu.memory_space<hbm>>
      %dma_wait3A_206 = arith.constant 0 : i32
      %dma_wait3A_207 = tpu.memref_slice %arg4[%add3A_185, %dma_wait3A_206] : memref<20480x64xf32, #tpu.memory_space<hbm>> -> memref<320x64xf32, #tpu.memory_space<hbm>>
      %dma_wait3A_208 = arith.constant 0 : i32
      %dma_wait3A_209 = arith.constant 0 : i32
      %dma_wait3A_210 = tpu.memref_slice %arg6[%run_scoped3A_186, %dma_wait3A_208, %dma_wait3A_209] : memref<2x400x64xf32, #tpu.memory_space<vmem>> -> memref<1x320x64xf32, #tpu.memory_space<vmem>>
      %dma_wait3A_211 = tpu.memref_squeeze %dma_wait3A_210 : memref<1x320x64xf32, #tpu.memory_space<vmem>> -> memref<320x64xf32, #tpu.memory_space<vmem>>
      tpu.wait_dma2 semaphore(%run_scoped3A_187 : memref<!tpu.dma_semaphore, #tpu.memory_space<semaphore_mem>>) src(%dma_wait3A_211 : memref<320x64xf32, #tpu.memory_space<vmem>>) dst(%dma_wait3A_207 : memref<320x64xf32, #tpu.memory_space<hbm>>)
      tpu.yield
    }) : () -> ()
    return
  }
}

module attributes {stable_mosaic.version = 14 : i64} {
  func.func @_k1_body(%arg0: i32, %arg1: memref<1x1x5000xf32, #tpu.memory_space<vmem>>, %arg2: memref<1x1x5000xf32, #tpu.memory_space<vmem>>, %arg3: memref<1x64xf32, #tpu.memory_space<vmem>>, %arg4: memref<64x64xf32, #tpu.memory_space<vmem>>, %arg5: memref<1x128xf32, #tpu.memory_space<vmem>>, %arg6: memref<1x128xf32, #tpu.memory_space<vmem>>, %arg7: memref<5000x64xf32, #tpu.memory_space<vmem>>, %arg8: memref<64x64xf32, #tpu.memory_space<vmem>>, %arg9: memref<64x1xf32, #tpu.memory_space<vmem>>) attributes {dimension_semantics = [#tpu.dimension_semantics<arbitrary>], iteration_bounds = array<i64: 64>, scalar_prefetch = 0 : i64, scratch_operands = 0 : i64, tpu.core_type = #tpu.core_type<tc>, window_params = [{transform_indices = @transform_0, window_bounds = array<i64: 1, 1, 5000>}, {transform_indices = @transform_1, window_bounds = array<i64: 1, 1, 5000>}, {pipeline_mode = #tpu.pipeline_mode<synchronous>, transform_indices = @transform_2, window_bounds = array<i64: 1, 64>}, {pipeline_mode = #tpu.pipeline_mode<synchronous>, transform_indices = @transform_3, window_bounds = array<i64: 64, 64>}, {pipeline_mode = #tpu.pipeline_mode<synchronous>, transform_indices = @transform_4, window_bounds = array<i64: 1, 128>}, {pipeline_mode = #tpu.pipeline_mode<synchronous>, transform_indices = @transform_5, window_bounds = array<i64: 1, 128>}, {transform_indices = @transform_6, window_bounds = array<i64: 5000, 64>}, {pipeline_mode = #tpu.pipeline_mode<synchronous>, transform_indices = @transform_7, window_bounds = array<i64: 64, 64>}, {pipeline_mode = #tpu.pipeline_mode<synchronous>, transform_indices = @transform_8, window_bounds = array<i64: 64, 1>}]} {
    %broadcast_in_dim3A = arith.constant 1.000000e+00 : f32
    %broadcast_in_dim3A_0 = vector.broadcast %broadcast_in_dim3A : f32 to vector<1x1xf32>
    %get3A = arith.constant 0 : index
    %get3A_1 = arith.constant 0 : index
    %get3A_2 = arith.constant 0 : index
    %get3A_3 = vector.load %arg1[%get3A, %get3A_1, %get3A_2] : memref<1x1x5000xf32, #tpu.memory_space<vmem>>, vector<1x1x5000xf32>
    %get3A_4 = vector.shape_cast %get3A_3 : vector<1x1x5000xf32> to vector<1x5000xf32>
    %dot_general3A = arith.constant dense<0.000000e+00> : vector<5000x1xf32>
    %dot_general3A_5 = tpu.matmul %get3A_4, %broadcast_in_dim3A_0, %dot_general3A {dimension_numbers = #tpu.dot_dimension_numbers<[0], [0], [1], [1], [0, 1, 1, 1], [], []>, transpose_lhs_hint = false} : vector<1x5000xf32>, vector<1x1xf32>, vector<5000x1xf32> -> vector<5000x1xf32>
    %iota3A = tpu.iota {dimensions = array<i32: 0>} : vector<64x1xi32>
    %convert_element_type3A = arith.sitofp %iota3A : vector<64x1xi32> to vector<64x1xf32>
    %get3A_6 = arith.constant 0 : index
    %get3A_7 = arith.constant 0 : index
    %get3A_8 = arith.constant 0 : index
    %get3A_9 = vector.load %arg2[%get3A_6, %get3A_7, %get3A_8] : memref<1x1x5000xf32, #tpu.memory_space<vmem>>, vector<1x1x5000xf32>
    %get3A_10 = vector.shape_cast %get3A_9 : vector<1x1x5000xf32> to vector<1x5000xf32>
    %eq3A = vector.broadcast %convert_element_type3A : vector<64x1xf32> to vector<64x5000xf32>
    %eq3A_11 = vector.broadcast %get3A_10 : vector<1x5000xf32> to vector<64x5000xf32>
    %eq3A_12 = arith.cmpf oeq, %eq3A, %eq3A_11 : vector<64x5000xf32>
    %convert_element_type3A_13 = arith.extui %eq3A_12 : vector<64x5000xi1> to vector<64x5000xi32>
    %convert_element_type3A_14 = arith.sitofp %convert_element_type3A_13 : vector<64x5000xi32> to vector<64x5000xf32>
    %iota3A_15 = tpu.iota {dimensions = array<i32: 0>} : vector<64x64xi32>
    %iota3A_16 = tpu.iota {dimensions = array<i32: 1>} : vector<64x64xi32>
    %add3A = arith.constant 0 : i32
    %add3A_17 = vector.broadcast %add3A : i32 to vector<64x64xi32>
    %add3A_18 = arith.addi %iota3A_15, %add3A_17 : vector<64x64xi32>
    %eq3A_19 = arith.cmpi eq, %add3A_18, %iota3A_16 : vector<64x64xi32>
    %convert_element_type3A_20 = arith.extui %eq3A_19 : vector<64x64xi1> to vector<64x64xi32>
    %convert_element_type3A_21 = arith.sitofp %convert_element_type3A_20 : vector<64x64xi32> to vector<64x64xf32>
    %dot_general3A_22 = arith.constant dense<0.000000e+00> : vector<5000x64xf32>
    %dot_general3A_23 = tpu.matmul %convert_element_type3A_14, %convert_element_type3A_21, %dot_general3A_22 {dimension_numbers = #tpu.dot_dimension_numbers<[0], [0], [1], [1], [0, 1, 1, 1], [], []>, transpose_lhs_hint = false} : vector<64x5000xf32>, vector<64x64xf32>, vector<5000x64xf32> -> vector<5000x64xf32>
    %get3A_24 = arith.constant 0 : index
    %get3A_25 = arith.constant 0 : index
    %get3A_26 = vector.load %arg5[%get3A_24, %get3A_25] : memref<1x128xf32, #tpu.memory_space<vmem>>, vector<1x128xf32>
    %mul3A = vector.broadcast %dot_general3A_5 : vector<5000x1xf32> to vector<5000x128xf32>
    %mul3A_27 = vector.broadcast %get3A_26 : vector<1x128xf32> to vector<5000x128xf32>
    %mul3A_28 = arith.mulf %mul3A, %mul3A_27 : vector<5000x128xf32>
    %get3A_29 = arith.constant 0 : index
    %get3A_30 = arith.constant 0 : index
    %get3A_31 = vector.load %arg4[%get3A_29, %get3A_30] : memref<64x64xf32, #tpu.memory_space<vmem>>, vector<64x64xf32>
    %dot_general3A_32 = arith.constant dense<0.000000e+00> : vector<5000x64xf32>
    %dot_general3A_33 = tpu.matmul %dot_general3A_23, %get3A_31, %dot_general3A_32 {dimension_numbers = #tpu.dot_dimension_numbers<[1], [0], [0], [1], [0, 0, 1, 1], [], []>, transpose_lhs_hint = false} : vector<5000x64xf32>, vector<64x64xf32>, vector<5000x64xf32> -> vector<5000x64xf32>
    %slice3A = vector.extract_strided_slice %mul3A_28 {offsets = [0, 0], sizes = [5000, 64], strides = [1, 1]} : vector<5000x128xf32> to vector<5000x64xf32>
    %add3A_34 = arith.addf %dot_general3A_33, %slice3A : vector<5000x64xf32>
    %get3A_35 = arith.constant 0 : index
    %get3A_36 = arith.constant 0 : index
    %get3A_37 = vector.load %arg6[%get3A_35, %get3A_36] : memref<1x128xf32, #tpu.memory_space<vmem>>, vector<1x64xf32>
    %add3A_38 = vector.broadcast %get3A_37 : vector<1x64xf32> to vector<5000x64xf32>
    %add3A_39 = arith.addf %add3A_34, %add3A_38 : vector<5000x64xf32>
    %max3A = arith.constant 0.000000e+00 : f32
    %max3A_40 = vector.broadcast %max3A : f32 to vector<5000x64xf32>
    %max3A_41 = arith.maximumf %add3A_39, %max3A_40 : vector<5000x64xf32>
    %swap3A = arith.constant 0 : index
    %swap3A_42 = arith.constant 0 : index
    %swap3A_43 = vector.load %arg7[%swap3A, %swap3A_42] : memref<5000x64xf32, #tpu.memory_space<vmem>>, vector<5000x64xf32>
    tpu.vector_store %arg7[%swap3A, %swap3A_42], %max3A_41 {strides = array<i32>} : memref<5000x64xf32, #tpu.memory_space<vmem>>, vector<5000x64xf32>,
    %get3A_44 = arith.constant 0 : index
    %get3A_45 = arith.constant 0 : index
    %get3A_46 = vector.load %arg3[%get3A_44, %get3A_45] : memref<1x64xf32, #tpu.memory_space<vmem>>, vector<1x64xf32>
    %slice3A_47 = vector.extract_strided_slice %mul3A_28 {offsets = [0, 64], sizes = [5000, 64], strides = [1, 1]} : vector<5000x128xf32> to vector<5000x64xf32>
    %add3A_48 = vector.broadcast %get3A_46 : vector<1x64xf32> to vector<5000x64xf32>
    %add3A_49 = arith.addf %add3A_48, %slice3A_47 : vector<5000x64xf32>
    %get3A_50 = arith.constant 0 : index
    %get3A_51 = arith.constant 64 : index
    %get3A_52 = vector.load %arg6[%get3A_50, %get3A_51] : memref<1x128xf32, #tpu.memory_space<vmem>>, vector<1x64xf32>
    %add3A_53 = vector.broadcast %get3A_52 : vector<1x64xf32> to vector<5000x64xf32>
    %add3A_54 = arith.addf %add3A_49, %add3A_53 : vector<5000x64xf32>
    %max3A_55 = arith.constant 0.000000e+00 : f32
    %max3A_56 = vector.broadcast %max3A_55 : f32 to vector<5000x64xf32>
    %max3A_57 = arith.maximumf %add3A_54, %max3A_56 : vector<5000x64xf32>
    %eq3A_58 = arith.constant 0 : i32
    %eq3A_59 = arith.cmpi eq, %arg0, %eq3A_58 : i32
    %convert_element_type3A_60 = arith.extui %eq3A_59 : i1 to i32
    %cond3A = arith.constant 0 : i32
    %cond3A_61 = arith.cmpi ne, %convert_element_type3A_60, %cond3A : i32
    scf.if %cond3A_61 {
      %broadcast_in_dim3A_85 = arith.constant 0.000000e+00 : f32
      %broadcast_in_dim3A_86 = vector.broadcast %broadcast_in_dim3A_85 : f32 to vector<64x64xf32>
      %swap3A_87 = arith.constant 0 : index
      %swap3A_88 = arith.constant 0 : index
      %swap3A_89 = vector.load %arg8[%swap3A_87, %swap3A_88] : memref<64x64xf32, #tpu.memory_space<vmem>>, vector<64x64xf32>
      tpu.vector_store %arg8[%swap3A_87, %swap3A_88], %broadcast_in_dim3A_86 {strides = array<i32>} : memref<64x64xf32, #tpu.memory_space<vmem>>, vector<64x64xf32>,
      %broadcast_in_dim3A_90 = arith.constant 0.000000e+00 : f32
      %broadcast_in_dim3A_91 = vector.broadcast %broadcast_in_dim3A_90 : f32 to vector<64x1xf32>
      %swap3A_92 = arith.constant 0 : index
      %swap3A_93 = arith.constant 0 : index
      %swap3A_94 = vector.load %arg9[%swap3A_92, %swap3A_93] : memref<64x1xf32, #tpu.memory_space<vmem>>, vector<64x1xf32>
      tpu.vector_store %arg9[%swap3A_92, %swap3A_93], %broadcast_in_dim3A_91 {strides = array<i32>} : memref<64x1xf32, #tpu.memory_space<vmem>>, vector<64x1xf32>,
    } else {
    }
    %convert_element_type3A_62 = arith.truncf %max3A_57 : vector<5000x64xf32> to vector<5000x64xbf16>
    %convert_element_type3A_63 = arith.extf %convert_element_type3A_62 : vector<5000x64xbf16> to vector<5000x64xf32>
    %get3A_64 = arith.constant 0 : index
    %get3A_65 = arith.constant 0 : index
    %get3A_66 = vector.load %arg8[%get3A_64, %get3A_65] : memref<64x64xf32, #tpu.memory_space<vmem>>, vector<64x64xf32>
    %dot_general3A_67 = arith.constant dense<0.000000e+00> : vector<64x64xf32>
    %dot_general3A_68 = tpu.matmul %dot_general3A_23, %convert_element_type3A_63, %dot_general3A_67 {dimension_numbers = #tpu.dot_dimension_numbers<[0], [0], [1], [1], [0, 1, 1, 1], [], []>, transpose_lhs_hint = false} : vector<5000x64xf32>, vector<5000x64xf32>, vector<64x64xf32> -> vector<64x64xf32>
    %sub3A = arith.subf %max3A_57, %convert_element_type3A_63 : vector<5000x64xf32>
    %dot_general3A_69 = arith.constant dense<0.000000e+00> : vector<64x64xf32>
    %dot_general3A_70 = tpu.matmul %dot_general3A_23, %sub3A, %dot_general3A_69 {dimension_numbers = #tpu.dot_dimension_numbers<[0], [0], [1], [1], [0, 1, 1, 1], [], []>, transpose_lhs_hint = false} : vector<5000x64xf32>, vector<5000x64xf32>, vector<64x64xf32> -> vector<64x64xf32>
    %add3A_71 = arith.addf %dot_general3A_68, %dot_general3A_70 : vector<64x64xf32>
    %add3A_72 = arith.addf %get3A_66, %add3A_71 : vector<64x64xf32>
    %swap3A_73 = arith.constant 0 : index
    %swap3A_74 = arith.constant 0 : index
    %swap3A_75 = vector.load %arg8[%swap3A_73, %swap3A_74] : memref<64x64xf32, #tpu.memory_space<vmem>>, vector<64x64xf32>
    tpu.vector_store %arg8[%swap3A_73, %swap3A_74], %add3A_72 {strides = array<i32>} : memref<64x64xf32, #tpu.memory_space<vmem>>, vector<64x64xf32>,
    %get3A_76 = arith.constant 0 : index
    %get3A_77 = arith.constant 0 : index
    %get3A_78 = vector.load %arg9[%get3A_76, %get3A_77] : memref<64x1xf32, #tpu.memory_space<vmem>>, vector<64x1xf32>
    %reduce_sum3A = arith.constant dense<0.000000e+00> : vector<64xf32>
    %reduce_sum3A_79 = vector.multi_reduction <add>, %convert_element_type3A_14, %reduce_sum3A [1] : vector<64x5000xf32> to vector<64xf32>
    %broadcast_in_dim3A_80 = vector.shape_cast %reduce_sum3A_79 : vector<64xf32> to vector<64x1xf32>
    %add3A_81 = arith.addf %get3A_78, %broadcast_in_dim3A_80 : vector<64x1xf32>
    %swap3A_82 = arith.constant 0 : index
    %swap3A_83 = arith.constant 0 : index
    %swap3A_84 = vector.load %arg9[%swap3A_82, %swap3A_83] : memref<64x1xf32, #tpu.memory_space<vmem>>, vector<64x1xf32>
    tpu.vector_store %arg9[%swap3A_82, %swap3A_83], %add3A_81 {strides = array<i32>} : memref<64x1xf32, #tpu.memory_space<vmem>>, vector<64x1xf32>,
    return
  }
  func.func @transform_0(%arg0: i32) -> (i32, i32, i32) {
    %c0_i32 = arith.constant 0 : i32
    %c0_i32_0 = arith.constant 0 : i32
    %c0_i32_1 = arith.constant 0 : i32
    return %arg0, %c0_i32, %c0_i32_0 : i32, i32, i32
  }
  func.func @transform_1(%arg0: i32) -> (i32, i32, i32) {
    %c0_i32 = arith.constant 0 : i32
    %c0_i32_0 = arith.constant 0 : i32
    %c0_i32_1 = arith.constant 0 : i32
    return %arg0, %c0_i32, %c0_i32_0 : i32, i32, i32
  }
  func.func @transform_2(%arg0: i32) -> (i32, i32) {
    %c0_i32 = arith.constant 0 : i32
    %c0_i32_0 = arith.constant 0 : i32
    %c0_i32_1 = arith.constant 0 : i32
    return %c0_i32, %c0_i32_0 : i32, i32
  }
  func.func @transform_3(%arg0: i32) -> (i32, i32) {
    %c0_i32 = arith.constant 0 : i32
    %c0_i32_0 = arith.constant 0 : i32
    %c0_i32_1 = arith.constant 0 : i32
    return %c0_i32, %c0_i32_0 : i32, i32
  }
  func.func @transform_4(%arg0: i32) -> (i32, i32) {
    %c0_i32 = arith.constant 0 : i32
    %c0_i32_0 = arith.constant 0 : i32
    %c0_i32_1 = arith.constant 0 : i32
    return %c0_i32, %c0_i32_0 : i32, i32
  }
  func.func @transform_5(%arg0: i32) -> (i32, i32) {
    %c0_i32 = arith.constant 0 : i32
    %c0_i32_0 = arith.constant 0 : i32
    %c0_i32_1 = arith.constant 0 : i32
    return %c0_i32, %c0_i32_0 : i32, i32
  }
  func.func @transform_6(%arg0: i32) -> (i32, i32) {
    %c0_i32 = arith.constant 0 : i32
    %c0_i32_0 = arith.constant 0 : i32
    return %arg0, %c0_i32 : i32, i32
  }
  func.func @transform_7(%arg0: i32) -> (i32, i32) {
    %c0_i32 = arith.constant 0 : i32
    %c0_i32_0 = arith.constant 0 : i32
    %c0_i32_1 = arith.constant 0 : i32
    return %c0_i32, %c0_i32_0 : i32, i32
  }
  func.func @transform_8(%arg0: i32) -> (i32, i32) {
    %c0_i32 = arith.constant 0 : i32
    %c0_i32_0 = arith.constant 0 : i32
    %c0_i32_1 = arith.constant 0 : i32
    return %c0_i32, %c0_i32_0 : i32, i32
  }
}

module attributes {stable_mosaic.version = 14 : i64} {
  func.func @_k3_body(%arg0: i32, %arg1: memref<2000x64xf32, #tpu.memory_space<vmem>>, %arg2: memref<2x2000x64xf32, #tpu.memory_space<vmem>>, %arg3: memref<2x2000x16xf32, #tpu.memory_space<vmem>>, %arg4: memref<64x64xf32, #tpu.memory_space<vmem>>, %arg5: memref<64x1xf32, #tpu.memory_space<vmem>>, %arg6: memref<64x64xf32, #tpu.memory_space<vmem>>, %arg7: memref<64x64xf32, #tpu.memory_space<vmem>>, %arg8: memref<64x64xf32, #tpu.memory_space<vmem>>, %arg9: memref<1x64xf32, #tpu.memory_space<vmem>>, %arg10: memref<64x64xf32, #tpu.memory_space<vmem>>, %arg11: memref<64x64xf32, #tpu.memory_space<vmem>>, %arg12: memref<1x64xf32, #tpu.memory_space<vmem>>, %arg13: memref<64x64xf32, #tpu.memory_space<vmem>>, %arg14: memref<64x64xf32, #tpu.memory_space<vmem>>, %arg15: memref<64x64xf32, #tpu.memory_space<vmem>>, %arg16: memref<64x64xf32, #tpu.memory_space<vmem>>, %arg17: memref<2000x64xf32, #tpu.memory_space<vmem>>, %arg18: memref<2000x128xf32, #tpu.memory_space<vmem>>, %arg19: memref<64x64xf32, #tpu.memory_space<vmem>>, %arg20: memref<64x64xf32, #tpu.memory_space<vmem>>, %arg21: memref<64x64xf32, #tpu.memory_space<vmem>>) attributes {dimension_semantics = [#tpu.dimension_semantics<arbitrary>], iteration_bounds = array<i64: 5>, scalar_prefetch = 0 : i64, scratch_operands = 0 : i64, tpu.core_type = #tpu.core_type<tc>, window_params = [{transform_indices = @transform_0, window_bounds = array<i64: 2000, 64>}, {transform_indices = @transform_1, window_bounds = array<i64: 2, 2000, 64>}, {transform_indices = @transform_2, window_bounds = array<i64: 2, 2000, 16>}, {pipeline_mode = #tpu.pipeline_mode<synchronous>, transform_indices = @transform_3, window_bounds = array<i64: 64, 64>}, {pipeline_mode = #tpu.pipeline_mode<synchronous>, transform_indices = @transform_4, window_bounds = array<i64: 64, 1>}, {pipeline_mode = #tpu.pipeline_mode<synchronous>, transform_indices = @transform_5, window_bounds = array<i64: 64, 64>}, {pipeline_mode = #tpu.pipeline_mode<synchronous>, transform_indices = @transform_6, window_bounds = array<i64: 64, 64>}, {pipeline_mode = #tpu.pipeline_mode<synchronous>, transform_indices = @transform_7, window_bounds = array<i64: 64, 64>}, {pipeline_mode = #tpu.pipeline_mode<synchronous>, transform_indices = @transform_8, window_bounds = array<i64: 1, 64>}, {pipeline_mode = #tpu.pipeline_mode<synchronous>, transform_indices = @transform_9, window_bounds = array<i64: 64, 64>}, {pipeline_mode = #tpu.pipeline_mode<synchronous>, transform_indices = @transform_10, window_bounds = array<i64: 64, 64>}, {pipeline_mode = #tpu.pipeline_mode<synchronous>, transform_indices = @transform_11, window_bounds = array<i64: 1, 64>}, {pipeline_mode = #tpu.pipeline_mode<synchronous>, transform_indices = @transform_12, window_bounds = array<i64: 64, 64>}, {pipeline_mode = #tpu.pipeline_mode<synchronous>, transform_indices = @transform_13, window_bounds = array<i64: 64, 64>}, {pipeline_mode = #tpu.pipeline_mode<synchronous>, transform_indices = @transform_14, window_bounds = array<i64: 64, 64>}, {pipeline_mode = #tpu.pipeline_mode<synchronous>, transform_indices = @transform_15, window_bounds = array<i64: 64, 64>}, {transform_indices = @transform_16, window_bounds = array<i64: 2000, 64>}, {transform_indices = @transform_17, window_bounds = array<i64: 2000, 128>}, {pipeline_mode = #tpu.pipeline_mode<synchronous>, transform_indices = @transform_18, window_bounds = array<i64: 64, 64>}, {pipeline_mode = #tpu.pipeline_mode<synchronous>, transform_indices = @transform_19, window_bounds = array<i64: 64, 64>}, {pipeline_mode = #tpu.pipeline_mode<synchronous>, transform_indices = @transform_20, window_bounds = array<i64: 64, 64>}]} {
    %get3A = arith.constant 0 : index
    %get3A_0 = arith.constant 0 : index
    %get3A_1 = vector.load %arg1[%get3A, %get3A_0] : memref<2000x64xf32, #tpu.memory_space<vmem>>, vector<2000x64xf32>
    %get3A_2 = arith.constant 0 : index
    %get3A_3 = arith.constant 0 : index
    %get3A_4 = arith.constant 0 : index
    %get3A_5 = vector.load %arg3[%get3A_2, %get3A_3, %get3A_4] : memref<2x2000x16xf32, #tpu.memory_space<vmem>>, vector<1x2000x16xf32>
    %get3A_6 = vector.shape_cast %get3A_5 : vector<1x2000x16xf32> to vector<2000x16xf32>
    %slice3A = vector.extract_strided_slice %get3A_6 {offsets = [0, 0], sizes = [2000, 1], strides = [1, 1]} : vector<2000x16xf32> to vector<2000x1xf32>
    %get3A_7 = arith.constant 1 : index
    %get3A_8 = arith.constant 0 : index
    %get3A_9 = arith.constant 0 : index
    %get3A_10 = vector.load %arg3[%get3A_7, %get3A_8, %get3A_9] : memref<2x2000x16xf32, #tpu.memory_space<vmem>>, vector<1x2000x16xf32>
    %get3A_11 = vector.shape_cast %get3A_10 : vector<1x2000x16xf32> to vector<2000x16xf32>
    %slice3A_12 = vector.extract_strided_slice %get3A_11 {offsets = [0, 0], sizes = [2000, 1], strides = [1, 1]} : vector<2000x16xf32> to vector<2000x1xf32>
    %add3A = arith.addf %slice3A, %slice3A_12 : vector<2000x1xf32>
    %max3A = arith.constant 1.000000e+00 : f32
    %max3A_13 = vector.broadcast %max3A : f32 to vector<2000x1xf32>
    %max3A_14 = arith.maximumf %add3A, %max3A_13 : vector<2000x1xf32>
    %get3A_15 = arith.constant 0 : index
    %get3A_16 = arith.constant 0 : index
    %get3A_17 = arith.constant 0 : index
    %get3A_18 = vector.load %arg2[%get3A_15, %get3A_16, %get3A_17] : memref<2x2000x64xf32, #tpu.memory_space<vmem>>, vector<1x2000x64xf32>
    %get3A_19 = vector.shape_cast %get3A_18 : vector<1x2000x64xf32> to vector<2000x64xf32>
    %get3A_20 = arith.constant 1 : index
    %get3A_21 = arith.constant 0 : index
    %get3A_22 = arith.constant 0 : index
    %get3A_23 = vector.load %arg2[%get3A_20, %get3A_21, %get3A_22] : memref<2x2000x64xf32, #tpu.memory_space<vmem>>, vector<1x2000x64xf32>
    %get3A_24 = vector.shape_cast %get3A_23 : vector<1x2000x64xf32> to vector<2000x64xf32>
    %add3A_25 = arith.addf %get3A_19, %get3A_24 : vector<2000x64xf32>
    %div3A = vector.broadcast %max3A_14 : vector<2000x1xf32> to vector<2000x64xf32>
    %div3A_26 = arith.divf %add3A_25, %div3A : vector<2000x64xf32>
    %get3A_27 = arith.constant 0 : index
    %get3A_28 = arith.constant 0 : index
    %get3A_29 = vector.load %arg7[%get3A_27, %get3A_28] : memref<64x64xf32, #tpu.memory_space<vmem>>, vector<64x64xf32>
    %dot_general3A = arith.constant dense<0.000000e+00> : vector<2000x64xf32>
    %dot_general3A_30 = tpu.matmul %get3A_1, %get3A_29, %dot_general3A {dimension_numbers = #tpu.dot_dimension_numbers<[1], [0], [0], [1], [0, 0, 1, 1], [], []>, transpose_lhs_hint = false} : vector<2000x64xf32>, vector<64x64xf32>, vector<2000x64xf32> -> vector<2000x64xf32>
    %get3A_31 = arith.constant 0 : index
    %get3A_32 = arith.constant 0 : index
    %get3A_33 = vector.load %arg8[%get3A_31, %get3A_32] : memref<64x64xf32, #tpu.memory_space<vmem>>, vector<64x64xf32>
    %dot_general3A_34 = arith.constant dense<0.000000e+00> : vector<2000x64xf32>
    %dot_general3A_35 = tpu.matmul %div3A_26, %get3A_33, %dot_general3A_34 {dimension_numbers = #tpu.dot_dimension_numbers<[1], [0], [0], [1], [0, 0, 1, 1], [], []>, transpose_lhs_hint = false} : vector<2000x64xf32>, vector<64x64xf32>, vector<2000x64xf32> -> vector<2000x64xf32>
    %add3A_36 = arith.addf %dot_general3A_30, %dot_general3A_35 : vector<2000x64xf32>
    %get3A_37 = arith.constant 0 : index
    %get3A_38 = arith.constant 0 : index
    %get3A_39 = vector.load %arg9[%get3A_37, %get3A_38] : memref<1x64xf32, #tpu.memory_space<vmem>>, vector<1x64xf32>
    %add3A_40 = vector.broadcast %get3A_39 : vector<1x64xf32> to vector<2000x64xf32>
    %add3A_41 = arith.addf %add3A_36, %add3A_40 : vector<2000x64xf32>
    %max3A_42 = arith.constant 0.000000e+00 : f32
    %max3A_43 = vector.broadcast %max3A_42 : f32 to vector<2000x64xf32>
    %max3A_44 = arith.maximumf %add3A_41, %max3A_43 : vector<2000x64xf32>
    %add3A_45 = arith.addf %max3A_44, %get3A_1 : vector<2000x64xf32>
    %max3A_46 = arith.constant 0.000000e+00 : f32
    %max3A_47 = vector.broadcast %max3A_46 : f32 to vector<2000x64xf32>
    %max3A_48 = arith.maximumf %add3A_45, %max3A_47 : vector<2000x64xf32>
    %swap3A = arith.constant 0 : index
    %swap3A_49 = arith.constant 0 : index
    %swap3A_50 = vector.load %arg17[%swap3A, %swap3A_49] : memref<2000x64xf32, #tpu.memory_space<vmem>>, vector<2000x64xf32>
    tpu.vector_store %arg17[%swap3A, %swap3A_49], %max3A_48 {strides = array<i32>} : memref<2000x64xf32, #tpu.memory_space<vmem>>, vector<2000x64xf32>,
    %get3A_51 = arith.constant 0 : index
    %get3A_52 = arith.constant 0 : index
    %get3A_53 = vector.load %arg13[%get3A_51, %get3A_52] : memref<64x64xf32, #tpu.memory_space<vmem>>, vector<64x64xf32>
    %dot_general3A_54 = arith.constant dense<0.000000e+00> : vector<2000x64xf32>
    %dot_general3A_55 = tpu.matmul %max3A_44, %get3A_53, %dot_general3A_54 {dimension_numbers = #tpu.dot_dimension_numbers<[1], [0], [0], [1], [0, 0, 1, 1], [], []>, transpose_lhs_hint = false} : vector<2000x64xf32>, vector<64x64xf32>, vector<2000x64xf32> -> vector<2000x64xf32>
    %get3A_56 = arith.constant 0 : index
    %get3A_57 = arith.constant 0 : index
    %get3A_58 = vector.load %arg15[%get3A_56, %get3A_57] : memref<64x64xf32, #tpu.memory_space<vmem>>, vector<64x64xf32>
    %dot_general3A_59 = arith.constant dense<0.000000e+00> : vector<2000x64xf32>
    %dot_general3A_60 = tpu.matmul %max3A_48, %get3A_58, %dot_general3A_59 {dimension_numbers = #tpu.dot_dimension_numbers<[1], [0], [0], [1], [0, 0, 1, 1], [], []>, transpose_lhs_hint = false} : vector<2000x64xf32>, vector<64x64xf32>, vector<2000x64xf32> -> vector<2000x64xf32>
    %concatenate3A = tpu.concatenate %dot_general3A_55, %dot_general3A_60 in 1 : vector<2000x64xf32>, vector<2000x64xf32> -> vector<2000x128xf32>
    %swap3A_61 = arith.constant 0 : index
    %swap3A_62 = arith.constant 0 : index
    %swap3A_63 = vector.load %arg18[%swap3A_61, %swap3A_62] : memref<2000x128xf32, #tpu.memory_space<vmem>>, vector<2000x128xf32>
    tpu.vector_store %arg18[%swap3A_61, %swap3A_62], %concatenate3A {strides = array<i32>} : memref<2000x128xf32, #tpu.memory_space<vmem>>, vector<2000x128xf32>,
    %eq3A = arith.constant 0 : i32
    %eq3A_64 = arith.cmpi eq, %arg0, %eq3A : i32
    %convert_element_type3A = arith.extui %eq3A_64 : i1 to i32
    %cond3A = arith.constant 0 : i32
    %cond3A_65 = arith.cmpi ne, %convert_element_type3A, %cond3A : i32
    scf.if %cond3A_65 {
      %get3A_66 = arith.constant 0 : index
      %get3A_67 = arith.constant 0 : index
      %get3A_68 = vector.load %arg6[%get3A_66, %get3A_67] : memref<64x64xf32, #tpu.memory_space<vmem>>, vector<64x64xf32>
      %get3A_69 = arith.constant 0 : index
      %get3A_70 = arith.constant 0 : index
      %get3A_71 = vector.load %arg4[%get3A_69, %get3A_70] : memref<64x64xf32, #tpu.memory_space<vmem>>, vector<64x64xf32>
      %get3A_72 = arith.constant 0 : index
      %get3A_73 = arith.constant 0 : index
      %get3A_74 = vector.load %arg5[%get3A_72, %get3A_73] : memref<64x1xf32, #tpu.memory_space<vmem>>, vector<64x1xf32>
      %max3A_75 = arith.constant 1.000000e+00 : f32
      %max3A_76 = vector.broadcast %max3A_75 : f32 to vector<64x1xf32>
      %max3A_77 = arith.maximumf %get3A_74, %max3A_76 : vector<64x1xf32>
      %div3A_78 = vector.broadcast %max3A_77 : vector<64x1xf32> to vector<64x64xf32>
      %div3A_79 = arith.divf %get3A_71, %div3A_78 : vector<64x64xf32>
      %get3A_80 = arith.constant 0 : index
      %get3A_81 = arith.constant 0 : index
      %get3A_82 = vector.load %arg10[%get3A_80, %get3A_81] : memref<64x64xf32, #tpu.memory_space<vmem>>, vector<64x64xf32>
      %dot_general3A_83 = arith.constant dense<0.000000e+00> : vector<64x64xf32>
      %dot_general3A_84 = tpu.matmul %get3A_68, %get3A_82, %dot_general3A_83 {dimension_numbers = #tpu.dot_dimension_numbers<[1], [0], [0], [1], [0, 0, 1, 1], [], []>, transpose_lhs_hint = false} : vector<64x64xf32>, vector<64x64xf32>, vector<64x64xf32> -> vector<64x64xf32>
      %get3A_85 = arith.constant 0 : index
      %get3A_86 = arith.constant 0 : index
      %get3A_87 = vector.load %arg11[%get3A_85, %get3A_86] : memref<64x64xf32, #tpu.memory_space<vmem>>, vector<64x64xf32>
      %dot_general3A_88 = arith.constant dense<0.000000e+00> : vector<64x64xf32>
      %dot_general3A_89 = tpu.matmul %div3A_79, %get3A_87, %dot_general3A_88 {dimension_numbers = #tpu.dot_dimension_numbers<[1], [0], [0], [1], [0, 0, 1, 1], [], []>, transpose_lhs_hint = false} : vector<64x64xf32>, vector<64x64xf32>, vector<64x64xf32> -> vector<64x64xf32>
      %add3A_90 = arith.addf %dot_general3A_84, %dot_general3A_89 : vector<64x64xf32>
      %get3A_91 = arith.constant 0 : index
      %get3A_92 = arith.constant 0 : index
      %get3A_93 = vector.load %arg12[%get3A_91, %get3A_92] : memref<1x64xf32, #tpu.memory_space<vmem>>, vector<1x64xf32>
      %add3A_94 = vector.broadcast %get3A_93 : vector<1x64xf32> to vector<64x64xf32>
      %add3A_95 = arith.addf %add3A_90, %add3A_94 : vector<64x64xf32>
      %max3A_96 = arith.constant 0.000000e+00 : f32
      %max3A_97 = vector.broadcast %max3A_96 : f32 to vector<64x64xf32>
      %max3A_98 = arith.maximumf %add3A_95, %max3A_97 : vector<64x64xf32>
      %add3A_99 = arith.addf %max3A_98, %get3A_68 : vector<64x64xf32>
      %max3A_100 = arith.constant 0.000000e+00 : f32
      %max3A_101 = vector.broadcast %max3A_100 : f32 to vector<64x64xf32>
      %max3A_102 = arith.maximumf %add3A_99, %max3A_101 : vector<64x64xf32>
      %swap3A_103 = arith.constant 0 : index
      %swap3A_104 = arith.constant 0 : index
      %swap3A_105 = vector.load %arg19[%swap3A_103, %swap3A_104] : memref<64x64xf32, #tpu.memory_space<vmem>>, vector<64x64xf32>
      tpu.vector_store %arg19[%swap3A_103, %swap3A_104], %max3A_102 {strides = array<i32>} : memref<64x64xf32, #tpu.memory_space<vmem>>, vector<64x64xf32>,
      %get3A_106 = arith.constant 0 : index
      %get3A_107 = arith.constant 0 : index
      %get3A_108 = vector.load %arg14[%get3A_106, %get3A_107] : memref<64x64xf32, #tpu.memory_space<vmem>>, vector<64x64xf32>
      %dot_general3A_109 = arith.constant dense<0.000000e+00> : vector<64x64xf32>
      %dot_general3A_110 = tpu.matmul %max3A_98, %get3A_108, %dot_general3A_109 {dimension_numbers = #tpu.dot_dimension_numbers<[1], [0], [0], [1], [0, 0, 1, 1], [], []>, transpose_lhs_hint = false} : vector<64x64xf32>, vector<64x64xf32>, vector<64x64xf32> -> vector<64x64xf32>
      %swap3A_111 = arith.constant 0 : index
      %swap3A_112 = arith.constant 0 : index
      %swap3A_113 = vector.load %arg20[%swap3A_111, %swap3A_112] : memref<64x64xf32, #tpu.memory_space<vmem>>, vector<64x64xf32>
      tpu.vector_store %arg20[%swap3A_111, %swap3A_112], %dot_general3A_110 {strides = array<i32>} : memref<64x64xf32, #tpu.memory_space<vmem>>, vector<64x64xf32>,
      %get3A_114 = arith.constant 0 : index
      %get3A_115 = arith.constant 0 : index
      %get3A_116 = vector.load %arg16[%get3A_114, %get3A_115] : memref<64x64xf32, #tpu.memory_space<vmem>>, vector<64x64xf32>
      %dot_general3A_117 = arith.constant dense<0.000000e+00> : vector<64x64xf32>
      %dot_general3A_118 = tpu.matmul %max3A_102, %get3A_116, %dot_general3A_117 {dimension_numbers = #tpu.dot_dimension_numbers<[1], [0], [0], [1], [0, 0, 1, 1], [], []>, transpose_lhs_hint = false} : vector<64x64xf32>, vector<64x64xf32>, vector<64x64xf32> -> vector<64x64xf32>
      %swap3A_119 = arith.constant 0 : index
      %swap3A_120 = arith.constant 0 : index
      %swap3A_121 = vector.load %arg21[%swap3A_119, %swap3A_120] : memref<64x64xf32, #tpu.memory_space<vmem>>, vector<64x64xf32>
      tpu.vector_store %arg21[%swap3A_119, %swap3A_120], %dot_general3A_118 {strides = array<i32>} : memref<64x64xf32, #tpu.memory_space<vmem>>, vector<64x64xf32>,
    } else {
    }
    return
  }
  func.func @transform_0(%arg0: i32) -> (i32, i32) {
    %c0_i32 = arith.constant 0 : i32
    %c0_i32_0 = arith.constant 0 : i32
    return %arg0, %c0_i32 : i32, i32
  }
  func.func @transform_1(%arg0: i32) -> (i32, i32, i32) {
    %c0_i32 = arith.constant 0 : i32
    %c0_i32_0 = arith.constant 0 : i32
    %c0_i32_1 = arith.constant 0 : i32
    return %c0_i32, %arg0, %c0_i32_0 : i32, i32, i32
  }
  func.func @transform_2(%arg0: i32) -> (i32, i32, i32) {
    %c0_i32 = arith.constant 0 : i32
    %c0_i32_0 = arith.constant 0 : i32
    %c0_i32_1 = arith.constant 0 : i32
    return %c0_i32, %arg0, %c0_i32_0 : i32, i32, i32
  }
  func.func @transform_3(%arg0: i32) -> (i32, i32) {
    %c0_i32 = arith.constant 0 : i32
    %c0_i32_0 = arith.constant 0 : i32
    %c0_i32_1 = arith.constant 0 : i32
    return %c0_i32, %c0_i32_0 : i32, i32
  }
  func.func @transform_4(%arg0: i32) -> (i32, i32) {
    %c0_i32 = arith.constant 0 : i32
    %c0_i32_0 = arith.constant 0 : i32
    %c0_i32_1 = arith.constant 0 : i32
    return %c0_i32, %c0_i32_0 : i32, i32
  }
  func.func @transform_5(%arg0: i32) -> (i32, i32) {
    %c0_i32 = arith.constant 0 : i32
    %c0_i32_0 = arith.constant 0 : i32
    %c0_i32_1 = arith.constant 0 : i32
    return %c0_i32, %c0_i32_0 : i32, i32
  }
  func.func @transform_6(%arg0: i32) -> (i32, i32) {
    %c0_i32 = arith.constant 0 : i32
    %c0_i32_0 = arith.constant 0 : i32
    %c0_i32_1 = arith.constant 0 : i32
    return %c0_i32, %c0_i32_0 : i32, i32
  }
  func.func @transform_7(%arg0: i32) -> (i32, i32) {
    %c0_i32 = arith.constant 0 : i32
    %c0_i32_0 = arith.constant 0 : i32
    %c0_i32_1 = arith.constant 0 : i32
    return %c0_i32, %c0_i32_0 : i32, i32
  }
  func.func @transform_8(%arg0: i32) -> (i32, i32) {
    %c0_i32 = arith.constant 0 : i32
    %c0_i32_0 = arith.constant 0 : i32
    %c0_i32_1 = arith.constant 0 : i32
    return %c0_i32, %c0_i32_0 : i32, i32
  }
  func.func @transform_9(%arg0: i32) -> (i32, i32) {
    %c0_i32 = arith.constant 0 : i32
    %c0_i32_0 = arith.constant 0 : i32
    %c0_i32_1 = arith.constant 0 : i32
    return %c0_i32, %c0_i32_0 : i32, i32
  }
  func.func @transform_10(%arg0: i32) -> (i32, i32) {
    %c0_i32 = arith.constant 0 : i32
    %c0_i32_0 = arith.constant 0 : i32
    %c0_i32_1 = arith.constant 0 : i32
    return %c0_i32, %c0_i32_0 : i32, i32
  }
  func.func @transform_11(%arg0: i32) -> (i32, i32) {
    %c0_i32 = arith.constant 0 : i32
    %c0_i32_0 = arith.constant 0 : i32
    %c0_i32_1 = arith.constant 0 : i32
    return %c0_i32, %c0_i32_0 : i32, i32
  }
  func.func @transform_12(%arg0: i32) -> (i32, i32) {
    %c0_i32 = arith.constant 0 : i32
    %c0_i32_0 = arith.constant 0 : i32
    %c0_i32_1 = arith.constant 0 : i32
    return %c0_i32, %c0_i32_0 : i32, i32
  }
  func.func @transform_13(%arg0: i32) -> (i32, i32) {
    %c0_i32 = arith.constant 0 : i32
    %c0_i32_0 = arith.constant 0 : i32
    %c0_i32_1 = arith.constant 0 : i32
    return %c0_i32, %c0_i32_0 : i32, i32
  }
  func.func @transform_14(%arg0: i32) -> (i32, i32) {
    %c0_i32 = arith.constant 0 : i32
    %c0_i32_0 = arith.constant 0 : i32
    %c0_i32_1 = arith.constant 0 : i32
    return %c0_i32, %c0_i32_0 : i32, i32
  }
  func.func @transform_15(%arg0: i32) -> (i32, i32) {
    %c0_i32 = arith.constant 0 : i32
    %c0_i32_0 = arith.constant 0 : i32
    %c0_i32_1 = arith.constant 0 : i32
    return %c0_i32, %c0_i32_0 : i32, i32
  }
  func.func @transform_16(%arg0: i32) -> (i32, i32) {
    %c0_i32 = arith.constant 0 : i32
    %c0_i32_0 = arith.constant 0 : i32
    return %arg0, %c0_i32 : i32, i32
  }
  func.func @transform_17(%arg0: i32) -> (i32, i32) {
    %c0_i32 = arith.constant 0 : i32
    %c0_i32_0 = arith.constant 0 : i32
    return %arg0, %c0_i32 : i32, i32
  }
  func.func @transform_18(%arg0: i32) -> (i32, i32) {
    %c0_i32 = arith.constant 0 : i32
    %c0_i32_0 = arith.constant 0 : i32
    %c0_i32_1 = arith.constant 0 : i32
    return %c0_i32, %c0_i32_0 : i32, i32
  }
  func.func @transform_19(%arg0: i32) -> (i32, i32) {
    %c0_i32 = arith.constant 0 : i32
    %c0_i32_0 = arith.constant 0 : i32
    %c0_i32_1 = arith.constant 0 : i32
    return %c0_i32, %c0_i32_0 : i32, i32
  }
  func.func @transform_20(%arg0: i32) -> (i32, i32) {
    %c0_i32 = arith.constant 0 : i32
    %c0_i32_0 = arith.constant 0 : i32
    %c0_i32_1 = arith.constant 0 : i32
    return %c0_i32, %c0_i32_0 : i32, i32
  }
}

module attributes {stable_mosaic.version = 14 : i64} {
  func.func @_kb_body(%arg0: i32, %arg1: memref<1x64xf32, #tpu.memory_space<vmem>>, %arg2: memref<5000x128xf32, #tpu.memory_space<vmem>>, %arg3: memref<1x1x5000xf32, #tpu.memory_space<vmem>>, %arg4: memref<1x1x5000xf32, #tpu.memory_space<vmem>>, %arg5: memref<1x1x5000xf32, #tpu.memory_space<vmem>>, %arg6: memref<64x64xf32, #tpu.memory_space<vmem>>, %arg7: memref<64x64xf32, #tpu.memory_space<vmem>>, %arg8: memref<1x64xf32, #tpu.memory_space<vmem>>, %arg9: memref<64x64xf32, #tpu.memory_space<vmem>>, %arg10: memref<64x64xf32, #tpu.memory_space<vmem>>, %arg11: memref<64x192xf32, #tpu.memory_space<vmem>>, %arg12: memref<1x192xf32, #tpu.memory_space<vmem>>, %arg13: memref<5000x64xf32, #tpu.memory_space<vmem>>, %arg14: memref<5000x64xf32, #tpu.memory_space<vmem>>, %arg15: memref<5000x64xf32, #tpu.memory_space<vmem>>, %arg16: memref<64x64xf32, #tpu.memory_space<vmem>>, %arg17: memref<64x1xf32, #tpu.memory_space<vmem>>) attributes {dimension_semantics = [#tpu.dimension_semantics<arbitrary>], iteration_bounds = array<i64: 64>, scalar_prefetch = 0 : i64, scratch_operands = 0 : i64, tpu.core_type = #tpu.core_type<tc>, window_params = [{pipeline_mode = #tpu.pipeline_mode<synchronous>, transform_indices = @transform_0, window_bounds = array<i64: 1, 64>}, {transform_indices = @transform_1, window_bounds = array<i64: 5000, 128>}, {transform_indices = @transform_2, window_bounds = array<i64: 1, 1, 5000>}, {transform_indices = @transform_3, window_bounds = array<i64: 1, 1, 5000>}, {transform_indices = @transform_4, window_bounds = array<i64: 1, 1, 5000>}, {pipeline_mode = #tpu.pipeline_mode<synchronous>, transform_indices = @transform_5, window_bounds = array<i64: 64, 64>}, {pipeline_mode = #tpu.pipeline_mode<synchronous>, transform_indices = @transform_6, window_bounds = array<i64: 64, 64>}, {pipeline_mode = #tpu.pipeline_mode<synchronous>, transform_indices = @transform_7, window_bounds = array<i64: 1, 64>}, {pipeline_mode = #tpu.pipeline_mode<synchronous>, transform_indices = @transform_8, window_bounds = array<i64: 64, 64>}, {pipeline_mode = #tpu.pipeline_mode<synchronous>, transform_indices = @transform_9, window_bounds = array<i64: 64, 64>}, {pipeline_mode = #tpu.pipeline_mode<synchronous>, transform_indices = @transform_10, window_bounds = array<i64: 64, 192>}, {pipeline_mode = #tpu.pipeline_mode<synchronous>, transform_indices = @transform_11, window_bounds = array<i64: 1, 192>}, {transform_indices = @transform_12, window_bounds = array<i64: 5000, 64>}, {transform_indices = @transform_13, window_bounds = array<i64: 5000, 64>}, {transform_indices = @transform_14, window_bounds = array<i64: 5000, 64>}, {pipeline_mode = #tpu.pipeline_mode<synchronous>, transform_indices = @transform_15, window_bounds = array<i64: 64, 64>}, {pipeline_mode = #tpu.pipeline_mode<synchronous>, transform_indices = @transform_16, window_bounds = array<i64: 64, 1>}]} {
    %iota3A = tpu.iota {dimensions = array<i32: 0>} : vector<64x1xi32>
    %convert_element_type3A = arith.sitofp %iota3A : vector<64x1xi32> to vector<64x1xf32>
    %get3A = arith.constant 0 : index
    %get3A_0 = arith.constant 0 : index
    %get3A_1 = arith.constant 0 : index
    %get3A_2 = vector.load %arg3[%get3A, %get3A_0, %get3A_1] : memref<1x1x5000xf32, #tpu.memory_space<vmem>>, vector<1x1x5000xf32>
    %get3A_3 = vector.shape_cast %get3A_2 : vector<1x1x5000xf32> to vector<1x5000xf32>
    %eq3A = vector.broadcast %convert_element_type3A : vector<64x1xf32> to vector<64x5000xf32>
    %eq3A_4 = vector.broadcast %get3A_3 : vector<1x5000xf32> to vector<64x5000xf32>
    %eq3A_5 = arith.cmpf oeq, %eq3A, %eq3A_4 : vector<64x5000xf32>
    %convert_element_type3A_6 = arith.extui %eq3A_5 : vector<64x5000xi1> to vector<64x5000xi32>
    %convert_element_type3A_7 = arith.sitofp %convert_element_type3A_6 : vector<64x5000xi32> to vector<64x5000xf32>
    %iota3A_8 = tpu.iota {dimensions = array<i32: 0>} : vector<64x64xi32>
    %iota3A_9 = tpu.iota {dimensions = array<i32: 1>} : vector<64x64xi32>
    %add3A = arith.constant 0 : i32
    %add3A_10 = vector.broadcast %add3A : i32 to vector<64x64xi32>
    %add3A_11 = arith.addi %iota3A_8, %add3A_10 : vector<64x64xi32>
    %eq3A_12 = arith.cmpi eq, %add3A_11, %iota3A_9 : vector<64x64xi32>
    %convert_element_type3A_13 = arith.extui %eq3A_12 : vector<64x64xi1> to vector<64x64xi32>
    %convert_element_type3A_14 = arith.sitofp %convert_element_type3A_13 : vector<64x64xi32> to vector<64x64xf32>
    %dot_general3A = arith.constant dense<0.000000e+00> : vector<5000x64xf32>
    %dot_general3A_15 = tpu.matmul %convert_element_type3A_7, %convert_element_type3A_14, %dot_general3A {dimension_numbers = #tpu.dot_dimension_numbers<[0], [0], [1], [1], [0, 1, 1, 1], [], []>, transpose_lhs_hint = false} : vector<64x5000xf32>, vector<64x64xf32>, vector<5000x64xf32> -> vector<5000x64xf32>
    %get3A_16 = arith.constant 0 : index
    %get3A_17 = arith.constant 0 : index
    %get3A_18 = vector.load %arg2[%get3A_16, %get3A_17] : memref<5000x128xf32, #tpu.memory_space<vmem>>, vector<5000x128xf32>
    %broadcast_in_dim3A = arith.constant 1.000000e+00 : f32
    %broadcast_in_dim3A_19 = vector.broadcast %broadcast_in_dim3A : f32 to vector<1x1xf32>
    %get3A_20 = arith.constant 0 : index
    %get3A_21 = arith.constant 0 : index
    %get3A_22 = arith.constant 0 : index
    %get3A_23 = vector.load %arg4[%get3A_20, %get3A_21, %get3A_22] : memref<1x1x5000xf32, #tpu.memory_space<vmem>>, vector<1x1x5000xf32>
    %get3A_24 = vector.shape_cast %get3A_23 : vector<1x1x5000xf32> to vector<1x5000xf32>
    %dot_general3A_25 = arith.constant dense<0.000000e+00> : vector<5000x1xf32>
    %dot_general3A_26 = tpu.matmul %get3A_24, %broadcast_in_dim3A_19, %dot_general3A_25 {dimension_numbers = #tpu.dot_dimension_numbers<[0], [0], [1], [1], [0, 1, 1, 1], [], []>, transpose_lhs_hint = false} : vector<1x5000xf32>, vector<1x1xf32>, vector<5000x1xf32> -> vector<5000x1xf32>
    %get3A_27 = arith.constant 0 : index
    %get3A_28 = arith.constant 0 : index
    %get3A_29 = arith.constant 0 : index
    %get3A_30 = vector.load %arg5[%get3A_27, %get3A_28, %get3A_29] : memref<1x1x5000xf32, #tpu.memory_space<vmem>>, vector<1x1x5000xf32>
    %get3A_31 = vector.shape_cast %get3A_30 : vector<1x1x5000xf32> to vector<1x5000xf32>
    %dot_general3A_32 = arith.constant dense<0.000000e+00> : vector<5000x1xf32>
    %dot_general3A_33 = tpu.matmul %get3A_31, %broadcast_in_dim3A_19, %dot_general3A_32 {dimension_numbers = #tpu.dot_dimension_numbers<[0], [0], [1], [1], [0, 1, 1, 1], [], []>, transpose_lhs_hint = false} : vector<1x5000xf32>, vector<1x1xf32>, vector<5000x1xf32> -> vector<5000x1xf32>
    %add3A_34 = arith.addf %dot_general3A_26, %dot_general3A_33 : vector<5000x1xf32>
    %get3A_35 = arith.constant 0 : index
    %get3A_36 = arith.constant 0 : index
    %get3A_37 = vector.load %arg1[%get3A_35, %get3A_36] : memref<1x64xf32, #tpu.memory_space<vmem>>, vector<1x64xf32>
    %mul3A = vector.broadcast %dot_general3A_26 : vector<5000x1xf32> to vector<5000x64xf32>
    %mul3A_38 = vector.broadcast %get3A_37 : vector<1x64xf32> to vector<5000x64xf32>
    %mul3A_39 = arith.mulf %mul3A, %mul3A_38 : vector<5000x64xf32>
    %slice3A = vector.extract_strided_slice %get3A_18 {offsets = [0, 0], sizes = [5000, 64], strides = [1, 1]} : vector<5000x128xf32> to vector<5000x64xf32>
    %add3A_40 = arith.addf %mul3A_39, %slice3A : vector<5000x64xf32>
    %get3A_41 = arith.constant 0 : index
    %get3A_42 = arith.constant 0 : index
    %get3A_43 = vector.load %arg6[%get3A_41, %get3A_42] : memref<64x64xf32, #tpu.memory_space<vmem>>, vector<64x64xf32>
    %dot_general3A_44 = arith.constant dense<0.000000e+00> : vector<5000x64xf32>
    %dot_general3A_45 = tpu.matmul %dot_general3A_15, %get3A_43, %dot_general3A_44 {dimension_numbers = #tpu.dot_dimension_numbers<[1], [0], [0], [1], [0, 0, 1, 1], [], []>, transpose_lhs_hint = false} : vector<5000x64xf32>, vector<64x64xf32>, vector<5000x64xf32> -> vector<5000x64xf32>
    %add3A_46 = arith.addf %add3A_40, %dot_general3A_45 : vector<5000x64xf32>
    %get3A_47 = arith.constant 0 : index
    %get3A_48 = arith.constant 0 : index
    %get3A_49 = vector.load %arg7[%get3A_47, %get3A_48] : memref<64x64xf32, #tpu.memory_space<vmem>>, vector<64x64xf32>
    %dot_general3A_50 = arith.constant dense<0.000000e+00> : vector<5000x64xf32>
    %dot_general3A_51 = tpu.matmul %dot_general3A_15, %get3A_49, %dot_general3A_50 {dimension_numbers = #tpu.dot_dimension_numbers<[1], [0], [0], [1], [0, 0, 1, 1], [], []>, transpose_lhs_hint = false} : vector<5000x64xf32>, vector<64x64xf32>, vector<5000x64xf32> -> vector<5000x64xf32>
    %add3A_52 = arith.addf %add3A_46, %dot_general3A_51 : vector<5000x64xf32>
    %get3A_53 = arith.constant 0 : index
    %get3A_54 = arith.constant 0 : index
    %get3A_55 = vector.load %arg8[%get3A_53, %get3A_54] : memref<1x64xf32, #tpu.memory_space<vmem>>, vector<1x64xf32>
    %add3A_56 = vector.broadcast %get3A_55 : vector<1x64xf32> to vector<5000x64xf32>
    %add3A_57 = arith.addf %add3A_52, %add3A_56 : vector<5000x64xf32>
    %max3A = arith.constant 0.000000e+00 : f32
    %max3A_58 = vector.broadcast %max3A : f32 to vector<5000x64xf32>
    %max3A_59 = arith.maximumf %add3A_57, %max3A_58 : vector<5000x64xf32>
    %add3A_60 = vector.broadcast %add3A_34 : vector<5000x1xf32> to vector<5000x64xf32>
    %add3A_61 = arith.addf %max3A_59, %add3A_60 : vector<5000x64xf32>
    %max3A_62 = arith.constant 0.000000e+00 : f32
    %max3A_63 = vector.broadcast %max3A_62 : f32 to vector<5000x64xf32>
    %max3A_64 = arith.maximumf %add3A_61, %max3A_63 : vector<5000x64xf32>
    %swap3A = arith.constant 0 : index
    %swap3A_65 = arith.constant 0 : index
    %swap3A_66 = vector.load %arg13[%swap3A, %swap3A_65] : memref<5000x64xf32, #tpu.memory_space<vmem>>, vector<5000x64xf32>
    tpu.vector_store %arg13[%swap3A, %swap3A_65], %max3A_64 {strides = array<i32>} : memref<5000x64xf32, #tpu.memory_space<vmem>>, vector<5000x64xf32>,
    %get3A_67 = arith.constant 0 : index
    %get3A_68 = arith.constant 0 : index
    %get3A_69 = vector.load %arg11[%get3A_67, %get3A_68] : memref<64x192xf32, #tpu.memory_space<vmem>>, vector<64x192xf32>
    %dot_general3A_70 = arith.constant dense<0.000000e+00> : vector<5000x192xf32>
    %dot_general3A_71 = tpu.matmul %max3A_64, %get3A_69, %dot_general3A_70 {dimension_numbers = #tpu.dot_dimension_numbers<[1], [0], [0], [1], [0, 0, 1, 1], [], []>, transpose_lhs_hint = false} : vector<5000x64xf32>, vector<64x192xf32>, vector<5000x192xf32> -> vector<5000x192xf32>
    %get3A_72 = arith.constant 0 : index
    %get3A_73 = arith.constant 0 : index
    %get3A_74 = vector.load %arg9[%get3A_72, %get3A_73] : memref<64x64xf32, #tpu.memory_space<vmem>>, vector<64x64xf32>
    %dot_general3A_75 = arith.constant dense<0.000000e+00> : vector<5000x64xf32>
    %dot_general3A_76 = tpu.matmul %dot_general3A_15, %get3A_74, %dot_general3A_75 {dimension_numbers = #tpu.dot_dimension_numbers<[1], [0], [0], [1], [0, 0, 1, 1], [], []>, transpose_lhs_hint = false} : vector<5000x64xf32>, vector<64x64xf32>, vector<5000x64xf32> -> vector<5000x64xf32>
    %get3A_77 = arith.constant 0 : index
    %get3A_78 = arith.constant 0 : index
    %get3A_79 = vector.load %arg10[%get3A_77, %get3A_78] : memref<64x64xf32, #tpu.memory_space<vmem>>, vector<64x64xf32>
    %dot_general3A_80 = arith.constant dense<0.000000e+00> : vector<5000x64xf32>
    %dot_general3A_81 = tpu.matmul %dot_general3A_15, %get3A_79, %dot_general3A_80 {dimension_numbers = #tpu.dot_dimension_numbers<[1], [0], [0], [1], [0, 0, 1, 1], [], []>, transpose_lhs_hint = false} : vector<5000x64xf32>, vector<64x64xf32>, vector<5000x64xf32> -> vector<5000x64xf32>
    %add3A_82 = arith.addf %dot_general3A_76, %dot_general3A_81 : vector<5000x64xf32>
    %slice3A_83 = vector.extract_strided_slice %dot_general3A_71 {offsets = [0, 0], sizes = [5000, 64], strides = [1, 1]} : vector<5000x192xf32> to vector<5000x64xf32>
    %add3A_84 = arith.addf %add3A_82, %slice3A_83 : vector<5000x64xf32>
    %get3A_85 = arith.constant 0 : index
    %get3A_86 = arith.constant 0 : index
    %get3A_87 = vector.load %arg12[%get3A_85, %get3A_86] : memref<1x192xf32, #tpu.memory_space<vmem>>, vector<1x64xf32>
    %add3A_88 = vector.broadcast %get3A_87 : vector<1x64xf32> to vector<5000x64xf32>
    %add3A_89 = arith.addf %add3A_84, %add3A_88 : vector<5000x64xf32>
    %max3A_90 = arith.constant 0.000000e+00 : f32
    %max3A_91 = vector.broadcast %max3A_90 : f32 to vector<5000x64xf32>
    %max3A_92 = arith.maximumf %add3A_89, %max3A_91 : vector<5000x64xf32>
    %swap3A_93 = arith.constant 0 : index
    %swap3A_94 = arith.constant 0 : index
    %swap3A_95 = vector.load %arg14[%swap3A_93, %swap3A_94] : memref<5000x64xf32, #tpu.memory_space<vmem>>, vector<5000x64xf32>
    tpu.vector_store %arg14[%swap3A_93, %swap3A_94], %max3A_92 {strides = array<i32>} : memref<5000x64xf32, #tpu.memory_space<vmem>>, vector<5000x64xf32>,
    %slice3A_96 = vector.extract_strided_slice %get3A_18 {offsets = [0, 64], sizes = [5000, 64], strides = [1, 1]} : vector<5000x128xf32> to vector<5000x64xf32>
    %slice3A_97 = vector.extract_strided_slice %dot_general3A_71 {offsets = [0, 64], sizes = [5000, 64], strides = [1, 1]} : vector<5000x192xf32> to vector<5000x64xf32>
    %add3A_98 = arith.addf %slice3A_96, %slice3A_97 : vector<5000x64xf32>
    %get3A_99 = arith.constant 0 : index
    %get3A_100 = arith.constant 64 : index
    %get3A_101 = vector.load %arg12[%get3A_99, %get3A_100] : memref<1x192xf32, #tpu.memory_space<vmem>>, vector<1x64xf32>
    %add3A_102 = vector.broadcast %get3A_101 : vector<1x64xf32> to vector<5000x64xf32>
    %add3A_103 = arith.addf %add3A_98, %add3A_102 : vector<5000x64xf32>
    %max3A_104 = arith.constant 0.000000e+00 : f32
    %max3A_105 = vector.broadcast %max3A_104 : f32 to vector<5000x64xf32>
    %max3A_106 = arith.maximumf %add3A_103, %max3A_105 : vector<5000x64xf32>
    %slice3A_107 = vector.extract_strided_slice %dot_general3A_71 {offsets = [0, 128], sizes = [5000, 64], strides = [1, 1]} : vector<5000x192xf32> to vector<5000x64xf32>
    %swap3A_108 = arith.constant 0 : index
    %swap3A_109 = arith.constant 0 : index
    %swap3A_110 = vector.load %arg15[%swap3A_108, %swap3A_109] : memref<5000x64xf32, #tpu.memory_space<vmem>>, vector<5000x64xf32>
    tpu.vector_store %arg15[%swap3A_108, %swap3A_109], %slice3A_107 {strides = array<i32>} : memref<5000x64xf32, #tpu.memory_space<vmem>>, vector<5000x64xf32>,
    %eq3A_111 = arith.constant 0 : i32
    %eq3A_112 = arith.cmpi eq, %arg0, %eq3A_111 : i32
    %convert_element_type3A_113 = arith.extui %eq3A_112 : i1 to i32
    %cond3A = arith.constant 0 : i32
    %cond3A_114 = arith.cmpi ne, %convert_element_type3A_113, %cond3A : i32
    scf.if %cond3A_114 {
      %broadcast_in_dim3A_138 = arith.constant 0.000000e+00 : f32
      %broadcast_in_dim3A_139 = vector.broadcast %broadcast_in_dim3A_138 : f32 to vector<64x64xf32>
      %swap3A_140 = arith.constant 0 : index
      %swap3A_141 = arith.constant 0 : index
      %swap3A_142 = vector.load %arg16[%swap3A_140, %swap3A_141] : memref<64x64xf32, #tpu.memory_space<vmem>>, vector<64x64xf32>
      tpu.vector_store %arg16[%swap3A_140, %swap3A_141], %broadcast_in_dim3A_139 {strides = array<i32>} : memref<64x64xf32, #tpu.memory_space<vmem>>, vector<64x64xf32>,
      %broadcast_in_dim3A_143 = arith.constant 0.000000e+00 : f32
      %broadcast_in_dim3A_144 = vector.broadcast %broadcast_in_dim3A_143 : f32 to vector<64x1xf32>
      %swap3A_145 = arith.constant 0 : index
      %swap3A_146 = arith.constant 0 : index
      %swap3A_147 = vector.load %arg17[%swap3A_145, %swap3A_146] : memref<64x1xf32, #tpu.memory_space<vmem>>, vector<64x1xf32>
      tpu.vector_store %arg17[%swap3A_145, %swap3A_146], %broadcast_in_dim3A_144 {strides = array<i32>} : memref<64x1xf32, #tpu.memory_space<vmem>>, vector<64x1xf32>,
    } else {
    }
    %convert_element_type3A_115 = arith.truncf %max3A_106 : vector<5000x64xf32> to vector<5000x64xbf16>
    %convert_element_type3A_116 = arith.extf %convert_element_type3A_115 : vector<5000x64xbf16> to vector<5000x64xf32>
    %get3A_117 = arith.constant 0 : index
    %get3A_118 = arith.constant 0 : index
    %get3A_119 = vector.load %arg16[%get3A_117, %get3A_118] : memref<64x64xf32, #tpu.memory_space<vmem>>, vector<64x64xf32>
    %dot_general3A_120 = arith.constant dense<0.000000e+00> : vector<64x64xf32>
    %dot_general3A_121 = tpu.matmul %dot_general3A_15, %convert_element_type3A_116, %dot_general3A_120 {dimension_numbers = #tpu.dot_dimension_numbers<[0], [0], [1], [1], [0, 1, 1, 1], [], []>, transpose_lhs_hint = false} : vector<5000x64xf32>, vector<5000x64xf32>, vector<64x64xf32> -> vector<64x64xf32>
    %sub3A = arith.subf %max3A_106, %convert_element_type3A_116 : vector<5000x64xf32>
    %dot_general3A_122 = arith.constant dense<0.000000e+00> : vector<64x64xf32>
    %dot_general3A_123 = tpu.matmul %dot_general3A_15, %sub3A, %dot_general3A_122 {dimension_numbers = #tpu.dot_dimension_numbers<[0], [0], [1], [1], [0, 1, 1, 1], [], []>, transpose_lhs_hint = false} : vector<5000x64xf32>, vector<5000x64xf32>, vector<64x64xf32> -> vector<64x64xf32>
    %add3A_124 = arith.addf %dot_general3A_121, %dot_general3A_123 : vector<64x64xf32>
    %add3A_125 = arith.addf %get3A_119, %add3A_124 : vector<64x64xf32>
    %swap3A_126 = arith.constant 0 : index
    %swap3A_127 = arith.constant 0 : index
    %swap3A_128 = vector.load %arg16[%swap3A_126, %swap3A_127] : memref<64x64xf32, #tpu.memory_space<vmem>>, vector<64x64xf32>
    tpu.vector_store %arg16[%swap3A_126, %swap3A_127], %add3A_125 {strides = array<i32>} : memref<64x64xf32, #tpu.memory_space<vmem>>, vector<64x64xf32>,
    %get3A_129 = arith.constant 0 : index
    %get3A_130 = arith.constant 0 : index
    %get3A_131 = vector.load %arg17[%get3A_129, %get3A_130] : memref<64x1xf32, #tpu.memory_space<vmem>>, vector<64x1xf32>
    %reduce_sum3A = arith.constant dense<0.000000e+00> : vector<64xf32>
    %reduce_sum3A_132 = vector.multi_reduction <add>, %convert_element_type3A_7, %reduce_sum3A [1] : vector<64x5000xf32> to vector<64xf32>
    %broadcast_in_dim3A_133 = vector.shape_cast %reduce_sum3A_132 : vector<64xf32> to vector<64x1xf32>
    %add3A_134 = arith.addf %get3A_131, %broadcast_in_dim3A_133 : vector<64x1xf32>
    %swap3A_135 = arith.constant 0 : index
    %swap3A_136 = arith.constant 0 : index
    %swap3A_137 = vector.load %arg17[%swap3A_135, %swap3A_136] : memref<64x1xf32, #tpu.memory_space<vmem>>, vector<64x1xf32>
    tpu.vector_store %arg17[%swap3A_135, %swap3A_136], %add3A_134 {strides = array<i32>} : memref<64x1xf32, #tpu.memory_space<vmem>>, vector<64x1xf32>,
    return
  }
  func.func @transform_0(%arg0: i32) -> (i32, i32) {
    %c0_i32 = arith.constant 0 : i32
    %c0_i32_0 = arith.constant 0 : i32
    %c0_i32_1 = arith.constant 0 : i32
    return %c0_i32, %c0_i32_0 : i32, i32
  }
  func.func @transform_1(%arg0: i32) -> (i32, i32) {
    %c0_i32 = arith.constant 0 : i32
    %c0_i32_0 = arith.constant 0 : i32
    return %arg0, %c0_i32 : i32, i32
  }
  func.func @transform_2(%arg0: i32) -> (i32, i32, i32) {
    %c0_i32 = arith.constant 0 : i32
    %c0_i32_0 = arith.constant 0 : i32
    %c0_i32_1 = arith.constant 0 : i32
    return %arg0, %c0_i32, %c0_i32_0 : i32, i32, i32
  }
  func.func @transform_3(%arg0: i32) -> (i32, i32, i32) {
    %c0_i32 = arith.constant 0 : i32
    %c0_i32_0 = arith.constant 0 : i32
    %c0_i32_1 = arith.constant 0 : i32
    return %arg0, %c0_i32, %c0_i32_0 : i32, i32, i32
  }
  func.func @transform_4(%arg0: i32) -> (i32, i32, i32) {
    %c0_i32 = arith.constant 0 : i32
    %c0_i32_0 = arith.constant 0 : i32
    %c0_i32_1 = arith.constant 0 : i32
    return %arg0, %c0_i32, %c0_i32_0 : i32, i32, i32
  }
  func.func @transform_5(%arg0: i32) -> (i32, i32) {
    %c0_i32 = arith.constant 0 : i32
    %c0_i32_0 = arith.constant 0 : i32
    %c0_i32_1 = arith.constant 0 : i32
    return %c0_i32, %c0_i32_0 : i32, i32
  }
  func.func @transform_6(%arg0: i32) -> (i32, i32) {
    %c0_i32 = arith.constant 0 : i32
    %c0_i32_0 = arith.constant 0 : i32
    %c0_i32_1 = arith.constant 0 : i32
    return %c0_i32, %c0_i32_0 : i32, i32
  }
  func.func @transform_7(%arg0: i32) -> (i32, i32) {
    %c0_i32 = arith.constant 0 : i32
    %c0_i32_0 = arith.constant 0 : i32
    %c0_i32_1 = arith.constant 0 : i32
    return %c0_i32, %c0_i32_0 : i32, i32
  }
  func.func @transform_8(%arg0: i32) -> (i32, i32) {
    %c0_i32 = arith.constant 0 : i32
    %c0_i32_0 = arith.constant 0 : i32
    %c0_i32_1 = arith.constant 0 : i32
    return %c0_i32, %c0_i32_0 : i32, i32
  }
  func.func @transform_9(%arg0: i32) -> (i32, i32) {
    %c0_i32 = arith.constant 0 : i32
    %c0_i32_0 = arith.constant 0 : i32
    %c0_i32_1 = arith.constant 0 : i32
    return %c0_i32, %c0_i32_0 : i32, i32
  }
  func.func @transform_10(%arg0: i32) -> (i32, i32) {
    %c0_i32 = arith.constant 0 : i32
    %c0_i32_0 = arith.constant 0 : i32
    %c0_i32_1 = arith.constant 0 : i32
    return %c0_i32, %c0_i32_0 : i32, i32
  }
  func.func @transform_11(%arg0: i32) -> (i32, i32) {
    %c0_i32 = arith.constant 0 : i32
    %c0_i32_0 = arith.constant 0 : i32
    %c0_i32_1 = arith.constant 0 : i32
    return %c0_i32, %c0_i32_0 : i32, i32
  }
  func.func @transform_12(%arg0: i32) -> (i32, i32) {
    %c0_i32 = arith.constant 0 : i32
    %c0_i32_0 = arith.constant 0 : i32
    return %arg0, %c0_i32 : i32, i32
  }
  func.func @transform_13(%arg0: i32) -> (i32, i32) {
    %c0_i32 = arith.constant 0 : i32
    %c0_i32_0 = arith.constant 0 : i32
    return %arg0, %c0_i32 : i32, i32
  }
  func.func @transform_14(%arg0: i32) -> (i32, i32) {
    %c0_i32 = arith.constant 0 : i32
    %c0_i32_0 = arith.constant 0 : i32
    return %arg0, %c0_i32 : i32, i32
  }
  func.func @transform_15(%arg0: i32) -> (i32, i32) {
    %c0_i32 = arith.constant 0 : i32
    %c0_i32_0 = arith.constant 0 : i32
    %c0_i32_1 = arith.constant 0 : i32
    return %c0_i32, %c0_i32_0 : i32, i32
  }
  func.func @transform_16(%arg0: i32) -> (i32, i32) {
    %c0_i32 = arith.constant 0 : i32
    %c0_i32_0 = arith.constant 0 : i32
    %c0_i32_1 = arith.constant 0 : i32
    return %c0_i32, %c0_i32_0 : i32, i32
  }
}

module attributes {stable_mosaic.version = 14 : i64} {
  func.func @_kb_body(%arg0: i32, %arg1: memref<5000x64xf32, #tpu.memory_space<vmem>>, %arg2: memref<5000x128xf32, #tpu.memory_space<vmem>>, %arg3: memref<1x1x5000xf32, #tpu.memory_space<vmem>>, %arg4: memref<5000x64xf32, #tpu.memory_space<vmem>>, %arg5: memref<1x1xf32, #tpu.memory_space<vmem>>, %arg6: memref<64x64xf32, #tpu.memory_space<vmem>>, %arg7: memref<64x64xf32, #tpu.memory_space<vmem>>, %arg8: memref<1x64xf32, #tpu.memory_space<vmem>>, %arg9: memref<64x64xf32, #tpu.memory_space<vmem>>, %arg10: memref<64x64xf32, #tpu.memory_space<vmem>>, %arg11: memref<64x128xf32, #tpu.memory_space<vmem>>, %arg12: memref<1x128xf32, #tpu.memory_space<vmem>>, %arg13: memref<5000x64xf32, #tpu.memory_space<vmem>>, %arg14: memref<64x64xf32, #tpu.memory_space<vmem>>, %arg15: memref<64x1xf32, #tpu.memory_space<vmem>>) attributes {dimension_semantics = [#tpu.dimension_semantics<arbitrary>], iteration_bounds = array<i64: 64>, scalar_prefetch = 0 : i64, scratch_operands = 0 : i64, tpu.core_type = #tpu.core_type<tc>, window_params = [{transform_indices = @transform_0, window_bounds = array<i64: 5000, 64>}, {transform_indices = @transform_1, window_bounds = array<i64: 5000, 128>}, {transform_indices = @transform_2, window_bounds = array<i64: 1, 1, 5000>}, {transform_indices = @transform_3, window_bounds = array<i64: 5000, 64>}, {pipeline_mode = #tpu.pipeline_mode<synchronous>, transform_indices = @transform_4, window_bounds = array<i64: 1, 1>}, {pipeline_mode = #tpu.pipeline_mode<synchronous>, transform_indices = @transform_5, window_bounds = array<i64: 64, 64>}, {pipeline_mode = #tpu.pipeline_mode<synchronous>, transform_indices = @transform_6, window_bounds = array<i64: 64, 64>}, {pipeline_mode = #tpu.pipeline_mode<synchronous>, transform_indices = @transform_7, window_bounds = array<i64: 1, 64>}, {pipeline_mode = #tpu.pipeline_mode<synchronous>, transform_indices = @transform_8, window_bounds = array<i64: 64, 64>}, {pipeline_mode = #tpu.pipeline_mode<synchronous>, transform_indices = @transform_9, window_bounds = array<i64: 64, 64>}, {pipeline_mode = #tpu.pipeline_mode<synchronous>, transform_indices = @transform_10, window_bounds = array<i64: 64, 128>}, {pipeline_mode = #tpu.pipeline_mode<synchronous>, transform_indices = @transform_11, window_bounds = array<i64: 1, 128>}, {transform_indices = @transform_12, window_bounds = array<i64: 5000, 64>}, {pipeline_mode = #tpu.pipeline_mode<synchronous>, transform_indices = @transform_13, window_bounds = array<i64: 64, 64>}, {pipeline_mode = #tpu.pipeline_mode<synchronous>, transform_indices = @transform_14, window_bounds = array<i64: 64, 1>}]} {
    %iota3A = tpu.iota {dimensions = array<i32: 0>} : vector<64x1xi32>
    %convert_element_type3A = arith.sitofp %iota3A : vector<64x1xi32> to vector<64x1xf32>
    %get3A = arith.constant 0 : index
    %get3A_0 = arith.constant 0 : index
    %get3A_1 = arith.constant 0 : index
    %get3A_2 = vector.load %arg3[%get3A, %get3A_0, %get3A_1] : memref<1x1x5000xf32, #tpu.memory_space<vmem>>, vector<1x1x5000xf32>
    %get3A_3 = vector.shape_cast %get3A_2 : vector<1x1x5000xf32> to vector<1x5000xf32>
    %eq3A = vector.broadcast %convert_element_type3A : vector<64x1xf32> to vector<64x5000xf32>
    %eq3A_4 = vector.broadcast %get3A_3 : vector<1x5000xf32> to vector<64x5000xf32>
    %eq3A_5 = arith.cmpf oeq, %eq3A, %eq3A_4 : vector<64x5000xf32>
    %convert_element_type3A_6 = arith.extui %eq3A_5 : vector<64x5000xi1> to vector<64x5000xi32>
    %convert_element_type3A_7 = arith.sitofp %convert_element_type3A_6 : vector<64x5000xi32> to vector<64x5000xf32>
    %iota3A_8 = tpu.iota {dimensions = array<i32: 0>} : vector<64x64xi32>
    %iota3A_9 = tpu.iota {dimensions = array<i32: 1>} : vector<64x64xi32>
    %add3A = arith.constant 0 : i32
    %add3A_10 = vector.broadcast %add3A : i32 to vector<64x64xi32>
    %add3A_11 = arith.addi %iota3A_8, %add3A_10 : vector<64x64xi32>
    %eq3A_12 = arith.cmpi eq, %add3A_11, %iota3A_9 : vector<64x64xi32>
    %convert_element_type3A_13 = arith.extui %eq3A_12 : vector<64x64xi1> to vector<64x64xi32>
    %convert_element_type3A_14 = arith.sitofp %convert_element_type3A_13 : vector<64x64xi32> to vector<64x64xf32>
    %dot_general3A = arith.constant dense<0.000000e+00> : vector<5000x64xf32>
    %dot_general3A_15 = tpu.matmul %convert_element_type3A_7, %convert_element_type3A_14, %dot_general3A {dimension_numbers = #tpu.dot_dimension_numbers<[0], [0], [1], [1], [0, 1, 1, 1], [], []>, transpose_lhs_hint = false} : vector<64x5000xf32>, vector<64x64xf32>, vector<5000x64xf32> -> vector<5000x64xf32>
    %get3A_16 = arith.constant 0 : index
    %get3A_17 = arith.constant 0 : index
    %get3A_18 = vector.load %arg2[%get3A_16, %get3A_17] : memref<5000x128xf32, #tpu.memory_space<vmem>>, vector<5000x128xf32>
    %get3A_19 = arith.constant 0 : index
    %get3A_20 = arith.constant 0 : index
    %get3A_21 = vector.load %arg4[%get3A_19, %get3A_20] : memref<5000x64xf32, #tpu.memory_space<vmem>>, vector<5000x64xf32>
    %get3A_22 = arith.constant 0 : index
    %get3A_23 = arith.constant 0 : index
    %get3A_24 = vector.load %arg1[%get3A_22, %get3A_23] : memref<5000x64xf32, #tpu.memory_space<vmem>>, vector<5000x64xf32>
    %slice3A = vector.extract_strided_slice %get3A_18 {offsets = [0, 0], sizes = [5000, 64], strides = [1, 1]} : vector<5000x128xf32> to vector<5000x64xf32>
    %add3A_25 = arith.addf %get3A_24, %slice3A : vector<5000x64xf32>
    %get3A_26 = arith.constant 0 : index
    %get3A_27 = arith.constant 0 : index
    %get3A_28 = vector.load %arg6[%get3A_26, %get3A_27] : memref<64x64xf32, #tpu.memory_space<vmem>>, vector<64x64xf32>
    %dot_general3A_29 = arith.constant dense<0.000000e+00> : vector<5000x64xf32>
    %dot_general3A_30 = tpu.matmul %dot_general3A_15, %get3A_28, %dot_general3A_29 {dimension_numbers = #tpu.dot_dimension_numbers<[1], [0], [0], [1], [0, 0, 1, 1], [], []>, transpose_lhs_hint = false} : vector<5000x64xf32>, vector<64x64xf32>, vector<5000x64xf32> -> vector<5000x64xf32>
    %add3A_31 = arith.addf %add3A_25, %dot_general3A_30 : vector<5000x64xf32>
    %get3A_32 = arith.constant 0 : index
    %get3A_33 = arith.constant 0 : index
    %get3A_34 = vector.load %arg7[%get3A_32, %get3A_33] : memref<64x64xf32, #tpu.memory_space<vmem>>, vector<64x64xf32>
    %dot_general3A_35 = arith.constant dense<0.000000e+00> : vector<5000x64xf32>
    %dot_general3A_36 = tpu.matmul %dot_general3A_15, %get3A_34, %dot_general3A_35 {dimension_numbers = #tpu.dot_dimension_numbers<[1], [0], [0], [1], [0, 0, 1, 1], [], []>, transpose_lhs_hint = false} : vector<5000x64xf32>, vector<64x64xf32>, vector<5000x64xf32> -> vector<5000x64xf32>
    %add3A_37 = arith.addf %add3A_31, %dot_general3A_36 : vector<5000x64xf32>
    %get3A_38 = arith.constant 0 : index
    %get3A_39 = arith.constant 0 : index
    %get3A_40 = vector.load %arg8[%get3A_38, %get3A_39] : memref<1x64xf32, #tpu.memory_space<vmem>>, vector<1x64xf32>
    %add3A_41 = vector.broadcast %get3A_40 : vector<1x64xf32> to vector<5000x64xf32>
    %add3A_42 = arith.addf %add3A_37, %add3A_41 : vector<5000x64xf32>
    %max3A = arith.constant 0.000000e+00 : f32
    %max3A_43 = vector.broadcast %max3A : f32 to vector<5000x64xf32>
    %max3A_44 = arith.maximumf %add3A_42, %max3A_43 : vector<5000x64xf32>
    %add3A_45 = arith.addf %max3A_44, %get3A_21 : vector<5000x64xf32>
    %max3A_46 = arith.constant 0.000000e+00 : f32
    %max3A_47 = vector.broadcast %max3A_46 : f32 to vector<5000x64xf32>
    %max3A_48 = arith.maximumf %add3A_45, %max3A_47 : vector<5000x64xf32>
    %get3A_49 = arith.constant 0 : index
    %get3A_50 = arith.constant 0 : index
    %get3A_51 = vector.load %arg11[%get3A_49, %get3A_50] : memref<64x128xf32, #tpu.memory_space<vmem>>, vector<64x128xf32>
    %dot_general3A_52 = arith.constant dense<0.000000e+00> : vector<5000x128xf32>
    %dot_general3A_53 = tpu.matmul %max3A_48, %get3A_51, %dot_general3A_52 {dimension_numbers = #tpu.dot_dimension_numbers<[1], [0], [0], [1], [0, 0, 1, 1], [], []>, transpose_lhs_hint = false} : vector<5000x64xf32>, vector<64x128xf32>, vector<5000x128xf32> -> vector<5000x128xf32>
    %get3A_54 = arith.constant 0 : index
    %get3A_55 = arith.constant 0 : index
    %get3A_56 = vector.load %arg9[%get3A_54, %get3A_55] : memref<64x64xf32, #tpu.memory_space<vmem>>, vector<64x64xf32>
    %dot_general3A_57 = arith.constant dense<0.000000e+00> : vector<5000x64xf32>
    %dot_general3A_58 = tpu.matmul %dot_general3A_15, %get3A_56, %dot_general3A_57 {dimension_numbers = #tpu.dot_dimension_numbers<[1], [0], [0], [1], [0, 0, 1, 1], [], []>, transpose_lhs_hint = false} : vector<5000x64xf32>, vector<64x64xf32>, vector<5000x64xf32> -> vector<5000x64xf32>
    %get3A_59 = arith.constant 0 : index
    %get3A_60 = arith.constant 0 : index
    %get3A_61 = vector.load %arg10[%get3A_59, %get3A_60] : memref<64x64xf32, #tpu.memory_space<vmem>>, vector<64x64xf32>
    %dot_general3A_62 = arith.constant dense<0.000000e+00> : vector<5000x64xf32>
    %dot_general3A_63 = tpu.matmul %dot_general3A_15, %get3A_61, %dot_general3A_62 {dimension_numbers = #tpu.dot_dimension_numbers<[1], [0], [0], [1], [0, 0, 1, 1], [], []>, transpose_lhs_hint = false} : vector<5000x64xf32>, vector<64x64xf32>, vector<5000x64xf32> -> vector<5000x64xf32>
    %add3A_64 = arith.addf %dot_general3A_58, %dot_general3A_63 : vector<5000x64xf32>
    %slice3A_65 = vector.extract_strided_slice %dot_general3A_53 {offsets = [0, 0], sizes = [5000, 64], strides = [1, 1]} : vector<5000x128xf32> to vector<5000x64xf32>
    %add3A_66 = arith.addf %add3A_64, %slice3A_65 : vector<5000x64xf32>
    %get3A_67 = arith.constant 0 : index
    %get3A_68 = arith.constant 0 : index
    %get3A_69 = vector.load %arg12[%get3A_67, %get3A_68] : memref<1x128xf32, #tpu.memory_space<vmem>>, vector<1x64xf32>
    %add3A_70 = vector.broadcast %get3A_69 : vector<1x64xf32> to vector<5000x64xf32>
    %add3A_71 = arith.addf %add3A_66, %add3A_70 : vector<5000x64xf32>
    %max3A_72 = arith.constant 0.000000e+00 : f32
    %max3A_73 = vector.broadcast %max3A_72 : f32 to vector<5000x64xf32>
    %max3A_74 = arith.maximumf %add3A_71, %max3A_73 : vector<5000x64xf32>
    %swap3A = arith.constant 0 : index
    %swap3A_75 = arith.constant 0 : index
    %swap3A_76 = vector.load %arg13[%swap3A, %swap3A_75] : memref<5000x64xf32, #tpu.memory_space<vmem>>, vector<5000x64xf32>
    tpu.vector_store %arg13[%swap3A, %swap3A_75], %max3A_74 {strides = array<i32>} : memref<5000x64xf32, #tpu.memory_space<vmem>>, vector<5000x64xf32>,
    %slice3A_77 = vector.extract_strided_slice %get3A_18 {offsets = [0, 64], sizes = [5000, 64], strides = [1, 1]} : vector<5000x128xf32> to vector<5000x64xf32>
    %slice3A_78 = vector.extract_strided_slice %dot_general3A_53 {offsets = [0, 64], sizes = [5000, 64], strides = [1, 1]} : vector<5000x128xf32> to vector<5000x64xf32>
    %add3A_79 = arith.addf %slice3A_77, %slice3A_78 : vector<5000x64xf32>
    %get3A_80 = arith.constant 0 : index
    %get3A_81 = arith.constant 64 : index
    %get3A_82 = vector.load %arg12[%get3A_80, %get3A_81] : memref<1x128xf32, #tpu.memory_space<vmem>>, vector<1x64xf32>
    %add3A_83 = vector.broadcast %get3A_82 : vector<1x64xf32> to vector<5000x64xf32>
    %add3A_84 = arith.addf %add3A_79, %add3A_83 : vector<5000x64xf32>
    %max3A_85 = arith.constant 0.000000e+00 : f32
    %max3A_86 = vector.broadcast %max3A_85 : f32 to vector<5000x64xf32>
    %max3A_87 = arith.maximumf %add3A_84, %max3A_86 : vector<5000x64xf32>
    %eq3A_88 = arith.constant 0 : i32
    %eq3A_89 = arith.cmpi eq, %arg0, %eq3A_88 : i32
    %convert_element_type3A_90 = arith.extui %eq3A_89 : i1 to i32
    %cond3A = arith.constant 0 : i32
    %cond3A_91 = arith.cmpi ne, %convert_element_type3A_90, %cond3A : i32
    scf.if %cond3A_91 {
      %broadcast_in_dim3A_114 = arith.constant 0.000000e+00 : f32
      %broadcast_in_dim3A_115 = vector.broadcast %broadcast_in_dim3A_114 : f32 to vector<64x64xf32>
      %swap3A_116 = arith.constant 0 : index
      %swap3A_117 = arith.constant 0 : index
      %swap3A_118 = vector.load %arg14[%swap3A_116, %swap3A_117] : memref<64x64xf32, #tpu.memory_space<vmem>>, vector<64x64xf32>
      tpu.vector_store %arg14[%swap3A_116, %swap3A_117], %broadcast_in_dim3A_115 {strides = array<i32>} : memref<64x64xf32, #tpu.memory_space<vmem>>, vector<64x64xf32>,
      %broadcast_in_dim3A_119 = arith.constant 0.000000e+00 : f32
      %broadcast_in_dim3A_120 = vector.broadcast %broadcast_in_dim3A_119 : f32 to vector<64x1xf32>
      %swap3A_121 = arith.constant 0 : index
      %swap3A_122 = arith.constant 0 : index
      %swap3A_123 = vector.load %arg15[%swap3A_121, %swap3A_122] : memref<64x1xf32, #tpu.memory_space<vmem>>, vector<64x1xf32>
      tpu.vector_store %arg15[%swap3A_121, %swap3A_122], %broadcast_in_dim3A_120 {strides = array<i32>} : memref<64x1xf32, #tpu.memory_space<vmem>>, vector<64x1xf32>,
    } else {
    }
    %convert_element_type3A_92 = arith.truncf %max3A_87 : vector<5000x64xf32> to vector<5000x64xbf16>
    %convert_element_type3A_93 = arith.extf %convert_element_type3A_92 : vector<5000x64xbf16> to vector<5000x64xf32>
    %get3A_94 = arith.constant 0 : index
    %get3A_95 = arith.constant 0 : index
    %get3A_96 = vector.load %arg14[%get3A_94, %get3A_95] : memref<64x64xf32, #tpu.memory_space<vmem>>, vector<64x64xf32>
    %dot_general3A_97 = arith.constant dense<0.000000e+00> : vector<64x64xf32>
    %dot_general3A_98 = tpu.matmul %dot_general3A_15, %convert_element_type3A_93, %dot_general3A_97 {dimension_numbers = #tpu.dot_dimension_numbers<[0], [0], [1], [1], [0, 1, 1, 1], [], []>, transpose_lhs_hint = false} : vector<5000x64xf32>, vector<5000x64xf32>, vector<64x64xf32> -> vector<64x64xf32>
    %sub3A = arith.subf %max3A_87, %convert_element_type3A_93 : vector<5000x64xf32>
    %dot_general3A_99 = arith.constant dense<0.000000e+00> : vector<64x64xf32>
    %dot_general3A_100 = tpu.matmul %dot_general3A_15, %sub3A, %dot_general3A_99 {dimension_numbers = #tpu.dot_dimension_numbers<[0], [0], [1], [1], [0, 1, 1, 1], [], []>, transpose_lhs_hint = false} : vector<5000x64xf32>, vector<5000x64xf32>, vector<64x64xf32> -> vector<64x64xf32>
    %add3A_101 = arith.addf %dot_general3A_98, %dot_general3A_100 : vector<64x64xf32>
    %add3A_102 = arith.addf %get3A_96, %add3A_101 : vector<64x64xf32>
    %swap3A_103 = arith.constant 0 : index
    %swap3A_104 = arith.constant 0 : index
    %swap3A_105 = vector.load %arg14[%swap3A_103, %swap3A_104] : memref<64x64xf32, #tpu.memory_space<vmem>>, vector<64x64xf32>
    tpu.vector_store %arg14[%swap3A_103, %swap3A_104], %add3A_102 {strides = array<i32>} : memref<64x64xf32, #tpu.memory_space<vmem>>, vector<64x64xf32>,
    %get3A_106 = arith.constant 0 : index
    %get3A_107 = arith.constant 0 : index
    %get3A_108 = vector.load %arg15[%get3A_106, %get3A_107] : memref<64x1xf32, #tpu.memory_space<vmem>>, vector<64x1xf32>
    %reduce_sum3A = arith.constant dense<0.000000e+00> : vector<64xf32>
    %reduce_sum3A_109 = vector.multi_reduction <add>, %convert_element_type3A_7, %reduce_sum3A [1] : vector<64x5000xf32> to vector<64xf32>
    %broadcast_in_dim3A = vector.shape_cast %reduce_sum3A_109 : vector<64xf32> to vector<64x1xf32>
    %add3A_110 = arith.addf %get3A_108, %broadcast_in_dim3A : vector<64x1xf32>
    %swap3A_111 = arith.constant 0 : index
    %swap3A_112 = arith.constant 0 : index
    %swap3A_113 = vector.load %arg15[%swap3A_111, %swap3A_112] : memref<64x1xf32, #tpu.memory_space<vmem>>, vector<64x1xf32>
    tpu.vector_store %arg15[%swap3A_111, %swap3A_112], %add3A_110 {strides = array<i32>} : memref<64x1xf32, #tpu.memory_space<vmem>>, vector<64x1xf32>,
    return
  }
  func.func @transform_0(%arg0: i32) -> (i32, i32) {
    %c0_i32 = arith.constant 0 : i32
    %c0_i32_0 = arith.constant 0 : i32
    return %arg0, %c0_i32 : i32, i32
  }
  func.func @transform_1(%arg0: i32) -> (i32, i32) {
    %c0_i32 = arith.constant 0 : i32
    %c0_i32_0 = arith.constant 0 : i32
    return %arg0, %c0_i32 : i32, i32
  }
  func.func @transform_2(%arg0: i32) -> (i32, i32, i32) {
    %c0_i32 = arith.constant 0 : i32
    %c0_i32_0 = arith.constant 0 : i32
    %c0_i32_1 = arith.constant 0 : i32
    return %arg0, %c0_i32, %c0_i32_0 : i32, i32, i32
  }
  func.func @transform_3(%arg0: i32) -> (i32, i32) {
    %c0_i32 = arith.constant 0 : i32
    %c0_i32_0 = arith.constant 0 : i32
    return %arg0, %c0_i32 : i32, i32
  }
  func.func @transform_4(%arg0: i32) -> (i32, i32) {
    %c0_i32 = arith.constant 0 : i32
    %c0_i32_0 = arith.constant 0 : i32
    %c0_i32_1 = arith.constant 0 : i32
    return %c0_i32, %c0_i32_0 : i32, i32
  }
  func.func @transform_5(%arg0: i32) -> (i32, i32) {
    %c0_i32 = arith.constant 0 : i32
    %c0_i32_0 = arith.constant 0 : i32
    %c0_i32_1 = arith.constant 0 : i32
    return %c0_i32, %c0_i32_0 : i32, i32
  }
  func.func @transform_6(%arg0: i32) -> (i32, i32) {
    %c0_i32 = arith.constant 0 : i32
    %c0_i32_0 = arith.constant 0 : i32
    %c0_i32_1 = arith.constant 0 : i32
    return %c0_i32, %c0_i32_0 : i32, i32
  }
  func.func @transform_7(%arg0: i32) -> (i32, i32) {
    %c0_i32 = arith.constant 0 : i32
    %c0_i32_0 = arith.constant 0 : i32
    %c0_i32_1 = arith.constant 0 : i32
    return %c0_i32, %c0_i32_0 : i32, i32
  }
  func.func @transform_8(%arg0: i32) -> (i32, i32) {
    %c0_i32 = arith.constant 0 : i32
    %c0_i32_0 = arith.constant 0 : i32
    %c0_i32_1 = arith.constant 0 : i32
    return %c0_i32, %c0_i32_0 : i32, i32
  }
  func.func @transform_9(%arg0: i32) -> (i32, i32) {
    %c0_i32 = arith.constant 0 : i32
    %c0_i32_0 = arith.constant 0 : i32
    %c0_i32_1 = arith.constant 0 : i32
    return %c0_i32, %c0_i32_0 : i32, i32
  }
  func.func @transform_10(%arg0: i32) -> (i32, i32) {
    %c0_i32 = arith.constant 0 : i32
    %c0_i32_0 = arith.constant 0 : i32
    %c0_i32_1 = arith.constant 0 : i32
    return %c0_i32, %c0_i32_0 : i32, i32
  }
  func.func @transform_11(%arg0: i32) -> (i32, i32) {
    %c0_i32 = arith.constant 0 : i32
    %c0_i32_0 = arith.constant 0 : i32
    %c0_i32_1 = arith.constant 0 : i32
    return %c0_i32, %c0_i32_0 : i32, i32
  }
  func.func @transform_12(%arg0: i32) -> (i32, i32) {
    %c0_i32 = arith.constant 0 : i32
    %c0_i32_0 = arith.constant 0 : i32
    return %arg0, %c0_i32 : i32, i32
  }
  func.func @transform_13(%arg0: i32) -> (i32, i32) {
    %c0_i32 = arith.constant 0 : i32
    %c0_i32_0 = arith.constant 0 : i32
    %c0_i32_1 = arith.constant 0 : i32
    return %c0_i32, %c0_i32_0 : i32, i32
  }
  func.func @transform_14(%arg0: i32) -> (i32, i32) {
    %c0_i32 = arith.constant 0 : i32
    %c0_i32_0 = arith.constant 0 : i32
    %c0_i32_1 = arith.constant 0 : i32
    return %c0_i32, %c0_i32_0 : i32, i32
  }
}

module attributes {stable_mosaic.version = 14 : i64} {
  func.func @_k3_body(%arg0: i32, %arg1: memref<2000x64xf32, #tpu.memory_space<vmem>>, %arg2: memref<2x2000x64xf32, #tpu.memory_space<vmem>>, %arg3: memref<2x2000x16xf32, #tpu.memory_space<vmem>>, %arg4: memref<64x64xf32, #tpu.memory_space<vmem>>, %arg5: memref<64x1xf32, #tpu.memory_space<vmem>>, %arg6: memref<64x64xf32, #tpu.memory_space<vmem>>, %arg7: memref<64x64xf32, #tpu.memory_space<vmem>>, %arg8: memref<64x64xf32, #tpu.memory_space<vmem>>, %arg9: memref<1x64xf32, #tpu.memory_space<vmem>>, %arg10: memref<64x64xf32, #tpu.memory_space<vmem>>, %arg11: memref<64x64xf32, #tpu.memory_space<vmem>>, %arg12: memref<1x64xf32, #tpu.memory_space<vmem>>, %arg13: memref<64x64xf32, #tpu.memory_space<vmem>>, %arg14: memref<64x64xf32, #tpu.memory_space<vmem>>, %arg15: memref<64x64xf32, #tpu.memory_space<vmem>>, %arg16: memref<64x64xf32, #tpu.memory_space<vmem>>, %arg17: memref<2000x64xf32, #tpu.memory_space<vmem>>, %arg18: memref<64x64xf32, #tpu.memory_space<vmem>>) attributes {dimension_semantics = [#tpu.dimension_semantics<arbitrary>], iteration_bounds = array<i64: 5>, scalar_prefetch = 0 : i64, scratch_operands = 0 : i64, tpu.core_type = #tpu.core_type<tc>, window_params = [{transform_indices = @transform_0, window_bounds = array<i64: 2000, 64>}, {transform_indices = @transform_1, window_bounds = array<i64: 2, 2000, 64>}, {transform_indices = @transform_2, window_bounds = array<i64: 2, 2000, 16>}, {pipeline_mode = #tpu.pipeline_mode<synchronous>, transform_indices = @transform_3, window_bounds = array<i64: 64, 64>}, {pipeline_mode = #tpu.pipeline_mode<synchronous>, transform_indices = @transform_4, window_bounds = array<i64: 64, 1>}, {pipeline_mode = #tpu.pipeline_mode<synchronous>, transform_indices = @transform_5, window_bounds = array<i64: 64, 64>}, {pipeline_mode = #tpu.pipeline_mode<synchronous>, transform_indices = @transform_6, window_bounds = array<i64: 64, 64>}, {pipeline_mode = #tpu.pipeline_mode<synchronous>, transform_indices = @transform_7, window_bounds = array<i64: 64, 64>}, {pipeline_mode = #tpu.pipeline_mode<synchronous>, transform_indices = @transform_8, window_bounds = array<i64: 1, 64>}, {pipeline_mode = #tpu.pipeline_mode<synchronous>, transform_indices = @transform_9, window_bounds = array<i64: 64, 64>}, {pipeline_mode = #tpu.pipeline_mode<synchronous>, transform_indices = @transform_10, window_bounds = array<i64: 64, 64>}, {pipeline_mode = #tpu.pipeline_mode<synchronous>, transform_indices = @transform_11, window_bounds = array<i64: 1, 64>}, {pipeline_mode = #tpu.pipeline_mode<synchronous>, transform_indices = @transform_12, window_bounds = array<i64: 64, 64>}, {pipeline_mode = #tpu.pipeline_mode<synchronous>, transform_indices = @transform_13, window_bounds = array<i64: 64, 64>}, {pipeline_mode = #tpu.pipeline_mode<synchronous>, transform_indices = @transform_14, window_bounds = array<i64: 64, 64>}, {pipeline_mode = #tpu.pipeline_mode<synchronous>, transform_indices = @transform_15, window_bounds = array<i64: 64, 64>}, {transform_indices = @transform_16, window_bounds = array<i64: 2000, 64>}, {pipeline_mode = #tpu.pipeline_mode<synchronous>, transform_indices = @transform_17, window_bounds = array<i64: 64, 64>}]} {
    %get3A = arith.constant 0 : index
    %get3A_0 = arith.constant 0 : index
    %get3A_1 = vector.load %arg1[%get3A, %get3A_0] : memref<2000x64xf32, #tpu.memory_space<vmem>>, vector<2000x64xf32>
    %get3A_2 = arith.constant 0 : index
    %get3A_3 = arith.constant 0 : index
    %get3A_4 = arith.constant 0 : index
    %get3A_5 = vector.load %arg3[%get3A_2, %get3A_3, %get3A_4] : memref<2x2000x16xf32, #tpu.memory_space<vmem>>, vector<1x2000x16xf32>
    %get3A_6 = vector.shape_cast %get3A_5 : vector<1x2000x16xf32> to vector<2000x16xf32>
    %slice3A = vector.extract_strided_slice %get3A_6 {offsets = [0, 0], sizes = [2000, 1], strides = [1, 1]} : vector<2000x16xf32> to vector<2000x1xf32>
    %get3A_7 = arith.constant 1 : index
    %get3A_8 = arith.constant 0 : index
    %get3A_9 = arith.constant 0 : index
    %get3A_10 = vector.load %arg3[%get3A_7, %get3A_8, %get3A_9] : memref<2x2000x16xf32, #tpu.memory_space<vmem>>, vector<1x2000x16xf32>
    %get3A_11 = vector.shape_cast %get3A_10 : vector<1x2000x16xf32> to vector<2000x16xf32>
    %slice3A_12 = vector.extract_strided_slice %get3A_11 {offsets = [0, 0], sizes = [2000, 1], strides = [1, 1]} : vector<2000x16xf32> to vector<2000x1xf32>
    %add3A = arith.addf %slice3A, %slice3A_12 : vector<2000x1xf32>
    %max3A = arith.constant 1.000000e+00 : f32
    %max3A_13 = vector.broadcast %max3A : f32 to vector<2000x1xf32>
    %max3A_14 = arith.maximumf %add3A, %max3A_13 : vector<2000x1xf32>
    %get3A_15 = arith.constant 0 : index
    %get3A_16 = arith.constant 0 : index
    %get3A_17 = arith.constant 0 : index
    %get3A_18 = vector.load %arg2[%get3A_15, %get3A_16, %get3A_17] : memref<2x2000x64xf32, #tpu.memory_space<vmem>>, vector<1x2000x64xf32>
    %get3A_19 = vector.shape_cast %get3A_18 : vector<1x2000x64xf32> to vector<2000x64xf32>
    %get3A_20 = arith.constant 1 : index
    %get3A_21 = arith.constant 0 : index
    %get3A_22 = arith.constant 0 : index
    %get3A_23 = vector.load %arg2[%get3A_20, %get3A_21, %get3A_22] : memref<2x2000x64xf32, #tpu.memory_space<vmem>>, vector<1x2000x64xf32>
    %get3A_24 = vector.shape_cast %get3A_23 : vector<1x2000x64xf32> to vector<2000x64xf32>
    %add3A_25 = arith.addf %get3A_19, %get3A_24 : vector<2000x64xf32>
    %div3A = vector.broadcast %max3A_14 : vector<2000x1xf32> to vector<2000x64xf32>
    %div3A_26 = arith.divf %add3A_25, %div3A : vector<2000x64xf32>
    %get3A_27 = arith.constant 0 : index
    %get3A_28 = arith.constant 0 : index
    %get3A_29 = vector.load %arg7[%get3A_27, %get3A_28] : memref<64x64xf32, #tpu.memory_space<vmem>>, vector<64x64xf32>
    %dot_general3A = arith.constant dense<0.000000e+00> : vector<2000x64xf32>
    %dot_general3A_30 = tpu.matmul %get3A_1, %get3A_29, %dot_general3A {dimension_numbers = #tpu.dot_dimension_numbers<[1], [0], [0], [1], [0, 0, 1, 1], [], []>, transpose_lhs_hint = false} : vector<2000x64xf32>, vector<64x64xf32>, vector<2000x64xf32> -> vector<2000x64xf32>
    %get3A_31 = arith.constant 0 : index
    %get3A_32 = arith.constant 0 : index
    %get3A_33 = vector.load %arg8[%get3A_31, %get3A_32] : memref<64x64xf32, #tpu.memory_space<vmem>>, vector<64x64xf32>
    %dot_general3A_34 = arith.constant dense<0.000000e+00> : vector<2000x64xf32>
    %dot_general3A_35 = tpu.matmul %div3A_26, %get3A_33, %dot_general3A_34 {dimension_numbers = #tpu.dot_dimension_numbers<[1], [0], [0], [1], [0, 0, 1, 1], [], []>, transpose_lhs_hint = false} : vector<2000x64xf32>, vector<64x64xf32>, vector<2000x64xf32> -> vector<2000x64xf32>
    %add3A_36 = arith.addf %dot_general3A_30, %dot_general3A_35 : vector<2000x64xf32>
    %get3A_37 = arith.constant 0 : index
    %get3A_38 = arith.constant 0 : index
    %get3A_39 = vector.load %arg9[%get3A_37, %get3A_38] : memref<1x64xf32, #tpu.memory_space<vmem>>, vector<1x64xf32>
    %add3A_40 = vector.broadcast %get3A_39 : vector<1x64xf32> to vector<2000x64xf32>
    %add3A_41 = arith.addf %add3A_36, %add3A_40 : vector<2000x64xf32>
    %max3A_42 = arith.constant 0.000000e+00 : f32
    %max3A_43 = vector.broadcast %max3A_42 : f32 to vector<2000x64xf32>
    %max3A_44 = arith.maximumf %add3A_41, %max3A_43 : vector<2000x64xf32>
    %add3A_45 = arith.addf %max3A_44, %get3A_1 : vector<2000x64xf32>
    %max3A_46 = arith.constant 0.000000e+00 : f32
    %max3A_47 = vector.broadcast %max3A_46 : f32 to vector<2000x64xf32>
    %max3A_48 = arith.maximumf %add3A_45, %max3A_47 : vector<2000x64xf32>
    %swap3A = arith.constant 0 : index
    %swap3A_49 = arith.constant 0 : index
    %swap3A_50 = vector.load %arg17[%swap3A, %swap3A_49] : memref<2000x64xf32, #tpu.memory_space<vmem>>, vector<2000x64xf32>
    tpu.vector_store %arg17[%swap3A, %swap3A_49], %max3A_48 {strides = array<i32>} : memref<2000x64xf32, #tpu.memory_space<vmem>>, vector<2000x64xf32>,
    %eq3A = arith.constant 0 : i32
    %eq3A_51 = arith.cmpi eq, %arg0, %eq3A : i32
    %convert_element_type3A = arith.extui %eq3A_51 : i1 to i32
    %cond3A = arith.constant 0 : i32
    %cond3A_52 = arith.cmpi ne, %convert_element_type3A, %cond3A : i32
    scf.if %cond3A_52 {
      %get3A_53 = arith.constant 0 : index
      %get3A_54 = arith.constant 0 : index
      %get3A_55 = vector.load %arg6[%get3A_53, %get3A_54] : memref<64x64xf32, #tpu.memory_space<vmem>>, vector<64x64xf32>
      %get3A_56 = arith.constant 0 : index
      %get3A_57 = arith.constant 0 : index
      %get3A_58 = vector.load %arg4[%get3A_56, %get3A_57] : memref<64x64xf32, #tpu.memory_space<vmem>>, vector<64x64xf32>
      %get3A_59 = arith.constant 0 : index
      %get3A_60 = arith.constant 0 : index
      %get3A_61 = vector.load %arg5[%get3A_59, %get3A_60] : memref<64x1xf32, #tpu.memory_space<vmem>>, vector<64x1xf32>
      %max3A_62 = arith.constant 1.000000e+00 : f32
      %max3A_63 = vector.broadcast %max3A_62 : f32 to vector<64x1xf32>
      %max3A_64 = arith.maximumf %get3A_61, %max3A_63 : vector<64x1xf32>
      %div3A_65 = vector.broadcast %max3A_64 : vector<64x1xf32> to vector<64x64xf32>
      %div3A_66 = arith.divf %get3A_58, %div3A_65 : vector<64x64xf32>
      %get3A_67 = arith.constant 0 : index
      %get3A_68 = arith.constant 0 : index
      %get3A_69 = vector.load %arg10[%get3A_67, %get3A_68] : memref<64x64xf32, #tpu.memory_space<vmem>>, vector<64x64xf32>
      %dot_general3A_70 = arith.constant dense<0.000000e+00> : vector<64x64xf32>
      %dot_general3A_71 = tpu.matmul %get3A_55, %get3A_69, %dot_general3A_70 {dimension_numbers = #tpu.dot_dimension_numbers<[1], [0], [0], [1], [0, 0, 1, 1], [], []>, transpose_lhs_hint = false} : vector<64x64xf32>, vector<64x64xf32>, vector<64x64xf32> -> vector<64x64xf32>
      %get3A_72 = arith.constant 0 : index
      %get3A_73 = arith.constant 0 : index
      %get3A_74 = vector.load %arg11[%get3A_72, %get3A_73] : memref<64x64xf32, #tpu.memory_space<vmem>>, vector<64x64xf32>
      %dot_general3A_75 = arith.constant dense<0.000000e+00> : vector<64x64xf32>
      %dot_general3A_76 = tpu.matmul %div3A_66, %get3A_74, %dot_general3A_75 {dimension_numbers = #tpu.dot_dimension_numbers<[1], [0], [0], [1], [0, 0, 1, 1], [], []>, transpose_lhs_hint = false} : vector<64x64xf32>, vector<64x64xf32>, vector<64x64xf32> -> vector<64x64xf32>
      %add3A_77 = arith.addf %dot_general3A_71, %dot_general3A_76 : vector<64x64xf32>
      %get3A_78 = arith.constant 0 : index
      %get3A_79 = arith.constant 0 : index
      %get3A_80 = vector.load %arg12[%get3A_78, %get3A_79] : memref<1x64xf32, #tpu.memory_space<vmem>>, vector<1x64xf32>
      %add3A_81 = vector.broadcast %get3A_80 : vector<1x64xf32> to vector<64x64xf32>
      %add3A_82 = arith.addf %add3A_77, %add3A_81 : vector<64x64xf32>
      %max3A_83 = arith.constant 0.000000e+00 : f32
      %max3A_84 = vector.broadcast %max3A_83 : f32 to vector<64x64xf32>
      %max3A_85 = arith.maximumf %add3A_82, %max3A_84 : vector<64x64xf32>
      %add3A_86 = arith.addf %max3A_85, %get3A_55 : vector<64x64xf32>
      %max3A_87 = arith.constant 0.000000e+00 : f32
      %max3A_88 = vector.broadcast %max3A_87 : f32 to vector<64x64xf32>
      %max3A_89 = arith.maximumf %add3A_86, %max3A_88 : vector<64x64xf32>
      %swap3A_90 = arith.constant 0 : index
      %swap3A_91 = arith.constant 0 : index
      %swap3A_92 = vector.load %arg18[%swap3A_90, %swap3A_91] : memref<64x64xf32, #tpu.memory_space<vmem>>, vector<64x64xf32>
      tpu.vector_store %arg18[%swap3A_90, %swap3A_91], %max3A_89 {strides = array<i32>} : memref<64x64xf32, #tpu.memory_space<vmem>>, vector<64x64xf32>,
    } else {
    }
    return
  }
  func.func @transform_0(%arg0: i32) -> (i32, i32) {
    %c0_i32 = arith.constant 0 : i32
    %c0_i32_0 = arith.constant 0 : i32
    return %arg0, %c0_i32 : i32, i32
  }
  func.func @transform_1(%arg0: i32) -> (i32, i32, i32) {
    %c0_i32 = arith.constant 0 : i32
    %c0_i32_0 = arith.constant 0 : i32
    %c0_i32_1 = arith.constant 0 : i32
    return %c0_i32, %arg0, %c0_i32_0 : i32, i32, i32
  }
  func.func @transform_2(%arg0: i32) -> (i32, i32, i32) {
    %c0_i32 = arith.constant 0 : i32
    %c0_i32_0 = arith.constant 0 : i32
    %c0_i32_1 = arith.constant 0 : i32
    return %c0_i32, %arg0, %c0_i32_0 : i32, i32, i32
  }
  func.func @transform_3(%arg0: i32) -> (i32, i32) {
    %c0_i32 = arith.constant 0 : i32
    %c0_i32_0 = arith.constant 0 : i32
    %c0_i32_1 = arith.constant 0 : i32
    return %c0_i32, %c0_i32_0 : i32, i32
  }
  func.func @transform_4(%arg0: i32) -> (i32, i32) {
    %c0_i32 = arith.constant 0 : i32
    %c0_i32_0 = arith.constant 0 : i32
    %c0_i32_1 = arith.constant 0 : i32
    return %c0_i32, %c0_i32_0 : i32, i32
  }
  func.func @transform_5(%arg0: i32) -> (i32, i32) {
    %c0_i32 = arith.constant 0 : i32
    %c0_i32_0 = arith.constant 0 : i32
    %c0_i32_1 = arith.constant 0 : i32
    return %c0_i32, %c0_i32_0 : i32, i32
  }
  func.func @transform_6(%arg0: i32) -> (i32, i32) {
    %c0_i32 = arith.constant 0 : i32
    %c0_i32_0 = arith.constant 0 : i32
    %c0_i32_1 = arith.constant 0 : i32
    return %c0_i32, %c0_i32_0 : i32, i32
  }
  func.func @transform_7(%arg0: i32) -> (i32, i32) {
    %c0_i32 = arith.constant 0 : i32
    %c0_i32_0 = arith.constant 0 : i32
    %c0_i32_1 = arith.constant 0 : i32
    return %c0_i32, %c0_i32_0 : i32, i32
  }
  func.func @transform_8(%arg0: i32) -> (i32, i32) {
    %c0_i32 = arith.constant 0 : i32
    %c0_i32_0 = arith.constant 0 : i32
    %c0_i32_1 = arith.constant 0 : i32
    return %c0_i32, %c0_i32_0 : i32, i32
  }
  func.func @transform_9(%arg0: i32) -> (i32, i32) {
    %c0_i32 = arith.constant 0 : i32
    %c0_i32_0 = arith.constant 0 : i32
    %c0_i32_1 = arith.constant 0 : i32
    return %c0_i32, %c0_i32_0 : i32, i32
  }
  func.func @transform_10(%arg0: i32) -> (i32, i32) {
    %c0_i32 = arith.constant 0 : i32
    %c0_i32_0 = arith.constant 0 : i32
    %c0_i32_1 = arith.constant 0 : i32
    return %c0_i32, %c0_i32_0 : i32, i32
  }
  func.func @transform_11(%arg0: i32) -> (i32, i32) {
    %c0_i32 = arith.constant 0 : i32
    %c0_i32_0 = arith.constant 0 : i32
    %c0_i32_1 = arith.constant 0 : i32
    return %c0_i32, %c0_i32_0 : i32, i32
  }
  func.func @transform_12(%arg0: i32) -> (i32, i32) {
    %c0_i32 = arith.constant 0 : i32
    %c0_i32_0 = arith.constant 0 : i32
    %c0_i32_1 = arith.constant 0 : i32
    return %c0_i32, %c0_i32_0 : i32, i32
  }
  func.func @transform_13(%arg0: i32) -> (i32, i32) {
    %c0_i32 = arith.constant 0 : i32
    %c0_i32_0 = arith.constant 0 : i32
    %c0_i32_1 = arith.constant 0 : i32
    return %c0_i32, %c0_i32_0 : i32, i32
  }
  func.func @transform_14(%arg0: i32) -> (i32, i32) {
    %c0_i32 = arith.constant 0 : i32
    %c0_i32_0 = arith.constant 0 : i32
    %c0_i32_1 = arith.constant 0 : i32
    return %c0_i32, %c0_i32_0 : i32, i32
  }
  func.func @transform_15(%arg0: i32) -> (i32, i32) {
    %c0_i32 = arith.constant 0 : i32
    %c0_i32_0 = arith.constant 0 : i32
    %c0_i32_1 = arith.constant 0 : i32
    return %c0_i32, %c0_i32_0 : i32, i32
  }
  func.func @transform_16(%arg0: i32) -> (i32, i32) {
    %c0_i32 = arith.constant 0 : i32
    %c0_i32_0 = arith.constant 0 : i32
    return %arg0, %c0_i32 : i32, i32
  }
  func.func @transform_17(%arg0: i32) -> (i32, i32) {
    %c0_i32 = arith.constant 0 : i32
    %c0_i32_0 = arith.constant 0 : i32
    %c0_i32_1 = arith.constant 0 : i32
    return %c0_i32, %c0_i32_0 : i32, i32
  }
}

module attributes {stable_mosaic.version = 14 : i64} {
  func.func @_k6_body(%arg0: i32, %arg1: memref<200x64xf32, #tpu.memory_space<vmem>>, %arg2: memref<64x64xf32, #tpu.memory_space<vmem>>, %arg3: memref<64x64xf32, #tpu.memory_space<vmem>>, %arg4: memref<64x64xf32, #tpu.memory_space<vmem>>, %arg5: memref<1x64xf32, #tpu.memory_space<vmem>>, %arg6: memref<1x64xf32, #tpu.memory_space<vmem>>, %arg7: memref<1x1xf32, #tpu.memory_space<vmem>>, %arg8: memref<64x64xf32, #tpu.memory_space<vmem>>, %arg9: memref<1x64xf32, #tpu.memory_space<vmem>>, %arg10: memref<64x1xf32, #tpu.memory_space<vmem>>, %arg11: memref<1x1xf32, #tpu.memory_space<vmem>>, %arg12: memref<200x64xf32, #tpu.memory_space<vmem>>, %arg13: memref<200x1xf32, #tpu.memory_space<vmem>>) attributes {dimension_semantics = [#tpu.dimension_semantics<arbitrary>], iteration_bounds = array<i64: 50>, scalar_prefetch = 0 : i64, scratch_operands = 0 : i64, tpu.core_type = #tpu.core_type<tc>, window_params = [{transform_indices = @transform_0, window_bounds = array<i64: 200, 64>}, {pipeline_mode = #tpu.pipeline_mode<synchronous>, transform_indices = @transform_1, window_bounds = array<i64: 64, 64>}, {pipeline_mode = #tpu.pipeline_mode<synchronous>, transform_indices = @transform_2, window_bounds = array<i64: 64, 64>}, {pipeline_mode = #tpu.pipeline_mode<synchronous>, transform_indices = @transform_3, window_bounds = array<i64: 64, 64>}, {pipeline_mode = #tpu.pipeline_mode<synchronous>, transform_indices = @transform_4, window_bounds = array<i64: 1, 64>}, {pipeline_mode = #tpu.pipeline_mode<synchronous>, transform_indices = @transform_5, window_bounds = array<i64: 1, 64>}, {pipeline_mode = #tpu.pipeline_mode<synchronous>, transform_indices = @transform_6, window_bounds = array<i64: 1, 1>}, {pipeline_mode = #tpu.pipeline_mode<synchronous>, transform_indices = @transform_7, window_bounds = array<i64: 64, 64>}, {pipeline_mode = #tpu.pipeline_mode<synchronous>, transform_indices = @transform_8, window_bounds = array<i64: 1, 64>}, {pipeline_mode = #tpu.pipeline_mode<synchronous>, transform_indices = @transform_9, window_bounds = array<i64: 64, 1>}, {pipeline_mode = #tpu.pipeline_mode<synchronous>, transform_indices = @transform_10, window_bounds = array<i64: 1, 1>}, {transform_indices = @transform_11, window_bounds = array<i64: 200, 64>}, {transform_indices = @transform_12, window_bounds = array<i64: 200, 1>}]} {
    %get3A = arith.constant 0 : index
    %get3A_0 = arith.constant 0 : index
    %get3A_1 = vector.load %arg1[%get3A, %get3A_0] : memref<200x64xf32, #tpu.memory_space<vmem>>, vector<200x64xf32>
    %get3A_2 = arith.constant 0 : index
    %get3A_3 = arith.constant 0 : index
    %get3A_4 = vector.load %arg3[%get3A_2, %get3A_3] : memref<64x64xf32, #tpu.memory_space<vmem>>, vector<64x64xf32>
    %dot_general3A = arith.constant dense<0.000000e+00> : vector<200x64xf32>
    %dot_general3A_5 = tpu.matmul %get3A_1, %get3A_4, %dot_general3A {dimension_numbers = #tpu.dot_dimension_numbers<[1], [0], [0], [1], [0, 0, 1, 1], [], []>, transpose_lhs_hint = false} : vector<200x64xf32>, vector<64x64xf32>, vector<200x64xf32> -> vector<200x64xf32>
    %get3A_6 = arith.constant 0 : index
    %get3A_7 = arith.constant 0 : index
    %get3A_8 = vector.load %arg2[%get3A_6, %get3A_7] : memref<64x64xf32, #tpu.memory_space<vmem>>, vector<64x64xf32>
    %get3A_9 = arith.constant 0 : index
    %get3A_10 = arith.constant 0 : index
    %get3A_11 = vector.load %arg4[%get3A_9, %get3A_10] : memref<64x64xf32, #tpu.memory_space<vmem>>, vector<64x64xf32>
    %dot_general3A_12 = arith.constant dense<0.000000e+00> : vector<64x64xf32>
    %dot_general3A_13 = tpu.matmul %get3A_8, %get3A_11, %dot_general3A_12 {dimension_numbers = #tpu.dot_dimension_numbers<[1], [0], [0], [1], [0, 0, 1, 1], [], []>, transpose_lhs_hint = false} : vector<64x64xf32>, vector<64x64xf32>, vector<64x64xf32> -> vector<64x64xf32>
    %get3A_14 = arith.constant 0 : index
    %get3A_15 = arith.constant 0 : index
    %get3A_16 = vector.load %arg5[%get3A_14, %get3A_15] : memref<1x64xf32, #tpu.memory_space<vmem>>, vector<1x64xf32>
    %add3A = vector.broadcast %get3A_16 : vector<1x64xf32> to vector<64x64xf32>
    %add3A_17 = arith.addf %dot_general3A_13, %add3A : vector<64x64xf32>
    %broadcast_in_dim3A = vector.shape_cast %dot_general3A_5 : vector<200x64xf32> to vector<200x1x64xf32>
    %broadcast_in_dim3A_18 = vector.shape_cast %add3A_17 : vector<64x64xf32> to vector<1x64x64xf32>
    %add3A_19 = vector.broadcast %broadcast_in_dim3A : vector<200x1x64xf32> to vector<200x64x64xf32>
    %add3A_20 = vector.broadcast %broadcast_in_dim3A_18 : vector<1x64x64xf32> to vector<200x64x64xf32>
    %add3A_21 = arith.addf %add3A_19, %add3A_20 : vector<200x64x64xf32>
    %max3A = arith.constant 0.000000e+00 : f32
    %max3A_22 = vector.broadcast %max3A : f32 to vector<200x64x64xf32>
    %max3A_23 = arith.maximumf %add3A_21, %max3A_22 : vector<200x64x64xf32>
    %convert_element_type3A = arith.truncf %max3A_23 : vector<200x64x64xf32> to vector<200x64x64xbf16>
    %convert_element_type3A_24 = arith.extf %convert_element_type3A : vector<200x64x64xbf16> to vector<200x64x64xf32>
    %get3A_25 = arith.constant 0 : index
    %get3A_26 = arith.constant 0 : index
    %get3A_27 = vector.load %arg6[%get3A_25, %get3A_26] : memref<1x64xf32, #tpu.memory_space<vmem>>, vector<1x64xf32>
    %broadcast_in_dim3A_28 = vector.shape_cast %get3A_27 : vector<1x64xf32> to vector<1x1x64xf32>
    %mul3A = vector.broadcast %broadcast_in_dim3A_28 : vector<1x1x64xf32> to vector<200x64x64xf32>
    %mul3A_29 = arith.mulf %convert_element_type3A_24, %mul3A : vector<200x64x64xf32>
    %reduce_sum3A = arith.constant dense<0.000000e+00> : vector<200x64xf32>
    %reduce_sum3A_30 = vector.multi_reduction <add>, %mul3A_29, %reduce_sum3A [2] : vector<200x64x64xf32> to vector<200x64xf32>
    %get3A_31 = arith.constant 0 : index
    %get3A_32 = arith.constant 0 : index
    %get3A_33 = vector.load %arg7[%get3A_31, %get3A_32] : memref<1x1xf32, #tpu.memory_space<vmem>>, vector<1x1xf32>
    %add3A_34 = vector.broadcast %get3A_33 : vector<1x1xf32> to vector<200x64xf32>
    %add3A_35 = arith.addf %reduce_sum3A_30, %add3A_34 : vector<200x64xf32>
    %swap3A = arith.constant 0 : index
    %swap3A_36 = arith.constant 0 : index
    %swap3A_37 = vector.load %arg12[%swap3A, %swap3A_36] : memref<200x64xf32, #tpu.memory_space<vmem>>, vector<200x64xf32>
    tpu.vector_store %arg12[%swap3A, %swap3A_36], %add3A_35 {strides = array<i32>} : memref<200x64xf32, #tpu.memory_space<vmem>>, vector<200x64xf32>,
    %get3A_38 = arith.constant 0 : index
    %get3A_39 = arith.constant 0 : index
    %get3A_40 = vector.load %arg8[%get3A_38, %get3A_39] : memref<64x64xf32, #tpu.memory_space<vmem>>, vector<64x64xf32>
    %dot_general3A_41 = arith.constant dense<0.000000e+00> : vector<200x64xf32>
    %dot_general3A_42 = tpu.matmul %add3A_35, %get3A_40, %dot_general3A_41 {dimension_numbers = #tpu.dot_dimension_numbers<[1], [0], [0], [1], [0, 0, 1, 1], [], []>, transpose_lhs_hint = false} : vector<200x64xf32>, vector<64x64xf32>, vector<200x64xf32> -> vector<200x64xf32>
    %get3A_43 = arith.constant 0 : index
    %get3A_44 = arith.constant 0 : index
    %get3A_45 = vector.load %arg9[%get3A_43, %get3A_44] : memref<1x64xf32, #tpu.memory_space<vmem>>, vector<1x64xf32>
    %add3A_46 = vector.broadcast %get3A_45 : vector<1x64xf32> to vector<200x64xf32>
    %add3A_47 = arith.addf %dot_general3A_42, %add3A_46 : vector<200x64xf32>
    %max3A_48 = arith.constant 0.000000e+00 : f32
    %max3A_49 = vector.broadcast %max3A_48 : f32 to vector<200x64xf32>
    %max3A_50 = arith.maximumf %add3A_47, %max3A_49 : vector<200x64xf32>
    %get3A_51 = arith.constant 0 : index
    %get3A_52 = arith.constant 0 : index
    %get3A_53 = vector.load %arg10[%get3A_51, %get3A_52] : memref<64x1xf32, #tpu.memory_space<vmem>>, vector<64x1xf32>
    %dot_general3A_54 = arith.constant dense<0.000000e+00> : vector<200x1xf32>
    %dot_general3A_55 = tpu.matmul %max3A_50, %get3A_53, %dot_general3A_54 {dimension_numbers = #tpu.dot_dimension_numbers<[1], [0], [0], [1], [0, 0, 1, 1], [], []>, transpose_lhs_hint = false} : vector<200x64xf32>, vector<64x1xf32>, vector<200x1xf32> -> vector<200x1xf32>
    %get3A_56 = arith.constant 0 : index
    %get3A_57 = arith.constant 0 : index
    %get3A_58 = vector.load %arg11[%get3A_56, %get3A_57] : memref<1x1xf32, #tpu.memory_space<vmem>>, vector<1x1xf32>
    %add3A_59 = vector.broadcast %get3A_58 : vector<1x1xf32> to vector<200x1xf32>
    %add3A_60 = arith.addf %dot_general3A_55, %add3A_59 : vector<200x1xf32>
    %swap3A_61 = arith.constant 0 : index
    %swap3A_62 = arith.constant 0 : index
    %swap3A_63 = vector.load %arg13[%swap3A_61, %swap3A_62] : memref<200x1xf32, #tpu.memory_space<vmem>>, vector<200x1xf32>
    tpu.vector_store %arg13[%swap3A_61, %swap3A_62], %add3A_60 {strides = array<i32>} : memref<200x1xf32, #tpu.memory_space<vmem>>, vector<200x1xf32>,
    return
  }
  func.func @transform_0(%arg0: i32) -> (i32, i32) {
    %c0_i32 = arith.constant 0 : i32
    %c0_i32_0 = arith.constant 0 : i32
    return %arg0, %c0_i32 : i32, i32
  }
  func.func @transform_1(%arg0: i32) -> (i32, i32) {
    %c0_i32 = arith.constant 0 : i32
    %c0_i32_0 = arith.constant 0 : i32
    %c0_i32_1 = arith.constant 0 : i32
    return %c0_i32, %c0_i32_0 : i32, i32
  }
  func.func @transform_2(%arg0: i32) -> (i32, i32) {
    %c0_i32 = arith.constant 0 : i32
    %c0_i32_0 = arith.constant 0 : i32
    %c0_i32_1 = arith.constant 0 : i32
    return %c0_i32, %c0_i32_0 : i32, i32
  }
  func.func @transform_3(%arg0: i32) -> (i32, i32) {
    %c0_i32 = arith.constant 0 : i32
    %c0_i32_0 = arith.constant 0 : i32
    %c0_i32_1 = arith.constant 0 : i32
    return %c0_i32, %c0_i32_0 : i32, i32
  }
  func.func @transform_4(%arg0: i32) -> (i32, i32) {
    %c0_i32 = arith.constant 0 : i32
    %c0_i32_0 = arith.constant 0 : i32
    %c0_i32_1 = arith.constant 0 : i32
    return %c0_i32, %c0_i32_0 : i32, i32
  }
  func.func @transform_5(%arg0: i32) -> (i32, i32) {
    %c0_i32 = arith.constant 0 : i32
    %c0_i32_0 = arith.constant 0 : i32
    %c0_i32_1 = arith.constant 0 : i32
    return %c0_i32, %c0_i32_0 : i32, i32
  }
  func.func @transform_6(%arg0: i32) -> (i32, i32) {
    %c0_i32 = arith.constant 0 : i32
    %c0_i32_0 = arith.constant 0 : i32
    %c0_i32_1 = arith.constant 0 : i32
    return %c0_i32, %c0_i32_0 : i32, i32
  }
  func.func @transform_7(%arg0: i32) -> (i32, i32) {
    %c0_i32 = arith.constant 0 : i32
    %c0_i32_0 = arith.constant 0 : i32
    %c0_i32_1 = arith.constant 0 : i32
    return %c0_i32, %c0_i32_0 : i32, i32
  }
  func.func @transform_8(%arg0: i32) -> (i32, i32) {
    %c0_i32 = arith.constant 0 : i32
    %c0_i32_0 = arith.constant 0 : i32
    %c0_i32_1 = arith.constant 0 : i32
    return %c0_i32, %c0_i32_0 : i32, i32
  }
  func.func @transform_9(%arg0: i32) -> (i32, i32) {
    %c0_i32 = arith.constant 0 : i32
    %c0_i32_0 = arith.constant 0 : i32
    %c0_i32_1 = arith.constant 0 : i32
    return %c0_i32, %c0_i32_0 : i32, i32
  }
  func.func @transform_10(%arg0: i32) -> (i32, i32) {
    %c0_i32 = arith.constant 0 : i32
    %c0_i32_0 = arith.constant 0 : i32
    %c0_i32_1 = arith.constant 0 : i32
    return %c0_i32, %c0_i32_0 : i32, i32
  }
  func.func @transform_11(%arg0: i32) -> (i32, i32) {
    %c0_i32 = arith.constant 0 : i32
    %c0_i32_0 = arith.constant 0 : i32
    return %arg0, %c0_i32 : i32, i32
  }
  func.func @transform_12(%arg0: i32) -> (i32, i32) {
    %c0_i32 = arith.constant 0 : i32
    %c0_i32_0 = arith.constant 0 : i32
    return %arg0, %c0_i32 : i32, i32
  }
}

</mosaic_0001>

<sc_bundles>
// kernel: kernel.14.cloned.1.call-start
scs
__scs_entry_jumppad:
0x0: {  	(pc) =	sbr.rel $0x88, $3  }
0x1: {  	(tag) =	ssettag $0x0;
	lr =	simm.s32 $0x1  }
0x2: {  	[smem:$0x3F78] =	sst lr;
	_ =	strace $0xD0000000  }
0x3: {  	_ = 	snop  }
0x4: {  	_ = 	snop  }
0x5: {  	_ = 	snop  }
0x6: {  	_ = 	snop  }
0x7: {  	_ = 	snop  }
__scs_overlays_trampoline_lowered:
0x8: {  	[smem:$0x3F87] =	sst s0  }
0x9: {  	[smem:$0x3F88] =	sst s1  }
0xa: {  	[smem:$0x3F89] =	sst s2  }
0xb: {  	[smem:$0x3F8A] =	sst s3  }
0xc: {  	[smem:$0x3F8B] =	sst s4  }
0xd: {  	[smem:$0x3F8C] =	sst s5  }
0xe: {  	[smem:$0x3F8D] =	sst s6  }
0xf: {  	[smem:$0x3F8E] =	sst s7  }
0x10: {  	[smem:$0x3F8F] =	sst s8  }
0x11: {  	[smem:$0x3F90] =	sst s9;
	s0 =	simm.s32 @!p0 $0x0  }
0x12: {  	s1 =	sld [smem:$0x3F76];
	s0 =	simm.s32 @p0 $0x1  }
0x13: {  	[smem:$0x3F91] =	sst s0;
	s0 =	simm.s32 @!p1 $0x0  }
0x14: {  	s2 =	sld [smem:$0x3F75];
	s0 =	simm.s32 @p1 $0x1  }
0x15: {  	[smem:$0x3F92] =	sst s0;
	s0 =	simm.s32 @!p2 $0x0  }
0x16: {  	s3 =	sld [smem:$0x3FDB];
	s0 =	simm.s32 @p2 $0x1  }
0x17: {  	s4 =	simm.s32 $0x1BF5;
	[smem:$0x3F94] =	sst s0  }
0x18: {  	s0 =	sld [smem:$0x3F77];
	_ =	swait.ge [sflag:s4], $0x0  }
0x19: {  	s7 =	sld [smem:$0x3F78]  }
0x1a: {  	s8 =	sadd.s32 $0xFFFFE003, lr  }
0x1b: {  	s9 =	sadd.s32 $0xFFFFFEF7, lr;
	s5 =	simm.s32 $0xFFFFFFFF;
	p2 =	slt.u32 s8, $0xFFFFF086  }
0x1c: {  	p1 =	slt.u32 s9, $0xF7A;
	s5 =	simm.s32 @!p2 $0x0  }
0x1d: {  	s5 =	simm.s32 @p1 $0x1;
	p0 =	seq.s32 s7, s2  }
0x1e: {  	s7 =	smul.u32 @!p0 $0xF7A, s2;
	p2 =	seq.s32 @!p0 s5, $0x0  }
0x1f: {  	s9 =	smul.u32 $0xF7A, s1;
	s8 =	simm.s32 @!p0 $0x1BF5;
	p2 =	por !p2, p0  }
0x20: {  	[sflag:s8] =	ssyncset.s32 @!p0 $0xFFFFF086;
	s6 =	sadd.s32 @!p0 s3, s7;
	s7 =	simm.s32 @!p0 $0x108  }
0x21: {  	s3 =	sadd.s32 s3, s9;
	s6 =	sadd.s32 @!p0 $0x88, s6;
	s7 =	simm.s32 @p2 $0x1082  }
0x22: {  	[simem:s7], [sflag:s8] =	dma.local @!p0 [hbm:s6], $0xF7A  }
0x23: {  	s9 =	sor.u32 $0xD0000000, s2;
	s6 =	simm.s32 $0x108;
	_ =	swait.ge @!p0 [sflag:s8], $0x0  }
0x24: {  	s3 =	sadd.s32 $0x88, s3;
	s6 =	simm.s32 @!p1 $0x1082;
	[sflag:s4] =	ssyncset.s32 $0xFFFFF086  }
0x25: {  	[simem:s6], [sflag:s4] =	dma.local [hbm:s3], $0xF7A  }
0x26: {  	[smem:$0x3F78] =	sst s1;
	(tag) =	ssettag s2;
	_ =	strace s9  }
0x27: {  	s1 =	sld [smem:$0x3F88]  }
0x28: {  	s2 =	sld [smem:$0x3F89]  }
0x29: {  	s4 =	sld [smem:$0x3F8B]  }
0x2a: {  	p0 =	seq.s32 s5, $0x0;
	s5 =	sld [smem:$0x3F8C]  }
0x2b: {  	s6 =	sld [smem:$0x3F8D]  }
0x2c: {  	s7 =	sld [smem:$0x3F8E]  }
0x2d: {  	s3 =	simm.s32 $0x108;
	s8 =	sld [smem:$0x3F8F]  }
0x2e: {  	s3 =	simm.s32 @!p0 $0x1082;
	s9 =	sld [smem:$0x3F90]  }
0x2f: {  	lr =	sadd.s32 s0, s3;
	s0 =	sld [smem:$0x3F87]  }
0x30: {  	s3 =	sld [smem:$0x3F8A]  }
0x31: {  	[smem:$0x3F93] =	sst s10  }
0x32: {  	s10 =	sld [smem:$0x3F91];
	_ =	sdelay $0x3  }
0x33: {  	p0 =	seq.s32 s10, $0x1;
	s10 =	sld [smem:$0x3F93];
	_ =	sdelay $0x3  }
0x34: {  	[smem:$0x3F93] =	sst s10  }
0x35: {  	s10 =	sld [smem:$0x3F92];
	_ =	sdelay $0x3  }
0x36: {  	p1 =	seq.s32 s10, $0x1;
	s10 =	sld [smem:$0x3F93];
	_ =	sdelay $0x3  }
0x37: {  	[smem:$0x3F93] =	sst s10  }
0x38: {  	s10 =	sld [smem:$0x3F94]  }
0x39: {  	_ = 	snop;
	(pc) =	sbr.ind lr, $3  }
0x3a: {  	_ = 	snop  }
0x3b: {  	_ = 	snop  }
0x3c: {  	p2 =	seq.s32 s10, $0x1;
	s10 =	sld [smem:$0x3F93]  }
0x3d: {  	_ =	shalt  }
0x3e: {  	_ =	shalt  }
0x3f: {  	_ =	shalt  }
0x40: {  	_ =	shalt  }
0x41: {  	_ =	shalt  }
0x42: {  	_ =	shalt  }
0x43: {  	_ =	shalt  }
0x44: {  	_ =	shalt  }
0x45: {  	_ =	shalt  }
0x46: {  	_ =	shalt  }
0x47: {  	_ =	shalt  }
0x48: {  	_ =	shalt  }
0x49: {  	_ =	shalt  }
0x4a: {  	_ =	shalt  }
0x4b: {  	_ =	shalt  }
0x4c: {  	_ =	shalt  }
0x4d: {  	_ =	shalt  }
0x4e: {  	_ =	shalt  }
0x4f: {  	_ =	shalt  }
0x50: {  	_ =	shalt  }
0x51: {  	_ =	shalt  }
0x52: {  	_ =	shalt  }
0x53: {  	_ =	shalt  }
0x54: {  	_ =	shalt  }
0x55: {  	_ =	shalt  }
0x56: {  	_ =	shalt  }
0x57: {  	_ =	shalt  }
0x58: {  	_ =	shalt  }
0x59: {  	_ =	shalt  }
0x5a: {  	_ =	shalt  }
0x5b: {  	_ =	shalt  }
0x5c: {  	_ =	shalt  }
0x5d: {  	_ =	shalt  }
0x5e: {  	_ =	shalt  }
0x5f: {  	_ =	shalt  }
0x60: {  	_ =	shalt  }
0x61: {  	_ =	shalt  }
0x62: {  	_ =	shalt  }
0x63: {  	_ =	shalt  }
0x64: {  	_ =	shalt  }
0x65: {  	_ =	shalt  }
0x66: {  	_ =	shalt  }
0x67: {  	_ =	shalt  }
0x68: {  	_ =	shalt  }
0x69: {  	_ =	shalt  }
0x6a: {  	_ =	shalt  }
0x6b: {  	_ =	shalt  }
0x6c: {  	_ =	shalt  }
0x6d: {  	_ =	shalt  }
0x6e: {  	_ =	shalt  }
0x6f: {  	_ =	shalt  }
0x70: {  	_ =	shalt  }
0x71: {  	_ =	shalt  }
0x72: {  	_ =	shalt  }
0x73: {  	_ =	shalt  }
0x74: {  	_ =	shalt  }
0x75: {  	_ =	shalt  }
0x76: {  	_ =	shalt  }
0x77: {  	_ =	shalt  }
0x78: {  	_ =	shalt  }
0x79: {  	_ =	shalt  }
0x7a: {  	_ =	shalt  }
0x7b: {  	_ =	shalt  }
0x7c: {  	_ =	shalt  }
0x7d: {  	_ =	shalt  }
0x7e: {  	_ =	shalt  }
0x7f: {  	_ =	shalt  }
0x80: {  	_ =	shalt  }
0x81: {  	_ =	shalt  }
0x82: {  	_ =	shalt  }
0x83: {  	_ =	shalt  }
0x84: {  	_ =	shalt  }
0x85: {  	_ =	shalt  }
0x86: {  	_ =	shalt  }
0x87: {  	_ =	shalt  }
.Lfunc_end0:
.L_simem_size_0:
called_computation_lowered:
.L_overlay_start_0:
0x88: {  	s2 =	sld [smem:$0x3FD9]  }
0x89: {  	s3 =	sld [smem:$0x3FFE];
	_ =	sdelay $0x1  }
0x8a: {  	s1 =	srdreg.scid  }
0x8b: {  	s0 =	sand.u32 $0x1, s1  }
0x8c: {  	s16 =	sshll.u32 s0, $0xA;
	s2 =	sadd.s32 s3, s2  }
0x8d: {  	s2 =	sadd.s32 s2, s16  }
0x8e: {  	[smem:$0x3F9F] =	sst s2  }
0x8f: {  	_ = 	snop  }
0x90: {  	(tm) =	ssettm $0x1  }
0x91: {  	s17 =	sld [smem:$0x3FFB];
	_ =	sdelay $0x3  }
0x92: {  	_ =	strace s17  }
0x93: {  	s2 =	sld [smem:$0x3FFC];
	_ =	sdelay $0x3  }
0x94: {  	_ =	strace s2  }
0x95: {  	s2 =	sld [smem:$0x3FFD];
	_ =	sdelay $0x3  }
0x96: {  	_ =	strace s2  }
0x97: {  	_ =	strace $0x8FFFFFFF  }
0x98: {  	s18 =	sld [smem:$0x3FDB];
	_ =	sdelay $0x1  }
0x99: {  	s19 =	simm.s32 $_scs_section_size  }
0x9a: {  	s4 =	simm.s32 $_size__tile_overlayer_lowered;
	s5 =	simm.s32 $_tile_overlayer_lowered  }
0x9b: {  	s22 =	simm.s32 $0x1BFF;
	s21 =	sshll.u32 s5, $0x1;
	s2 =	sadd.s32 s19, s18  }
0x9c: {  	s6 =	simm.s32 $0x0;
	s20 =	sshll.u32 s4, $0x1;
	s4 =	sadd.s32 s21, s2  }
0x9d: {  	[timem:s6], [sflag:s22] =	dma.local [hbm:s4], s20  }
0x9e: {  	_ =	swait.ge [sflag:s22], s20  }
0x9f: {  	s3 =	ssub.s32 $0x0, s20;
	[sflag:s22] =	ssyncset.done $0x0  }
0xa0: {  	[sflag:s22] =	ssyncadd.s32 s3;
	_ =	sdelay $0x1  }
0xa1: {  	s23 =	simm.s32 $0x1B8B  }
0xa2: {  	_ =	swait.ge [sflag:s23], $0x1  }
0xa3: {  	[sflag:s23] =	ssyncset.done $0x0  }
0xa4: {  	s25 =	simm.s32 $0x1B8E;
	s24 =	sld [smem:$0x3FFE];
	[sflag:s23] =	ssyncadd.s32 $0xFFFFFFFF  }
0xa5: {  	s26 =	simm.s32 $execute0_lowered;
	[smem:$0x3FD2] =	sst s25  }
0xa6: {  	s4 =	sshll.u32 s26, $0x1;
	_ =	strace $0x80000046;
	[dreg:$0x1] =	wrdreg $0xFFFFFFFF  }
0xa7: {  	s28 =	simm.s32 $_size_execute0_lowered;
	s2 =	sadd.s32 s2, s4;
	[dreg:$0x0] =	wrdreg $0x0  }
0xa8: {  	s4 =	sshll.u32 s28, $0x1;
	[dreg:$0x2] =	wrdreg s2  }
0xa9: {  	[dreg:$0x3] =	wrdreg s4  }
0xaa: {  	[dreg:$0x4] =	wrdreg $0xC0  }
0xab: {  	_ =	task [dreg:s6], $0x5FFFF  }
0xac: {  	[dreg:$0x1] =	wrdreg $0xFFFFFFFF  }
0xad: {  	[dreg:$0x0] =	wrdreg $0x60  }
0xae: {  	[dreg:$0x2] =	wrdreg s24  }
0xaf: {  	[dreg:$0x3] =	wrdreg $0x10D100  }
0xb0: {  	[dreg:$0x4] =	wrdreg $0x1AD100  }
0xb1: {  	[dreg:$0x5] =	wrdreg $0x9  }
0xb2: {  	_ =	task.clear_ibuf [dreg:s6], $0x6FFFF;
	_ =	strace $0x90000046  }
0xb3: {  	s29 =	simm.s32 $0x9;
	_ =	strace $0x80000048  }
0xb4: {  	_ =	swait.ge [sflag:s29], $0x1  }
0xb5: {  	[sflag:s29] =	ssyncadd.s32 $0xFFFFFFFF  }
0xb6: {  	_ =	strace $0x90000048  }
0xb7: {  	_ =	sfence  }
0xb8: {  	s30 =	sld [smem:$0x0];
	_ =	sdelay $0x2  }
0xb9: {  	s31 =	sshll.u32 s1, $0xD;
	s1 =	sshrl.u32 s1, $0x2  }
0xba: {  	s3 =	sand.u32 $0x4000, s31;
	s1 =	sadd.s32 s1, s30  }
0xbb: {  	s0 =	sor.u32 s3, s0;
	s1 =	sshll.u32 s1, $0x11  }
0xbc: {  	s0 =	sor.u32 s1, s0  }
0xbd: {  	s0 =	sadd.s32 $0x8F2B, s0  }
0xbe: {  	[sflag:s0] =	ssyncadd.remote.s32 $0x1  }
0xbf: {  	_ =	sfence.sel $0xFFFF  }
0xc0: {  	[dreg:$0x0] =	wrdreg $0xFFFFFFFF;
	(pc) =	sbr.abs _section_cstart, $3  }
0xc1: {  	[dreg:$0x1] =	wrdreg $0xFFFFFFFF  }
0xc2: {  	_ =	task.clear_ibuf [dreg:s6], $0x2FFFF;
	_ =	strace $0x9FFFFFFF  }
0xc3: {  	(tm) =	ssettm $0x7FFFFFFF  }
tec
execute0_lowered:
.L_overlay_start_1:
0x0: {  	(tag) =	ssettag $0x1  }
0x1: {  	s3 =	rddreg [dreg:$0x0];
	s21 =	stileid.u32  }
0x2: {  	s1 =	rddreg [dreg:$0x1];
	s8 =	smul.u32 $0x280, s21  }
0x3: {  	s2 =	rddreg [dreg:$0x2];
	s9 =	smul.u32 $0x28000, s21  }
0x4: {  	s0 =	srdreg.scid;
	s4 =	simm.s32 $0x0;
	s18 =	smul.u32 $0x2710, s21  }
0x5: {  	s6 =	sand.u32 $0x1, s0;
	[smem:$0x7FF] =	sst s4;
	s29 =	smul.u32 $0x13880, s21  }
0x6: {  	s7 =	sadd.s32 $0x50EA00, s3;
	s10 =	sadd.s32 $0x36600, s3;
	s12 =	smul.u32 $0x2800, s6  }
0x7: {  	s0 =	sshll.u32 s6, $0x4;
	_ =	strace $0x80000047;
	s17 =	smul.u32 $0x27100, s6  }
0x8: {  	s5 =	ssub.s32 $0x2, s6;
	s6 =	smul.u32 $0x138800, s6;
	s0 =	sor.u32 s21, s0  }
0x9: {  	s11 =	sshrl.u32 s5, $0x1;
	s19 =	sshrl.u32 s9, $0x2;
	s13 =	sor.u32 $0x50, s8  }
0xa: {  	s14 =	sadd.s32 $0xA0, s8;
	s15 =	sadd.s32 $0xF0, s8;
	s16 =	sadd.s32 $0x140, s8  }
0xb: {  	s0 =	smul.u32 $0x4E2, s0;
	s11 =	ssub.s32 s5, s11;
	s5 =	sadd.s32 s19, s1  }
0xc: {  	s20 =	sshll.u32 s13, $0x6;
	s22 =	sshll.u32 s14, $0x6;
	s23 =	sshll.u32 s15, $0x6  }
0xd: {  	s24 =	sshll.u32 s16, $0x6;
	s12 =	sadd.s32 s8, s12;
	s17 =	sadd.s32 s18, s17  }
0xe: {  	s6 =	sadd.s32 s6, s7;
	s18 =	sadd.s32 $0x1E0, s8;
	s9 =	sadd.s32 s20, s1  }
0xf: {  	s19 =	sshll.u32 s12, $0x3;
	s20 =	sadd.s32 $0x140, s12;
	s17 =	sshll.u32 s17, $0x3  }
0x10: {  	s12 =	sshll.u32 s12, $0x1;
	s0 =	sadd.s32 s0, s3;
	s3 =	sadd.s32 $0x2C600, s3  }
0x11: {  	[dreg:$0x4] =	wrdreg s9;
	s9 =	sadd.s32 s22, s1;
	s25 =	sadd.s32 s10, s19  }
0x12: {  	s26 =	sshll.u32 s20, $0x3;
	s28 =	sshll.u32 s20, $0x1;
	s17 =	sadd.s32 s7, s17  }
0x13: {  	s19 =	smul.u32 $0xA000, s21;
	s20 =	sadd.s32 $0x230, s8;
	[dreg:$0x5] =	wrdreg s9  }
0x14: {  	s9 =	sadd.s32 s23, s1;
	[dreg:$0x7] =	wrdreg s25;
	s10 =	sadd.s32 s10, s26  }
0x15: {  	s12 =	sadd.s32 s3, s12;
	s3 =	sadd.s32 s3, s28;
	[dreg:$0xb] =	wrdreg s17  }
0x16: {  	s23 =	sshll.u32 s18, $0x6;
	s25 =	sshll.u32 s20, $0x6;
	s26 =	sshll.u32 s13, $0x4  }
0x17: {  	s28 =	sshll.u32 s14, $0x4;
	s14 =	sshll.u32 s16, $0x4;
	s16 =	sshll.u32 s20, $0x4  }
0x18: {  	s0 =	sadd.s32 $0xE400, s0;
	s13 =	simm.s32 $0x5;
	[dreg:$0x6] =	wrdreg s9  }
0x19: {  	s9 =	sadd.s32 s24, s1;
	[dreg:$0x8] =	wrdreg s10;
	s10 =	sadd.s32 $0x190, s8  }
0x1a: {  	[dreg:$0xa] =	wrdreg s3;
	s3 =	sadd.s32 s29, s6;
	s8 =	sadd.s32 s23, s1  }
0x1b: {  	s24 =	sshrl.u32 s19, $0x2;
	s31 =	sadd.s32 s26, s2;
	s29 =	sshll.u32 s15, $0x4  }
0x1c: {  	s22 =	sadd.s32 s14, s2;
	s6 =	sshll.u32 s18, $0x4;
	[dreg:$0x10] =	wrdreg s0  }
0x1d: {  	s18 =	sadd.s32 $0xA0, s12;
	s19 =	sadd.s32 $0x140, s12;
	[dreg:$0x9] =	wrdreg s12  }
0x1e: {  	s20 =	sadd.s32 $0x1E0, s12;
	s26 =	sadd.s32 $0x320, s12;
	[dreg:$0xd] =	wrdreg s8  }
0x1f: {  	s14 =	simm.s32 $0x1;
	s17 =	sshll.u32 s10, $0x6;
	[dreg:$0x12] =	wrdreg s18  }
0x20: {  	s30 =	sadd.s32 s24, s2;
	s8 =	sadd.s32 s28, s2;
	[dreg:$0x13] =	wrdreg s19  }
0x21: {  	s21 =	sadd.s32 s29, s2;
	s15 =	sshll.u32 s10, $0x4;
	[dreg:$0x14] =	wrdreg s20  }
0x22: {  	s24 =	sadd.s32 s6, s2;
	[dreg:$0x15] =	wrdreg s26;
	s28 =	sadd.s32 $0x3C0, s12  }
0x23: {  	s29 =	sadd.s32 $0x460, s12;
	s10 =	simm.s32 $0x10810;
	s26 =	simm.s32 $0x3  }
0x24: {  	s6 =	simm.s32 $0x0;
	s7 =	sadd.s32 s17, s1;
	[dreg:$0xf] =	wrdreg s8  }
0x25: {  	s17 =	sadd.s32 s25, s1;
	s23 =	sadd.s32 s15, s2;
	[dreg:$0x16] =	wrdreg s28  }
0x26: {  	s25 =	sadd.s32 s16, s2;
	[dreg:$0x17] =	wrdreg s29;
	s8 =	simm.s32 $0xEF10  }
0x27: {  	s15 =	simm.s32 $0x50;
	s16 =	simm.s32 $0x10310;
	[dreg:$0xc] =	wrdreg s7  }
0x28: {  	[dreg:$0xe] =	wrdreg s17;
	s17 =	smax.u32 s11, $0x1;
	s7 =	sadd.s32 $0xC80, s3  }
0x29: {  	v0 =	vimm.f32 $0.0e+00;
	v1 =	vimm.f32 $1.000000000e+00;
	s11 =	simm.s32 $0x4;
	[dreg:$0x11] =	wrdreg s17;
	s17 =	simm.s32 $0x2  }
.LBB2_1:
0x2a: {  	s28 =	simm.s32 $0x100;
	s0 =	simm.s32 $0x0  }
.LBB2_2:
0x2b: {  	p0 =	sne.s32 s28, $0x4F00;
	[tilespmem:s0+$0xEF40] =	vst v0;
	s29 =	smov.u32 s28;
	s28 =	sadd.s32 $0x100, s28  }
.Ltmp0:
0x2c: {  	[tilespmem:s0+$0xEF30] =	vst v0;
	(pc) =	sbr.rel @p0 .LBB2_2-.Ltmp0, $3  }
0x2d: {  	[tilespmem:s0+$0xEF10] =	vst v0  }
0x2e: {  	[tilespmem:s0+$0xEF20] =	vst v0;
	_ =	sdelay $0x1  }
0x2f: {  	s0 =	sshra.s32 s29, $0x2  }
0x30: {  	[tilespmem:s0+$0xEF40] =	vst v0  }
0x31: {  	[tilespmem:s0+$0xEF30] =	vst v0  }
0x32: {  	[tilespmem:s0+$0xEF10] =	vst v0  }
0x33: {  	[tilespmem:s0+$0xEF20] =	vst v0  }
0x34: {  	[spmem:s5] =	stream.linear.scatter [tilespmem:s8], [sflag:$0x4], $0x1400, $0x38;
	[tilespmem:$0x1D510] =	vst v63  }
0x35: {  	s3 =	rddreg [dreg:$0x4]  }
0x36: {  	[spmem:s3] =	stream.linear.scatter [tilespmem:s8], [sflag:$0x4], $0x1400, $0x38;
	[tilespmem:$0x1D510] =	vst v63  }
0x37: {  	s12 =	rddreg [dreg:$0x5]  }
0x38: {  	[spmem:s12] =	stream.linear.scatter [tilespmem:s8], [sflag:$0x4], $0x1400, $0x38;
	[tilespmem:$0x1D510] =	vst v63  }
0x39: {  	s18 =	rddreg [dreg:$0x6]  }
0x3a: {  	[spmem:s18] =	stream.linear.scatter [tilespmem:s8], [sflag:$0x4], $0x1400, $0x38;
	[tilespmem:$0x1D510] =	vst v63  }
0x3b: {  	_ = 	snop  }
0x3c: {  	[spmem:s9] =	stream.linear.scatter [tilespmem:s8], [sflag:$0x4], $0x1400, $0x38;
	[tilespmem:$0x1D510] =	vst v63  }
0x3d: {  	s19 =	rddreg [dreg:$0xc]  }
0x3e: {  	[spmem:s19] =	stream.linear.scatter [tilespmem:s8], [sflag:$0x4], $0x1400, $0x38;
	[tilespmem:$0x1D510] =	vst v63  }
0x3f: {  	s20 =	rddreg [dreg:$0xd]  }
0x40: {  	[spmem:s20] =	stream.linear.scatter [tilespmem:s8], [sflag:$0x4], $0x1400, $0x38;
	[tilespmem:$0x1D510] =	vst v63  }
0x41: {  	s29 =	rddreg [dreg:$0xe];
	s0 =	simm.s32 $0x40;
	s28 =	simm.s32 $0x0  }
0x42: {  	[spmem:s29] =	stream.linear.scatter [tilespmem:s8], [sflag:$0x4], $0x1400, $0x38;
	[tilespmem:$0x1D510] =	vst v63  }
.LBB2_4:
0x43: {  	p0 =	sne.s32 s0, $0x13C0;
	[tilespmem:s28+$0x10310] =	vst v1;
	s28 =	smov.u32 s0;
	s0 =	sadd.s32 $0x40, s0  }
.Ltmp1:
0x44: {  	(pc) =	sbr.rel @p0 .LBB2_4-.Ltmp1, $2  }
0x45: {  	_ =	sdelay $0x2  }
0x46: {  	s28 =	sshra.s32 s28, $0x2  }
0x47: {  	s18 =	smov.u32 s9;
	[tilespmem:s28+$0x10310] =	vst v1;
	s0 =	simm.s32 $0x40;
	s28 =	simm.s32 $0x0  }
.LBB2_6:
0x48: {  	p0 =	sne.s32 s0, $0x13C0;
	[tilespmem:s28+$0x10810] =	vst v0;
	s28 =	smov.u32 s0;
	s0 =	sadd.s32 $0x40, s0  }
.Ltmp2:
0x49: {  	(pc) =	sbr.rel @p0 .LBB2_6-.Ltmp2, $2  }
0x4a: {  	_ =	sdelay $0x2  }
0x4b: {  	s28 =	sshra.s32 s28, $0x2  }
0x4c: {  	[tilespmem:s28+$0x10810] =	vst v0  }
0x4d: {  	[spmem:s30] =	stream.linear.scatter [tilespmem:s10], [sflag:$0x4], $0x500, $0x38;
	[tilespmem:$0x1D510] =	vst v63  }
0x4e: {  	_ = 	snop  }
0x4f: {  	[spmem:s31] =	stream.linear.scatter [tilespmem:s10], [sflag:$0x4], $0x500, $0x38;
	[tilespmem:$0x1D510] =	vst v63  }
0x50: {  	s0 =	rddreg [dreg:$0xf]  }
0x51: {  	[spmem:s0] =	stream.linear.scatter [tilespmem:s10], [sflag:$0x4], $0x500, $0x38;
	[tilespmem:$0x1D510] =	vst v63  }
0x52: {  	_ = 	snop  }
0x53: {  	[spmem:s21] =	stream.linear.scatter [tilespmem:s10], [sflag:$0x4], $0x500, $0x38;
	[tilespmem:$0x1D510] =	vst v63  }
0x54: {  	_ = 	snop  }
0x55: {  	[spmem:s22] =	stream.linear.scatter [tilespmem:s10], [sflag:$0x4], $0x500, $0x38;
	[tilespmem:$0x1D510] =	vst v63  }
0x56: {  	_ = 	snop  }
0x57: {  	[spmem:s23] =	stream.linear.scatter [tilespmem:s10], [sflag:$0x4], $0x500, $0x38;
	[tilespmem:$0x1D510] =	vst v63  }
0x58: {  	_ = 	snop  }
0x59: {  	[spmem:s24] =	stream.linear.scatter [tilespmem:s10], [sflag:$0x4], $0x500, $0x38;
	[tilespmem:$0x1D510] =	vst v63  }
0x5a: {  	_ = 	snop  }
0x5b: {  	[spmem:s25] =	stream.linear.scatter [tilespmem:s10], [sflag:$0x4], $0x500, $0x38;
	[tilespmem:$0x1D510] =	vst v63  }
0x5c: {  	_ =	swait.ge [sflag:s11], $0x1400  }
0x5d: {  	[sflag:s11] =	ssyncset.done $0x0  }
0x5e: {  	[sflag:s11] =	ssyncadd.s32 $0xFFFFEC00  }
0x5f: {  	_ =	swait.ge [sflag:s11], $0x500  }
0x60: {  	[sflag:s11] =	ssyncset.done $0x0  }
0x61: {  	[sflag:s11] =	ssyncadd.s32 $0xFFFFFB00  }
0x62: {  	_ =	swait.ge [sflag:s11], $0x1400  }
0x63: {  	[sflag:s11] =	ssyncset.done $0x0  }
0x64: {  	[sflag:s11] =	ssyncadd.s32 $0xFFFFEC00  }
0x65: {  	_ =	swait.ge [sflag:s11], $0x500  }
0x66: {  	[sflag:s11] =	ssyncset.done $0x0  }
0x67: {  	[sflag:s11] =	ssyncadd.s32 $0xFFFFFB00  }
0x68: {  	_ =	swait.ge [sflag:s11], $0x1400  }
0x69: {  	[sflag:s11] =	ssyncset.done $0x0  }
0x6a: {  	[sflag:s11] =	ssyncadd.s32 $0xFFFFEC00  }
0x6b: {  	_ =	swait.ge [sflag:s11], $0x500  }
0x6c: {  	[sflag:s11] =	ssyncset.done $0x0  }
0x6d: {  	[sflag:s11] =	ssyncadd.s32 $0xFFFFFB00  }
0x6e: {  	_ =	swait.ge [sflag:s11], $0x1400  }
0x6f: {  	[sflag:s11] =	ssyncset.done $0x0  }
0x70: {  	[sflag:s11] =	ssyncadd.s32 $0xFFFFEC00  }
0x71: {  	_ =	swait.ge [sflag:s11], $0x500  }
0x72: {  	[sflag:s11] =	ssyncset.done $0x0  }
0x73: {  	[sflag:s11] =	ssyncadd.s32 $0xFFFFFB00  }
0x74: {  	_ =	swait.ge [sflag:s11], $0x1400  }
0x75: {  	[sflag:s11] =	ssyncset.done $0x0  }
0x76: {  	[sflag:s11] =	ssyncadd.s32 $0xFFFFEC00  }
0x77: {  	_ =	swait.ge [sflag:s11], $0x500  }
0x78: {  	[sflag:s11] =	ssyncset.done $0x0  }
0x79: {  	[sflag:s11] =	ssyncadd.s32 $0xFFFFFB00  }
0x7a: {  	_ =	swait.ge [sflag:s11], $0x1400  }
0x7b: {  	[sflag:s11] =	ssyncset.done $0x0  }
0x7c: {  	[sflag:s11] =	ssyncadd.s32 $0xFFFFEC00  }
0x7d: {  	_ =	swait.ge [sflag:s11], $0x500  }
0x7e: {  	[sflag:s11] =	ssyncset.done $0x0  }
0x7f: {  	[sflag:s11] =	ssyncadd.s32 $0xFFFFFB00  }
0x80: {  	_ =	swait.ge [sflag:s11], $0x1400  }
0x81: {  	[sflag:s11] =	ssyncset.done $0x0  }
0x82: {  	[sflag:s11] =	ssyncadd.s32 $0xFFFFEC00  }
0x83: {  	_ =	swait.ge [sflag:s11], $0x500  }
0x84: {  	[sflag:s11] =	ssyncset.done $0x0  }
0x85: {  	[sflag:s11] =	ssyncadd.s32 $0xFFFFFB00  }
0x86: {  	_ =	swait.ge [sflag:s11], $0x1400  }
0x87: {  	[sflag:s11] =	ssyncset.done $0x0  }
0x88: {  	[sflag:s11] =	ssyncadd.s32 $0xFFFFEC00  }
0x89: {  	_ =	swait.ge [sflag:s11], $0x500  }
0x8a: {  	s12 =	simm.s32 $0xC800;
	[sflag:s11] =	ssyncset.done $0x0  }
0x8b: {  	s0 =	simm.s32 $0x0;
	s3 =	rddreg [dreg:$0x10];
	[sflag:s11] =	ssyncadd.s32 $0xFFFFFB00  }
0x8c: {  	[tilespmem:s12], [sflag:$0x5] =	stream.linear.gather [hbm4b:s3+s0], $0x2710, $0x38;
	[tilespmem:$0x1D510] =	vst v63  }
0x8d: {  	_ =	swait.ge [sflag:s13], $0x2710  }
0x8e: {  	[sflag:s13] =	ssyncset.done $0x0  }
0x8f: {  	[sflag:s13] =	ssyncadd.s32 $0xFFFFD8F0  }
0x90: {  	[bflag:$0x0] =	sbarrier.arrive $0xFFFF  }
0x91: {  	s12 =	rddreg [dreg:$0xb]  }
0x92: {  	[tilespmem:s0], [sflag:$0x1] =	stream.linear.gather [hbm4b:s12+s0], $0x6400, $0x38;
	[tilespmem:$0x1D510] =	vst v63  }
0x93: {  	s0 =	sand.u32 $0x1, s0  }
0x94: {  	s28 =	sxor.u32 $0x1, s0  }
0x95: {  	_ =	swait.ge [sflag:s14], $0x6400;
	s28 =	smul.u32 $0x19000, s28  }
0x96: {  	[sflag:s14] =	ssyncset.done $0x0  }
0x97: {  	s0 =	smul.u32 $0x19000, s0;
	[sflag:s14] =	ssyncadd.s32 $0xFFFF9C00;
	s28 =	sshrl.u32 s28, $0x2  }
0x98: {  	[tilespmem:s28], [sflag:$0x1] =	stream.linear.gather [hbm4b:s7+s4], $0x6400, $0x38;
	[tilespmem:$0x1D510] =	vst v63  }
0x99: {  	s0 =	sshrl.u32 s0, $0x2;
	s28 =	simm.s32 $0xC800  }
0x9a: {  	[spmem:s1] =	stream.indirect.scatter.add.f32 [tilespmem:s0], [sflag:$0x2], $0x40, s28, s15, $0xb8;
	[tilespmem:$0x1D510] =	vst v63  }
0x9b: {  	_ = 	snop  }
0x9c: {  	[spmem:s2] =	stream.indirect.scatter.add.f32 [tilespmem:s16], [sflag:$0x3], $0x10, s28, s15, $0xb8;
	[tilespmem:$0x1D510] =	vst v63  }
0x9d: {  	s29 =	simm.s32 $0xC850;
	s28 =	sadd.s32 $0x1400, s0  }
0x9e: {  	[spmem:s1] =	stream.indirect.scatter.add.f32 [tilespmem:s28], [sflag:$0x2], $0x40, s29, s15, $0xb8;
	[tilespmem:$0x1D510] =	vst v63  }
0x9f: {  	_ = 	snop  }
0xa0: {  	[spmem:s2] =	stream.indirect.scatter.add.f32 [tilespmem:s16], [sflag:$0x3], $0x10, s29, s15, $0xb8;
	[tilespmem:$0x1D510] =	vst v63  }
0xa1: {  	s28 =	sadd.s32 $0x2800, s0;
	s29 =	simm.s32 $0xC8A0  }
0xa2: {  	[spmem:s1] =	stream.indirect.scatter.add.f32 [tilespmem:s28], [sflag:$0x2], $0x40, s29, s15, $0xb8;
	[tilespmem:$0x1D510] =	vst v63  }
0xa3: {  	_ = 	snop  }
0xa4: {  	[spmem:s2] =	stream.indirect.scatter.add.f32 [tilespmem:s16], [sflag:$0x3], $0x10, s29, s15, $0xb8;
	[tilespmem:$0x1D510] =	vst v63  }
0xa5: {  	s28 =	sadd.s32 $0x3C00, s0;
	s29 =	simm.s32 $0xC8F0  }
0xa6: {  	[spmem:s1] =	stream.indirect.scatter.add.f32 [tilespmem:s28], [sflag:$0x2], $0x40, s29, s15, $0xb8;
	[tilespmem:$0x1D510] =	vst v63  }
0xa7: {  	_ = 	snop  }
0xa8: {  	[spmem:s2] =	stream.indirect.scatter.add.f32 [tilespmem:s16], [sflag:$0x3], $0x10, s29, s15, $0xb8;
	[tilespmem:$0x1D510] =	vst v63  }
0xa9: {  	s0 =	sadd.s32 $0x5000, s0;
	s28 =	simm.s32 $0xC940  }
0xaa: {  	[spmem:s1] =	stream.indirect.scatter.add.f32 [tilespmem:s0], [sflag:$0x2], $0x40, s28, s15, $0xb8;
	[tilespmem:$0x1D510] =	vst v63  }
0xab: {  	_ = 	snop  }
0xac: {  	[spmem:s2] =	stream.indirect.scatter.add.f32 [tilespmem:s16], [sflag:$0x3], $0x10, s28, s15, $0xb8;
	[tilespmem:$0x1D510] =	vst v63  }
0xad: {  	_ =	swait.ge [sflag:s17], $0x1400  }
0xae: {  	[sflag:s17] =	ssyncset.done $0x0  }
0xaf: {  	[sflag:s17] =	ssyncadd.s32 $0xFFFFEC00  }
0xb0: {  	_ =	swait.ge [sflag:s26], $0x500  }
0xb1: {  	[sflag:s26] =	ssyncset.done $0x0  }
0xb2: {  	[sflag:s26] =	ssyncadd.s32 $0xFFFFFB00  }
0xb3: {  	_ =	swait.ge [sflag:s17], $0x1400  }
0xb4: {  	[sflag:s17] =	ssyncset.done $0x0  }
0xb5: {  	[sflag:s17] =	ssyncadd.s32 $0xFFFFEC00  }
0xb6: {  	_ =	swait.ge [sflag:s26], $0x500  }
0xb7: {  	[sflag:s26] =	ssyncset.done $0x0  }
0xb8: {  	[sflag:s26] =	ssyncadd.s32 $0xFFFFFB00  }
0xb9: {  	_ =	swait.ge [sflag:s17], $0x1400  }
0xba: {  	[sflag:s17] =	ssyncset.done $0x0  }
0xbb: {  	[sflag:s17] =	ssyncadd.s32 $0xFFFFEC00  }
0xbc: {  	_ =	swait.ge [sflag:s26], $0x500  }
0xbd: {  	[sflag:s26] =	ssyncset.done $0x0  }
0xbe: {  	[sflag:s26] =	ssyncadd.s32 $0xFFFFFB00  }
0xbf: {  	_ =	swait.ge [sflag:s17], $0x1400  }
0xc0: {  	[sflag:s17] =	ssyncset.done $0x0  }
0xc1: {  	[sflag:s17] =	ssyncadd.s32 $0xFFFFEC00  }
0xc2: {  	_ =	swait.ge [sflag:s26], $0x500  }
0xc3: {  	[sflag:s26] =	ssyncset.done $0x0  }
0xc4: {  	[sflag:s26] =	ssyncadd.s32 $0xFFFFFB00  }
0xc5: {  	_ =	swait.ge [sflag:s17], $0x1400  }
0xc6: {  	s9 =	smov.u32 s5;
	s19 =	smov.u32 s30;
	[sflag:s17] =	ssyncset.done $0x0  }
0xc7: {  	s20 =	smov.u32 s31;
	s30 =	simm.s32 $0x640;
	[sflag:s17] =	ssyncadd.s32 $0xFFFFEC00  }
0xc8: {  	s31 =	simm.s32 $0xC80;
	s28 =	simm.s32 $0x1;
	_ =	swait.ge [sflag:s26], $0x500  }
0xc9: {  	s29 =	smov.u32 s7;
	s0 =	sand.u32 $0x1, s28;
	[sflag:s26] =	ssyncset.done $0x0  }
.LBB2_8:
0xca: {  	s3 =	sxor.u32 $0x1, s0  }
0xcb: {  	[sflag:s26] =	ssyncadd.s32 $0xFFFFFB00;
	s29 =	sadd.s32 $0xC80, s29;
	s12 =	smov.u32 s31  }
0xcc: {  	p0 =	sne.s32 s31, $0x8FC0;
	_ =	swait.ge [sflag:s14], $0x6400;
	s3 =	smul.u32 $0x19000, s3  }
0xcd: {  	s31 =	sadd.s32 $0x640, s31;
	s5 =	sshra.s32 s30, $0x2;
	[sflag:s14] =	ssyncset.done $0x0  }
0xce: {  	s0 =	smul.u32 $0x19000, s0;
	[sflag:s14] =	ssyncadd.s32 $0xFFFF9C00;
	s3 =	sshrl.u32 s3, $0x2  }
0xcf: {  	[tilespmem:s3], [sflag:$0x1] =	stream.linear.gather [hbm4b:s29+s4], $0x6400, $0x38;
	[tilespmem:$0x1D510] =	vst v63  }
0xd0: {  	s30 =	smov.u32 s12;
	s0 =	sshrl.u32 s0, $0x2;
	s3 =	sadd.s32 $0xC800, s5  }
0xd1: {  	[spmem:s1] =	stream.indirect.scatter.add.f32 [tilespmem:s0], [sflag:$0x2], $0x40, s3, s15, $0xb8;
	[tilespmem:$0x1D510] =	vst v63  }
0xd2: {  	_ = 	snop  }
0xd3: {  	[spmem:s2] =	stream.indirect.scatter.add.f32 [tilespmem:s16], [sflag:$0x3], $0x10, s3, s15, $0xb8;
	[tilespmem:$0x1D510] =	vst v63  }
0xd4: {  	s12 =	sadd.s32 $0xC850, s5;
	s3 =	sadd.s32 $0x1400, s0  }
0xd5: {  	[spmem:s1] =	stream.indirect.scatter.add.f32 [tilespmem:s3], [sflag:$0x2], $0x40, s12, s15, $0xb8;
	[tilespmem:$0x1D510] =	vst v63  }
0xd6: {  	_ = 	snop  }
0xd7: {  	[spmem:s2] =	stream.indirect.scatter.add.f32 [tilespmem:s16], [sflag:$0x3], $0x10, s12, s15, $0xb8;
	[tilespmem:$0x1D510] =	vst v63  }
0xd8: {  	s3 =	sadd.s32 $0x2800, s0;
	s12 =	sadd.s32 $0xC8A0, s5  }
0xd9: {  	[spmem:s1] =	stream.indirect.scatter.add.f32 [tilespmem:s3], [sflag:$0x2], $0x40, s12, s15, $0xb8;
	[tilespmem:$0x1D510] =	vst v63  }
0xda: {  	_ = 	snop  }
0xdb: {  	[spmem:s2] =	stream.indirect.scatter.add.f32 [tilespmem:s16], [sflag:$0x3], $0x10, s12, s15, $0xb8;
	[tilespmem:$0x1D510] =	vst v63  }
0xdc: {  	s3 =	sadd.s32 $0x3C00, s0;
	s12 =	sadd.s32 $0xC8F0, s5  }
0xdd: {  	[spmem:s1] =	stream.indirect.scatter.add.f32 [tilespmem:s3], [sflag:$0x2], $0x40, s12, s15, $0xb8;
	[tilespmem:$0x1D510] =	vst v63  }
0xde: {  	_ = 	snop  }
0xdf: {  	[spmem:s2] =	stream.indirect.scatter.add.f32 [tilespmem:s16], [sflag:$0x3], $0x10, s12, s15, $0xb8;
	[tilespmem:$0x1D510] =	vst v63  }
0xe0: {  	s0 =	sadd.s32 $0x5000, s0;
	s3 =	sadd.s32 $0xC940, s5  }
0xe1: {  	[spmem:s1] =	stream.indirect.scatter.add.f32 [tilespmem:s0], [sflag:$0x2], $0x40, s3, s15, $0xb8;
	[tilespmem:$0x1D510] =	vst v63  }
0xe2: {  	_ = 	snop  }
0xe3: {  	[spmem:s2] =	stream.indirect.scatter.add.f32 [tilespmem:s16], [sflag:$0x3], $0x10, s3, s15, $0xb8;
	[tilespmem:$0x1D510] =	vst v63  }
0xe4: {  	_ =	swait.ge [sflag:s17], $0x1400  }
0xe5: {  	[sflag:s17] =	ssyncset.done $0x0  }
0xe6: {  	[sflag:s17] =	ssyncadd.s32 $0xFFFFEC00  }
0xe7: {  	_ =	swait.ge [sflag:s26], $0x500  }
0xe8: {  	[sflag:s26] =	ssyncset.done $0x0  }
0xe9: {  	[sflag:s26] =	ssyncadd.s32 $0xFFFFFB00  }
0xea: {  	_ =	swait.ge [sflag:s17], $0x1400  }
0xeb: {  	[sflag:s17] =	ssyncset.done $0x0  }
0xec: {  	[sflag:s17] =	ssyncadd.s32 $0xFFFFEC00  }
0xed: {  	_ =	swait.ge [sflag:s26], $0x500  }
0xee: {  	[sflag:s26] =	ssyncset.done $0x0  }
0xef: {  	[sflag:s26] =	ssyncadd.s32 $0xFFFFFB00  }
0xf0: {  	_ =	swait.ge [sflag:s17], $0x1400  }
0xf1: {  	[sflag:s17] =	ssyncset.done $0x0  }
0xf2: {  	[sflag:s17] =	ssyncadd.s32 $0xFFFFEC00  }
0xf3: {  	_ =	swait.ge [sflag:s26], $0x500  }
0xf4: {  	[sflag:s26] =	ssyncset.done $0x0  }
0xf5: {  	[sflag:s26] =	ssyncadd.s32 $0xFFFFFB00  }
0xf6: {  	_ =	swait.ge [sflag:s17], $0x1400  }
0xf7: {  	[sflag:s17] =	ssyncset.done $0x0  }
0xf8: {  	[sflag:s17] =	ssyncadd.s32 $0xFFFFEC00  }
0xf9: {  	_ =	swait.ge [sflag:s26], $0x500  }
0xfa: {  	[sflag:s26] =	ssyncset.done $0x0  }
0xfb: {  	[sflag:s26] =	ssyncadd.s32 $0xFFFFFB00  }
.Ltmp3:
0xfc: {  	_ =	swait.ge [sflag:s17], $0x1400;
	(pc) =	sbr.rel @p0 .LBB2_8-.Ltmp3, $4  }
0xfd: {  	[sflag:s17] =	ssyncset.done $0x0  }
0xfe: {  	[sflag:s17] =	ssyncadd.s32 $0xFFFFEC00  }
0xff: {  	s28 =	sadd.s32 $0x1, s28;
	_ =	swait.ge [sflag:s26], $0x500  }
0x100: {  	s0 =	sand.u32 $0x1, s28;
	[sflag:s26] =	ssyncset.done $0x0  }
0x101: {  	s3 =	sxor.u32 $0x1, s0;
	[sflag:s26] =	ssyncadd.s32 $0xFFFFFB00  }
0x102: {  	_ =	swait.ge [sflag:s14], $0x6400;
	s3 =	smul.u32 $0x19000, s3  }
0x103: {  	s5 =	sadd.s32 $0xC80, s29;
	s12 =	sshra.s32 s30, $0x2;
	[sflag:s14] =	ssyncset.done $0x0  }
0x104: {  	s29 =	smul.u32 $0x19000, s0;
	[sflag:s14] =	ssyncadd.s32 $0xFFFF9C00;
	s3 =	sshrl.u32 s3, $0x2  }
0x105: {  	[tilespmem:s3], [sflag:$0x1] =	stream.linear.gather [hbm4b:s5+s4], $0x6400, $0x38;
	[tilespmem:$0x1D510] =	vst v63  }
0x106: {  	s0 =	sshrl.u32 s29, $0x2;
	s5 =	sadd.s32 $0xC800, s12  }
0x107: {  	[spmem:s1] =	stream.indirect.scatter.add.f32 [tilespmem:s0], [sflag:$0x2], $0x40, s5, s15, $0xb8;
	[tilespmem:$0x1D510] =	vst v63  }
0x108: {  	_ = 	snop  }
0x109: {  	[spmem:s2] =	stream.indirect.scatter.add.f32 [tilespmem:s16], [sflag:$0x3], $0x10, s5, s15, $0xb8;
	[tilespmem:$0x1D510] =	vst v63  }
0x10a: {  	s29 =	sadd.s32 $0xC850, s12;
	s28 =	sadd.s32 $0x1400, s0  }
0x10b: {  	[spmem:s1] =	stream.indirect.scatter.add.f32 [tilespmem:s28], [sflag:$0x2], $0x40, s29, s15, $0xb8;
	[tilespmem:$0x1D510] =	vst v63  }
0x10c: {  	_ = 	snop  }
0x10d: {  	[spmem:s2] =	stream.indirect.scatter.add.f32 [tilespmem:s16], [sflag:$0x3], $0x10, s29, s15, $0xb8;
	[tilespmem:$0x1D510] =	vst v63  }
0x10e: {  	s28 =	sadd.s32 $0x2800, s0;
	s29 =	sadd.s32 $0xC8A0, s12  }
0x10f: {  	[spmem:s1] =	stream.indirect.scatter.add.f32 [tilespmem:s28], [sflag:$0x2], $0x40, s29, s15, $0xb8;
	[tilespmem:$0x1D510] =	vst v63  }
0x110: {  	_ = 	snop  }
0x111: {  	[spmem:s2] =	stream.indirect.scatter.add.f32 [tilespmem:s16], [sflag:$0x3], $0x10, s29, s15, $0xb8;
	[tilespmem:$0x1D510] =	vst v63  }
0x112: {  	s5 =	sadd.s32 $0x3C00, s0;
	s28 =	sadd.s32 $0xC8F0, s12  }
0x113: {  	[spmem:s1] =	stream.indirect.scatter.add.f32 [tilespmem:s5], [sflag:$0x2], $0x40, s28, s15, $0xb8;
	[tilespmem:$0x1D510] =	vst v63  }
0x114: {  	_ = 	snop  }
0x115: {  	[spmem:s2] =	stream.indirect.scatter.add.f32 [tilespmem:s16], [sflag:$0x3], $0x10, s28, s15, $0xb8;
	[tilespmem:$0x1D510] =	vst v63  }
0x116: {  	s0 =	sadd.s32 $0x5000, s0;
	s29 =	sadd.s32 $0xC940, s12  }
0x117: {  	[spmem:s1] =	stream.indirect.scatter.add.f32 [tilespmem:s0], [sflag:$0x2], $0x40, s29, s15, $0xb8;
	[tilespmem:$0x1D510] =	vst v63  }
0x118: {  	_ = 	snop  }
0x119: {  	[spmem:s2] =	stream.indirect.scatter.add.f32 [tilespmem:s16], [sflag:$0x3], $0x10, s29, s15, $0xb8;
	[tilespmem:$0x1D510] =	vst v63  }
0x11a: {  	_ =	swait.ge [sflag:s17], $0x1400  }
0x11b: {  	[sflag:s17] =	ssyncset.done $0x0  }
0x11c: {  	[sflag:s17] =	ssyncadd.s32 $0xFFFFEC00  }
0x11d: {  	_ =	swait.ge [sflag:s26], $0x500  }
0x11e: {  	[sflag:s26] =	ssyncset.done $0x0  }
0x11f: {  	[sflag:s26] =	ssyncadd.s32 $0xFFFFFB00  }
0x120: {  	_ =	swait.ge [sflag:s17], $0x1400  }
0x121: {  	[sflag:s17] =	ssyncset.done $0x0  }
0x122: {  	[sflag:s17] =	ssyncadd.s32 $0xFFFFEC00  }
0x123: {  	_ =	swait.ge [sflag:s26], $0x500  }
0x124: {  	[sflag:s26] =	ssyncset.done $0x0  }
0x125: {  	[sflag:s26] =	ssyncadd.s32 $0xFFFFFB00  }
0x126: {  	_ =	swait.ge [sflag:s17], $0x1400  }
0x127: {  	[sflag:s17] =	ssyncset.done $0x0  }
0x128: {  	[sflag:s17] =	ssyncadd.s32 $0xFFFFEC00  }
0x129: {  	_ =	swait.ge [sflag:s26], $0x500  }
0x12a: {  	[sflag:s26] =	ssyncset.done $0x0  }
0x12b: {  	[sflag:s26] =	ssyncadd.s32 $0xFFFFFB00  }
0x12c: {  	_ =	swait.ge [sflag:s17], $0x1400  }
0x12d: {  	[sflag:s17] =	ssyncset.done $0x0  }
0x12e: {  	[sflag:s17] =	ssyncadd.s32 $0xFFFFEC00  }
0x12f: {  	_ =	swait.ge [sflag:s26], $0x500  }
0x130: {  	[sflag:s26] =	ssyncset.done $0x0  }
0x131: {  	[sflag:s26] =	ssyncadd.s32 $0xFFFFFB00  }
0x132: {  	_ =	swait.ge [sflag:s17], $0x1400  }
0x133: {  	[sflag:s17] =	ssyncset.done $0x0  }
0x134: {  	[sflag:s17] =	ssyncadd.s32 $0xFFFFEC00  }
0x135: {  	_ =	swait.ge [sflag:s26], $0x500  }
0x136: {  	[sflag:s26] =	ssyncset.done $0x0  }
0x137: {  	[sflag:s26] =	ssyncadd.s32 $0xFFFFFB00  }
0x138: {  	_ =	swait.ge [sflag:s14], $0x6400  }
0x139: {  	[sflag:s14] =	ssyncset.done $0x0  }
0x13a: {  	s5 =	simm.s32 $0xED80;
	[sflag:s14] =	ssyncadd.s32 $0xFFFF9C00  }
0x13b: {  	[spmem:s1] =	stream.indirect.scatter.add.f32 [tilespmem:s4], [sflag:$0x2], $0x40, s5, s15, $0xb8;
	[tilespmem:$0x1D510] =	vst v63  }
0x13c: {  	_ = 	snop  }
0x13d: {  	[spmem:s2] =	stream.indirect.scatter.add.f32 [tilespmem:s16], [sflag:$0x3], $0x10, s5, s15, $0xb8;
	[tilespmem:$0x1D510] =	vst v63  }
0x13e: {  	s12 =	simm.s32 $0xEDD0;
	s28 =	simm.s32 $0x1400  }
0x13f: {  	[spmem:s1] =	stream.indirect.scatter.add.f32 [tilespmem:s28], [sflag:$0x2], $0x40, s12, s15, $0xb8;
	[tilespmem:$0x1D510] =	vst v63  }
0x140: {  	_ = 	snop  }
0x141: {  	[spmem:s2] =	stream.indirect.scatter.add.f32 [tilespmem:s16], [sflag:$0x3], $0x10, s12, s15, $0xb8;
	[tilespmem:$0x1D510] =	vst v63  }
0x142: {  	s29 =	simm.s32 $0xEE20;
	s5 =	simm.s32 $0x2800  }
0x143: {  	[spmem:s1] =	stream.indirect.scatter.add.f32 [tilespmem:s5], [sflag:$0x2], $0x40, s29, s15, $0xb8;
	[tilespmem:$0x1D510] =	vst v63  }
0x144: {  	_ = 	snop  }
0x145: {  	[spmem:s2] =	stream.indirect.scatter.add.f32 [tilespmem:s16], [sflag:$0x3], $0x10, s29, s15, $0xb8;
	[tilespmem:$0x1D510] =	vst v63  }
0x146: {  	s28 =	simm.s32 $0x3C00;
	s12 =	simm.s32 $0xEE70  }
0x147: {  	[spmem:s1] =	stream.indirect.scatter.add.f32 [tilespmem:s28], [sflag:$0x2], $0x40, s12, s15, $0xb8;
	[tilespmem:$0x1D510] =	vst v63  }
0x148: {  	_ = 	snop  }
0x149: {  	[spmem:s2] =	stream.indirect.scatter.add.f32 [tilespmem:s16], [sflag:$0x3], $0x10, s12, s15, $0xb8;
	[tilespmem:$0x1D510] =	vst v63  }
0x14a: {  	s5 =	simm.s32 $0x5000;
	s29 =	simm.s32 $0xEEC0  }
0x14b: {  	[spmem:s1] =	stream.indirect.scatter.add.f32 [tilespmem:s5], [sflag:$0x2], $0x40, s29, s15, $0xb8;
	[tilespmem:$0x1D510] =	vst v63  }
0x14c: {  	_ = 	snop  }
0x14d: {  	[spmem:s2] =	stream.indirect.scatter.add.f32 [tilespmem:s16], [sflag:$0x3], $0x10, s29, s15, $0xb8;
	[tilespmem:$0x1D510] =	vst v63  }
0x14e: {  	_ =	swait.ge [sflag:s17], $0x1400  }
0x14f: {  	[sflag:s17] =	ssyncset.done $0x0  }
0x150: {  	[sflag:s17] =	ssyncadd.s32 $0xFFFFEC00  }
0x151: {  	_ =	swait.ge [sflag:s26], $0x500  }
0x152: {  	[sflag:s26] =	ssyncset.done $0x0  }
0x153: {  	[sflag:s26] =	ssyncadd.s32 $0xFFFFFB00  }
0x154: {  	_ =	swait.ge [sflag:s17], $0x1400  }
0x155: {  	[sflag:s17] =	ssyncset.done $0x0  }
0x156: {  	[sflag:s17] =	ssyncadd.s32 $0xFFFFEC00  }
0x157: {  	_ =	swait.ge [sflag:s26], $0x500  }
0x158: {  	[sflag:s26] =	ssyncset.done $0x0  }
0x159: {  	[sflag:s26] =	ssyncadd.s32 $0xFFFFFB00  }
0x15a: {  	_ =	swait.ge [sflag:s17], $0x1400  }
0x15b: {  	[sflag:s17] =	ssyncset.done $0x0  }
0x15c: {  	[sflag:s17] =	ssyncadd.s32 $0xFFFFEC00  }
0x15d: {  	_ =	swait.ge [sflag:s26], $0x500  }
0x15e: {  	[sflag:s26] =	ssyncset.done $0x0  }
0x15f: {  	[sflag:s26] =	ssyncadd.s32 $0xFFFFFB00  }
0x160: {  	_ =	swait.ge [sflag:s17], $0x1400  }
0x161: {  	[sflag:s17] =	ssyncset.done $0x0  }
0x162: {  	[sflag:s17] =	ssyncadd.s32 $0xFFFFEC00  }
0x163: {  	_ =	swait.ge [sflag:s26], $0x500  }
0x164: {  	[sflag:s26] =	ssyncset.done $0x0  }
0x165: {  	[sflag:s26] =	ssyncadd.s32 $0xFFFFFB00  }
0x166: {  	_ =	swait.ge [sflag:s17], $0x1400  }
0x167: {  	[sflag:s17] =	ssyncset.done $0x0  }
0x168: {  	[sflag:s17] =	ssyncadd.s32 $0xFFFFEC00  }
0x169: {  	_ =	swait.ge [sflag:s26], $0x500  }
0x16a: {  	[sflag:s26] =	ssyncset.done $0x0  }
0x16b: {  	[sflag:s26] =	ssyncadd.s32 $0xFFFFFB00  }
0x16c: {  	[bflag:$0x0] =	sbarrier.arrive $0xFFFF  }
0x16d: {  	[tilespmem:s4], [sflag:$0x5] =	stream.linear.gather [spmem:s9], $0x5000, $0x38;
	[tilespmem:$0x1D510] =	vst v63  }
0x16e: {  	_ =	swait.ge [sflag:s13], $0x5000  }
0x16f: {  	[sflag:s13] =	ssyncset.done $0x0  }
0x170: {  	s12 =	rddreg [dreg:$0x7];
	[sflag:s13] =	ssyncadd.s32 $0xFFFFB000  }
0x171: {  	[hbm4b:s12+s4] =	stream.linear.scatter [tilespmem:s4], [sflag:$0x5], $0x5000, $0x38;
	[tilespmem:$0x1D510] =	vst v63  }
0x172: {  	_ =	swait.ge [sflag:s13], $0x5000  }
0x173: {  	[sflag:s13] =	ssyncset.done $0x0  }
0x174: {  	[sflag:s13] =	ssyncadd.s32 $0xFFFFB000  }
0x175: {  	[tilespmem:s4], [sflag:$0x5] =	stream.linear.gather [spmem:s18], $0x5000, $0x38;
	[tilespmem:$0x1D510] =	vst v63  }
0x176: {  	_ =	swait.ge [sflag:s13], $0x5000  }
0x177: {  	s5 =	smov.u32 s9;
	[sflag:s13] =	ssyncset.done $0x0  }
0x178: {  	s9 =	smov.u32 s18;
	s18 =	rddreg [dreg:$0x8];
	[sflag:s13] =	ssyncadd.s32 $0xFFFFB000  }
0x179: {  	[hbm4b:s18+s4] =	stream.linear.scatter [tilespmem:s4], [sflag:$0x5], $0x5000, $0x38;
	[tilespmem:$0x1D510] =	vst v63  }
0x17a: {  	_ =	swait.ge [sflag:s13], $0x5000  }
0x17b: {  	[sflag:s13] =	ssyncset.done $0x0  }
0x17c: {  	[sflag:s13] =	ssyncadd.s32 $0xFFFFB000  }
0x17d: {  	[tilespmem:s10], [sflag:$0x5] =	stream.linear.gather [spmem:s19], $0x500, $0x38;
	[tilespmem:$0x1D510] =	vst v63  }
0x17e: {  	_ =	swait.ge [sflag:s13], $0x500  }
0x17f: {  	[sflag:s13] =	ssyncset.done $0x0  }
0x180: {  	s30 =	smov.u32 s19;
	s19 =	rddreg [dreg:$0x9];
	[sflag:s13] =	ssyncadd.s32 $0xFFFFFB00  }
0x181: {  	[hbm4b:s19+s4] =	stream.linear.scatter [tilespmem:s10], [sflag:$0x5], $0x500, $0x38;
	[tilespmem:$0x1D510] =	vst v63  }
0x182: {  	_ =	swait.ge [sflag:s13], $0x500  }
0x183: {  	[sflag:s13] =	ssyncset.done $0x0  }
0x184: {  	[sflag:s13] =	ssyncadd.s32 $0xFFFFFB00  }
0x185: {  	[tilespmem:s10], [sflag:$0x5] =	stream.linear.gather [spmem:s20], $0x500, $0x38;
	[tilespmem:$0x1D510] =	vst v63  }
0x186: {  	_ =	swait.ge [sflag:s13], $0x500  }
0x187: {  	[sflag:s13] =	ssyncset.done $0x0  }
0x188: {  	s28 =	rddreg [dreg:$0x12];
	[sflag:s13] =	ssyncadd.s32 $0xFFFFFB00  }
0x189: {  	[hbm4b:s28+s4] =	stream.linear.scatter [tilespmem:s10], [sflag:$0x5], $0x500, $0x38;
	[tilespmem:$0x1D510] =	vst v63  }
0x18a: {  	_ =	swait.ge [sflag:s13], $0x500  }
0x18b: {  	[sflag:s13] =	ssyncset.done $0x0  }
0x18c: {  	s29 =	rddreg [dreg:$0xf];
	[sflag:s13] =	ssyncadd.s32 $0xFFFFFB00  }
0x18d: {  	[tilespmem:s10], [sflag:$0x5] =	stream.linear.gather [spmem:s29], $0x500, $0x38;
	[tilespmem:$0x1D510] =	vst v63  }
0x18e: {  	_ =	swait.ge [sflag:s13], $0x500  }
0x18f: {  	[sflag:s13] =	ssyncset.done $0x0  }
0x190: {  	s3 =	rddreg [dreg:$0x13];
	[sflag:s13] =	ssyncadd.s32 $0xFFFFFB00  }
0x191: {  	[hbm4b:s3+s4] =	stream.linear.scatter [tilespmem:s10], [sflag:$0x5], $0x500, $0x38;
	[tilespmem:$0x1D510] =	vst v63  }
0x192: {  	_ =	swait.ge [sflag:s13], $0x500  }
0x193: {  	[sflag:s13] =	ssyncset.done $0x0  }
0x194: {  	[sflag:s13] =	ssyncadd.s32 $0xFFFFFB00  }
0x195: {  	[tilespmem:s10], [sflag:$0x5] =	stream.linear.gather [spmem:s21], $0x500, $0x38;
	[tilespmem:$0x1D510] =	vst v63  }
0x196: {  	_ =	swait.ge [sflag:s13], $0x500  }
0x197: {  	[sflag:s13] =	ssyncset.done $0x0  }
0x198: {  	s12 =	rddreg [dreg:$0x14];
	[sflag:s13] =	ssyncadd.s32 $0xFFFFFB00  }
0x199: {  	[hbm4b:s12+s4] =	stream.linear.scatter [tilespmem:s10], [sflag:$0x5], $0x500, $0x38;
	[tilespmem:$0x1D510] =	vst v63  }
0x19a: {  	_ =	swait.ge [sflag:s13], $0x500  }
0x19b: {  	[sflag:s13] =	ssyncset.done $0x0  }
0x19c: {  	[sflag:s13] =	ssyncadd.s32 $0xFFFFFB00  }
0x19d: {  	[tilespmem:s10], [sflag:$0x5] =	stream.linear.gather [spmem:s22], $0x500, $0x38;
	[tilespmem:$0x1D510] =	vst v63  }
0x19e: {  	_ =	swait.ge [sflag:s13], $0x500  }
0x19f: {  	[sflag:s13] =	ssyncset.done $0x0  }
0x1a0: {  	s18 =	rddreg [dreg:$0xa];
	[sflag:s13] =	ssyncadd.s32 $0xFFFFFB00  }
0x1a1: {  	[hbm4b:s18+s4] =	stream.linear.scatter [tilespmem:s10], [sflag:$0x5], $0x500, $0x38;
	[tilespmem:$0x1D510] =	vst v63  }
0x1a2: {  	_ =	swait.ge [sflag:s13], $0x500  }
0x1a3: {  	[sflag:s13] =	ssyncset.done $0x0  }
0x1a4: {  	[sflag:s13] =	ssyncadd.s32 $0xFFFFFB00  }
0x1a5: {  	[tilespmem:s10], [sflag:$0x5] =	stream.linear.gather [spmem:s23], $0x500, $0x38;
	[tilespmem:$0x1D510] =	vst v63  }
0x1a6: {  	_ =	swait.ge [sflag:s13], $0x500  }
0x1a7: {  	[sflag:s13] =	ssyncset.done $0x0  }
0x1a8: {  	s19 =	rddreg [dreg:$0x15];
	[sflag:s13] =	ssyncadd.s32 $0xFFFFFB00  }
0x1a9: {  	[hbm4b:s19+s4] =	stream.linear.scatter [tilespmem:s10], [sflag:$0x5], $0x500, $0x38;
	[tilespmem:$0x1D510] =	vst v63  }
0x1aa: {  	_ =	swait.ge [sflag:s13], $0x500  }
0x1ab: {  	[sflag:s13] =	ssyncset.done $0x0  }
0x1ac: {  	[sflag:s13] =	ssyncadd.s32 $0xFFFFFB00  }
0x1ad: {  	[tilespmem:s10], [sflag:$0x5] =	stream.linear.gather [spmem:s24], $0x500, $0x38;
	[tilespmem:$0x1D510] =	vst v63  }
0x1ae: {  	_ =	swait.ge [sflag:s13], $0x500  }
0x1af: {  	[sflag:s13] =	ssyncset.done $0x0  }
0x1b0: {  	s31 =	smov.u32 s20;
	s20 =	rddreg [dreg:$0x16];
	[sflag:s13] =	ssyncadd.s32 $0xFFFFFB00  }
0x1b1: {  	[hbm4b:s20+s4] =	stream.linear.scatter [tilespmem:s10], [sflag:$0x5], $0x500, $0x38;
	[tilespmem:$0x1D510] =	vst v63  }
0x1b2: {  	_ =	swait.ge [sflag:s13], $0x500  }
0x1b3: {  	[sflag:s13] =	ssyncset.done $0x0  }
0x1b4: {  	[sflag:s13] =	ssyncadd.s32 $0xFFFFFB00  }
0x1b5: {  	[tilespmem:s10], [sflag:$0x5] =	stream.linear.gather [spmem:s25], $0x500, $0x38;
	[tilespmem:$0x1D510] =	vst v63  }
0x1b6: {  	_ =	swait.ge [sflag:s13], $0x500  }
0x1b7: {  	[sflag:s13] =	ssyncset.done $0x0  }
0x1b8: {  	s28 =	rddreg [dreg:$0x17];
	[sflag:s13] =	ssyncadd.s32 $0xFFFFFB00  }
0x1b9: {  	[hbm4b:s28+s4] =	stream.linear.scatter [tilespmem:s10], [sflag:$0x5], $0x500, $0x38;
	[tilespmem:$0x1D510] =	vst v63  }
0x1ba: {  	_ =	swait.ge [sflag:s13], $0x500  }
0x1bb: {  	s6 =	sadd.s32 $0x1, s6;
	s29 =	rddreg [dreg:$0x11]  }
0x1bc: {  	p0 =	sne.s32 s6, s29  }
.Ltmp4:
0x1bd: {  	_ = 	snop;
	(pc) =	sbr.rel @p0 .LBB2_1-.Ltmp4, $3  }
0x1be: {  	_ =	sdelay $0x1  }
0x1bf: {  	[sflag:s13] =	ssyncset.done $0x0  }
0x1c0: {  	[sflag:s13] =	ssyncadd.s32 $0xFFFFFB00  }
0x1c1: {  	_ =	sfence.sel $0x180000  }
0x1c2: {  	[bflag:$0x0] =	sbarrier.arrive $0xFFFF  }
0x1c3: {  	_ =	strace $0x90000047  }
0x1c4: {  	s0 =	stileid.u32;
	[bflag:$0x2] =	sbarrier.arrive $0xFFFF  }
0x1c5: {  	p0 =	sne.s32 s0, $0x0;
	s0 =	rddreg [dreg:$0x3]  }
0x1c6: {  	s0 =	sadd.s32 @!p0 $0x100000, s0  }
0x1c7: {  	[sflag:s0] =	ssyncadd.tile.s32 @!p0 $0x1;
	_ =	shalt  }
.Lfunc_end2:
_tile_overlayer_lowered:
.L_overlay_start_2:
0x1c8: {  	(tag) =	ssettag $0x2  }
0x1c9: {  	s0 =	rddreg [dreg:$0x0];
	s2 =	stileid.u32  }
0x1ca: {  	s1 =	rddreg [dreg:$0x1];
	p0 =	sne.s32 s2, $0x0  }
0x1cb: {  	s3 =	rddreg [dreg:$0x2];
	[bflag:$0x3] =	sbarrier.arrive $0xFFFF;
	s2 =	simm.s32 @!p0 $0x1C05  }
0x1cc: {  	[timem:s3], [sflag:s2] =	dma.local @!p0 [hbm:s0], s1  }
0x1cd: {  	s0 =	simm.s32 @!p0 $0x5  }
0x1ce: {  	_ =	swait.ge @!p0 [sflag:s0], s1  }
0x1cf: {  	s1 =	ssub.s32 @!p0 $0x0, s1;
	[sflag:s0] =	ssyncset.done @!p0 $0x0  }
0x1d0: {  	[sflag:s0] =	ssyncadd.s32 @!p0 s1  }
0x1d1: {  	[bflag:$0x3] =	sbarrier.arrive $0xFFFF  }
0x1d2: {  	_ =	shalt  }

// kernel: kernel.17.cloned.1.call-start
scs
__scs_entry_jumppad:
0x0: {  	(pc) =	sbr.rel $0x88, $3  }
0x1: {  	(tag) =	ssettag $0x0;
	lr =	simm.s32 $0x1  }
0x2: {  	[smem:$0x3F78] =	sst lr;
	_ =	strace $0xD0000000  }
0x3: {  	_ = 	snop  }
0x4: {  	_ = 	snop  }
0x5: {  	_ = 	snop  }
0x6: {  	_ = 	snop  }
0x7: {  	_ = 	snop  }
__scs_overlays_trampoline_lowered:
0x8: {  	[smem:$0x3F87] =	sst s0  }
0x9: {  	[smem:$0x3F88] =	sst s1  }
0xa: {  	[smem:$0x3F89] =	sst s2  }
0xb: {  	[smem:$0x3F8A] =	sst s3  }
0xc: {  	[smem:$0x3F8B] =	sst s4  }
0xd: {  	[smem:$0x3F8C] =	sst s5  }
0xe: {  	[smem:$0x3F8D] =	sst s6  }
0xf: {  	[smem:$0x3F8E] =	sst s7  }
0x10: {  	[smem:$0x3F8F] =	sst s8  }
0x11: {  	[smem:$0x3F90] =	sst s9;
	s0 =	simm.s32 @!p0 $0x0  }
0x12: {  	s1 =	sld [smem:$0x3F76];
	s0 =	simm.s32 @p0 $0x1  }
0x13: {  	[smem:$0x3F91] =	sst s0;
	s0 =	simm.s32 @!p1 $0x0  }
0x14: {  	s2 =	sld [smem:$0x3F75];
	s0 =	simm.s32 @p1 $0x1  }
0x15: {  	[smem:$0x3F92] =	sst s0;
	s0 =	simm.s32 @!p2 $0x0  }
0x16: {  	s3 =	sld [smem:$0x3FDB];
	s0 =	simm.s32 @p2 $0x1  }
0x17: {  	s4 =	simm.s32 $0x1BF5;
	[smem:$0x3F94] =	sst s0  }
0x18: {  	s0 =	sld [smem:$0x3F77];
	_ =	swait.ge [sflag:s4], $0x0  }
0x19: {  	s7 =	sld [smem:$0x3F78]  }
0x1a: {  	s8 =	sadd.s32 $0xFFFFE003, lr  }
0x1b: {  	s9 =	sadd.s32 $0xFFFFFEF7, lr;
	s5 =	simm.s32 $0xFFFFFFFF;
	p2 =	slt.u32 s8, $0xFFFFF086  }
0x1c: {  	p1 =	slt.u32 s9, $0xF7A;
	s5 =	simm.s32 @!p2 $0x0  }
0x1d: {  	s5 =	simm.s32 @p1 $0x1;
	p0 =	seq.s32 s7, s2  }
0x1e: {  	s7 =	smul.u32 @!p0 $0xF7A, s2;
	p2 =	seq.s32 @!p0 s5, $0x0  }
0x1f: {  	s9 =	smul.u32 $0xF7A, s1;
	s8 =	simm.s32 @!p0 $0x1BF5;
	p2 =	por !p2, p0  }
0x20: {  	[sflag:s8] =	ssyncset.s32 @!p0 $0xFFFFF086;
	s6 =	sadd.s32 @!p0 s3, s7;
	s7 =	simm.s32 @!p0 $0x108  }
0x21: {  	s3 =	sadd.s32 s3, s9;
	s6 =	sadd.s32 @!p0 $0x88, s6;
	s7 =	simm.s32 @p2 $0x1082  }
0x22: {  	[simem:s7], [sflag:s8] =	dma.local @!p0 [hbm:s6], $0xF7A  }
0x23: {  	s9 =	sor.u32 $0xD0000000, s2;
	s6 =	simm.s32 $0x108;
	_ =	swait.ge @!p0 [sflag:s8], $0x0  }
0x24: {  	s3 =	sadd.s32 $0x88, s3;
	s6 =	simm.s32 @!p1 $0x1082;
	[sflag:s4] =	ssyncset.s32 $0xFFFFF086  }
0x25: {  	[simem:s6], [sflag:s4] =	dma.local [hbm:s3], $0xF7A  }
0x26: {  	[smem:$0x3F78] =	sst s1;
	(tag) =	ssettag s2;
	_ =	strace s9  }
0x27: {  	s1 =	sld [smem:$0x3F88]  }
0x28: {  	s2 =	sld [smem:$0x3F89]  }
0x29: {  	s4 =	sld [smem:$0x3F8B]  }
0x2a: {  	p0 =	seq.s32 s5, $0x0;
	s5 =	sld [smem:$0x3F8C]  }
0x2b: {  	s6 =	sld [smem:$0x3F8D]  }
0x2c: {  	s7 =	sld [smem:$0x3F8E]  }
0x2d: {  	s3 =	simm.s32 $0x108;
	s8 =	sld [smem:$0x3F8F]  }
0x2e: {  	s3 =	simm.s32 @!p0 $0x1082;
	s9 =	sld [smem:$0x3F90]  }
0x2f: {  	lr =	sadd.s32 s0, s3;
	s0 =	sld [smem:$0x3F87]  }
0x30: {  	s3 =	sld [smem:$0x3F8A]  }
0x31: {  	[smem:$0x3F93] =	sst s10  }
0x32: {  	s10 =	sld [smem:$0x3F91];
	_ =	sdelay $0x3  }
0x33: {  	p0 =	seq.s32 s10, $0x1;
	s10 =	sld [smem:$0x3F93];
	_ =	sdelay $0x3  }
0x34: {  	[smem:$0x3F93] =	sst s10  }
0x35: {  	s10 =	sld [smem:$0x3F92];
	_ =	sdelay $0x3  }
0x36: {  	p1 =	seq.s32 s10, $0x1;
	s10 =	sld [smem:$0x3F93];
	_ =	sdelay $0x3  }
0x37: {  	[smem:$0x3F93] =	sst s10  }
0x38: {  	s10 =	sld [smem:$0x3F94]  }
0x39: {  	_ = 	snop;
	(pc) =	sbr.ind lr, $3  }
0x3a: {  	_ = 	snop  }
0x3b: {  	_ = 	snop  }
0x3c: {  	p2 =	seq.s32 s10, $0x1;
	s10 =	sld [smem:$0x3F93]  }
0x3d: {  	_ =	shalt  }
0x3e: {  	_ =	shalt  }
0x3f: {  	_ =	shalt  }
0x40: {  	_ =	shalt  }
0x41: {  	_ =	shalt  }
0x42: {  	_ =	shalt  }
0x43: {  	_ =	shalt  }
0x44: {  	_ =	shalt  }
0x45: {  	_ =	shalt  }
0x46: {  	_ =	shalt  }
0x47: {  	_ =	shalt  }
0x48: {  	_ =	shalt  }
0x49: {  	_ =	shalt  }
0x4a: {  	_ =	shalt  }
0x4b: {  	_ =	shalt  }
0x4c: {  	_ =	shalt  }
0x4d: {  	_ =	shalt  }
0x4e: {  	_ =	shalt  }
0x4f: {  	_ =	shalt  }
0x50: {  	_ =	shalt  }
0x51: {  	_ =	shalt  }
0x52: {  	_ =	shalt  }
0x53: {  	_ =	shalt  }
0x54: {  	_ =	shalt  }
0x55: {  	_ =	shalt  }
0x56: {  	_ =	shalt  }
0x57: {  	_ =	shalt  }
0x58: {  	_ =	shalt  }
0x59: {  	_ =	shalt  }
0x5a: {  	_ =	shalt  }
0x5b: {  	_ =	shalt  }
0x5c: {  	_ =	shalt  }
0x5d: {  	_ =	shalt  }
0x5e: {  	_ =	shalt  }
0x5f: {  	_ =	shalt  }
0x60: {  	_ =	shalt  }
0x61: {  	_ =	shalt  }
0x62: {  	_ =	shalt  }
0x63: {  	_ =	shalt  }
0x64: {  	_ =	shalt  }
0x65: {  	_ =	shalt  }
0x66: {  	_ =	shalt  }
0x67: {  	_ =	shalt  }
0x68: {  	_ =	shalt  }
0x69: {  	_ =	shalt  }
0x6a: {  	_ =	shalt  }
0x6b: {  	_ =	shalt  }
0x6c: {  	_ =	shalt  }
0x6d: {  	_ =	shalt  }
0x6e: {  	_ =	shalt  }
0x6f: {  	_ =	shalt  }
0x70: {  	_ =	shalt  }
0x71: {  	_ =	shalt  }
0x72: {  	_ =	shalt  }
0x73: {  	_ =	shalt  }
0x74: {  	_ =	shalt  }
0x75: {  	_ =	shalt  }
0x76: {  	_ =	shalt  }
0x77: {  	_ =	shalt  }
0x78: {  	_ =	shalt  }
0x79: {  	_ =	shalt  }
0x7a: {  	_ =	shalt  }
0x7b: {  	_ =	shalt  }
0x7c: {  	_ =	shalt  }
0x7d: {  	_ =	shalt  }
0x7e: {  	_ =	shalt  }
0x7f: {  	_ =	shalt  }
0x80: {  	_ =	shalt  }
0x81: {  	_ =	shalt  }
0x82: {  	_ =	shalt  }
0x83: {  	_ =	shalt  }
0x84: {  	_ =	shalt  }
0x85: {  	_ =	shalt  }
0x86: {  	_ =	shalt  }
0x87: {  	_ =	shalt  }
.Lfunc_end0:
.L_simem_size_0:
called_computation.1_lowered:
.L_overlay_start_0:
0x88: {  	s2 =	sld [smem:$0x3FD9]  }
0x89: {  	s3 =	sld [smem:$0x3FFE];
	_ =	sdelay $0x1  }
0x8a: {  	s1 =	srdreg.scid  }
0x8b: {  	s0 =	sand.u32 $0x1, s1  }
0x8c: {  	s16 =	sshll.u32 s0, $0xA;
	s2 =	sadd.s32 s3, s2  }
0x8d: {  	s2 =	sadd.s32 s2, s16  }
0x8e: {  	[smem:$0x3F9F] =	sst s2  }
0x8f: {  	_ = 	snop  }
0x90: {  	(tm) =	ssettm $0x1  }
0x91: {  	s17 =	sld [smem:$0x3FFB];
	_ =	sdelay $0x3  }
0x92: {  	_ =	strace s17  }
0x93: {  	s2 =	sld [smem:$0x3FFC];
	_ =	sdelay $0x3  }
0x94: {  	_ =	strace s2  }
0x95: {  	s2 =	sld [smem:$0x3FFD];
	_ =	sdelay $0x3  }
0x96: {  	_ =	strace s2  }
0x97: {  	_ =	strace $0x8FFFFFFF  }
0x98: {  	s18 =	sld [smem:$0x3FDB];
	_ =	sdelay $0x1  }
0x99: {  	s19 =	simm.s32 $_scs_section_size  }
0x9a: {  	s4 =	simm.s32 $_size__tile_overlayer_lowered;
	s5 =	simm.s32 $_tile_overlayer_lowered  }
0x9b: {  	s22 =	simm.s32 $0x1BFF;
	s21 =	sshll.u32 s5, $0x1;
	s2 =	sadd.s32 s19, s18  }
0x9c: {  	s6 =	simm.s32 $0x0;
	s20 =	sshll.u32 s4, $0x1;
	s4 =	sadd.s32 s21, s2  }
0x9d: {  	[timem:s6], [sflag:s22] =	dma.local [hbm:s4], s20  }
0x9e: {  	_ =	swait.ge [sflag:s22], s20  }
0x9f: {  	s3 =	ssub.s32 $0x0, s20;
	[sflag:s22] =	ssyncset.done $0x0  }
0xa0: {  	[sflag:s22] =	ssyncadd.s32 s3;
	_ =	sdelay $0x1  }
0xa1: {  	s23 =	simm.s32 $0x1B8B  }
0xa2: {  	_ =	swait.ge [sflag:s23], $0x1  }
0xa3: {  	[sflag:s23] =	ssyncset.done $0x0  }
0xa4: {  	s25 =	simm.s32 $0x1B8E;
	s24 =	sld [smem:$0x3FFE];
	[sflag:s23] =	ssyncadd.s32 $0xFFFFFFFF  }
0xa5: {  	s26 =	simm.s32 $execute0_lowered;
	[smem:$0x3FD2] =	sst s25  }
0xa6: {  	s4 =	sshll.u32 s26, $0x1;
	_ =	strace $0x80000049;
	[dreg:$0x1] =	wrdreg $0xFFFFFFFF  }
0xa7: {  	s28 =	simm.s32 $_size_execute0_lowered;
	s2 =	sadd.s32 s2, s4;
	[dreg:$0x0] =	wrdreg $0x0  }
0xa8: {  	s4 =	sshll.u32 s28, $0x1;
	[dreg:$0x2] =	wrdreg s2  }
0xa9: {  	[dreg:$0x3] =	wrdreg s4  }
0xaa: {  	[dreg:$0x4] =	wrdreg $0xC0  }
0xab: {  	_ =	task [dreg:s6], $0x5FFFF  }
0xac: {  	[dreg:$0x1] =	wrdreg $0xFFFFFFFF  }
0xad: {  	[dreg:$0x0] =	wrdreg $0x60  }
0xae: {  	[dreg:$0x2] =	wrdreg s24  }
0xaf: {  	[dreg:$0x3] =	wrdreg $0x9  }
0xb0: {  	_ =	task.clear_ibuf [dreg:s6], $0x4FFFF;
	_ =	strace $0x90000049  }
0xb1: {  	s29 =	simm.s32 $0x9;
	_ =	strace $0x8000004B  }
0xb2: {  	_ =	swait.ge [sflag:s29], $0x1  }
0xb3: {  	[sflag:s29] =	ssyncadd.s32 $0xFFFFFFFF  }
0xb4: {  	_ =	strace $0x9000004B  }
0xb5: {  	_ =	sfence  }
0xb6: {  	s30 =	sld [smem:$0x0];
	_ =	sdelay $0x2  }
0xb7: {  	s31 =	sshll.u32 s1, $0xD;
	s1 =	sshrl.u32 s1, $0x2  }
0xb8: {  	s3 =	sand.u32 $0x4000, s31;
	s1 =	sadd.s32 s1, s30  }
0xb9: {  	s0 =	sor.u32 s3, s0;
	s1 =	sshll.u32 s1, $0x11  }
0xba: {  	s0 =	sor.u32 s1, s0  }
0xbb: {  	s0 =	sadd.s32 $0x8F2B, s0  }
0xbc: {  	[sflag:s0] =	ssyncadd.remote.s32 $0x1  }
0xbd: {  	_ =	sfence.sel $0xFFFF  }
0xbe: {  	[dreg:$0x0] =	wrdreg $0xFFFFFFFF;
	(pc) =	sbr.abs _section_cstart, $3  }
0xbf: {  	[dreg:$0x1] =	wrdreg $0xFFFFFFFF  }
0xc0: {  	_ =	task.clear_ibuf [dreg:s6], $0x2FFFF;
	_ =	strace $0x9FFFFFFF  }
0xc1: {  	(tm) =	ssettm $0x7FFFFFFF  }
tec
execute0_lowered:
.L_overlay_start_1:
0x0: {  	(tag) =	ssettag $0x1  }
0x1: {  	s0 =	srdreg.scid;
	s4 =	rddreg [dreg:$0x0]  }
0x2: {  	s1 =	stileid.u32;
	s2 =	simm.s32 $0x0;
	s10 =	simm.s32 $0x2710  }
0x3: {  	s11 =	simm.s32 $0x1;
	s12 =	simm.s32 $0x2;
	s13 =	simm.s32 $0x0  }
0x4: {  	s3 =	sand.u32 $0x1, s0;
	s0 =	rddreg [dreg:$0x1];
	s9 =	smul.u32 $0x2710, s1  }
0x5: {  	[smem:$0x7FF] =	sst s2;
	s5 =	sshll.u32 s3, $0x4;
	s7 =	smul.u32 $0x27100, s3  }
.Ltmp0:
0x6: {  	s6 =	ssub.s32 $0x2, s3;
	s5 =	sor.u32 s1, s5;
	(pc) =	sbr.rel .LBB2_1-.Ltmp0, $4  }
0x7: {  	_ =	strace $0x8000004A;
	s8 =	sshrl.u32 s6, $0x1;
	s5 =	smul.u32 $0x4E2, s5  }
0x8: {  	s3 =	sadd.s32 $0x2C600, s4;
	s8 =	ssub.s32 s6, s8;
	s6 =	sadd.s32 s9, s7  }
0x9: {  	s9 =	simm.s32 $0x50;
	s7 =	smax.u32 s8, $0x1;
	s5 =	sadd.s32 s5, s4  }
0xa: {  	s8 =	simm.s32 $0x3;
	s4 =	sadd.s32 $0x50EA00, s4;
	s5 =	sadd.s32 $0xE400, s5  }
.LBB2_5:
0xb: {  	s13 =	sadd.s32 $0x1, s13  }
0xc: {  	p0 =	sne.s32 s13, s7  }
.Ltmp1:
0xd: {  	_ = 	snop;
	(pc) =	sbr.rel @!p0 .LBB2_6-.Ltmp1, $4  }
0xe: {  	_ = 	snop  }
0xf: {  	_ =	swait.ge [sflag:s12], $0x2800  }
0x10: {  	[sflag:s12] =	ssyncset.done $0x0  }
0x11: {  	[sflag:s12] =	ssyncadd.s32 $0xFFFFD800  }
.LBB2_1:
0x12: {  	[tilespmem:s2], [sflag:$0x3] =	stream.linear.gather [hbm4b:s5+s2], $0x2710, $0x38;
	[tilespmem:$0x7710] =	vst v63  }
.Ltmp2:
0x13: {  	_ = 	snop;
	(pc) =	sbr.rel .LBB2_2-.Ltmp2, $4  }
0x14: {  	_ =	swait.ge [sflag:s8], $0x2710  }
0x15: {  	[sflag:s8] =	ssyncset.done $0x0  }
0x16: {  	s14 =	simm.s32 $0x0;
	[sflag:s8] =	ssyncadd.s32 $0xFFFFD8F0  }
0x17: {  	[tilespmem:s10], [sflag:$0x1] =	stream.indirect.gather [hbm4b:s3+s9], $0x80, s2, s9, $0xb8;
	[tilespmem:$0x7710] =	vst v63  }
.LBB2_4:
0x18: {  	s14 =	smul.u32 $0x50, s14  }
0x19: {  	s16 =	smul.u32 $0xA000, s16;
	p0 =	slt.u32 s15, $0x7D  }
.Ltmp3:
0x1a: {  	s14 =	sadd.s32 s14, s6;
	(pc) =	sbr.rel @!p0 .LBB2_5-.Ltmp3, $4  }
0x1b: {  	s16 =	sshrl.u32 s16, $0x2;
	s14 =	sshll.u32 s14, $0x4  }
0x1c: {  	s16 =	sadd.s32 $0x2710, s16;
	s14 =	sadd.s32 s4, s14  }
0x1d: {  	[hbm4b:s14+s2] =	stream.linear.scatter [tilespmem:s16], [sflag:$0x2], $0x2800, $0x38;
	[tilespmem:$0x7710] =	vst v63  }
0x1e: {  	s14 =	smov.u32 s15  }
.LBB2_2:
0x1f: {  	p0 =	seq.s32 s14, $0x0  }
0x20: {  	p1 =	seq.s32 @!p0 s14, $0x7C  }
0x21: {  	_ =	swait.ge [sflag:s11], $0x2800;
	p1 =	por p0, !p1  }
.Ltmp4:
0x22: {  	[sflag:s11] =	ssyncset.done $0x0;
	(pc) =	sbr.rel @!p1 .LBB2_4-.Ltmp4, $4  }
0x23: {  	s15 =	simm.s32 @!p0 $0x2;
	[sflag:s11] =	ssyncadd.s32 $0xFFFFD800  }
0x24: {  	_ =	swait.ge @!p0 [sflag:s15], $0x2800  }
0x25: {  	[sflag:s15] =	ssyncset.done @!p0 $0x0  }
0x26: {  	s16 =	sand.u32 $0x1, s14;
	[sflag:s15] =	ssyncadd.s32 @!p0 $0xFFFFD800;
	s15 =	simm.s32 @!p0 $0x7D  }
0x27: {  	s17 =	sxor.u32 $0x1, s16  }
0x28: {  	s15 =	sadd.s32 @!p0 $0x1, s14;
	s17 =	smul.u32 $0xA000, s17  }
.Ltmp5:
0x29: {  	s15 =	simm.s32 @p0 $0x1;
	(pc) =	sbr.rel .LBB2_4-.Ltmp5, $4  }
0x2a: {  	s18 =	smul.u32 $0x140, s15  }
0x2b: {  	s17 =	sshrl.u32 s17, $0x2  }
0x2c: {  	s17 =	sadd.s32 $0x2710, s17;
	s18 =	sshra.s32 s18, $0x2  }
0x2d: {  	[tilespmem:s17], [sflag:$0x1] =	stream.indirect.gather [hbm4b:s3+s9], $0x80, s18, s9, $0xb8;
	[tilespmem:$0x7710] =	vst v63  }
.LBB2_6:
0x2e: {  	_ =	sfence.sel $0x180000  }
0x2f: {  	[bflag:$0x0] =	sbarrier.arrive $0xFFFF  }
0x30: {  	p0 =	sne.s32 s1, $0x0;
	_ =	strace $0x9000004A  }
0x31: {  	s0 =	sadd.s32 @!p0 $0x100000, s0;
	[bflag:$0x2] =	sbarrier.arrive $0xFFFF  }
0x32: {  	[sflag:s0] =	ssyncadd.tile.s32 @!p0 $0x1;
	_ =	shalt  }
.Lfunc_end2:
_tile_overlayer_lowered:
.L_overlay_start_2:
0x33: {  	(tag) =	ssettag $0x2  }
0x34: {  	s0 =	rddreg [dreg:$0x0];
	s2 =	stileid.u32  }
0x35: {  	s1 =	rddreg [dreg:$0x1];
	p0 =	sne.s32 s2, $0x0  }
0x36: {  	s3 =	rddreg [dreg:$0x2];
	[bflag:$0x3] =	sbarrier.arrive $0xFFFF;
	s2 =	simm.s32 @!p0 $0x1C03  }
0x37: {  	[timem:s3], [sflag:s2] =	dma.local @!p0 [hbm:s0], s1  }
0x38: {  	s0 =	simm.s32 @!p0 $0x3  }
0x39: {  	_ =	swait.ge @!p0 [sflag:s0], s1  }
0x3a: {  	s1 =	ssub.s32 @!p0 $0x0, s1;
	[sflag:s0] =	ssyncset.done @!p0 $0x0  }
0x3b: {  	[sflag:s0] =	ssyncadd.s32 @!p0 s1  }
0x3c: {  	[bflag:$0x3] =	sbarrier.arrive $0xFFFF  }
0x3d: {  	_ =	shalt  }

// kernel: kernel.20.cloned.1.call-start
scs
__scs_entry_jumppad:
0x0: {  	(pc) =	sbr.rel $0x88, $3  }
0x1: {  	(tag) =	ssettag $0x0;
	lr =	simm.s32 $0x1  }
0x2: {  	[smem:$0x3F78] =	sst lr;
	_ =	strace $0xD0000000  }
0x3: {  	_ = 	snop  }
0x4: {  	_ = 	snop  }
0x5: {  	_ = 	snop  }
0x6: {  	_ = 	snop  }
0x7: {  	_ = 	snop  }
__scs_overlays_trampoline_lowered:
0x8: {  	[smem:$0x3F87] =	sst s0  }
0x9: {  	[smem:$0x3F88] =	sst s1  }
0xa: {  	[smem:$0x3F89] =	sst s2  }
0xb: {  	[smem:$0x3F8A] =	sst s3  }
0xc: {  	[smem:$0x3F8B] =	sst s4  }
0xd: {  	[smem:$0x3F8C] =	sst s5  }
0xe: {  	[smem:$0x3F8D] =	sst s6  }
0xf: {  	[smem:$0x3F8E] =	sst s7  }
0x10: {  	[smem:$0x3F8F] =	sst s8  }
0x11: {  	[smem:$0x3F90] =	sst s9;
	s0 =	simm.s32 @!p0 $0x0  }
0x12: {  	s1 =	sld [smem:$0x3F76];
	s0 =	simm.s32 @p0 $0x1  }
0x13: {  	[smem:$0x3F91] =	sst s0;
	s0 =	simm.s32 @!p1 $0x0  }
0x14: {  	s2 =	sld [smem:$0x3F75];
	s0 =	simm.s32 @p1 $0x1  }
0x15: {  	[smem:$0x3F92] =	sst s0;
	s0 =	simm.s32 @!p2 $0x0  }
0x16: {  	s3 =	sld [smem:$0x3FDB];
	s0 =	simm.s32 @p2 $0x1  }
0x17: {  	s4 =	simm.s32 $0x1BF5;
	[smem:$0x3F94] =	sst s0  }
0x18: {  	s0 =	sld [smem:$0x3F77];
	_ =	swait.ge [sflag:s4], $0x0  }
0x19: {  	s7 =	sld [smem:$0x3F78]  }
0x1a: {  	s8 =	sadd.s32 $0xFFFFE003, lr  }
0x1b: {  	s9 =	sadd.s32 $0xFFFFFEF7, lr;
	s5 =	simm.s32 $0xFFFFFFFF;
	p2 =	slt.u32 s8, $0xFFFFF086  }
0x1c: {  	p1 =	slt.u32 s9, $0xF7A;
	s5 =	simm.s32 @!p2 $0x0  }
0x1d: {  	s5 =	simm.s32 @p1 $0x1;
	p0 =	seq.s32 s7, s2  }
0x1e: {  	s7 =	smul.u32 @!p0 $0xF7A, s2;
	p2 =	seq.s32 @!p0 s5, $0x0  }
0x1f: {  	s9 =	smul.u32 $0xF7A, s1;
	s8 =	simm.s32 @!p0 $0x1BF5;
	p2 =	por !p2, p0  }
0x20: {  	[sflag:s8] =	ssyncset.s32 @!p0 $0xFFFFF086;
	s6 =	sadd.s32 @!p0 s3, s7;
	s7 =	simm.s32 @!p0 $0x108  }
0x21: {  	s3 =	sadd.s32 s3, s9;
	s6 =	sadd.s32 @!p0 $0x88, s6;
	s7 =	simm.s32 @p2 $0x1082  }
0x22: {  	[simem:s7], [sflag:s8] =	dma.local @!p0 [hbm:s6], $0xF7A  }
0x23: {  	s9 =	sor.u32 $0xD0000000, s2;
	s6 =	simm.s32 $0x108;
	_ =	swait.ge @!p0 [sflag:s8], $0x0  }
0x24: {  	s3 =	sadd.s32 $0x88, s3;
	s6 =	simm.s32 @!p1 $0x1082;
	[sflag:s4] =	ssyncset.s32 $0xFFFFF086  }
0x25: {  	[simem:s6], [sflag:s4] =	dma.local [hbm:s3], $0xF7A  }
0x26: {  	[smem:$0x3F78] =	sst s1;
	(tag) =	ssettag s2;
	_ =	strace s9  }
0x27: {  	s1 =	sld [smem:$0x3F88]  }
0x28: {  	s2 =	sld [smem:$0x3F89]  }
0x29: {  	s4 =	sld [smem:$0x3F8B]  }
0x2a: {  	p0 =	seq.s32 s5, $0x0;
	s5 =	sld [smem:$0x3F8C]  }
0x2b: {  	s6 =	sld [smem:$0x3F8D]  }
0x2c: {  	s7 =	sld [smem:$0x3F8E]  }
0x2d: {  	s3 =	simm.s32 $0x108;
	s8 =	sld [smem:$0x3F8F]  }
0x2e: {  	s3 =	simm.s32 @!p0 $0x1082;
	s9 =	sld [smem:$0x3F90]  }
0x2f: {  	lr =	sadd.s32 s0, s3;
	s0 =	sld [smem:$0x3F87]  }
0x30: {  	s3 =	sld [smem:$0x3F8A]  }
0x31: {  	[smem:$0x3F93] =	sst s10  }
0x32: {  	s10 =	sld [smem:$0x3F91];
	_ =	sdelay $0x3  }
0x33: {  	p0 =	seq.s32 s10, $0x1;
	s10 =	sld [smem:$0x3F93];
	_ =	sdelay $0x3  }
0x34: {  	[smem:$0x3F93] =	sst s10  }
0x35: {  	s10 =	sld [smem:$0x3F92];
	_ =	sdelay $0x3  }
0x36: {  	p1 =	seq.s32 s10, $0x1;
	s10 =	sld [smem:$0x3F93];
	_ =	sdelay $0x3  }
0x37: {  	[smem:$0x3F93] =	sst s10  }
0x38: {  	s10 =	sld [smem:$0x3F94]  }
0x39: {  	_ = 	snop;
	(pc) =	sbr.ind lr, $3  }
0x3a: {  	_ = 	snop  }
0x3b: {  	_ = 	snop  }
0x3c: {  	p2 =	seq.s32 s10, $0x1;
	s10 =	sld [smem:$0x3F93]  }
0x3d: {  	_ =	shalt  }
0x3e: {  	_ =	shalt  }
0x3f: {  	_ =	shalt  }
0x40: {  	_ =	shalt  }
0x41: {  	_ =	shalt  }
0x42: {  	_ =	shalt  }
0x43: {  	_ =	shalt  }
0x44: {  	_ =	shalt  }
0x45: {  	_ =	shalt  }
0x46: {  	_ =	shalt  }
0x47: {  	_ =	shalt  }
0x48: {  	_ =	shalt  }
0x49: {  	_ =	shalt  }
0x4a: {  	_ =	shalt  }
0x4b: {  	_ =	shalt  }
0x4c: {  	_ =	shalt  }
0x4d: {  	_ =	shalt  }
0x4e: {  	_ =	shalt  }
0x4f: {  	_ =	shalt  }
0x50: {  	_ =	shalt  }
0x51: {  	_ =	shalt  }
0x52: {  	_ =	shalt  }
0x53: {  	_ =	shalt  }
0x54: {  	_ =	shalt  }
0x55: {  	_ =	shalt  }
0x56: {  	_ =	shalt  }
0x57: {  	_ =	shalt  }
0x58: {  	_ =	shalt  }
0x59: {  	_ =	shalt  }
0x5a: {  	_ =	shalt  }
0x5b: {  	_ =	shalt  }
0x5c: {  	_ =	shalt  }
0x5d: {  	_ =	shalt  }
0x5e: {  	_ =	shalt  }
0x5f: {  	_ =	shalt  }
0x60: {  	_ =	shalt  }
0x61: {  	_ =	shalt  }
0x62: {  	_ =	shalt  }
0x63: {  	_ =	shalt  }
0x64: {  	_ =	shalt  }
0x65: {  	_ =	shalt  }
0x66: {  	_ =	shalt  }
0x67: {  	_ =	shalt  }
0x68: {  	_ =	shalt  }
0x69: {  	_ =	shalt  }
0x6a: {  	_ =	shalt  }
0x6b: {  	_ =	shalt  }
0x6c: {  	_ =	shalt  }
0x6d: {  	_ =	shalt  }
0x6e: {  	_ =	shalt  }
0x6f: {  	_ =	shalt  }
0x70: {  	_ =	shalt  }
0x71: {  	_ =	shalt  }
0x72: {  	_ =	shalt  }
0x73: {  	_ =	shalt  }
0x74: {  	_ =	shalt  }
0x75: {  	_ =	shalt  }
0x76: {  	_ =	shalt  }
0x77: {  	_ =	shalt  }
0x78: {  	_ =	shalt  }
0x79: {  	_ =	shalt  }
0x7a: {  	_ =	shalt  }
0x7b: {  	_ =	shalt  }
0x7c: {  	_ =	shalt  }
0x7d: {  	_ =	shalt  }
0x7e: {  	_ =	shalt  }
0x7f: {  	_ =	shalt  }
0x80: {  	_ =	shalt  }
0x81: {  	_ =	shalt  }
0x82: {  	_ =	shalt  }
0x83: {  	_ =	shalt  }
0x84: {  	_ =	shalt  }
0x85: {  	_ =	shalt  }
0x86: {  	_ =	shalt  }
0x87: {  	_ =	shalt  }
.Lfunc_end0:
.L_simem_size_0:
called_computation.2_lowered:
.L_overlay_start_0:
0x88: {  	s2 =	sld [smem:$0x3FD9]  }
0x89: {  	s3 =	sld [smem:$0x3FFE];
	_ =	sdelay $0x1  }
0x8a: {  	s1 =	srdreg.scid  }
0x8b: {  	s0 =	sand.u32 $0x1, s1  }
0x8c: {  	s16 =	sshll.u32 s0, $0xA;
	s2 =	sadd.s32 s3, s2  }
0x8d: {  	s2 =	sadd.s32 s2, s16  }
0x8e: {  	[smem:$0x3F9F] =	sst s2  }
0x8f: {  	_ = 	snop  }
0x90: {  	(tm) =	ssettm $0x1  }
0x91: {  	s17 =	sld [smem:$0x3FFB];
	_ =	sdelay $0x3  }
0x92: {  	_ =	strace s17  }
0x93: {  	s2 =	sld [smem:$0x3FFC];
	_ =	sdelay $0x3  }
0x94: {  	_ =	strace s2  }
0x95: {  	s2 =	sld [smem:$0x3FFD];
	_ =	sdelay $0x3  }
0x96: {  	_ =	strace s2  }
0x97: {  	_ =	strace $0x8FFFFFFF  }
0x98: {  	s18 =	sld [smem:$0x3FDB];
	_ =	sdelay $0x1  }
0x99: {  	s19 =	simm.s32 $_scs_section_size  }
0x9a: {  	s4 =	simm.s32 $_size__tile_overlayer_lowered;
	s5 =	simm.s32 $_tile_overlayer_lowered  }
0x9b: {  	s22 =	simm.s32 $0x1BFF;
	s21 =	sshll.u32 s5, $0x1;
	s2 =	sadd.s32 s19, s18  }
0x9c: {  	s6 =	simm.s32 $0x0;
	s20 =	sshll.u32 s4, $0x1;
	s4 =	sadd.s32 s21, s2  }
0x9d: {  	[timem:s6], [sflag:s22] =	dma.local [hbm:s4], s20  }
0x9e: {  	_ =	swait.ge [sflag:s22], s20  }
0x9f: {  	s3 =	ssub.s32 $0x0, s20;
	[sflag:s22] =	ssyncset.done $0x0  }
0xa0: {  	[sflag:s22] =	ssyncadd.s32 s3;
	_ =	sdelay $0x1  }
0xa1: {  	s23 =	simm.s32 $0x1B8B  }
0xa2: {  	_ =	swait.ge [sflag:s23], $0x1  }
0xa3: {  	[sflag:s23] =	ssyncset.done $0x0  }
0xa4: {  	s25 =	simm.s32 $0x1B8E;
	s24 =	sld [smem:$0x3FFE];
	[sflag:s23] =	ssyncadd.s32 $0xFFFFFFFF  }
0xa5: {  	s26 =	simm.s32 $execute0_lowered;
	[smem:$0x3FD2] =	sst s25  }
0xa6: {  	s4 =	sshll.u32 s26, $0x1;
	_ =	strace $0x8000004C;
	[dreg:$0x1] =	wrdreg $0xFFFFFFFF  }
0xa7: {  	s28 =	simm.s32 $_size_execute0_lowered;
	s2 =	sadd.s32 s2, s4;
	[dreg:$0x0] =	wrdreg $0x0  }
0xa8: {  	s4 =	sshll.u32 s28, $0x1;
	[dreg:$0x2] =	wrdreg s2  }
0xa9: {  	[dreg:$0x3] =	wrdreg s4  }
0xaa: {  	[dreg:$0x4] =	wrdreg $0xC0  }
0xab: {  	_ =	task [dreg:s6], $0x5FFFF  }
0xac: {  	[dreg:$0x1] =	wrdreg $0xFFFFFFFF  }
0xad: {  	[dreg:$0x0] =	wrdreg $0x60  }
0xae: {  	[dreg:$0x2] =	wrdreg s24  }
0xaf: {  	[dreg:$0x3] =	wrdreg $0x103100  }
0xb0: {  	[dreg:$0x4] =	wrdreg $0x9  }
0xb1: {  	_ =	task.clear_ibuf [dreg:s6], $0x5FFFF;
	_ =	strace $0x9000004C  }
0xb2: {  	s29 =	simm.s32 $0x9;
	_ =	strace $0x8000004E  }
0xb3: {  	_ =	swait.ge [sflag:s29], $0x1  }
0xb4: {  	[sflag:s29] =	ssyncadd.s32 $0xFFFFFFFF  }
0xb5: {  	_ =	strace $0x9000004E  }
0xb6: {  	_ =	sfence  }
0xb7: {  	s30 =	sld [smem:$0x0];
	_ =	sdelay $0x2  }
0xb8: {  	s31 =	sshll.u32 s1, $0xD;
	s1 =	sshrl.u32 s1, $0x2  }
0xb9: {  	s3 =	sand.u32 $0x4000, s31;
	s1 =	sadd.s32 s1, s30  }
0xba: {  	s0 =	sor.u32 s3, s0;
	s1 =	sshll.u32 s1, $0x11  }
0xbb: {  	s0 =	sor.u32 s1, s0  }
0xbc: {  	s0 =	sadd.s32 $0x8F2B, s0  }
0xbd: {  	[sflag:s0] =	ssyncadd.remote.s32 $0x1  }
0xbe: {  	_ =	sfence.sel $0xFFFF  }
0xbf: {  	[dreg:$0x0] =	wrdreg $0xFFFFFFFF;
	(pc) =	sbr.abs _section_cstart, $3  }
0xc0: {  	[dreg:$0x1] =	wrdreg $0xFFFFFFFF  }
0xc1: {  	_ =	task.clear_ibuf [dreg:s6], $0x2FFFF;
	_ =	strace $0x9FFFFFFF  }
0xc2: {  	(tm) =	ssettm $0x7FFFFFFF  }
0xc3: {  	_ =	shalt  }
tec
execute0_lowered:
.L_overlay_start_1:
0x0: {  	(tag) =	ssettag $0x1  }
0x1: {  	s0 =	srdreg.scid;
	s4 =	rddreg [dreg:$0x0]  }
0x2: {  	s14 =	stileid.u32;
	s2 =	rddreg [dreg:$0x1]  }
0x3: {  	s3 =	simm.s32 $0x0;
	s19 =	simm.s32 $0x3;
	s5 =	smul.u32 $0x280, s14  }
0x4: {  	s21 =	simm.s32 $0x4;
	s22 =	simm.s32 $0x1;
	s7 =	smul.u32 $0x28000, s14  }
0x5: {  	s23 =	simm.s32 $0x50;
	s24 =	simm.s32 $0x2;
	s13 =	smul.u32 $0x2710, s14  }
0x6: {  	s25 =	simm.s32 $0x0;
	s0 =	sand.u32 $0x1, s0;
	s18 =	smul.u32 $0x13880, s14  }
0x7: {  	[smem:$0x7FF] =	sst s3;
	s15 =	sadd.s32 $0xD6400, s4;
	s6 =	smul.u32 $0x2800, s0  }
0x8: {  	s1 =	sshll.u32 s0, $0x4;
	_ =	strace $0x8000004D;
	s12 =	smul.u32 $0x27100, s0  }
0x9: {  	s29 =	ssub.s32 $0x2, s0;
	s0 =	smul.u32 $0x138800, s0;
	s1 =	sor.u32 s14, s1  }
0xa: {  	s7 =	sshrl.u32 s7, $0x2;
	s30 =	sshrl.u32 s29, $0x1;
	s1 =	smul.u32 $0x4E2, s1  }
0xb: {  	s5 =	sadd.s32 s5, s6;
	s17 =	ssub.s32 s29, s30;
	s13 =	sadd.s32 s13, s12  }
0xc: {  	s0 =	sadd.s32 s0, s15;
	s5 =	sshll.u32 s5, $0x3;
	s31 =	sshll.u32 s13, $0x3  }
0xd: {  	s0 =	sadd.s32 s18, s0;
	s18 =	simm.s32 $0xEF10;
	s1 =	sadd.s32 s1, s4  }
0xe: {  	s16 =	sadd.s32 s5, s4;
	s4 =	sadd.s32 s7, s2;
	s13 =	sadd.s32 s15, s31  }
0xf: {  	s26 =	sadd.s32 $0xC80, s0;
	s5 =	sadd.s32 $0x1400, s4;
	s6 =	sadd.s32 $0x2800, s4  }
0x10: {  	s7 =	sadd.s32 $0x3C00, s4;
	s8 =	sadd.s32 $0x5000, s4;
	s9 =	sadd.s32 $0x6400, s4  }
0x11: {  	s10 =	sadd.s32 $0x7800, s4;
	s11 =	sadd.s32 $0x8C00, s4;
	s12 =	sadd.s32 $0xE400, s1  }
0x12: {  	v0 =	vimm.f32 $0.0e+00;
	s14 =	sadd.s32 $0x347400, s16;
	s15 =	sadd.s32 $0x347E00, s16;
	s16 =	smax.u32 s17, $0x1  }
.LBB2_1:
0x13: {  	s28 =	simm.s32 $0x100;
	s17 =	simm.s32 $0x0  }
.LBB2_2:
0x14: {  	p0 =	sne.s32 s28, $0x4F00;
	[tilespmem:s17+$0xEF40] =	vst v0;
	s29 =	smov.u32 s28;
	s28 =	sadd.s32 $0x100, s28  }
.Ltmp0:
0x15: {  	[tilespmem:s17+$0xEF30] =	vst v0;
	(pc) =	sbr.rel @p0 .LBB2_2-.Ltmp0, $3  }
0x16: {  	[tilespmem:s17+$0xEF10] =	vst v0  }
0x17: {  	[tilespmem:s17+$0xEF20] =	vst v0;
	_ =	sdelay $0x1  }
0x18: {  	s17 =	sshra.s32 s29, $0x2  }
0x19: {  	[tilespmem:s17+$0xEF40] =	vst v0  }
0x1a: {  	[tilespmem:s17+$0xEF30] =	vst v0  }
0x1b: {  	[tilespmem:s17+$0xEF10] =	vst v0  }
0x1c: {  	[tilespmem:s17+$0xEF20] =	vst v0  }
0x1d: {  	[spmem:s4] =	stream.linear.scatter [tilespmem:s18], [sflag:$0x3], $0x1400, $0x38;
	[tilespmem:$0x1A310] =	vst v63  }
0x1e: {  	_ = 	snop  }
0x1f: {  	[spmem:s5] =	stream.linear.scatter [tilespmem:s18], [sflag:$0x3], $0x1400, $0x38;
	[tilespmem:$0x1A310] =	vst v63  }
0x20: {  	_ = 	snop  }
0x21: {  	[spmem:s6] =	stream.linear.scatter [tilespmem:s18], [sflag:$0x3], $0x1400, $0x38;
	[tilespmem:$0x1A310] =	vst v63  }
0x22: {  	_ = 	snop  }
0x23: {  	[spmem:s7] =	stream.linear.scatter [tilespmem:s18], [sflag:$0x3], $0x1400, $0x38;
	[tilespmem:$0x1A310] =	vst v63  }
0x24: {  	_ = 	snop  }
0x25: {  	[spmem:s8] =	stream.linear.scatter [tilespmem:s18], [sflag:$0x3], $0x1400, $0x38;
	[tilespmem:$0x1A310] =	vst v63  }
0x26: {  	_ = 	snop  }
0x27: {  	[spmem:s9] =	stream.linear.scatter [tilespmem:s18], [sflag:$0x3], $0x1400, $0x38;
	[tilespmem:$0x1A310] =	vst v63  }
0x28: {  	_ = 	snop  }
0x29: {  	[spmem:s10] =	stream.linear.scatter [tilespmem:s18], [sflag:$0x3], $0x1400, $0x38;
	[tilespmem:$0x1A310] =	vst v63  }
0x2a: {  	_ = 	snop  }
0x2b: {  	[spmem:s11] =	stream.linear.scatter [tilespmem:s18], [sflag:$0x3], $0x1400, $0x38;
	[tilespmem:$0x1A310] =	vst v63  }
0x2c: {  	_ =	swait.ge [sflag:s19], $0x1400  }
0x2d: {  	[sflag:s19] =	ssyncset.done $0x0  }
0x2e: {  	[sflag:s19] =	ssyncadd.s32 $0xFFFFEC00  }
0x2f: {  	_ =	swait.ge [sflag:s19], $0x1400  }
0x30: {  	[sflag:s19] =	ssyncset.done $0x0  }
0x31: {  	[sflag:s19] =	ssyncadd.s32 $0xFFFFEC00  }
0x32: {  	_ =	swait.ge [sflag:s19], $0x1400  }
0x33: {  	[sflag:s19] =	ssyncset.done $0x0  }
0x34: {  	[sflag:s19] =	ssyncadd.s32 $0xFFFFEC00  }
0x35: {  	_ =	swait.ge [sflag:s19], $0x1400  }
0x36: {  	[sflag:s19] =	ssyncset.done $0x0  }
0x37: {  	[sflag:s19] =	ssyncadd.s32 $0xFFFFEC00  }
0x38: {  	_ =	swait.ge [sflag:s19], $0x1400  }
0x39: {  	[sflag:s19] =	ssyncset.done $0x0  }
0x3a: {  	[sflag:s19] =	ssyncadd.s32 $0xFFFFEC00  }
0x3b: {  	_ =	swait.ge [sflag:s19], $0x1400  }
0x3c: {  	[sflag:s19] =	ssyncset.done $0x0  }
0x3d: {  	[sflag:s19] =	ssyncadd.s32 $0xFFFFEC00  }
0x3e: {  	_ =	swait.ge [sflag:s19], $0x1400  }
0x3f: {  	[sflag:s19] =	ssyncset.done $0x0  }
0x40: {  	[sflag:s19] =	ssyncadd.s32 $0xFFFFEC00  }
0x41: {  	_ =	swait.ge [sflag:s19], $0x1400  }
0x42: {  	[sflag:s19] =	ssyncset.done $0x0  }
0x43: {  	s20 =	simm.s32 $0x0;
	s0 =	simm.s32 $0xC800;
	[sflag:s19] =	ssyncadd.s32 $0xFFFFEC00  }
0x44: {  	[tilespmem:s0], [sflag:$0x4] =	stream.linear.gather [hbm4b:s12+s20], $0x2710, $0x38;
	[tilespmem:$0x1A310] =	vst v63  }
0x45: {  	_ =	swait.ge [sflag:s21], $0x2710  }
0x46: {  	[sflag:s21] =	ssyncset.done $0x0  }
0x47: {  	s17 =	sand.u32 $0x1, s20;
	[sflag:s21] =	ssyncadd.s32 $0xFFFFD8F0  }
0x48: {  	s28 =	sxor.u32 $0x1, s17;
	[bflag:$0x0] =	sbarrier.arrive $0xFFFF  }
0x49: {  	[tilespmem:s20], [sflag:$0x1] =	stream.linear.gather [hbm4b:s13+s20], $0x6400, $0x38;
	[tilespmem:$0x1A310] =	vst v63  }
0x4a: {  	s28 =	smul.u32 $0x19000, s28;
	_ =	swait.ge [sflag:s22], $0x6400  }
0x4b: {  	[sflag:s22] =	ssyncset.done $0x0  }
0x4c: {  	s17 =	smul.u32 $0x19000, s17;
	s28 =	sshrl.u32 s28, $0x2;
	[sflag:s22] =	ssyncadd.s32 $0xFFFF9C00  }
0x4d: {  	[tilespmem:s28], [sflag:$0x1] =	stream.linear.gather [hbm4b:s26+s3], $0x6400, $0x38;
	[tilespmem:$0x1A310] =	vst v63  }
0x4e: {  	s17 =	sshrl.u32 s17, $0x2;
	s28 =	simm.s32 $0xC800  }
0x4f: {  	[spmem:s2] =	stream.indirect.scatter.add.f32 [tilespmem:s17], [sflag:$0x2], $0x40, s28, s23, $0xb8;
	[tilespmem:$0x1A310] =	vst v63  }
0x50: {  	s29 =	simm.s32 $0xC850;
	s28 =	sadd.s32 $0x1400, s17  }
0x51: {  	[spmem:s2] =	stream.indirect.scatter.add.f32 [tilespmem:s28], [sflag:$0x2], $0x40, s29, s23, $0xb8;
	[tilespmem:$0x1A310] =	vst v63  }
0x52: {  	s28 =	sadd.s32 $0x2800, s17;
	s29 =	simm.s32 $0xC8A0  }
0x53: {  	[spmem:s2] =	stream.indirect.scatter.add.f32 [tilespmem:s28], [sflag:$0x2], $0x40, s29, s23, $0xb8;
	[tilespmem:$0x1A310] =	vst v63  }
0x54: {  	s28 =	sadd.s32 $0x3C00, s17;
	s29 =	simm.s32 $0xC8F0  }
0x55: {  	[spmem:s2] =	stream.indirect.scatter.add.f32 [tilespmem:s28], [sflag:$0x2], $0x40, s29, s23, $0xb8;
	[tilespmem:$0x1A310] =	vst v63  }
0x56: {  	s17 =	sadd.s32 $0x5000, s17;
	s28 =	simm.s32 $0xC940  }
0x57: {  	[spmem:s2] =	stream.indirect.scatter.add.f32 [tilespmem:s17], [sflag:$0x2], $0x40, s28, s23, $0xb8;
	[tilespmem:$0x1A310] =	vst v63  }
0x58: {  	_ =	swait.ge [sflag:s24], $0x1400  }
0x59: {  	[sflag:s24] =	ssyncset.done $0x0  }
0x5a: {  	[sflag:s24] =	ssyncadd.s32 $0xFFFFEC00  }
0x5b: {  	_ =	swait.ge [sflag:s24], $0x1400  }
0x5c: {  	[sflag:s24] =	ssyncset.done $0x0  }
0x5d: {  	[sflag:s24] =	ssyncadd.s32 $0xFFFFEC00  }
0x5e: {  	_ =	swait.ge [sflag:s24], $0x1400  }
0x5f: {  	[sflag:s24] =	ssyncset.done $0x0  }
0x60: {  	[sflag:s24] =	ssyncadd.s32 $0xFFFFEC00  }
0x61: {  	_ =	swait.ge [sflag:s24], $0x1400  }
0x62: {  	[sflag:s24] =	ssyncset.done $0x0  }
0x63: {  	s30 =	simm.s32 $0xC80;
	[sflag:s24] =	ssyncadd.s32 $0xFFFFEC00  }
0x64: {  	s29 =	simm.s32 $0x640;
	s28 =	simm.s32 $0x1;
	_ =	swait.ge [sflag:s24], $0x1400  }
0x65: {  	s17 =	smov.u32 s26;
	s31 =	sand.u32 $0x1, s28;
	[sflag:s24] =	ssyncset.done $0x0  }
.LBB2_4:
0x66: {  	s1 =	sxor.u32 $0x1, s31  }
0x67: {  	[sflag:s24] =	ssyncadd.s32 $0xFFFFEC00;
	s17 =	sadd.s32 $0xC80, s17;
	s0 =	smov.u32 s30  }
0x68: {  	p0 =	sne.s32 s30, $0x8FC0;
	_ =	swait.ge [sflag:s22], $0x6400;
	s1 =	smul.u32 $0x19000, s1  }
0x69: {  	s30 =	sadd.s32 $0x640, s30;
	s20 =	sshra.s32 s29, $0x2;
	[sflag:s22] =	ssyncset.done $0x0  }
0x6a: {  	s29 =	smul.u32 $0x19000, s31;
	[sflag:s22] =	ssyncadd.s32 $0xFFFF9C00;
	s1 =	sshrl.u32 s1, $0x2  }
0x6b: {  	[tilespmem:s1], [sflag:$0x1] =	stream.linear.gather [hbm4b:s17+s3], $0x6400, $0x38;
	[tilespmem:$0x1A310] =	vst v63  }
0x6c: {  	s31 =	sadd.s32 $0xC800, s20;
	s1 =	sshrl.u32 s29, $0x2;
	s29 =	smov.u32 s0  }
0x6d: {  	[spmem:s2] =	stream.indirect.scatter.add.f32 [tilespmem:s1], [sflag:$0x2], $0x40, s31, s23, $0xb8;
	[tilespmem:$0x1A310] =	vst v63  }
0x6e: {  	s0 =	sadd.s32 $0x1400, s1;
	s31 =	sadd.s32 $0xC850, s20  }
0x6f: {  	[spmem:s2] =	stream.indirect.scatter.add.f32 [tilespmem:s0], [sflag:$0x2], $0x40, s31, s23, $0xb8;
	[tilespmem:$0x1A310] =	vst v63  }
0x70: {  	s0 =	sadd.s32 $0x2800, s1;
	s31 =	sadd.s32 $0xC8A0, s20  }
0x71: {  	[spmem:s2] =	stream.indirect.scatter.add.f32 [tilespmem:s0], [sflag:$0x2], $0x40, s31, s23, $0xb8;
	[tilespmem:$0x1A310] =	vst v63  }
0x72: {  	s0 =	sadd.s32 $0x3C00, s1;
	s31 =	sadd.s32 $0xC8F0, s20  }
0x73: {  	[spmem:s2] =	stream.indirect.scatter.add.f32 [tilespmem:s0], [sflag:$0x2], $0x40, s31, s23, $0xb8;
	[tilespmem:$0x1A310] =	vst v63  }
0x74: {  	s0 =	sadd.s32 $0x5000, s1;
	s1 =	sadd.s32 $0xC940, s20  }
0x75: {  	[spmem:s2] =	stream.indirect.scatter.add.f32 [tilespmem:s0], [sflag:$0x2], $0x40, s1, s23, $0xb8;
	[tilespmem:$0x1A310] =	vst v63  }
0x76: {  	_ =	swait.ge [sflag:s24], $0x1400  }
0x77: {  	[sflag:s24] =	ssyncset.done $0x0  }
0x78: {  	[sflag:s24] =	ssyncadd.s32 $0xFFFFEC00  }
0x79: {  	_ =	swait.ge [sflag:s24], $0x1400  }
0x7a: {  	[sflag:s24] =	ssyncset.done $0x0  }
0x7b: {  	[sflag:s24] =	ssyncadd.s32 $0xFFFFEC00  }
0x7c: {  	_ =	swait.ge [sflag:s24], $0x1400  }
0x7d: {  	[sflag:s24] =	ssyncset.done $0x0  }
0x7e: {  	[sflag:s24] =	ssyncadd.s32 $0xFFFFEC00  }
.Ltmp1:
0x7f: {  	_ =	swait.ge [sflag:s24], $0x1400;
	(pc) =	sbr.rel @p0 .LBB2_4-.Ltmp1, $4  }
0x80: {  	[sflag:s24] =	ssyncset.done $0x0  }
0x81: {  	[sflag:s24] =	ssyncadd.s32 $0xFFFFEC00  }
0x82: {  	s28 =	sadd.s32 $0x1, s28;
	_ =	swait.ge [sflag:s24], $0x1400  }
0x83: {  	s31 =	sand.u32 $0x1, s28;
	[sflag:s24] =	ssyncset.done $0x0  }
0x84: {  	s0 =	sxor.u32 $0x1, s31;
	[sflag:s24] =	ssyncadd.s32 $0xFFFFEC00  }
0x85: {  	_ =	swait.ge [sflag:s22], $0x6400;
	s0 =	smul.u32 $0x19000, s0  }
0x86: {  	s1 =	sadd.s32 $0xC80, s17;
	s17 =	sshra.s32 s29, $0x2;
	[sflag:s22] =	ssyncset.done $0x0  }
0x87: {  	s20 =	smul.u32 $0x19000, s31;
	[sflag:s22] =	ssyncadd.s32 $0xFFFF9C00;
	s0 =	sshrl.u32 s0, $0x2  }
0x88: {  	[tilespmem:s0], [sflag:$0x1] =	stream.linear.gather [hbm4b:s1+s3], $0x6400, $0x38;
	[tilespmem:$0x1A310] =	vst v63  }
0x89: {  	s29 =	sadd.s32 $0xC800, s17;
	s0 =	sshrl.u32 s20, $0x2  }
0x8a: {  	[spmem:s2] =	stream.indirect.scatter.add.f32 [tilespmem:s0], [sflag:$0x2], $0x40, s29, s23, $0xb8;
	[tilespmem:$0x1A310] =	vst v63  }
0x8b: {  	s31 =	sadd.s32 $0xC850, s17;
	s30 =	sadd.s32 $0x1400, s0  }
0x8c: {  	[spmem:s2] =	stream.indirect.scatter.add.f32 [tilespmem:s30], [sflag:$0x2], $0x40, s31, s23, $0xb8;
	[tilespmem:$0x1A310] =	vst v63  }
0x8d: {  	s28 =	sadd.s32 $0x2800, s0;
	s29 =	sadd.s32 $0xC8A0, s17  }
0x8e: {  	[spmem:s2] =	stream.indirect.scatter.add.f32 [tilespmem:s28], [sflag:$0x2], $0x40, s29, s23, $0xb8;
	[tilespmem:$0x1A310] =	vst v63  }
0x8f: {  	s30 =	sadd.s32 $0x3C00, s0;
	s31 =	sadd.s32 $0xC8F0, s17  }
0x90: {  	[spmem:s2] =	stream.indirect.scatter.add.f32 [tilespmem:s30], [sflag:$0x2], $0x40, s31, s23, $0xb8;
	[tilespmem:$0x1A310] =	vst v63  }
0x91: {  	s0 =	sadd.s32 $0x5000, s0;
	s28 =	sadd.s32 $0xC940, s17  }
0x92: {  	[spmem:s2] =	stream.indirect.scatter.add.f32 [tilespmem:s0], [sflag:$0x2], $0x40, s28, s23, $0xb8;
	[tilespmem:$0x1A310] =	vst v63  }
0x93: {  	_ =	swait.ge [sflag:s24], $0x1400  }
0x94: {  	[sflag:s24] =	ssyncset.done $0x0  }
0x95: {  	[sflag:s24] =	ssyncadd.s32 $0xFFFFEC00  }
0x96: {  	_ =	swait.ge [sflag:s24], $0x1400  }
0x97: {  	[sflag:s24] =	ssyncset.done $0x0  }
0x98: {  	[sflag:s24] =	ssyncadd.s32 $0xFFFFEC00  }
0x99: {  	_ =	swait.ge [sflag:s24], $0x1400  }
0x9a: {  	[sflag:s24] =	ssyncset.done $0x0  }
0x9b: {  	[sflag:s24] =	ssyncadd.s32 $0xFFFFEC00  }
0x9c: {  	_ =	swait.ge [sflag:s24], $0x1400  }
0x9d: {  	[sflag:s24] =	ssyncset.done $0x0  }
0x9e: {  	[sflag:s24] =	ssyncadd.s32 $0xFFFFEC00  }
0x9f: {  	_ =	swait.ge [sflag:s24], $0x1400  }
0xa0: {  	[sflag:s24] =	ssyncset.done $0x0  }
0xa1: {  	[sflag:s24] =	ssyncadd.s32 $0xFFFFEC00  }
0xa2: {  	_ =	swait.ge [sflag:s22], $0x6400  }
0xa3: {  	[sflag:s22] =	ssyncset.done $0x0  }
0xa4: {  	s29 =	simm.s32 $0xED80;
	[sflag:s22] =	ssyncadd.s32 $0xFFFF9C00  }
0xa5: {  	[spmem:s2] =	stream.indirect.scatter.add.f32 [tilespmem:s3], [sflag:$0x2], $0x40, s29, s23, $0xb8;
	[tilespmem:$0x1A310] =	vst v63  }
0xa6: {  	s30 =	simm.s32 $0xEDD0;
	s31 =	simm.s32 $0x1400  }
0xa7: {  	[spmem:s2] =	stream.indirect.scatter.add.f32 [tilespmem:s31], [sflag:$0x2], $0x40, s30, s23, $0xb8;
	[tilespmem:$0x1A310] =	vst v63  }
0xa8: {  	s20 =	simm.s32 $0x2800;
	s17 =	simm.s32 $0xEE20  }
0xa9: {  	[spmem:s2] =	stream.indirect.scatter.add.f32 [tilespmem:s20], [sflag:$0x2], $0x40, s17, s23, $0xb8;
	[tilespmem:$0x1A310] =	vst v63  }
0xaa: {  	s28 =	simm.s32 $0xEE70;
	s29 =	simm.s32 $0x3C00  }
0xab: {  	[spmem:s2] =	stream.indirect.scatter.add.f32 [tilespmem:s29], [sflag:$0x2], $0x40, s28, s23, $0xb8;
	[tilespmem:$0x1A310] =	vst v63  }
0xac: {  	s30 =	simm.s32 $0xEEC0;
	s31 =	simm.s32 $0x5000  }
0xad: {  	[spmem:s2] =	stream.indirect.scatter.add.f32 [tilespmem:s31], [sflag:$0x2], $0x40, s30, s23, $0xb8;
	[tilespmem:$0x1A310] =	vst v63  }
0xae: {  	_ =	swait.ge [sflag:s24], $0x1400  }
0xaf: {  	[sflag:s24] =	ssyncset.done $0x0  }
0xb0: {  	[sflag:s24] =	ssyncadd.s32 $0xFFFFEC00  }
0xb1: {  	_ =	swait.ge [sflag:s24], $0x1400  }
0xb2: {  	[sflag:s24] =	ssyncset.done $0x0  }
0xb3: {  	[sflag:s24] =	ssyncadd.s32 $0xFFFFEC00  }
0xb4: {  	_ =	swait.ge [sflag:s24], $0x1400  }
0xb5: {  	[sflag:s24] =	ssyncset.done $0x0  }
0xb6: {  	[sflag:s24] =	ssyncadd.s32 $0xFFFFEC00  }
0xb7: {  	_ =	swait.ge [sflag:s24], $0x1400  }
0xb8: {  	[sflag:s24] =	ssyncset.done $0x0  }
0xb9: {  	[sflag:s24] =	ssyncadd.s32 $0xFFFFEC00  }
0xba: {  	_ =	swait.ge [sflag:s24], $0x1400  }
0xbb: {  	[sflag:s24] =	ssyncset.done $0x0  }
0xbc: {  	[sflag:s24] =	ssyncadd.s32 $0xFFFFEC00  }
0xbd: {  	[bflag:$0x0] =	sbarrier.arrive $0xFFFF  }
0xbe: {  	[tilespmem:s3], [sflag:$0x4] =	stream.linear.gather [spmem:s4], $0x5000, $0x38;
	[tilespmem:$0x1A310] =	vst v63  }
0xbf: {  	_ =	swait.ge [sflag:s21], $0x5000  }
0xc0: {  	[sflag:s21] =	ssyncset.done $0x0  }
0xc1: {  	[sflag:s21] =	ssyncadd.s32 $0xFFFFB000  }
0xc2: {  	[hbm4b:s14+s3] =	stream.linear.scatter [tilespmem:s3], [sflag:$0x4], $0x5000, $0x38;
	[tilespmem:$0x1A310] =	vst v63  }
0xc3: {  	_ =	swait.ge [sflag:s21], $0x5000  }
0xc4: {  	[sflag:s21] =	ssyncset.done $0x0  }
0xc5: {  	[sflag:s21] =	ssyncadd.s32 $0xFFFFB000  }
0xc6: {  	[tilespmem:s3], [sflag:$0x4] =	stream.linear.gather [spmem:s8], $0x5000, $0x38;
	[tilespmem:$0x1A310] =	vst v63  }
0xc7: {  	s25 =	sadd.s32 $0x1, s25;
	_ =	swait.ge [sflag:s21], $0x5000  }
0xc8: {  	p0 =	sne.s32 s25, s16;
	[sflag:s21] =	ssyncset.done $0x0  }
.Ltmp2:
0xc9: {  	[sflag:s21] =	ssyncadd.s32 $0xFFFFB000;
	(pc) =	sbr.rel @p0 .LBB2_1-.Ltmp2, $4  }
0xca: {  	[hbm4b:s15+s3] =	stream.linear.scatter [tilespmem:s3], [sflag:$0x4], $0x5000, $0x38;
	[tilespmem:$0x1A310] =	vst v63  }
0xcb: {  	_ =	swait.ge [sflag:s21], $0x5000  }
0xcc: {  	[sflag:s21] =	ssyncset.done $0x0  }
0xcd: {  	[sflag:s21] =	ssyncadd.s32 $0xFFFFB000  }
0xce: {  	_ =	sfence.sel $0x180000  }
0xcf: {  	[bflag:$0x0] =	sbarrier.arrive $0xFFFF  }
0xd0: {  	_ =	strace $0x9000004D  }
0xd1: {  	s0 =	stileid.u32;
	[bflag:$0x2] =	sbarrier.arrive $0xFFFF  }
0xd2: {  	p0 =	sne.s32 s0, $0x0;
	s0 =	rddreg [dreg:$0x2]  }
0xd3: {  	s0 =	sadd.s32 @!p0 $0x100000, s0  }
0xd4: {  	[sflag:s0] =	ssyncadd.tile.s32 @!p0 $0x1;
	_ =	shalt  }
.Lfunc_end2:
_tile_overlayer_lowered:
.L_overlay_start_2:
0xd5: {  	(tag) =	ssettag $0x2  }
0xd6: {  	s0 =	rddreg [dreg:$0x0];
	s2 =	stileid.u32  }
0xd7: {  	s1 =	rddreg [dreg:$0x1];
	p0 =	sne.s32 s2, $0x0  }
0xd8: {  	s3 =	rddreg [dreg:$0x2];
	[bflag:$0x3] =	sbarrier.arrive $0xFFFF;
	s2 =	simm.s32 @!p0 $0x1C04  }
0xd9: {  	[timem:s3], [sflag:s2] =	dma.local @!p0 [hbm:s0], s1  }
0xda: {  	s0 =	simm.s32 @!p0 $0x4  }
0xdb: {  	_ =	swait.ge @!p0 [sflag:s0], s1  }
0xdc: {  	s1 =	ssub.s32 @!p0 $0x0, s1;
	[sflag:s0] =	ssyncset.done @!p0 $0x0  }
0xdd: {  	[sflag:s0] =	ssyncadd.s32 @!p0 s1  }
0xde: {  	[bflag:$0x3] =	sbarrier.arrive $0xFFFF  }
0xdf: {  	_ =	shalt  }

// kernel: kernel.23.cloned.1.call-start
scs
__scs_entry_jumppad:
0x0: {  	(pc) =	sbr.rel $0x88, $3  }
0x1: {  	(tag) =	ssettag $0x0;
	lr =	simm.s32 $0x1  }
0x2: {  	[smem:$0x3F78] =	sst lr;
	_ =	strace $0xD0000000  }
0x3: {  	_ = 	snop  }
0x4: {  	_ = 	snop  }
0x5: {  	_ = 	snop  }
0x6: {  	_ = 	snop  }
0x7: {  	_ = 	snop  }
__scs_overlays_trampoline_lowered:
0x8: {  	[smem:$0x3F87] =	sst s0  }
0x9: {  	[smem:$0x3F88] =	sst s1  }
0xa: {  	[smem:$0x3F89] =	sst s2  }
0xb: {  	[smem:$0x3F8A] =	sst s3  }
0xc: {  	[smem:$0x3F8B] =	sst s4  }
0xd: {  	[smem:$0x3F8C] =	sst s5  }
0xe: {  	[smem:$0x3F8D] =	sst s6  }
0xf: {  	[smem:$0x3F8E] =	sst s7  }
0x10: {  	[smem:$0x3F8F] =	sst s8  }
0x11: {  	[smem:$0x3F90] =	sst s9;
	s0 =	simm.s32 @!p0 $0x0  }
0x12: {  	s1 =	sld [smem:$0x3F76];
	s0 =	simm.s32 @p0 $0x1  }
0x13: {  	[smem:$0x3F91] =	sst s0;
	s0 =	simm.s32 @!p1 $0x0  }
0x14: {  	s2 =	sld [smem:$0x3F75];
	s0 =	simm.s32 @p1 $0x1  }
0x15: {  	[smem:$0x3F92] =	sst s0;
	s0 =	simm.s32 @!p2 $0x0  }
0x16: {  	s3 =	sld [smem:$0x3FDB];
	s0 =	simm.s32 @p2 $0x1  }
0x17: {  	s4 =	simm.s32 $0x1BF5;
	[smem:$0x3F94] =	sst s0  }
0x18: {  	s0 =	sld [smem:$0x3F77];
	_ =	swait.ge [sflag:s4], $0x0  }
0x19: {  	s7 =	sld [smem:$0x3F78]  }
0x1a: {  	s8 =	sadd.s32 $0xFFFFE003, lr  }
0x1b: {  	s9 =	sadd.s32 $0xFFFFFEF7, lr;
	s5 =	simm.s32 $0xFFFFFFFF;
	p2 =	slt.u32 s8, $0xFFFFF086  }
0x1c: {  	p1 =	slt.u32 s9, $0xF7A;
	s5 =	simm.s32 @!p2 $0x0  }
0x1d: {  	s5 =	simm.s32 @p1 $0x1;
	p0 =	seq.s32 s7, s2  }
0x1e: {  	s7 =	smul.u32 @!p0 $0xF7A, s2;
	p2 =	seq.s32 @!p0 s5, $0x0  }
0x1f: {  	s9 =	smul.u32 $0xF7A, s1;
	s8 =	simm.s32 @!p0 $0x1BF5;
	p2 =	por !p2, p0  }
0x20: {  	[sflag:s8] =	ssyncset.s32 @!p0 $0xFFFFF086;
	s6 =	sadd.s32 @!p0 s3, s7;
	s7 =	simm.s32 @!p0 $0x108  }
0x21: {  	s3 =	sadd.s32 s3, s9;
	s6 =	sadd.s32 @!p0 $0x88, s6;
	s7 =	simm.s32 @p2 $0x1082  }
0x22: {  	[simem:s7], [sflag:s8] =	dma.local @!p0 [hbm:s6], $0xF7A  }
0x23: {  	s9 =	sor.u32 $0xD0000000, s2;
	s6 =	simm.s32 $0x108;
	_ =	swait.ge @!p0 [sflag:s8], $0x0  }
0x24: {  	s3 =	sadd.s32 $0x88, s3;
	s6 =	simm.s32 @!p1 $0x1082;
	[sflag:s4] =	ssyncset.s32 $0xFFFFF086  }
0x25: {  	[simem:s6], [sflag:s4] =	dma.local [hbm:s3], $0xF7A  }
0x26: {  	[smem:$0x3F78] =	sst s1;
	(tag) =	ssettag s2;
	_ =	strace s9  }
0x27: {  	s1 =	sld [smem:$0x3F88]  }
0x28: {  	s2 =	sld [smem:$0x3F89]  }
0x29: {  	s4 =	sld [smem:$0x3F8B]  }
0x2a: {  	p0 =	seq.s32 s5, $0x0;
	s5 =	sld [smem:$0x3F8C]  }
0x2b: {  	s6 =	sld [smem:$0x3F8D]  }
0x2c: {  	s7 =	sld [smem:$0x3F8E]  }
0x2d: {  	s3 =	simm.s32 $0x108;
	s8 =	sld [smem:$0x3F8F]  }
0x2e: {  	s3 =	simm.s32 @!p0 $0x1082;
	s9 =	sld [smem:$0x3F90]  }
0x2f: {  	lr =	sadd.s32 s0, s3;
	s0 =	sld [smem:$0x3F87]  }
0x30: {  	s3 =	sld [smem:$0x3F8A]  }
0x31: {  	[smem:$0x3F93] =	sst s10  }
0x32: {  	s10 =	sld [smem:$0x3F91];
	_ =	sdelay $0x3  }
0x33: {  	p0 =	seq.s32 s10, $0x1;
	s10 =	sld [smem:$0x3F93];
	_ =	sdelay $0x3  }
0x34: {  	[smem:$0x3F93] =	sst s10  }
0x35: {  	s10 =	sld [smem:$0x3F92];
	_ =	sdelay $0x3  }
0x36: {  	p1 =	seq.s32 s10, $0x1;
	s10 =	sld [smem:$0x3F93];
	_ =	sdelay $0x3  }
0x37: {  	[smem:$0x3F93] =	sst s10  }
0x38: {  	s10 =	sld [smem:$0x3F94]  }
0x39: {  	_ = 	snop;
	(pc) =	sbr.ind lr, $3  }
0x3a: {  	_ = 	snop  }
0x3b: {  	_ = 	snop  }
0x3c: {  	p2 =	seq.s32 s10, $0x1;
	s10 =	sld [smem:$0x3F93]  }
0x3d: {  	_ =	shalt  }
0x3e: {  	_ =	shalt  }
0x3f: {  	_ =	shalt  }
0x40: {  	_ =	shalt  }
0x41: {  	_ =	shalt  }
0x42: {  	_ =	shalt  }
0x43: {  	_ =	shalt  }
0x44: {  	_ =	shalt  }
0x45: {  	_ =	shalt  }
0x46: {  	_ =	shalt  }
0x47: {  	_ =	shalt  }
0x48: {  	_ =	shalt  }
0x49: {  	_ =	shalt  }
0x4a: {  	_ =	shalt  }
0x4b: {  	_ =	shalt  }
0x4c: {  	_ =	shalt  }
0x4d: {  	_ =	shalt  }
0x4e: {  	_ =	shalt  }
0x4f: {  	_ =	shalt  }
0x50: {  	_ =	shalt  }
0x51: {  	_ =	shalt  }
0x52: {  	_ =	shalt  }
0x53: {  	_ =	shalt  }
0x54: {  	_ =	shalt  }
0x55: {  	_ =	shalt  }
0x56: {  	_ =	shalt  }
0x57: {  	_ =	shalt  }
0x58: {  	_ =	shalt  }
0x59: {  	_ =	shalt  }
0x5a: {  	_ =	shalt  }
0x5b: {  	_ =	shalt  }
0x5c: {  	_ =	shalt  }
0x5d: {  	_ =	shalt  }
0x5e: {  	_ =	shalt  }
0x5f: {  	_ =	shalt  }
0x60: {  	_ =	shalt  }
0x61: {  	_ =	shalt  }
0x62: {  	_ =	shalt  }
0x63: {  	_ =	shalt  }
0x64: {  	_ =	shalt  }
0x65: {  	_ =	shalt  }
0x66: {  	_ =	shalt  }
0x67: {  	_ =	shalt  }
0x68: {  	_ =	shalt  }
0x69: {  	_ =	shalt  }
0x6a: {  	_ =	shalt  }
0x6b: {  	_ =	shalt  }
0x6c: {  	_ =	shalt  }
0x6d: {  	_ =	shalt  }
0x6e: {  	_ =	shalt  }
0x6f: {  	_ =	shalt  }
0x70: {  	_ =	shalt  }
0x71: {  	_ =	shalt  }
0x72: {  	_ =	shalt  }
0x73: {  	_ =	shalt  }
0x74: {  	_ =	shalt  }
0x75: {  	_ =	shalt  }
0x76: {  	_ =	shalt  }
0x77: {  	_ =	shalt  }
0x78: {  	_ =	shalt  }
0x79: {  	_ =	shalt  }
0x7a: {  	_ =	shalt  }
0x7b: {  	_ =	shalt  }
0x7c: {  	_ =	shalt  }
0x7d: {  	_ =	shalt  }
0x7e: {  	_ =	shalt  }
0x7f: {  	_ =	shalt  }
0x80: {  	_ =	shalt  }
0x81: {  	_ =	shalt  }
0x82: {  	_ =	shalt  }
0x83: {  	_ =	shalt  }
0x84: {  	_ =	shalt  }
0x85: {  	_ =	shalt  }
0x86: {  	_ =	shalt  }
0x87: {  	_ =	shalt  }
.Lfunc_end0:
.L_simem_size_0:
called_computation.3_lowered:
.L_overlay_start_0:
0x88: {  	s2 =	sld [smem:$0x3FD9]  }
0x89: {  	s3 =	sld [smem:$0x3FFE];
	_ =	sdelay $0x1  }
0x8a: {  	s1 =	srdreg.scid  }
0x8b: {  	s0 =	sand.u32 $0x1, s1  }
0x8c: {  	s16 =	sshll.u32 s0, $0xA;
	s2 =	sadd.s32 s3, s2  }
0x8d: {  	s2 =	sadd.s32 s2, s16  }
0x8e: {  	[smem:$0x3F9F] =	sst s2  }
0x8f: {  	_ = 	snop  }
0x90: {  	(tm) =	ssettm $0x1  }
0x91: {  	s17 =	sld [smem:$0x3FFB];
	_ =	sdelay $0x3  }
0x92: {  	_ =	strace s17  }
0x93: {  	s2 =	sld [smem:$0x3FFC];
	_ =	sdelay $0x3  }
0x94: {  	_ =	strace s2  }
0x95: {  	s2 =	sld [smem:$0x3FFD];
	_ =	sdelay $0x3  }
0x96: {  	_ =	strace s2  }
0x97: {  	_ =	strace $0x8FFFFFFF  }
0x98: {  	s18 =	sld [smem:$0x3FDB];
	_ =	sdelay $0x1  }
0x99: {  	s19 =	simm.s32 $_scs_section_size  }
0x9a: {  	s4 =	simm.s32 $_size__tile_overlayer_lowered;
	s5 =	simm.s32 $_tile_overlayer_lowered  }
0x9b: {  	s22 =	simm.s32 $0x1BFF;
	s21 =	sshll.u32 s5, $0x1;
	s2 =	sadd.s32 s19, s18  }
0x9c: {  	s6 =	simm.s32 $0x0;
	s20 =	sshll.u32 s4, $0x1;
	s4 =	sadd.s32 s21, s2  }
0x9d: {  	[timem:s6], [sflag:s22] =	dma.local [hbm:s4], s20  }
0x9e: {  	_ =	swait.ge [sflag:s22], s20  }
0x9f: {  	s3 =	ssub.s32 $0x0, s20;
	[sflag:s22] =	ssyncset.done $0x0  }
0xa0: {  	[sflag:s22] =	ssyncadd.s32 s3;
	_ =	sdelay $0x1  }
0xa1: {  	s23 =	simm.s32 $0x1B8B  }
0xa2: {  	_ =	swait.ge [sflag:s23], $0x1  }
0xa3: {  	[sflag:s23] =	ssyncset.done $0x0  }
0xa4: {  	s25 =	simm.s32 $0x1B8E;
	s24 =	sld [smem:$0x3FFE];
	[sflag:s23] =	ssyncadd.s32 $0xFFFFFFFF  }
0xa5: {  	s26 =	simm.s32 $execute0_lowered;
	[smem:$0x3FD2] =	sst s25  }
0xa6: {  	s4 =	sshll.u32 s26, $0x1;
	_ =	strace $0x8000004F;
	[dreg:$0x1] =	wrdreg $0xFFFFFFFF  }
0xa7: {  	s28 =	simm.s32 $_size_execute0_lowered;
	s2 =	sadd.s32 s2, s4;
	[dreg:$0x0] =	wrdreg $0x0  }
0xa8: {  	s4 =	sshll.u32 s28, $0x1;
	[dreg:$0x2] =	wrdreg s2  }
0xa9: {  	[dreg:$0x3] =	wrdreg s4  }
0xaa: {  	[dreg:$0x4] =	wrdreg $0xC0  }
0xab: {  	_ =	task [dreg:s6], $0x5FFFF  }
0xac: {  	[dreg:$0x1] =	wrdreg $0xFFFFFFFF  }
0xad: {  	[dreg:$0x0] =	wrdreg $0x60  }
0xae: {  	[dreg:$0x2] =	wrdreg s24  }
0xaf: {  	[dreg:$0x3] =	wrdreg $0x9  }
0xb0: {  	_ =	task.clear_ibuf [dreg:s6], $0x4FFFF;
	_ =	strace $0x9000004F  }
0xb1: {  	s29 =	simm.s32 $0x9;
	_ =	strace $0x80000051  }
0xb2: {  	_ =	swait.ge [sflag:s29], $0x1  }
0xb3: {  	[sflag:s29] =	ssyncadd.s32 $0xFFFFFFFF  }
0xb4: {  	_ =	strace $0x90000051  }
0xb5: {  	_ =	sfence  }
0xb6: {  	s30 =	sld [smem:$0x0];
	_ =	sdelay $0x2  }
0xb7: {  	s31 =	sshll.u32 s1, $0xD;
	s1 =	sshrl.u32 s1, $0x2  }
0xb8: {  	s3 =	sand.u32 $0x4000, s31;
	s1 =	sadd.s32 s1, s30  }
0xb9: {  	s0 =	sor.u32 s3, s0;
	s1 =	sshll.u32 s1, $0x11  }
0xba: {  	s0 =	sor.u32 s1, s0  }
0xbb: {  	s0 =	sadd.s32 $0x8F2B, s0  }
0xbc: {  	[sflag:s0] =	ssyncadd.remote.s32 $0x1  }
0xbd: {  	_ =	sfence.sel $0xFFFF  }
0xbe: {  	[dreg:$0x0] =	wrdreg $0xFFFFFFFF;
	(pc) =	sbr.abs _section_cstart, $3  }
0xbf: {  	[dreg:$0x1] =	wrdreg $0xFFFFFFFF  }
0xc0: {  	_ =	task.clear_ibuf [dreg:s6], $0x2FFFF;
	_ =	strace $0x9FFFFFFF  }
0xc1: {  	(tm) =	ssettm $0x7FFFFFFF  }
tec
execute0_lowered:
.L_overlay_start_1:
0x0: {  	(tag) =	ssettag $0x1  }
0x1: {  	s0 =	srdreg.scid;
	s4 =	rddreg [dreg:$0x0]  }
0x2: {  	s1 =	stileid.u32;
	s2 =	simm.s32 $0x0;
	s10 =	simm.s32 $0x2710  }
0x3: {  	s11 =	simm.s32 $0x1;
	s12 =	simm.s32 $0x2;
	s13 =	simm.s32 $0x0  }
0x4: {  	s3 =	sand.u32 $0x1, s0;
	s0 =	rddreg [dreg:$0x1];
	s9 =	smul.u32 $0x2710, s1  }
0x5: {  	[smem:$0x7FF] =	sst s2;
	s5 =	sshll.u32 s3, $0x4;
	s7 =	smul.u32 $0x27100, s3  }
.Ltmp0:
0x6: {  	s6 =	ssub.s32 $0x2, s3;
	s5 =	sor.u32 s1, s5;
	(pc) =	sbr.rel .LBB2_1-.Ltmp0, $4  }
0x7: {  	_ =	strace $0x80000050;
	s8 =	sshrl.u32 s6, $0x1;
	s5 =	smul.u32 $0x4E2, s5  }
0x8: {  	s3 =	sadd.s32 $0x2C600, s4;
	s8 =	ssub.s32 s6, s8;
	s6 =	sadd.s32 s9, s7  }
0x9: {  	s9 =	simm.s32 $0x50;
	s7 =	smax.u32 s8, $0x1;
	s5 =	sadd.s32 s5, s4  }
0xa: {  	s8 =	simm.s32 $0x3;
	s4 =	sadd.s32 $0x50EA00, s4;
	s5 =	sadd.s32 $0xE400, s5  }
.LBB2_5:
0xb: {  	s13 =	sadd.s32 $0x1, s13  }
0xc: {  	p0 =	sne.s32 s13, s7  }
.Ltmp1:
0xd: {  	_ = 	snop;
	(pc) =	sbr.rel @!p0 .LBB2_6-.Ltmp1, $4  }
0xe: {  	_ = 	snop  }
0xf: {  	_ =	swait.ge [sflag:s12], $0x2800  }
0x10: {  	[sflag:s12] =	ssyncset.done $0x0  }
0x11: {  	[sflag:s12] =	ssyncadd.s32 $0xFFFFD800  }
.LBB2_1:
0x12: {  	[tilespmem:s2], [sflag:$0x3] =	stream.linear.gather [hbm4b:s5+s2], $0x2710, $0x38;
	[tilespmem:$0x7710] =	vst v63  }
.Ltmp2:
0x13: {  	_ = 	snop;
	(pc) =	sbr.rel .LBB2_2-.Ltmp2, $4  }
0x14: {  	_ =	swait.ge [sflag:s8], $0x2710  }
0x15: {  	[sflag:s8] =	ssyncset.done $0x0  }
0x16: {  	s14 =	simm.s32 $0x0;
	[sflag:s8] =	ssyncadd.s32 $0xFFFFD8F0  }
0x17: {  	[tilespmem:s10], [sflag:$0x1] =	stream.indirect.gather [hbm4b:s3+s9], $0x80, s2, s9, $0xb8;
	[tilespmem:$0x7710] =	vst v63  }
.LBB2_4:
0x18: {  	s14 =	smul.u32 $0x50, s14  }
0x19: {  	s16 =	smul.u32 $0xA000, s16;
	p0 =	slt.u32 s15, $0x7D  }
.Ltmp3:
0x1a: {  	s14 =	sadd.s32 s14, s6;
	(pc) =	sbr.rel @!p0 .LBB2_5-.Ltmp3, $4  }
0x1b: {  	s16 =	sshrl.u32 s16, $0x2;
	s14 =	sshll.u32 s14, $0x4  }
0x1c: {  	s16 =	sadd.s32 $0x2710, s16;
	s14 =	sadd.s32 s4, s14  }
0x1d: {  	[hbm4b:s14+s2] =	stream.linear.scatter [tilespmem:s16], [sflag:$0x2], $0x2800, $0x38;
	[tilespmem:$0x7710] =	vst v63  }
0x1e: {  	s14 =	smov.u32 s15  }
.LBB2_2:
0x1f: {  	p0 =	seq.s32 s14, $0x0  }
0x20: {  	p1 =	seq.s32 @!p0 s14, $0x7C  }
0x21: {  	_ =	swait.ge [sflag:s11], $0x2800;
	p1 =	por p0, !p1  }
.Ltmp4:
0x22: {  	[sflag:s11] =	ssyncset.done $0x0;
	(pc) =	sbr.rel @!p1 .LBB2_4-.Ltmp4, $4  }
0x23: {  	s15 =	simm.s32 @!p0 $0x2;
	[sflag:s11] =	ssyncadd.s32 $0xFFFFD800  }
0x24: {  	_ =	swait.ge @!p0 [sflag:s15], $0x2800  }
0x25: {  	[sflag:s15] =	ssyncset.done @!p0 $0x0  }
0x26: {  	s16 =	sand.u32 $0x1, s14;
	[sflag:s15] =	ssyncadd.s32 @!p0 $0xFFFFD800;
	s15 =	simm.s32 @!p0 $0x7D  }
0x27: {  	s17 =	sxor.u32 $0x1, s16  }
0x28: {  	s15 =	sadd.s32 @!p0 $0x1, s14;
	s17 =	smul.u32 $0xA000, s17  }
.Ltmp5:
0x29: {  	s15 =	simm.s32 @p0 $0x1;
	(pc) =	sbr.rel .LBB2_4-.Ltmp5, $4  }
0x2a: {  	s18 =	smul.u32 $0x140, s15  }
0x2b: {  	s17 =	sshrl.u32 s17, $0x2  }
0x2c: {  	s17 =	sadd.s32 $0x2710, s17;
	s18 =	sshra.s32 s18, $0x2  }
0x2d: {  	[tilespmem:s17], [sflag:$0x1] =	stream.indirect.gather [hbm4b:s3+s9], $0x80, s18, s9, $0xb8;
	[tilespmem:$0x7710] =	vst v63  }
.LBB2_6:
0x2e: {  	_ =	sfence.sel $0x180000  }
0x2f: {  	[bflag:$0x0] =	sbarrier.arrive $0xFFFF  }
0x30: {  	p0 =	sne.s32 s1, $0x0;
	_ =	strace $0x90000050  }
0x31: {  	s0 =	sadd.s32 @!p0 $0x100000, s0;
	[bflag:$0x2] =	sbarrier.arrive $0xFFFF  }
0x32: {  	[sflag:s0] =	ssyncadd.tile.s32 @!p0 $0x1;
	_ =	shalt  }
.Lfunc_end2:
_tile_overlayer_lowered:
.L_overlay_start_2:
0x33: {  	(tag) =	ssettag $0x2  }
0x34: {  	s0 =	rddreg [dreg:$0x0];
	s2 =	stileid.u32  }
0x35: {  	s1 =	rddreg [dreg:$0x1];
	p0 =	sne.s32 s2, $0x0  }
0x36: {  	s3 =	rddreg [dreg:$0x2];
	[bflag:$0x3] =	sbarrier.arrive $0xFFFF;
	s2 =	simm.s32 @!p0 $0x1C03  }
0x37: {  	[timem:s3], [sflag:s2] =	dma.local @!p0 [hbm:s0], s1  }
0x38: {  	s0 =	simm.s32 @!p0 $0x3  }
0x39: {  	_ =	swait.ge @!p0 [sflag:s0], s1  }
0x3a: {  	s1 =	ssub.s32 @!p0 $0x0, s1;
	[sflag:s0] =	ssyncset.done @!p0 $0x0  }
0x3b: {  	[sflag:s0] =	ssyncadd.s32 @!p0 s1  }
0x3c: {  	[bflag:$0x3] =	sbarrier.arrive $0xFFFF  }
0x3d: {  	_ =	shalt  }

// kernel: kernel.26.cloned.1.call-start
scs
__scs_entry_jumppad:
0x0: {  	(pc) =	sbr.rel $0x88, $3  }
0x1: {  	(tag) =	ssettag $0x0;
	lr =	simm.s32 $0x1  }
0x2: {  	[smem:$0x3F78] =	sst lr;
	_ =	strace $0xD0000000  }
0x3: {  	_ = 	snop  }
0x4: {  	_ = 	snop  }
0x5: {  	_ = 	snop  }
0x6: {  	_ = 	snop  }
0x7: {  	_ = 	snop  }
__scs_overlays_trampoline_lowered:
0x8: {  	[smem:$0x3F87] =	sst s0  }
0x9: {  	[smem:$0x3F88] =	sst s1  }
0xa: {  	[smem:$0x3F89] =	sst s2  }
0xb: {  	[smem:$0x3F8A] =	sst s3  }
0xc: {  	[smem:$0x3F8B] =	sst s4  }
0xd: {  	[smem:$0x3F8C] =	sst s5  }
0xe: {  	[smem:$0x3F8D] =	sst s6  }
0xf: {  	[smem:$0x3F8E] =	sst s7  }
0x10: {  	[smem:$0x3F8F] =	sst s8  }
0x11: {  	[smem:$0x3F90] =	sst s9;
	s0 =	simm.s32 @!p0 $0x0  }
0x12: {  	s1 =	sld [smem:$0x3F76];
	s0 =	simm.s32 @p0 $0x1  }
0x13: {  	[smem:$0x3F91] =	sst s0;
	s0 =	simm.s32 @!p1 $0x0  }
0x14: {  	s2 =	sld [smem:$0x3F75];
	s0 =	simm.s32 @p1 $0x1  }
0x15: {  	[smem:$0x3F92] =	sst s0;
	s0 =	simm.s32 @!p2 $0x0  }
0x16: {  	s3 =	sld [smem:$0x3FDB];
	s0 =	simm.s32 @p2 $0x1  }
0x17: {  	s4 =	simm.s32 $0x1BF5;
	[smem:$0x3F94] =	sst s0  }
0x18: {  	s0 =	sld [smem:$0x3F77];
	_ =	swait.ge [sflag:s4], $0x0  }
0x19: {  	s7 =	sld [smem:$0x3F78]  }
0x1a: {  	s8 =	sadd.s32 $0xFFFFE003, lr  }
0x1b: {  	s9 =	sadd.s32 $0xFFFFFEF7, lr;
	s5 =	simm.s32 $0xFFFFFFFF;
	p2 =	slt.u32 s8, $0xFFFFF086  }
0x1c: {  	p1 =	slt.u32 s9, $0xF7A;
	s5 =	simm.s32 @!p2 $0x0  }
0x1d: {  	s5 =	simm.s32 @p1 $0x1;
	p0 =	seq.s32 s7, s2  }
0x1e: {  	s7 =	smul.u32 @!p0 $0xF7A, s2;
	p2 =	seq.s32 @!p0 s5, $0x0  }
0x1f: {  	s9 =	smul.u32 $0xF7A, s1;
	s8 =	simm.s32 @!p0 $0x1BF5;
	p2 =	por !p2, p0  }
0x20: {  	[sflag:s8] =	ssyncset.s32 @!p0 $0xFFFFF086;
	s6 =	sadd.s32 @!p0 s3, s7;
	s7 =	simm.s32 @!p0 $0x108  }
0x21: {  	s3 =	sadd.s32 s3, s9;
	s6 =	sadd.s32 @!p0 $0x88, s6;
	s7 =	simm.s32 @p2 $0x1082  }
0x22: {  	[simem:s7], [sflag:s8] =	dma.local @!p0 [hbm:s6], $0xF7A  }
0x23: {  	s9 =	sor.u32 $0xD0000000, s2;
	s6 =	simm.s32 $0x108;
	_ =	swait.ge @!p0 [sflag:s8], $0x0  }
0x24: {  	s3 =	sadd.s32 $0x88, s3;
	s6 =	simm.s32 @!p1 $0x1082;
	[sflag:s4] =	ssyncset.s32 $0xFFFFF086  }
0x25: {  	[simem:s6], [sflag:s4] =	dma.local [hbm:s3], $0xF7A  }
0x26: {  	[smem:$0x3F78] =	sst s1;
	(tag) =	ssettag s2;
	_ =	strace s9  }
0x27: {  	s1 =	sld [smem:$0x3F88]  }
0x28: {  	s2 =	sld [smem:$0x3F89]  }
0x29: {  	s4 =	sld [smem:$0x3F8B]  }
0x2a: {  	p0 =	seq.s32 s5, $0x0;
	s5 =	sld [smem:$0x3F8C]  }
0x2b: {  	s6 =	sld [smem:$0x3F8D]  }
0x2c: {  	s7 =	sld [smem:$0x3F8E]  }
0x2d: {  	s3 =	simm.s32 $0x108;
	s8 =	sld [smem:$0x3F8F]  }
0x2e: {  	s3 =	simm.s32 @!p0 $0x1082;
	s9 =	sld [smem:$0x3F90]  }
0x2f: {  	lr =	sadd.s32 s0, s3;
	s0 =	sld [smem:$0x3F87]  }
0x30: {  	s3 =	sld [smem:$0x3F8A]  }
0x31: {  	[smem:$0x3F93] =	sst s10  }
0x32: {  	s10 =	sld [smem:$0x3F91];
	_ =	sdelay $0x3  }
0x33: {  	p0 =	seq.s32 s10, $0x1;
	s10 =	sld [smem:$0x3F93];
	_ =	sdelay $0x3  }
0x34: {  	[smem:$0x3F93] =	sst s10  }
0x35: {  	s10 =	sld [smem:$0x3F92];
	_ =	sdelay $0x3  }
0x36: {  	p1 =	seq.s32 s10, $0x1;
	s10 =	sld [smem:$0x3F93];
	_ =	sdelay $0x3  }
0x37: {  	[smem:$0x3F93] =	sst s10  }
0x38: {  	s10 =	sld [smem:$0x3F94]  }
0x39: {  	_ = 	snop;
	(pc) =	sbr.ind lr, $3  }
0x3a: {  	_ = 	snop  }
0x3b: {  	_ = 	snop  }
0x3c: {  	p2 =	seq.s32 s10, $0x1;
	s10 =	sld [smem:$0x3F93]  }
0x3d: {  	_ =	shalt  }
0x3e: {  	_ =	shalt  }
0x3f: {  	_ =	shalt  }
0x40: {  	_ =	shalt  }
0x41: {  	_ =	shalt  }
0x42: {  	_ =	shalt  }
0x43: {  	_ =	shalt  }
0x44: {  	_ =	shalt  }
0x45: {  	_ =	shalt  }
0x46: {  	_ =	shalt  }
0x47: {  	_ =	shalt  }
0x48: {  	_ =	shalt  }
0x49: {  	_ =	shalt  }
0x4a: {  	_ =	shalt  }
0x4b: {  	_ =	shalt  }
0x4c: {  	_ =	shalt  }
0x4d: {  	_ =	shalt  }
0x4e: {  	_ =	shalt  }
0x4f: {  	_ =	shalt  }
0x50: {  	_ =	shalt  }
0x51: {  	_ =	shalt  }
0x52: {  	_ =	shalt  }
0x53: {  	_ =	shalt  }
0x54: {  	_ =	shalt  }
0x55: {  	_ =	shalt  }
0x56: {  	_ =	shalt  }
0x57: {  	_ =	shalt  }
0x58: {  	_ =	shalt  }
0x59: {  	_ =	shalt  }
0x5a: {  	_ =	shalt  }
0x5b: {  	_ =	shalt  }
0x5c: {  	_ =	shalt  }
0x5d: {  	_ =	shalt  }
0x5e: {  	_ =	shalt  }
0x5f: {  	_ =	shalt  }
0x60: {  	_ =	shalt  }
0x61: {  	_ =	shalt  }
0x62: {  	_ =	shalt  }
0x63: {  	_ =	shalt  }
0x64: {  	_ =	shalt  }
0x65: {  	_ =	shalt  }
0x66: {  	_ =	shalt  }
0x67: {  	_ =	shalt  }
0x68: {  	_ =	shalt  }
0x69: {  	_ =	shalt  }
0x6a: {  	_ =	shalt  }
0x6b: {  	_ =	shalt  }
0x6c: {  	_ =	shalt  }
0x6d: {  	_ =	shalt  }
0x6e: {  	_ =	shalt  }
0x6f: {  	_ =	shalt  }
0x70: {  	_ =	shalt  }
0x71: {  	_ =	shalt  }
0x72: {  	_ =	shalt  }
0x73: {  	_ =	shalt  }
0x74: {  	_ =	shalt  }
0x75: {  	_ =	shalt  }
0x76: {  	_ =	shalt  }
0x77: {  	_ =	shalt  }
0x78: {  	_ =	shalt  }
0x79: {  	_ =	shalt  }
0x7a: {  	_ =	shalt  }
0x7b: {  	_ =	shalt  }
0x7c: {  	_ =	shalt  }
0x7d: {  	_ =	shalt  }
0x7e: {  	_ =	shalt  }
0x7f: {  	_ =	shalt  }
0x80: {  	_ =	shalt  }
0x81: {  	_ =	shalt  }
0x82: {  	_ =	shalt  }
0x83: {  	_ =	shalt  }
0x84: {  	_ =	shalt  }
0x85: {  	_ =	shalt  }
0x86: {  	_ =	shalt  }
0x87: {  	_ =	shalt  }
.Lfunc_end0:
.L_simem_size_0:
called_computation.4_lowered:
.L_overlay_start_0:
0x88: {  	s2 =	sld [smem:$0x3FD9]  }
0x89: {  	s3 =	sld [smem:$0x3FFE];
	_ =	sdelay $0x1  }
0x8a: {  	s1 =	srdreg.scid  }
0x8b: {  	s0 =	sand.u32 $0x1, s1  }
0x8c: {  	s16 =	sshll.u32 s0, $0xA;
	s2 =	sadd.s32 s3, s2  }
0x8d: {  	s2 =	sadd.s32 s2, s16  }
0x8e: {  	[smem:$0x3F9F] =	sst s2  }
0x8f: {  	_ = 	snop  }
0x90: {  	(tm) =	ssettm $0x1  }
0x91: {  	s17 =	sld [smem:$0x3FFB];
	_ =	sdelay $0x3  }
0x92: {  	_ =	strace s17  }
0x93: {  	s2 =	sld [smem:$0x3FFC];
	_ =	sdelay $0x3  }
0x94: {  	_ =	strace s2  }
0x95: {  	s2 =	sld [smem:$0x3FFD];
	_ =	sdelay $0x3  }
0x96: {  	_ =	strace s2  }
0x97: {  	_ =	strace $0x8FFFFFFF  }
0x98: {  	s18 =	sld [smem:$0x3FDB];
	_ =	sdelay $0x1  }
0x99: {  	s19 =	simm.s32 $_scs_section_size  }
0x9a: {  	s4 =	simm.s32 $_size__tile_overlayer_lowered;
	s5 =	simm.s32 $_tile_overlayer_lowered  }
0x9b: {  	s22 =	simm.s32 $0x1BFF;
	s21 =	sshll.u32 s5, $0x1;
	s2 =	sadd.s32 s19, s18  }
0x9c: {  	s6 =	simm.s32 $0x0;
	s20 =	sshll.u32 s4, $0x1;
	s4 =	sadd.s32 s21, s2  }
0x9d: {  	[timem:s6], [sflag:s22] =	dma.local [hbm:s4], s20  }
0x9e: {  	_ =	swait.ge [sflag:s22], s20  }
0x9f: {  	s3 =	ssub.s32 $0x0, s20;
	[sflag:s22] =	ssyncset.done $0x0  }
0xa0: {  	[sflag:s22] =	ssyncadd.s32 s3;
	_ =	sdelay $0x1  }
0xa1: {  	s23 =	simm.s32 $0x1B8B  }
0xa2: {  	_ =	swait.ge [sflag:s23], $0x1  }
0xa3: {  	[sflag:s23] =	ssyncset.done $0x0  }
0xa4: {  	s25 =	simm.s32 $0x1B8E;
	s24 =	sld [smem:$0x3FFE];
	[sflag:s23] =	ssyncadd.s32 $0xFFFFFFFF  }
0xa5: {  	s26 =	simm.s32 $execute0_lowered;
	[smem:$0x3FD2] =	sst s25  }
0xa6: {  	s4 =	sshll.u32 s26, $0x1;
	_ =	strace $0x80000052;
	[dreg:$0x1] =	wrdreg $0xFFFFFFFF  }
0xa7: {  	s28 =	simm.s32 $_size_execute0_lowered;
	s2 =	sadd.s32 s2, s4;
	[dreg:$0x0] =	wrdreg $0x0  }
0xa8: {  	s4 =	sshll.u32 s28, $0x1;
	[dreg:$0x2] =	wrdreg s2  }
0xa9: {  	[dreg:$0x3] =	wrdreg s4  }
0xaa: {  	[dreg:$0x4] =	wrdreg $0xC0  }
0xab: {  	_ =	task [dreg:s6], $0x5FFFF  }
0xac: {  	[dreg:$0x1] =	wrdreg $0xFFFFFFFF  }
0xad: {  	[dreg:$0x0] =	wrdreg $0x60  }
0xae: {  	[dreg:$0x2] =	wrdreg s24  }
0xaf: {  	[dreg:$0x3] =	wrdreg $0x103100  }
0xb0: {  	[dreg:$0x4] =	wrdreg $0x9  }
0xb1: {  	_ =	task.clear_ibuf [dreg:s6], $0x5FFFF;
	_ =	strace $0x90000052  }
0xb2: {  	s29 =	simm.s32 $0x9;
	_ =	strace $0x80000054  }
0xb3: {  	_ =	swait.ge [sflag:s29], $0x1  }
0xb4: {  	[sflag:s29] =	ssyncadd.s32 $0xFFFFFFFF  }
0xb5: {  	_ =	strace $0x90000054  }
0xb6: {  	_ =	sfence  }
0xb7: {  	s30 =	sld [smem:$0x0];
	_ =	sdelay $0x2  }
0xb8: {  	s31 =	sshll.u32 s1, $0xD;
	s1 =	sshrl.u32 s1, $0x2  }
0xb9: {  	s3 =	sand.u32 $0x4000, s31;
	s1 =	sadd.s32 s1, s30  }
0xba: {  	s0 =	sor.u32 s3, s0;
	s1 =	sshll.u32 s1, $0x11  }
0xbb: {  	s0 =	sor.u32 s1, s0  }
0xbc: {  	s0 =	sadd.s32 $0x8F2B, s0  }
0xbd: {  	[sflag:s0] =	ssyncadd.remote.s32 $0x1  }
0xbe: {  	_ =	sfence.sel $0xFFFF  }
0xbf: {  	[dreg:$0x0] =	wrdreg $0xFFFFFFFF;
	(pc) =	sbr.abs _section_cstart, $3  }
0xc0: {  	[dreg:$0x1] =	wrdreg $0xFFFFFFFF  }
0xc1: {  	_ =	task.clear_ibuf [dreg:s6], $0x2FFFF;
	_ =	strace $0x9FFFFFFF  }
0xc2: {  	(tm) =	ssettm $0x7FFFFFFF  }
0xc3: {  	_ =	shalt  }
tec
execute0_lowered:
.L_overlay_start_1:
0x0: {  	(tag) =	ssettag $0x1  }
0x1: {  	s0 =	srdreg.scid;
	s4 =	rddreg [dreg:$0x0]  }
0x2: {  	s14 =	stileid.u32;
	s2 =	rddreg [dreg:$0x1]  }
0x3: {  	s3 =	simm.s32 $0x0;
	s19 =	simm.s32 $0x3;
	s5 =	smul.u32 $0x280, s14  }
0x4: {  	s21 =	simm.s32 $0x4;
	s22 =	simm.s32 $0x1;
	s7 =	smul.u32 $0x28000, s14  }
0x5: {  	s23 =	simm.s32 $0x50;
	s24 =	simm.s32 $0x2;
	s13 =	smul.u32 $0x2710, s14  }
0x6: {  	s25 =	simm.s32 $0x0;
	s0 =	sand.u32 $0x1, s0;
	s18 =	smul.u32 $0x13880, s14  }
0x7: {  	[smem:$0x7FF] =	sst s3;
	s15 =	sadd.s32 $0xD6400, s4;
	s6 =	smul.u32 $0x2800, s0  }
0x8: {  	s1 =	sshll.u32 s0, $0x4;
	_ =	strace $0x80000053;
	s12 =	smul.u32 $0x27100, s0  }
0x9: {  	s29 =	ssub.s32 $0x2, s0;
	s0 =	smul.u32 $0x138800, s0;
	s1 =	sor.u32 s14, s1  }
0xa: {  	s7 =	sshrl.u32 s7, $0x2;
	s30 =	sshrl.u32 s29, $0x1;
	s1 =	smul.u32 $0x4E2, s1  }
0xb: {  	s5 =	sadd.s32 s5, s6;
	s17 =	ssub.s32 s29, s30;
	s13 =	sadd.s32 s13, s12  }
0xc: {  	s0 =	sadd.s32 s0, s15;
	s5 =	sshll.u32 s5, $0x3;
	s31 =	sshll.u32 s13, $0x3  }
0xd: {  	s0 =	sadd.s32 s18, s0;
	s18 =	simm.s32 $0xEF10;
	s1 =	sadd.s32 s1, s4  }
0xe: {  	s16 =	sadd.s32 s5, s4;
	s4 =	sadd.s32 s7, s2;
	s13 =	sadd.s32 s15, s31  }
0xf: {  	s26 =	sadd.s32 $0xC80, s0;
	s5 =	sadd.s32 $0x1400, s4;
	s6 =	sadd.s32 $0x2800, s4  }
0x10: {  	s7 =	sadd.s32 $0x3C00, s4;
	s8 =	sadd.s32 $0x5000, s4;
	s9 =	sadd.s32 $0x6400, s4  }
0x11: {  	s10 =	sadd.s32 $0x7800, s4;
	s11 =	sadd.s32 $0x8C00, s4;
	s12 =	sadd.s32 $0xE400, s1  }
0x12: {  	v0 =	vimm.f32 $0.0e+00;
	s14 =	sadd.s32 $0x347400, s16;
	s15 =	sadd.s32 $0x347E00, s16;
	s16 =	smax.u32 s17, $0x1  }
.LBB2_1:
0x13: {  	s28 =	simm.s32 $0x100;
	s17 =	simm.s32 $0x0  }
.LBB2_2:
0x14: {  	p0 =	sne.s32 s28, $0x4F00;
	[tilespmem:s17+$0xEF40] =	vst v0;
	s29 =	smov.u32 s28;
	s28 =	sadd.s32 $0x100, s28  }
.Ltmp0:
0x15: {  	[tilespmem:s17+$0xEF30] =	vst v0;
	(pc) =	sbr.rel @p0 .LBB2_2-.Ltmp0, $3  }
0x16: {  	[tilespmem:s17+$0xEF10] =	vst v0  }
0x17: {  	[tilespmem:s17+$0xEF20] =	vst v0;
	_ =	sdelay $0x1  }
0x18: {  	s17 =	sshra.s32 s29, $0x2  }
0x19: {  	[tilespmem:s17+$0xEF40] =	vst v0  }
0x1a: {  	[tilespmem:s17+$0xEF30] =	vst v0  }
0x1b: {  	[tilespmem:s17+$0xEF10] =	vst v0  }
0x1c: {  	[tilespmem:s17+$0xEF20] =	vst v0  }
0x1d: {  	[spmem:s4] =	stream.linear.scatter [tilespmem:s18], [sflag:$0x3], $0x1400, $0x38;
	[tilespmem:$0x1A310] =	vst v63  }
0x1e: {  	_ = 	snop  }
0x1f: {  	[spmem:s5] =	stream.linear.scatter [tilespmem:s18], [sflag:$0x3], $0x1400, $0x38;
	[tilespmem:$0x1A310] =	vst v63  }
0x20: {  	_ = 	snop  }
0x21: {  	[spmem:s6] =	stream.linear.scatter [tilespmem:s18], [sflag:$0x3], $0x1400, $0x38;
	[tilespmem:$0x1A310] =	vst v63  }
0x22: {  	_ = 	snop  }
0x23: {  	[spmem:s7] =	stream.linear.scatter [tilespmem:s18], [sflag:$0x3], $0x1400, $0x38;
	[tilespmem:$0x1A310] =	vst v63  }
0x24: {  	_ = 	snop  }
0x25: {  	[spmem:s8] =	stream.linear.scatter [tilespmem:s18], [sflag:$0x3], $0x1400, $0x38;
	[tilespmem:$0x1A310] =	vst v63  }
0x26: {  	_ = 	snop  }
0x27: {  	[spmem:s9] =	stream.linear.scatter [tilespmem:s18], [sflag:$0x3], $0x1400, $0x38;
	[tilespmem:$0x1A310] =	vst v63  }
0x28: {  	_ = 	snop  }
0x29: {  	[spmem:s10] =	stream.linear.scatter [tilespmem:s18], [sflag:$0x3], $0x1400, $0x38;
	[tilespmem:$0x1A310] =	vst v63  }
0x2a: {  	_ = 	snop  }
0x2b: {  	[spmem:s11] =	stream.linear.scatter [tilespmem:s18], [sflag:$0x3], $0x1400, $0x38;
	[tilespmem:$0x1A310] =	vst v63  }
0x2c: {  	_ =	swait.ge [sflag:s19], $0x1400  }
0x2d: {  	[sflag:s19] =	ssyncset.done $0x0  }
0x2e: {  	[sflag:s19] =	ssyncadd.s32 $0xFFFFEC00  }
0x2f: {  	_ =	swait.ge [sflag:s19], $0x1400  }
0x30: {  	[sflag:s19] =	ssyncset.done $0x0  }
0x31: {  	[sflag:s19] =	ssyncadd.s32 $0xFFFFEC00  }
0x32: {  	_ =	swait.ge [sflag:s19], $0x1400  }
0x33: {  	[sflag:s19] =	ssyncset.done $0x0  }
0x34: {  	[sflag:s19] =	ssyncadd.s32 $0xFFFFEC00  }
0x35: {  	_ =	swait.ge [sflag:s19], $0x1400  }
0x36: {  	[sflag:s19] =	ssyncset.done $0x0  }
0x37: {  	[sflag:s19] =	ssyncadd.s32 $0xFFFFEC00  }
0x38: {  	_ =	swait.ge [sflag:s19], $0x1400  }
0x39: {  	[sflag:s19] =	ssyncset.done $0x0  }
0x3a: {  	[sflag:s19] =	ssyncadd.s32 $0xFFFFEC00  }
0x3b: {  	_ =	swait.ge [sflag:s19], $0x1400  }
0x3c: {  	[sflag:s19] =	ssyncset.done $0x0  }
0x3d: {  	[sflag:s19] =	ssyncadd.s32 $0xFFFFEC00  }
0x3e: {  	_ =	swait.ge [sflag:s19], $0x1400  }
0x3f: {  	[sflag:s19] =	ssyncset.done $0x0  }
0x40: {  	[sflag:s19] =	ssyncadd.s32 $0xFFFFEC00  }
0x41: {  	_ =	swait.ge [sflag:s19], $0x1400  }
0x42: {  	[sflag:s19] =	ssyncset.done $0x0  }
0x43: {  	s20 =	simm.s32 $0x0;
	s0 =	simm.s32 $0xC800;
	[sflag:s19] =	ssyncadd.s32 $0xFFFFEC00  }
0x44: {  	[tilespmem:s0], [sflag:$0x4] =	stream.linear.gather [hbm4b:s12+s20], $0x2710, $0x38;
	[tilespmem:$0x1A310] =	vst v63  }
0x45: {  	_ =	swait.ge [sflag:s21], $0x2710  }
0x46: {  	[sflag:s21] =	ssyncset.done $0x0  }
0x47: {  	s17 =	sand.u32 $0x1, s20;
	[sflag:s21] =	ssyncadd.s32 $0xFFFFD8F0  }
0x48: {  	s28 =	sxor.u32 $0x1, s17;
	[bflag:$0x0] =	sbarrier.arrive $0xFFFF  }
0x49: {  	[tilespmem:s20], [sflag:$0x1] =	stream.linear.gather [hbm4b:s13+s20], $0x6400, $0x38;
	[tilespmem:$0x1A310] =	vst v63  }
0x4a: {  	s28 =	smul.u32 $0x19000, s28;
	_ =	swait.ge [sflag:s22], $0x6400  }
0x4b: {  	[sflag:s22] =	ssyncset.done $0x0  }
0x4c: {  	s17 =	smul.u32 $0x19000, s17;
	s28 =	sshrl.u32 s28, $0x2;
	[sflag:s22] =	ssyncadd.s32 $0xFFFF9C00  }
0x4d: {  	[tilespmem:s28], [sflag:$0x1] =	stream.linear.gather [hbm4b:s26+s3], $0x6400, $0x38;
	[tilespmem:$0x1A310] =	vst v63  }
0x4e: {  	s17 =	sshrl.u32 s17, $0x2;
	s28 =	simm.s32 $0xC800  }
0x4f: {  	[spmem:s2] =	stream.indirect.scatter.add.f32 [tilespmem:s17], [sflag:$0x2], $0x40, s28, s23, $0xb8;
	[tilespmem:$0x1A310] =	vst v63  }
0x50: {  	s29 =	simm.s32 $0xC850;
	s28 =	sadd.s32 $0x1400, s17  }
0x51: {  	[spmem:s2] =	stream.indirect.scatter.add.f32 [tilespmem:s28], [sflag:$0x2], $0x40, s29, s23, $0xb8;
	[tilespmem:$0x1A310] =	vst v63  }
0x52: {  	s28 =	sadd.s32 $0x2800, s17;
	s29 =	simm.s32 $0xC8A0  }
0x53: {  	[spmem:s2] =	stream.indirect.scatter.add.f32 [tilespmem:s28], [sflag:$0x2], $0x40, s29, s23, $0xb8;
	[tilespmem:$0x1A310] =	vst v63  }
0x54: {  	s28 =	sadd.s32 $0x3C00, s17;
	s29 =	simm.s32 $0xC8F0  }
0x55: {  	[spmem:s2] =	stream.indirect.scatter.add.f32 [tilespmem:s28], [sflag:$0x2], $0x40, s29, s23, $0xb8;
	[tilespmem:$0x1A310] =	vst v63  }
0x56: {  	s17 =	sadd.s32 $0x5000, s17;
	s28 =	simm.s32 $0xC940  }
0x57: {  	[spmem:s2] =	stream.indirect.scatter.add.f32 [tilespmem:s17], [sflag:$0x2], $0x40, s28, s23, $0xb8;
	[tilespmem:$0x1A310] =	vst v63  }
0x58: {  	_ =	swait.ge [sflag:s24], $0x1400  }
0x59: {  	[sflag:s24] =	ssyncset.done $0x0  }
0x5a: {  	[sflag:s24] =	ssyncadd.s32 $0xFFFFEC00  }
0x5b: {  	_ =	swait.ge [sflag:s24], $0x1400  }
0x5c: {  	[sflag:s24] =	ssyncset.done $0x0  }
0x5d: {  	[sflag:s24] =	ssyncadd.s32 $0xFFFFEC00  }
0x5e: {  	_ =	swait.ge [sflag:s24], $0x1400  }
0x5f: {  	[sflag:s24] =	ssyncset.done $0x0  }
0x60: {  	[sflag:s24] =	ssyncadd.s32 $0xFFFFEC00  }
0x61: {  	_ =	swait.ge [sflag:s24], $0x1400  }
0x62: {  	[sflag:s24] =	ssyncset.done $0x0  }
0x63: {  	s30 =	simm.s32 $0xC80;
	[sflag:s24] =	ssyncadd.s32 $0xFFFFEC00  }
0x64: {  	s29 =	simm.s32 $0x640;
	s28 =	simm.s32 $0x1;
	_ =	swait.ge [sflag:s24], $0x1400  }
0x65: {  	s17 =	smov.u32 s26;
	s31 =	sand.u32 $0x1, s28;
	[sflag:s24] =	ssyncset.done $0x0  }
.LBB2_4:
0x66: {  	s1 =	sxor.u32 $0x1, s31  }
0x67: {  	[sflag:s24] =	ssyncadd.s32 $0xFFFFEC00;
	s17 =	sadd.s32 $0xC80, s17;
	s0 =	smov.u32 s30  }
0x68: {  	p0 =	sne.s32 s30, $0x8FC0;
	_ =	swait.ge [sflag:s22], $0x6400;
	s1 =	smul.u32 $0x19000, s1  }
0x69: {  	s30 =	sadd.s32 $0x640, s30;
	s20 =	sshra.s32 s29, $0x2;
	[sflag:s22] =	ssyncset.done $0x0  }
0x6a: {  	s29 =	smul.u32 $0x19000, s31;
	[sflag:s22] =	ssyncadd.s32 $0xFFFF9C00;
	s1 =	sshrl.u32 s1, $0x2  }
0x6b: {  	[tilespmem:s1], [sflag:$0x1] =	stream.linear.gather [hbm4b:s17+s3], $0x6400, $0x38;
	[tilespmem:$0x1A310] =	vst v63  }
0x6c: {  	s31 =	sadd.s32 $0xC800, s20;
	s1 =	sshrl.u32 s29, $0x2;
	s29 =	smov.u32 s0  }
0x6d: {  	[spmem:s2] =	stream.indirect.scatter.add.f32 [tilespmem:s1], [sflag:$0x2], $0x40, s31, s23, $0xb8;
	[tilespmem:$0x1A310] =	vst v63  }
0x6e: {  	s0 =	sadd.s32 $0x1400, s1;
	s31 =	sadd.s32 $0xC850, s20  }
0x6f: {  	[spmem:s2] =	stream.indirect.scatter.add.f32 [tilespmem:s0], [sflag:$0x2], $0x40, s31, s23, $0xb8;
	[tilespmem:$0x1A310] =	vst v63  }
0x70: {  	s0 =	sadd.s32 $0x2800, s1;
	s31 =	sadd.s32 $0xC8A0, s20  }
0x71: {  	[spmem:s2] =	stream.indirect.scatter.add.f32 [tilespmem:s0], [sflag:$0x2], $0x40, s31, s23, $0xb8;
	[tilespmem:$0x1A310] =	vst v63  }
0x72: {  	s0 =	sadd.s32 $0x3C00, s1;
	s31 =	sadd.s32 $0xC8F0, s20  }
0x73: {  	[spmem:s2] =	stream.indirect.scatter.add.f32 [tilespmem:s0], [sflag:$0x2], $0x40, s31, s23, $0xb8;
	[tilespmem:$0x1A310] =	vst v63  }
0x74: {  	s0 =	sadd.s32 $0x5000, s1;
	s1 =	sadd.s32 $0xC940, s20  }
0x75: {  	[spmem:s2] =	stream.indirect.scatter.add.f32 [tilespmem:s0], [sflag:$0x2], $0x40, s1, s23, $0xb8;
	[tilespmem:$0x1A310] =	vst v63  }
0x76: {  	_ =	swait.ge [sflag:s24], $0x1400  }
0x77: {  	[sflag:s24] =	ssyncset.done $0x0  }
0x78: {  	[sflag:s24] =	ssyncadd.s32 $0xFFFFEC00  }
0x79: {  	_ =	swait.ge [sflag:s24], $0x1400  }
0x7a: {  	[sflag:s24] =	ssyncset.done $0x0  }
0x7b: {  	[sflag:s24] =	ssyncadd.s32 $0xFFFFEC00  }
0x7c: {  	_ =	swait.ge [sflag:s24], $0x1400  }
0x7d: {  	[sflag:s24] =	ssyncset.done $0x0  }
0x7e: {  	[sflag:s24] =	ssyncadd.s32 $0xFFFFEC00  }
.Ltmp1:
0x7f: {  	_ =	swait.ge [sflag:s24], $0x1400;
	(pc) =	sbr.rel @p0 .LBB2_4-.Ltmp1, $4  }
0x80: {  	[sflag:s24] =	ssyncset.done $0x0  }
0x81: {  	[sflag:s24] =	ssyncadd.s32 $0xFFFFEC00  }
0x82: {  	s28 =	sadd.s32 $0x1, s28;
	_ =	swait.ge [sflag:s24], $0x1400  }
0x83: {  	s31 =	sand.u32 $0x1, s28;
	[sflag:s24] =	ssyncset.done $0x0  }
0x84: {  	s0 =	sxor.u32 $0x1, s31;
	[sflag:s24] =	ssyncadd.s32 $0xFFFFEC00  }
0x85: {  	_ =	swait.ge [sflag:s22], $0x6400;
	s0 =	smul.u32 $0x19000, s0  }
0x86: {  	s1 =	sadd.s32 $0xC80, s17;
	s17 =	sshra.s32 s29, $0x2;
	[sflag:s22] =	ssyncset.done $0x0  }
0x87: {  	s20 =	smul.u32 $0x19000, s31;
	[sflag:s22] =	ssyncadd.s32 $0xFFFF9C00;
	s0 =	sshrl.u32 s0, $0x2  }
0x88: {  	[tilespmem:s0], [sflag:$0x1] =	stream.linear.gather [hbm4b:s1+s3], $0x6400, $0x38;
	[tilespmem:$0x1A310] =	vst v63  }
0x89: {  	s29 =	sadd.s32 $0xC800, s17;
	s0 =	sshrl.u32 s20, $0x2  }
0x8a: {  	[spmem:s2] =	stream.indirect.scatter.add.f32 [tilespmem:s0], [sflag:$0x2], $0x40, s29, s23, $0xb8;
	[tilespmem:$0x1A310] =	vst v63  }
0x8b: {  	s31 =	sadd.s32 $0xC850, s17;
	s30 =	sadd.s32 $0x1400, s0  }
0x8c: {  	[spmem:s2] =	stream.indirect.scatter.add.f32 [tilespmem:s30], [sflag:$0x2], $0x40, s31, s23, $0xb8;
	[tilespmem:$0x1A310] =	vst v63  }
0x8d: {  	s28 =	sadd.s32 $0x2800, s0;
	s29 =	sadd.s32 $0xC8A0, s17  }
0x8e: {  	[spmem:s2] =	stream.indirect.scatter.add.f32 [tilespmem:s28], [sflag:$0x2], $0x40, s29, s23, $0xb8;
	[tilespmem:$0x1A310] =	vst v63  }
0x8f: {  	s30 =	sadd.s32 $0x3C00, s0;
	s31 =	sadd.s32 $0xC8F0, s17  }
0x90: {  	[spmem:s2] =	stream.indirect.scatter.add.f32 [tilespmem:s30], [sflag:$0x2], $0x40, s31, s23, $0xb8;
	[tilespmem:$0x1A310] =	vst v63  }
0x91: {  	s0 =	sadd.s32 $0x5000, s0;
	s28 =	sadd.s32 $0xC940, s17  }
0x92: {  	[spmem:s2] =	stream.indirect.scatter.add.f32 [tilespmem:s0], [sflag:$0x2], $0x40, s28, s23, $0xb8;
	[tilespmem:$0x1A310] =	vst v63  }
0x93: {  	_ =	swait.ge [sflag:s24], $0x1400  }
0x94: {  	[sflag:s24] =	ssyncset.done $0x0  }
0x95: {  	[sflag:s24] =	ssyncadd.s32 $0xFFFFEC00  }
0x96: {  	_ =	swait.ge [sflag:s24], $0x1400  }
0x97: {  	[sflag:s24] =	ssyncset.done $0x0  }
0x98: {  	[sflag:s24] =	ssyncadd.s32 $0xFFFFEC00  }
0x99: {  	_ =	swait.ge [sflag:s24], $0x1400  }
0x9a: {  	[sflag:s24] =	ssyncset.done $0x0  }
0x9b: {  	[sflag:s24] =	ssyncadd.s32 $0xFFFFEC00  }
0x9c: {  	_ =	swait.ge [sflag:s24], $0x1400  }
0x9d: {  	[sflag:s24] =	ssyncset.done $0x0  }
0x9e: {  	[sflag:s24] =	ssyncadd.s32 $0xFFFFEC00  }
0x9f: {  	_ =	swait.ge [sflag:s24], $0x1400  }
0xa0: {  	[sflag:s24] =	ssyncset.done $0x0  }
0xa1: {  	[sflag:s24] =	ssyncadd.s32 $0xFFFFEC00  }
0xa2: {  	_ =	swait.ge [sflag:s22], $0x6400  }
0xa3: {  	[sflag:s22] =	ssyncset.done $0x0  }
0xa4: {  	s29 =	simm.s32 $0xED80;
	[sflag:s22] =	ssyncadd.s32 $0xFFFF9C00  }
0xa5: {  	[spmem:s2] =	stream.indirect.scatter.add.f32 [tilespmem:s3], [sflag:$0x2], $0x40, s29, s23, $0xb8;
	[tilespmem:$0x1A310] =	vst v63  }
0xa6: {  	s30 =	simm.s32 $0xEDD0;
	s31 =	simm.s32 $0x1400  }
0xa7: {  	[spmem:s2] =	stream.indirect.scatter.add.f32 [tilespmem:s31], [sflag:$0x2], $0x40, s30, s23, $0xb8;
	[tilespmem:$0x1A310] =	vst v63  }
0xa8: {  	s20 =	simm.s32 $0x2800;
	s17 =	simm.s32 $0xEE20  }
0xa9: {  	[spmem:s2] =	stream.indirect.scatter.add.f32 [tilespmem:s20], [sflag:$0x2], $0x40, s17, s23, $0xb8;
	[tilespmem:$0x1A310] =	vst v63  }
0xaa: {  	s28 =	simm.s32 $0xEE70;
	s29 =	simm.s32 $0x3C00  }
0xab: {  	[spmem:s2] =	stream.indirect.scatter.add.f32 [tilespmem:s29], [sflag:$0x2], $0x40, s28, s23, $0xb8;
	[tilespmem:$0x1A310] =	vst v63  }
0xac: {  	s30 =	simm.s32 $0xEEC0;
	s31 =	simm.s32 $0x5000  }
0xad: {  	[spmem:s2] =	stream.indirect.scatter.add.f32 [tilespmem:s31], [sflag:$0x2], $0x40, s30, s23, $0xb8;
	[tilespmem:$0x1A310] =	vst v63  }
0xae: {  	_ =	swait.ge [sflag:s24], $0x1400  }
0xaf: {  	[sflag:s24] =	ssyncset.done $0x0  }
0xb0: {  	[sflag:s24] =	ssyncadd.s32 $0xFFFFEC00  }
0xb1: {  	_ =	swait.ge [sflag:s24], $0x1400  }
0xb2: {  	[sflag:s24] =	ssyncset.done $0x0  }
0xb3: {  	[sflag:s24] =	ssyncadd.s32 $0xFFFFEC00  }
0xb4: {  	_ =	swait.ge [sflag:s24], $0x1400  }
0xb5: {  	[sflag:s24] =	ssyncset.done $0x0  }
0xb6: {  	[sflag:s24] =	ssyncadd.s32 $0xFFFFEC00  }
0xb7: {  	_ =	swait.ge [sflag:s24], $0x1400  }
0xb8: {  	[sflag:s24] =	ssyncset.done $0x0  }
0xb9: {  	[sflag:s24] =	ssyncadd.s32 $0xFFFFEC00  }
0xba: {  	_ =	swait.ge [sflag:s24], $0x1400  }
0xbb: {  	[sflag:s24] =	ssyncset.done $0x0  }
0xbc: {  	[sflag:s24] =	ssyncadd.s32 $0xFFFFEC00  }
0xbd: {  	[bflag:$0x0] =	sbarrier.arrive $0xFFFF  }
0xbe: {  	[tilespmem:s3], [sflag:$0x4] =	stream.linear.gather [spmem:s4], $0x5000, $0x38;
	[tilespmem:$0x1A310] =	vst v63  }
0xbf: {  	_ =	swait.ge [sflag:s21], $0x5000  }
0xc0: {  	[sflag:s21] =	ssyncset.done $0x0  }
0xc1: {  	[sflag:s21] =	ssyncadd.s32 $0xFFFFB000  }
0xc2: {  	[hbm4b:s14+s3] =	stream.linear.scatter [tilespmem:s3], [sflag:$0x4], $0x5000, $0x38;
	[tilespmem:$0x1A310] =	vst v63  }
0xc3: {  	_ =	swait.ge [sflag:s21], $0x5000  }
0xc4: {  	[sflag:s21] =	ssyncset.done $0x0  }
0xc5: {  	[sflag:s21] =	ssyncadd.s32 $0xFFFFB000  }
0xc6: {  	[tilespmem:s3], [sflag:$0x4] =	stream.linear.gather [spmem:s8], $0x5000, $0x38;
	[tilespmem:$0x1A310] =	vst v63  }
0xc7: {  	s25 =	sadd.s32 $0x1, s25;
	_ =	swait.ge [sflag:s21], $0x5000  }
0xc8: {  	p0 =	sne.s32 s25, s16;
	[sflag:s21] =	ssyncset.done $0x0  }
.Ltmp2:
0xc9: {  	[sflag:s21] =	ssyncadd.s32 $0xFFFFB000;
	(pc) =	sbr.rel @p0 .LBB2_1-.Ltmp2, $4  }
0xca: {  	[hbm4b:s15+s3] =	stream.linear.scatter [tilespmem:s3], [sflag:$0x4], $0x5000, $0x38;
	[tilespmem:$0x1A310] =	vst v63  }
0xcb: {  	_ =	swait.ge [sflag:s21], $0x5000  }
0xcc: {  	[sflag:s21] =	ssyncset.done $0x0  }
0xcd: {  	[sflag:s21] =	ssyncadd.s32 $0xFFFFB000  }
0xce: {  	_ =	sfence.sel $0x180000  }
0xcf: {  	[bflag:$0x0] =	sbarrier.arrive $0xFFFF  }
0xd0: {  	_ =	strace $0x90000053  }
0xd1: {  	s0 =	stileid.u32;
	[bflag:$0x2] =	sbarrier.arrive $0xFFFF  }
0xd2: {  	p0 =	sne.s32 s0, $0x0;
	s0 =	rddreg [dreg:$0x2]  }
0xd3: {  	s0 =	sadd.s32 @!p0 $0x100000, s0  }
0xd4: {  	[sflag:s0] =	ssyncadd.tile.s32 @!p0 $0x1;
	_ =	shalt  }
.Lfunc_end2:
_tile_overlayer_lowered:
.L_overlay_start_2:
0xd5: {  	(tag) =	ssettag $0x2  }
0xd6: {  	s0 =	rddreg [dreg:$0x0];
	s2 =	stileid.u32  }
0xd7: {  	s1 =	rddreg [dreg:$0x1];
	p0 =	sne.s32 s2, $0x0  }
0xd8: {  	s3 =	rddreg [dreg:$0x2];
	[bflag:$0x3] =	sbarrier.arrive $0xFFFF;
	s2 =	simm.s32 @!p0 $0x1C04  }
0xd9: {  	[timem:s3], [sflag:s2] =	dma.local @!p0 [hbm:s0], s1  }
0xda: {  	s0 =	simm.s32 @!p0 $0x4  }
0xdb: {  	_ =	swait.ge @!p0 [sflag:s0], s1  }
0xdc: {  	s1 =	ssub.s32 @!p0 $0x0, s1;
	[sflag:s0] =	ssyncset.done @!p0 $0x0  }
0xdd: {  	[sflag:s0] =	ssyncadd.s32 @!p0 s1  }
0xde: {  	[bflag:$0x3] =	sbarrier.arrive $0xFFFF  }
0xdf: {  	_ =	shalt  }

</sc_bundles>
